<compile_context>
chip_gen: v7x
topology: tpu7x:2x2x1
jax: 0.10.2.dev20260603
libtpu: 0.0.44.dev20260713+nightly
codegen_flags: <defaults>
</compile_context>

<pallas_src>
import functools

import jax
import jax.numpy as jnp
from jax import lax
from jax.experimental import pallas as pl
from jax.experimental.pallas import tpu as pltpu
from jax.experimental.pallas import tpu_sc as plsc

N_ROWS = 160000
N_SEGMENTS = 10000
D_IN = 128
NUM_RF = 256
D_OUT = 128


ROW_BLOCK = 2000

_INV_SQRT_2PI = 0.3989422804014327
_SQRT_2_OVER_PI = 0.7978845608028654


def _vb_body(x_ref, w0m_ref, w0lv_ref, b0m_ref, b0lv_ref,
             w1m_ref, w1lv_ref, b1m_ref, b1lv_ref,
             prec_ref, wtd_ref, w0v_s, w1v_s, w1vpm_s):
    @pl.when(pl.program_id(0) == 0)
    def _():
        w0v_s[...] = jnp.exp(w0lv_ref[...])
        w1v = jnp.exp(w1lv_ref[...])
        w1v_s[...] = w1v
        w1m = w1m_ref[...]
        w1vpm_s[...] = w1v + w1m * w1m

    x = x_ref[...]
    b0m = b0m_ref[...]
    b0v = jnp.exp(b0lv_ref[...])

    out_mean = jnp.dot(x, w0m_ref[...], preferred_element_type=jnp.float32) + b0m
    out_var = jnp.dot(x * x, w0v_s[...], preferred_element_type=jnp.float32) + b0v
    out_var = jnp.maximum(out_var, 1e-8)

    r = lax.rsqrt(out_var)
    a = out_mean * r
    s = out_var * r
    a2 = a * a
    cdf = 0.5 + 0.5 * jnp.tanh(_SQRT_2_OVER_PI * (a * (1.0 + 0.044715 * a2)))
    pdf = jnp.exp(-0.5 * a2) * _INV_SQRT_2PI
    m1 = out_mean * cdf + s * pdf
    v1 = m1 * (out_mean - m1) + out_var * cdf
    v1 = jnp.maximum(v1, 1e-8)

    b1m = b1m_ref[...]
    b1v = jnp.exp(b1lv_ref[...])

    m2 = jnp.dot(m1, w1m_ref[...], preferred_element_type=jnp.float32) + b1m
    v2 = (jnp.dot(v1, w1vpm_s[...], preferred_element_type=jnp.float32)
          + jnp.dot(m1 * m1, w1v_s[...], preferred_element_type=jnp.float32)
          + b1v)
    v2 = jnp.maximum(v2, 1e-8)

    prec = 1.0 / (v2 + 1e-8)
    prec_ref[...] = prec
    wtd_ref[...] = prec * m2


def _vb_stage(X, block_off, n_blocks,
              W0_mean, W0_logvar, b0_mean, b0_logvar,
              W1_mean, W1_logvar, b1_mean, b1_logvar):
    n_rows = n_blocks * ROW_BLOCK
    full = lambda i: (0, 0)
    row = lambda i: (i + block_off, 0)
    out_row = lambda i: (i, 0)
    return pl.pallas_call(
        _vb_body,
        grid=(n_blocks,),
        in_specs=[
            pl.BlockSpec((ROW_BLOCK, D_IN), row),
            pl.BlockSpec((D_IN, NUM_RF), full),
            pl.BlockSpec((D_IN, NUM_RF), full),
            pl.BlockSpec((NUM_RF,), lambda i: (0,)),
            pl.BlockSpec((NUM_RF,), lambda i: (0,)),
            pl.BlockSpec((NUM_RF, D_OUT), full),
            pl.BlockSpec((NUM_RF, D_OUT), full),
            pl.BlockSpec((D_OUT,), lambda i: (0,)),
            pl.BlockSpec((D_OUT,), lambda i: (0,)),
        ],
        out_specs=[
            pl.BlockSpec((ROW_BLOCK, D_OUT), out_row),
            pl.BlockSpec((ROW_BLOCK, D_OUT), out_row),
        ],
        out_shape=[
            jax.ShapeDtypeStruct((n_rows, D_OUT), jnp.float32),
            jax.ShapeDtypeStruct((n_rows, D_OUT), jnp.float32),
        ],
        scratch_shapes=[
            pltpu.VMEM((D_IN, NUM_RF), jnp.float32),
            pltpu.VMEM((NUM_RF, D_OUT), jnp.float32),
            pltpu.VMEM((NUM_RF, D_OUT), jnp.float32),
        ],
    )(X, W0_mean, W0_logvar, b0_mean, b0_logvar,
      W1_mean, W1_logvar, b1_mean, b1_logvar)



NUM_TILES = 16
CHUNK = 128
N_CHUNKS = N_ROWS // CHUNK
SEG_PAD = 10240
SEG_PER_TILE = SEG_PAD // NUM_TILES


def _seg_tile_work(src_hbm, idx_v, acc_sh, buf0, buf1, sem0, sem1, s,
                   n_chunks, cpt):
    base = s * cpt

    def start_load(k, buf, sem):
        @pl.when((k < cpt) & (base + k < n_chunks))
        def _():
            pltpu.async_copy(src_hbm.at[pl.ds((base + k) * CHUNK, CHUNK)],
                             buf, sem)

    def finish(k, buf, sem):
        @pl.when(base + k < n_chunks)
        def _():
            pltpu.make_async_copy(src_hbm.at[pl.ds((base + k) * CHUNK, CHUNK)],
                                  buf, sem).wait()
            pltpu.sync_copy(buf, acc_sh.at[idx_v.at[k]], add=True)

    start_load(0, buf0, sem0)
    start_load(1, buf1, sem1)

    def outer(j, _):
        k = j * 2
        finish(k, buf0, sem0)
        start_load(k + 2, buf0, sem0)
        finish(k + 1, buf1, sem1)
        start_load(k + 3, buf1, sem1)
        return 0
    lax.fori_loop(0, cpt // 2, outer, 0)


def _seg_body(n_chunks, cpt,
              prec_hbm, wtd_hbm, idx_hbm, init_w_hbm, init_m_hbm,
              wsum_hbm, msum_hbm,
              buf0, buf1, idx_v, acc_sh, sem0, sem1):
    c = lax.axis_index("c")
    s = lax.axis_index("s")
    seg0 = s * SEG_PER_TILE
    @pl.when(c == 0)
    def _():
        pltpu.sync_copy(init_w_hbm.at[pl.ds(seg0, SEG_PER_TILE)],
                        acc_sh.at[pl.ds(seg0, SEG_PER_TILE)])

    @pl.when(c == 1)
    def _():
        pltpu.sync_copy(init_m_hbm.at[pl.ds(seg0, SEG_PER_TILE)],
                        acc_sh.at[pl.ds(seg0, SEG_PER_TILE)])

    pltpu.sync_copy(idx_hbm.at[pl.ds(s * cpt, cpt)], idx_v)
    plsc.subcore_barrier()

    @pl.when(c == 0)
    def _():
        _seg_tile_work(prec_hbm, idx_v, acc_sh, buf0, buf1, sem0, sem1, s,
                       n_chunks, cpt)

    @pl.when(c == 1)
    def _():
        _seg_tile_work(wtd_hbm, idx_v, acc_sh, buf0, buf1, sem0, sem1, s,
                       n_chunks, cpt)

    plsc.subcore_barrier()

    @pl.when(c == 0)
    def _():
        pltpu.sync_copy(acc_sh.at[pl.ds(seg0, SEG_PER_TILE)],
                        wsum_hbm.at[pl.ds(seg0, SEG_PER_TILE)])

    @pl.when(c == 1)
    def _():
        pltpu.sync_copy(acc_sh.at[pl.ds(seg0, SEG_PER_TILE)],
                        msum_hbm.at[pl.ds(seg0, SEG_PER_TILE)])


def _segment_sums(precision, weighted, idx2d, init_w, init_m):
    n_chunks = precision.shape[0] // CHUNK
    cpt = idx2d.shape[0] // NUM_TILES
    mesh = plsc.VectorSubcoreMesh(core_axis_name="c", subcore_axis_name="s")
    f = pl.kernel(
        functools.partial(_seg_body, n_chunks, cpt),
        out_type=(
            jax.ShapeDtypeStruct((SEG_PAD, D_OUT), jnp.float32),
            jax.ShapeDtypeStruct((SEG_PAD, D_OUT), jnp.float32),
        ),
        mesh=mesh,
        scratch_types=[
            pltpu.VMEM((CHUNK, D_OUT), jnp.float32),
            pltpu.VMEM((CHUNK, D_OUT), jnp.float32),
            pltpu.VMEM((cpt, CHUNK), jnp.int32),
            pltpu.VMEM_SHARED((SEG_PAD, D_OUT), jnp.float32),
            pltpu.SemaphoreType.DMA,
            pltpu.SemaphoreType.DMA,
        ],
    )
    return f(precision, weighted, idx2d, init_w, init_m)



SEG_BLOCK = 2000


def _norm_body(w_ref, m_ref, mean_ref, var_ref):
    vi = 1.0 / (w_ref[...] + 1e-8)
    var_ref[...] = vi
    mean_ref[...] = m_ref[...] * vi


def _normalize(w_sum, m_sum):
    row = lambda i: (i, 0)
    spec = pl.BlockSpec((SEG_BLOCK, D_OUT), row)
    return pl.pallas_call(
        _norm_body,
        grid=(N_SEGMENTS // SEG_BLOCK,),
        in_specs=[spec, spec],
        out_specs=[spec, spec],
        out_shape=[jax.ShapeDtypeStruct((N_SEGMENTS, D_OUT), jnp.float32),
                   jax.ShapeDtypeStruct((N_SEGMENTS, D_OUT), jnp.float32)],
    )(w_sum, m_sum)


SPLITS = [(0, 24), (24, 16), (40, 24), (64, 16)]
N_SPLITS = len(SPLITS)


def kernel(X, X_idx, W0_mean, W0_logvar, b0_mean, b0_logvar,
           W1_mean, W1_logvar, b1_mean, b1_logvar):
    idx_all = X_idx.reshape(N_CHUNKS, CHUNK)
    zeros = jnp.zeros((SEG_PAD, D_OUT), jnp.float32)

    w_acc, m_acc = zeros, zeros
    chunk0 = 0
    for off, nb in SPLITS:
        n_chunks = nb * ROW_BLOCK // CHUNK
        cpt = (-(-n_chunks // NUM_TILES) + 7) // 8 * 8
        pad_rows = NUM_TILES * cpt - n_chunks
        idx_i = idx_all[chunk0:chunk0 + n_chunks]
        if pad_rows:
            idx_i = jnp.concatenate(
                [idx_i, jnp.zeros((pad_rows, CHUNK), jnp.int32)], axis=0)
        prec, wtd = _vb_stage(
            X, off, nb, W0_mean, W0_logvar, b0_mean, b0_logvar,
            W1_mean, W1_logvar, b1_mean, b1_logvar)
        w_acc, m_acc = _segment_sums(prec, wtd, idx_i, w_acc, m_acc)
        chunk0 += n_chunks

    embedd_means, embedd_vars = _normalize(w_acc, m_acc)
    return (embedd_means, embedd_vars)

# --- scband reference (transcript-rebuilt; emitter-appended) ---
"""Pipeline reference for scband-dgp-rf-embeddings-23862838297354 (READ-ONLY COPY).

The authoritative reference and input builder live on the scoring server;
editing this copy changes nothing except your own understanding.
"""

import jax, jax.numpy as jnp
import numpy as np

N_ROWS = 160000
N_SEGMENTS = 10000
D_IN = 128
NUM_RF = 256
D_OUT = 128


def _vb_layer(in_mean, in_var, W_mean, W_logvar, b_mean, b_logvar, is_relu_output):
    # Variational Bayes linear layer with Gaussian moment propagation.
    W_var = jnp.exp(W_logvar)
    b_var = jnp.exp(b_logvar)
    out_mean = in_mean @ W_mean + b_mean
    if in_var is None:
        out_var = (in_mean * in_mean) @ W_var + b_var
    else:
        out_var = (in_var + in_mean * in_mean) @ W_var + in_var @ (W_mean * W_mean) + b_var
    out_var = jnp.maximum(out_var, 1e-8)
    if is_relu_output:
        # Moment matching through ReLU of a Gaussian.
        s = jnp.sqrt(out_var)
        a = out_mean / s
        cdf = 0.5 * (1.0 + jax.scipy.special.erf(a / jnp.sqrt(2.0)))
        pdf = jnp.exp(-0.5 * a * a) / jnp.sqrt(2.0 * jnp.pi)
        r_mean = out_mean * cdf + s * pdf
        r_var = (out_mean * out_mean + out_var) * cdf + out_mean * s * pdf - r_mean * r_mean
        return r_mean, jnp.maximum(r_var, 1e-8)
    return out_mean, out_var


def setup_inputs(seed: int = 0) -> dict:
    key = jax.random.key(seed)
    ks = jax.random.split(key, 12)
    X = jax.random.normal(ks[0], (N_ROWS, D_IN), dtype=jnp.float32)
    X_idx = jnp.sort(jax.random.randint(ks[1], (N_ROWS,), 0, N_SEGMENTS, dtype=jnp.int32))
    W0_mean = jax.random.normal(ks[2], (D_IN, NUM_RF), dtype=jnp.float32) * 0.05
    W0_logvar = jax.random.normal(ks[3], (D_IN, NUM_RF), dtype=jnp.float32) * 0.1 - 5.0
    b0_mean = jnp.zeros((NUM_RF,), dtype=jnp.float32)
    b0_logvar = jnp.full((NUM_RF,), -5.0, dtype=jnp.float32)
    W1_mean = jax.random.normal(ks[4], (NUM_RF, D_OUT), dtype=jnp.float32) * 0.05
    W1_logvar = jax.random.normal(ks[5], (NUM_RF, D_OUT), dtype=jnp.float32) * 0.1 - 5.0
    b1_mean = jnp.zeros((D_OUT,), dtype=jnp.float32)
    b1_logvar = jnp.full((D_OUT,), -5.0, dtype=jnp.float32)
    return {"X": X, "X_idx": X_idx,
            "W0_mean": W0_mean, "W0_logvar": W0_logvar, "b0_mean": b0_mean, "b0_logvar": b0_logvar,
            "W1_mean": W1_mean, "W1_logvar": W1_logvar, "b1_mean": b1_mean, "b1_logvar": b1_logvar}


def reference(X, X_idx, W0_mean, W0_logvar, b0_mean, b0_logvar, W1_mean, W1_logvar, b1_mean, b1_logvar):
    # Layer stack: VBLayer(num_RF, d_in, ReLU output) then VBLayer(d_out, num_RF)
    m, v = _vb_layer(X, None, W0_mean, W0_logvar, b0_mean, b0_logvar, True)
    m, v = _vb_layer(m, v, W1_mean, W1_logvar, b1_mean, b1_logvar, False)
    var = v + 1e-8
    precision = 1.0 / var
    weighted = precision * m
    # Precision-weighted per-segment fusion (all ids 0..N_SEGMENTS-1 present whp).
    w_sum = jax.ops.segment_sum(precision, X_idx, num_segments=N_SEGMENTS) + 1e-8
    mean_sum = jax.ops.segment_sum(weighted, X_idx, num_segments=N_SEGMENTS)
    var_i = 1.0 / w_sum
    embedd_means = mean_sum * var_i
    embedd_vars = var_i
    return (embedd_means, embedd_vars)

if __name__ == "__main__":
    import jax
    _d = setup_inputs()
    print(jax.jit(kernel)(*tuple(_d.values())))

</pallas_src>

<mosaic_0001>
#map = affine_map<(d0, d1) -> (0, 0)>
module attributes {stable_mosaic.version = 14 : i64} {
  func.func @_seg_body(%arg0: i32, %arg1: i32, %arg2: memref<32000x128xf32, #tpu.memory_space<hbm>>, %arg3: memref<32000x128xf32, #tpu.memory_space<hbm>>, %arg4: memref<256x128xi32, #tpu.memory_space<hbm>>, %arg5: memref<10240x128xf32, #tpu.memory_space<hbm>>, %arg6: memref<10240x128xf32, #tpu.memory_space<hbm>>, %arg7: memref<10240x128xf32, #tpu.memory_space<hbm>>, %arg8: memref<10240x128xf32, #tpu.memory_space<hbm>>, %arg9: memref<128x128xf32, #tpu.memory_space<vmem>>, %arg10: memref<128x128xf32, #tpu.memory_space<vmem>>, %arg11: memref<16x128xi32, #tpu.memory_space<vmem>>, %arg12: memref<10240x128xf32, #tpu.memory_space<vmem_shared>>, %arg13: memref<!tpu.dma_semaphore, #tpu.memory_space<semaphore_mem>>, %arg14: memref<!tpu.dma_semaphore, #tpu.memory_space<semaphore_mem>>) attributes {dimension_semantics = [#tpu.dimension_semantics<core_parallel>, #tpu.dimension_semantics<subcore_parallel>], iteration_bounds = array<i64: 2, 16>, scalar_prefetch = 0 : i64, scratch_operands = 6 : i64, tpu.core_type = #tpu.core_type<sc_vector_subcore>, window_params = [{transform_indices = #map}, {transform_indices = #map}, {transform_indices = #map}, {transform_indices = #map}, {transform_indices = #map}, {transform_indices = #map}, {transform_indices = #map}]} {
    %mul3A = arith.constant 640 : i32
    %mul3A_0 = arith.muli %arg1, %mul3A : i32
    %eq3A = arith.constant 0 : i32
    %eq3A_1 = arith.cmpi eq, %arg0, %eq3A : i32
    %convert_element_type3A = arith.extui %eq3A_1 : i1 to i32
    %cond3A = arith.constant 0 : i32
    %cond3A_2 = arith.cmpi ne, %convert_element_type3A, %cond3A : i32
    scf.if %cond3A_2 {
      "tpu.region"() ({
        %run_scoped3A = tpu.sem_alloc : memref<!tpu.dma_semaphore, #tpu.memory_space<semaphore_mem>>
        %dma_start3A = arith.constant 0 : i32
        %dma_start3A_31 = tpu.memref_slice %arg12[%mul3A_0, %dma_start3A] : memref<10240x128xf32, #tpu.memory_space<vmem_shared>> -> memref<640x128xf32, #tpu.memory_space<vmem_shared>>
        %dma_start3A_32 = arith.constant 0 : i32
        %dma_start3A_33 = tpu.memref_slice %arg5[%mul3A_0, %dma_start3A_32] : memref<10240x128xf32, #tpu.memory_space<hbm>> -> memref<640x128xf32, #tpu.memory_space<hbm>>
        tpu.enqueue_dma source(%dma_start3A_33 : memref<640x128xf32, #tpu.memory_space<hbm>>) target(%dma_start3A_31 : memref<640x128xf32, #tpu.memory_space<vmem_shared>>) target_semaphore(%run_scoped3A : memref<!tpu.dma_semaphore, #tpu.memory_space<semaphore_mem>>)
        %dma_wait3A = arith.constant 0 : i32
        %dma_wait3A_34 = tpu.memref_slice %arg12[%mul3A_0, %dma_wait3A] : memref<10240x128xf32, #tpu.memory_space<vmem_shared>> -> memref<640x128xf32, #tpu.memory_space<vmem_shared>>
        %dma_wait3A_35 = arith.constant 0 : i32
        %dma_wait3A_36 = tpu.memref_slice %arg5[%mul3A_0, %dma_wait3A_35] : memref<10240x128xf32, #tpu.memory_space<hbm>> -> memref<640x128xf32, #tpu.memory_space<hbm>>
        tpu.wait_dma2 semaphore(%run_scoped3A : memref<!tpu.dma_semaphore, #tpu.memory_space<semaphore_mem>>) src(%dma_wait3A_36 : memref<640x128xf32, #tpu.memory_space<hbm>>) dst(%dma_wait3A_34 : memref<640x128xf32, #tpu.memory_space<vmem_shared>>)
        tpu.yield
      }) : () -> ()
    } else {
    }
    %eq3A_3 = arith.constant 1 : i32
    %eq3A_4 = arith.cmpi eq, %arg0, %eq3A_3 : i32
    %convert_element_type3A_5 = arith.extui %eq3A_4 : i1 to i32
    %cond3A_6 = arith.constant 0 : i32
    %cond3A_7 = arith.cmpi ne, %convert_element_type3A_5, %cond3A_6 : i32
    scf.if %cond3A_7 {
      "tpu.region"() ({
        %run_scoped3A = tpu.sem_alloc : memref<!tpu.dma_semaphore, #tpu.memory_space<semaphore_mem>>
        %dma_start3A = arith.constant 0 : i32
        %dma_start3A_31 = tpu.memref_slice %arg12[%mul3A_0, %dma_start3A] : memref<10240x128xf32, #tpu.memory_space<vmem_shared>> -> memref<640x128xf32, #tpu.memory_space<vmem_shared>>
        %dma_start3A_32 = arith.constant 0 : i32
        %dma_start3A_33 = tpu.memref_slice %arg6[%mul3A_0, %dma_start3A_32] : memref<10240x128xf32, #tpu.memory_space<hbm>> -> memref<640x128xf32, #tpu.memory_space<hbm>>
        tpu.enqueue_dma source(%dma_start3A_33 : memref<640x128xf32, #tpu.memory_space<hbm>>) target(%dma_start3A_31 : memref<640x128xf32, #tpu.memory_space<vmem_shared>>) target_semaphore(%run_scoped3A : memref<!tpu.dma_semaphore, #tpu.memory_space<semaphore_mem>>)
        %dma_wait3A = arith.constant 0 : i32
        %dma_wait3A_34 = tpu.memref_slice %arg12[%mul3A_0, %dma_wait3A] : memref<10240x128xf32, #tpu.memory_space<vmem_shared>> -> memref<640x128xf32, #tpu.memory_space<vmem_shared>>
        %dma_wait3A_35 = arith.constant 0 : i32
        %dma_wait3A_36 = tpu.memref_slice %arg6[%mul3A_0, %dma_wait3A_35] : memref<10240x128xf32, #tpu.memory_space<hbm>> -> memref<640x128xf32, #tpu.memory_space<hbm>>
        tpu.wait_dma2 semaphore(%run_scoped3A : memref<!tpu.dma_semaphore, #tpu.memory_space<semaphore_mem>>) src(%dma_wait3A_36 : memref<640x128xf32, #tpu.memory_space<hbm>>) dst(%dma_wait3A_34 : memref<640x128xf32, #tpu.memory_space<vmem_shared>>)
        tpu.yield
      }) : () -> ()
    } else {
    }
    %mul3A_8 = arith.constant 16 : i32
    %mul3A_9 = arith.muli %arg1, %mul3A_8 : i32
    "tpu.region"() ({
      %run_scoped3A = tpu.sem_alloc : memref<!tpu.dma_semaphore, #tpu.memory_space<semaphore_mem>>
      %dma_start3A = arith.constant 0 : i32
      %dma_start3A_31 = tpu.memref_slice %arg4[%mul3A_9, %dma_start3A] : memref<256x128xi32, #tpu.memory_space<hbm>> -> memref<16x128xi32, #tpu.memory_space<hbm>>
      %dma_start3A_32 = arith.constant 0 : i32
      %dma_start3A_33 = tpu.memref_slice %arg4[%mul3A_9, %dma_start3A_32] : memref<256x128xi32, #tpu.memory_space<hbm>> -> memref<16x128xi32, #tpu.memory_space<hbm>>
      tpu.enqueue_dma source(%dma_start3A_33 : memref<16x128xi32, #tpu.memory_space<hbm>>) target(%arg11 : memref<16x128xi32, #tpu.memory_space<vmem>>) target_semaphore(%run_scoped3A : memref<!tpu.dma_semaphore, #tpu.memory_space<semaphore_mem>>)
      %dma_wait3A = arith.constant 0 : i32
      %dma_wait3A_34 = tpu.memref_slice %arg4[%mul3A_9, %dma_wait3A] : memref<256x128xi32, #tpu.memory_space<hbm>> -> memref<16x128xi32, #tpu.memory_space<hbm>>
      %dma_wait3A_35 = arith.constant 0 : i32
      %dma_wait3A_36 = tpu.memref_slice %arg4[%mul3A_9, %dma_wait3A_35] : memref<256x128xi32, #tpu.memory_space<hbm>> -> memref<16x128xi32, #tpu.memory_space<hbm>>
      tpu.wait_dma2 semaphore(%run_scoped3A : memref<!tpu.dma_semaphore, #tpu.memory_space<semaphore_mem>>) src(%dma_wait3A_36 : memref<16x128xi32, #tpu.memory_space<hbm>>) dst(%arg11 : memref<16x128xi32, #tpu.memory_space<vmem>>)
      tpu.yield
    }) : () -> ()
    %barrier3A = arith.constant 0 : index
    tpu.barrier barrier_id(%barrier3A)
    %eq3A_10 = arith.constant 0 : i32
    %eq3A_11 = arith.cmpi eq, %arg0, %eq3A_10 : i32
    %convert_element_type3A_12 = arith.extui %eq3A_11 : i1 to i32
    %cond3A_13 = arith.constant 0 : i32
    %cond3A_14 = arith.cmpi ne, %convert_element_type3A_12, %cond3A_13 : i32
    scf.if %cond3A_14 {
      %mul3A_31 = arith.constant 16 : i32
      %mul3A_32 = arith.muli %arg1, %mul3A_31 : i32
      %add3A = arith.constant 0 : i32
      %add3A_33 = arith.addi %mul3A_32, %add3A : i32
      %lt3A = arith.constant 250 : i32
      %lt3A_34 = arith.cmpi slt, %add3A_33, %lt3A : i32
      %and3A = arith.constant true
      %and3A_35 = arith.andi %and3A, %lt3A_34 : i1
      %convert_element_type3A_36 = arith.extui %and3A_35 : i1 to i32
      %cond3A_37 = arith.constant 0 : i32
      %cond3A_38 = arith.cmpi ne, %convert_element_type3A_36, %cond3A_37 : i32
      scf.if %cond3A_38 {
        %add3A_54 = arith.constant 0 : i32
        %add3A_55 = arith.addi %mul3A_32, %add3A_54 : i32
        %mul3A_56 = arith.constant 128 : i32
        %mul3A_57 = arith.muli %add3A_55, %mul3A_56 : i32
        %dma_start3A = arith.constant 0 : i32
        %dma_start3A_58 = tpu.memref_slice %arg2[%mul3A_57, %dma_start3A] : memref<32000x128xf32, #tpu.memory_space<hbm>> -> memref<128x128xf32, #tpu.memory_space<hbm>>
        %dma_start3A_59 = arith.constant 0 : i32
        %dma_start3A_60 = tpu.memref_slice %arg2[%mul3A_57, %dma_start3A_59] : memref<32000x128xf32, #tpu.memory_space<hbm>> -> memref<128x128xf32, #tpu.memory_space<hbm>>
        tpu.enqueue_dma source(%dma_start3A_60 : memref<128x128xf32, #tpu.memory_space<hbm>>) target(%arg9 : memref<128x128xf32, #tpu.memory_space<vmem>>) target_semaphore(%arg13 : memref<!tpu.dma_semaphore, #tpu.memory_space<semaphore_mem>>)
      } else {
      }
      %add3A_39 = arith.constant 1 : i32
      %add3A_40 = arith.addi %mul3A_32, %add3A_39 : i32
      %lt3A_41 = arith.constant 250 : i32
      %lt3A_42 = arith.cmpi slt, %add3A_40, %lt3A_41 : i32
      %and3A_43 = arith.constant true
      %and3A_44 = arith.andi %and3A_43, %lt3A_42 : i1
      %convert_element_type3A_45 = arith.extui %and3A_44 : i1 to i32
      %cond3A_46 = arith.constant 0 : i32
      %cond3A_47 = arith.cmpi ne, %convert_element_type3A_45, %cond3A_46 : i32
      scf.if %cond3A_47 {
        %add3A_54 = arith.constant 1 : i32
        %add3A_55 = arith.addi %mul3A_32, %add3A_54 : i32
        %mul3A_56 = arith.constant 128 : i32
        %mul3A_57 = arith.muli %add3A_55, %mul3A_56 : i32
        %dma_start3A = arith.constant 0 : i32
        %dma_start3A_58 = tpu.memref_slice %arg2[%mul3A_57, %dma_start3A] : memref<32000x128xf32, #tpu.memory_space<hbm>> -> memref<128x128xf32, #tpu.memory_space<hbm>>
        %dma_start3A_59 = arith.constant 0 : i32
        %dma_start3A_60 = tpu.memref_slice %arg2[%mul3A_57, %dma_start3A_59] : memref<32000x128xf32, #tpu.memory_space<hbm>> -> memref<128x128xf32, #tpu.memory_space<hbm>>
        tpu.enqueue_dma source(%dma_start3A_60 : memref<128x128xf32, #tpu.memory_space<hbm>>) target(%arg10 : memref<128x128xf32, #tpu.memory_space<vmem>>) target_semaphore(%arg14 : memref<!tpu.dma_semaphore, #tpu.memory_space<semaphore_mem>>)
      } else {
      }
      %scan3A = arith.constant 0 : i32
      %scan3A_48 = arith.constant 0 : i32
      %scan3A_49 = arith.constant 8 : i32
      %scan3A_50 = arith.addi %scan3A_48, %scan3A_49 : i32
      %scan3A_51 = arith.constant 1 : i32
      %scan3A_52 = scf.for %scan3A_54 = %scan3A_48 to %scan3A_50 step %scan3A_51 iter_args(%scan3A_55 = %scan3A) -> (i32)  : i32 {
        %mul3A_56 = arith.constant 2 : i32
        %mul3A_57 = arith.muli %scan3A_54, %mul3A_56 : i32
        %add3A_58 = arith.addi %mul3A_32, %mul3A_57 : i32
        %lt3A_59 = arith.constant 250 : i32
        %lt3A_60 = arith.cmpi slt, %add3A_58, %lt3A_59 : i32
        %convert_element_type3A_61 = arith.extui %lt3A_60 : i1 to i32
        %cond3A_62 = arith.constant 0 : i32
        %cond3A_63 = arith.cmpi ne, %convert_element_type3A_61, %cond3A_62 : i32
        scf.if %cond3A_63 {
          %add3A_95 = arith.addi %mul3A_32, %mul3A_57 : i32
          %mul3A_96 = arith.constant 128 : i32
          %mul3A_97 = arith.muli %add3A_95, %mul3A_96 : i32
          %dma_wait3A = arith.constant 0 : i32
          %dma_wait3A_98 = tpu.memref_slice %arg2[%mul3A_97, %dma_wait3A] : memref<32000x128xf32, #tpu.memory_space<hbm>> -> memref<128x128xf32, #tpu.memory_space<hbm>>
          %dma_wait3A_99 = arith.constant 0 : i32
          %dma_wait3A_100 = tpu.memref_slice %arg2[%mul3A_97, %dma_wait3A_99] : memref<32000x128xf32, #tpu.memory_space<hbm>> -> memref<128x128xf32, #tpu.memory_space<hbm>>
          tpu.wait_dma2 semaphore(%arg13 : memref<!tpu.dma_semaphore, #tpu.memory_space<semaphore_mem>>) src(%dma_wait3A_100 : memref<128x128xf32, #tpu.memory_space<hbm>>) dst(%arg9 : memref<128x128xf32, #tpu.memory_space<vmem>>)
          "tpu.region"() ({
            %run_scoped3A = tpu.sem_alloc : memref<!tpu.dma_semaphore, #tpu.memory_space<semaphore_mem>>
            %dma_start3A = arith.constant 0 : i32
            %dma_start3A_101 = tpu.memref_slice %arg11[%mul3A_57, %dma_start3A] : memref<16x128xi32, #tpu.memory_space<vmem>> -> memref<1x128xi32, #tpu.memory_space<vmem>>
            %dma_start3A_102 = tpu.memref_squeeze %dma_start3A_101 : memref<1x128xi32, #tpu.memory_space<vmem>> -> memref<128xi32, #tpu.memory_space<vmem>>
            %dma_start3A_103 = arith.constant 0 : i32
            %dma_start3A_104 = arith.constant 0 : i32
            %dma_start3A_105 = tpu.memref_slice %arg12[%dma_start3A_103, %dma_start3A_104] : memref<10240x128xf32, #tpu.memory_space<vmem_shared>> -> memref<10240x128xf32, #tpu.memory_space<vmem_shared>>
            tpu.enqueue_indirect_dma source(%arg9 : memref<128x128xf32, #tpu.memory_space<vmem>>) target(%dma_start3A_105 : memref<10240x128xf32, #tpu.memory_space<vmem_shared>>) offsets(%dma_start3A_102 : memref<128xi32, #tpu.memory_space<vmem>>) semaphore(%run_scoped3A : memref<!tpu.dma_semaphore, #tpu.memory_space<semaphore_mem>>) {add = true}
            %dma_wait3A_106 = arith.constant 0 : i32
            %dma_wait3A_107 = tpu.memref_slice %arg11[%mul3A_57, %dma_wait3A_106] : memref<16x128xi32, #tpu.memory_space<vmem>> -> memref<1x128xi32, #tpu.memory_space<vmem>>
            %dma_wait3A_108 = tpu.memref_squeeze %dma_wait3A_107 : memref<1x128xi32, #tpu.memory_space<vmem>> -> memref<128xi32, #tpu.memory_space<vmem>>
            %dma_wait3A_109 = arith.constant 0 : i32
            %dma_wait3A_110 = arith.constant 0 : i32
            %dma_wait3A_111 = tpu.memref_slice %arg12[%dma_wait3A_109, %dma_wait3A_110] : memref<10240x128xf32, #tpu.memory_space<vmem_shared>> -> memref<10240x128xf32, #tpu.memory_space<vmem_shared>>
            tpu.wait_indirect_dma semaphore(%run_scoped3A : memref<!tpu.dma_semaphore, #tpu.memory_space<semaphore_mem>>) src(%arg9 : memref<128x128xf32, #tpu.memory_space<vmem>>) dst(%dma_wait3A_111 : memref<10240x128xf32, #tpu.memory_space<vmem_shared>>)
            tpu.yield
          }) : () -> ()
        } else {
        }
        %add3A_64 = arith.constant 2 : i32
        %add3A_65 = arith.addi %mul3A_57, %add3A_64 : i32
        %lt3A_66 = arith.constant 16 : i32
        %lt3A_67 = arith.cmpi slt, %add3A_65, %lt3A_66 : i32
        %add3A_68 = arith.addi %mul3A_32, %add3A_65 : i32
        %lt3A_69 = arith.constant 250 : i32
        %lt3A_70 = arith.cmpi slt, %add3A_68, %lt3A_69 : i32
        %and3A_71 = arith.andi %lt3A_67, %lt3A_70 : i1
        %convert_element_type3A_72 = arith.extui %and3A_71 : i1 to i32
        %cond3A_73 = arith.constant 0 : i32
        %cond3A_74 = arith.cmpi ne, %convert_element_type3A_72, %cond3A_73 : i32
        scf.if %cond3A_74 {
          %add3A_95 = arith.addi %mul3A_32, %add3A_65 : i32
          %mul3A_96 = arith.constant 128 : i32
          %mul3A_97 = arith.muli %add3A_95, %mul3A_96 : i32
          %dma_start3A = arith.constant 0 : i32
          %dma_start3A_98 = tpu.memref_slice %arg2[%mul3A_97, %dma_start3A] : memref<32000x128xf32, #tpu.memory_space<hbm>> -> memref<128x128xf32, #tpu.memory_space<hbm>>
          %dma_start3A_99 = arith.constant 0 : i32
          %dma_start3A_100 = tpu.memref_slice %arg2[%mul3A_97, %dma_start3A_99] : memref<32000x128xf32, #tpu.memory_space<hbm>> -> memref<128x128xf32, #tpu.memory_space<hbm>>
          tpu.enqueue_dma source(%dma_start3A_100 : memref<128x128xf32, #tpu.memory_space<hbm>>) target(%arg9 : memref<128x128xf32, #tpu.memory_space<vmem>>) target_semaphore(%arg13 : memref<!tpu.dma_semaphore, #tpu.memory_space<semaphore_mem>>)
        } else {
        }
        %add3A_75 = arith.constant 1 : i32
        %add3A_76 = arith.addi %mul3A_57, %add3A_75 : i32
        %add3A_77 = arith.addi %mul3A_32, %add3A_76 : i32
        %lt3A_78 = arith.constant 250 : i32
        %lt3A_79 = arith.cmpi slt, %add3A_77, %lt3A_78 : i32
        %convert_element_type3A_80 = arith.extui %lt3A_79 : i1 to i32
        %cond3A_81 = arith.constant 0 : i32
        %cond3A_82 = arith.cmpi ne, %convert_element_type3A_80, %cond3A_81 : i32
        scf.if %cond3A_82 {
          %add3A_95 = arith.addi %mul3A_32, %add3A_76 : i32
          %mul3A_96 = arith.constant 128 : i32
          %mul3A_97 = arith.muli %add3A_95, %mul3A_96 : i32
          %dma_wait3A = arith.constant 0 : i32
          %dma_wait3A_98 = tpu.memref_slice %arg2[%mul3A_97, %dma_wait3A] : memref<32000x128xf32, #tpu.memory_space<hbm>> -> memref<128x128xf32, #tpu.memory_space<hbm>>
          %dma_wait3A_99 = arith.constant 0 : i32
          %dma_wait3A_100 = tpu.memref_slice %arg2[%mul3A_97, %dma_wait3A_99] : memref<32000x128xf32, #tpu.memory_space<hbm>> -> memref<128x128xf32, #tpu.memory_space<hbm>>
          tpu.wait_dma2 semaphore(%arg14 : memref<!tpu.dma_semaphore, #tpu.memory_space<semaphore_mem>>) src(%dma_wait3A_100 : memref<128x128xf32, #tpu.memory_space<hbm>>) dst(%arg10 : memref<128x128xf32, #tpu.memory_space<vmem>>)
          "tpu.region"() ({
            %run_scoped3A = tpu.sem_alloc : memref<!tpu.dma_semaphore, #tpu.memory_space<semaphore_mem>>
            %dma_start3A = arith.constant 0 : i32
            %dma_start3A_101 = tpu.memref_slice %arg11[%add3A_76, %dma_start3A] : memref<16x128xi32, #tpu.memory_space<vmem>> -> memref<1x128xi32, #tpu.memory_space<vmem>>
            %dma_start3A_102 = tpu.memref_squeeze %dma_start3A_101 : memref<1x128xi32, #tpu.memory_space<vmem>> -> memref<128xi32, #tpu.memory_space<vmem>>
            %dma_start3A_103 = arith.constant 0 : i32
            %dma_start3A_104 = arith.constant 0 : i32
            %dma_start3A_105 = tpu.memref_slice %arg12[%dma_start3A_103, %dma_start3A_104] : memref<10240x128xf32, #tpu.memory_space<vmem_shared>> -> memref<10240x128xf32, #tpu.memory_space<vmem_shared>>
            tpu.enqueue_indirect_dma source(%arg10 : memref<128x128xf32, #tpu.memory_space<vmem>>) target(%dma_start3A_105 : memref<10240x128xf32, #tpu.memory_space<vmem_shared>>) offsets(%dma_start3A_102 : memref<128xi32, #tpu.memory_space<vmem>>) semaphore(%run_scoped3A : memref<!tpu.dma_semaphore, #tpu.memory_space<semaphore_mem>>) {add = true}
            %dma_wait3A_106 = arith.constant 0 : i32
            %dma_wait3A_107 = tpu.memref_slice %arg11[%add3A_76, %dma_wait3A_106] : memref<16x128xi32, #tpu.memory_space<vmem>> -> memref<1x128xi32, #tpu.memory_space<vmem>>
            %dma_wait3A_108 = tpu.memref_squeeze %dma_wait3A_107 : memref<1x128xi32, #tpu.memory_space<vmem>> -> memref<128xi32, #tpu.memory_space<vmem>>
            %dma_wait3A_109 = arith.constant 0 : i32
            %dma_wait3A_110 = arith.constant 0 : i32
            %dma_wait3A_111 = tpu.memref_slice %arg12[%dma_wait3A_109, %dma_wait3A_110] : memref<10240x128xf32, #tpu.memory_space<vmem_shared>> -> memref<10240x128xf32, #tpu.memory_space<vmem_shared>>
            tpu.wait_indirect_dma semaphore(%run_scoped3A : memref<!tpu.dma_semaphore, #tpu.memory_space<semaphore_mem>>) src(%arg10 : memref<128x128xf32, #tpu.memory_space<vmem>>) dst(%dma_wait3A_111 : memref<10240x128xf32, #tpu.memory_space<vmem_shared>>)
            tpu.yield
          }) : () -> ()
        } else {
        }
        %add3A_83 = arith.constant 3 : i32
        %add3A_84 = arith.addi %mul3A_57, %add3A_83 : i32
        %lt3A_85 = arith.constant 16 : i32
        %lt3A_86 = arith.cmpi slt, %add3A_84, %lt3A_85 : i32
        %add3A_87 = arith.addi %mul3A_32, %add3A_84 : i32
        %lt3A_88 = arith.constant 250 : i32
        %lt3A_89 = arith.cmpi slt, %add3A_87, %lt3A_88 : i32
        %and3A_90 = arith.andi %lt3A_86, %lt3A_89 : i1
        %convert_element_type3A_91 = arith.extui %and3A_90 : i1 to i32
        %cond3A_92 = arith.constant 0 : i32
        %cond3A_93 = arith.cmpi ne, %convert_element_type3A_91, %cond3A_92 : i32
        scf.if %cond3A_93 {
          %add3A_95 = arith.addi %mul3A_32, %add3A_84 : i32
          %mul3A_96 = arith.constant 128 : i32
          %mul3A_97 = arith.muli %add3A_95, %mul3A_96 : i32
          %dma_start3A = arith.constant 0 : i32
          %dma_start3A_98 = tpu.memref_slice %arg2[%mul3A_97, %dma_start3A] : memref<32000x128xf32, #tpu.memory_space<hbm>> -> memref<128x128xf32, #tpu.memory_space<hbm>>
          %dma_start3A_99 = arith.constant 0 : i32
          %dma_start3A_100 = tpu.memref_slice %arg2[%mul3A_97, %dma_start3A_99] : memref<32000x128xf32, #tpu.memory_space<hbm>> -> memref<128x128xf32, #tpu.memory_space<hbm>>
          tpu.enqueue_dma source(%dma_start3A_100 : memref<128x128xf32, #tpu.memory_space<hbm>>) target(%arg10 : memref<128x128xf32, #tpu.memory_space<vmem>>) target_semaphore(%arg14 : memref<!tpu.dma_semaphore, #tpu.memory_space<semaphore_mem>>)
        } else {
        }
        %scan3A_94 = arith.constant 0 : i32
        scf.yield %scan3A_94 : i32
      }
      %scan3A_53 = arith.constant 8 : i32
    } else {
    }
    %eq3A_15 = arith.constant 1 : i32
    %eq3A_16 = arith.cmpi eq, %arg0, %eq3A_15 : i32
    %convert_element_type3A_17 = arith.extui %eq3A_16 : i1 to i32
    %cond3A_18 = arith.constant 0 : i32
    %cond3A_19 = arith.cmpi ne, %convert_element_type3A_17, %cond3A_18 : i32
    scf.if %cond3A_19 {
      %mul3A_31 = arith.constant 16 : i32
      %mul3A_32 = arith.muli %arg1, %mul3A_31 : i32
      %add3A = arith.constant 0 : i32
      %add3A_33 = arith.addi %mul3A_32, %add3A : i32
      %lt3A = arith.constant 250 : i32
      %lt3A_34 = arith.cmpi slt, %add3A_33, %lt3A : i32
      %and3A = arith.constant true
      %and3A_35 = arith.andi %and3A, %lt3A_34 : i1
      %convert_element_type3A_36 = arith.extui %and3A_35 : i1 to i32
      %cond3A_37 = arith.constant 0 : i32
      %cond3A_38 = arith.cmpi ne, %convert_element_type3A_36, %cond3A_37 : i32
      scf.if %cond3A_38 {
        %add3A_54 = arith.constant 0 : i32
        %add3A_55 = arith.addi %mul3A_32, %add3A_54 : i32
        %mul3A_56 = arith.constant 128 : i32
        %mul3A_57 = arith.muli %add3A_55, %mul3A_56 : i32
        %dma_start3A = arith.constant 0 : i32
        %dma_start3A_58 = tpu.memref_slice %arg3[%mul3A_57, %dma_start3A] : memref<32000x128xf32, #tpu.memory_space<hbm>> -> memref<128x128xf32, #tpu.memory_space<hbm>>
        %dma_start3A_59 = arith.constant 0 : i32
        %dma_start3A_60 = tpu.memref_slice %arg3[%mul3A_57, %dma_start3A_59] : memref<32000x128xf32, #tpu.memory_space<hbm>> -> memref<128x128xf32, #tpu.memory_space<hbm>>
        tpu.enqueue_dma source(%dma_start3A_60 : memref<128x128xf32, #tpu.memory_space<hbm>>) target(%arg9 : memref<128x128xf32, #tpu.memory_space<vmem>>) target_semaphore(%arg13 : memref<!tpu.dma_semaphore, #tpu.memory_space<semaphore_mem>>)
      } else {
      }
      %add3A_39 = arith.constant 1 : i32
      %add3A_40 = arith.addi %mul3A_32, %add3A_39 : i32
      %lt3A_41 = arith.constant 250 : i32
      %lt3A_42 = arith.cmpi slt, %add3A_40, %lt3A_41 : i32
      %and3A_43 = arith.constant true
      %and3A_44 = arith.andi %and3A_43, %lt3A_42 : i1
      %convert_element_type3A_45 = arith.extui %and3A_44 : i1 to i32
      %cond3A_46 = arith.constant 0 : i32
      %cond3A_47 = arith.cmpi ne, %convert_element_type3A_45, %cond3A_46 : i32
      scf.if %cond3A_47 {
        %add3A_54 = arith.constant 1 : i32
        %add3A_55 = arith.addi %mul3A_32, %add3A_54 : i32
        %mul3A_56 = arith.constant 128 : i32
        %mul3A_57 = arith.muli %add3A_55, %mul3A_56 : i32
        %dma_start3A = arith.constant 0 : i32
        %dma_start3A_58 = tpu.memref_slice %arg3[%mul3A_57, %dma_start3A] : memref<32000x128xf32, #tpu.memory_space<hbm>> -> memref<128x128xf32, #tpu.memory_space<hbm>>
        %dma_start3A_59 = arith.constant 0 : i32
        %dma_start3A_60 = tpu.memref_slice %arg3[%mul3A_57, %dma_start3A_59] : memref<32000x128xf32, #tpu.memory_space<hbm>> -> memref<128x128xf32, #tpu.memory_space<hbm>>
        tpu.enqueue_dma source(%dma_start3A_60 : memref<128x128xf32, #tpu.memory_space<hbm>>) target(%arg10 : memref<128x128xf32, #tpu.memory_space<vmem>>) target_semaphore(%arg14 : memref<!tpu.dma_semaphore, #tpu.memory_space<semaphore_mem>>)
      } else {
      }
      %scan3A = arith.constant 0 : i32
      %scan3A_48 = arith.constant 0 : i32
      %scan3A_49 = arith.constant 8 : i32
      %scan3A_50 = arith.addi %scan3A_48, %scan3A_49 : i32
      %scan3A_51 = arith.constant 1 : i32
      %scan3A_52 = scf.for %scan3A_54 = %scan3A_48 to %scan3A_50 step %scan3A_51 iter_args(%scan3A_55 = %scan3A) -> (i32)  : i32 {
        %mul3A_56 = arith.constant 2 : i32
        %mul3A_57 = arith.muli %scan3A_54, %mul3A_56 : i32
        %add3A_58 = arith.addi %mul3A_32, %mul3A_57 : i32
        %lt3A_59 = arith.constant 250 : i32
        %lt3A_60 = arith.cmpi slt, %add3A_58, %lt3A_59 : i32
        %convert_element_type3A_61 = arith.extui %lt3A_60 : i1 to i32
        %cond3A_62 = arith.constant 0 : i32
        %cond3A_63 = arith.cmpi ne, %convert_element_type3A_61, %cond3A_62 : i32
        scf.if %cond3A_63 {
          %add3A_95 = arith.addi %mul3A_32, %mul3A_57 : i32
          %mul3A_96 = arith.constant 128 : i32
          %mul3A_97 = arith.muli %add3A_95, %mul3A_96 : i32
          %dma_wait3A = arith.constant 0 : i32
          %dma_wait3A_98 = tpu.memref_slice %arg3[%mul3A_97, %dma_wait3A] : memref<32000x128xf32, #tpu.memory_space<hbm>> -> memref<128x128xf32, #tpu.memory_space<hbm>>
          %dma_wait3A_99 = arith.constant 0 : i32
          %dma_wait3A_100 = tpu.memref_slice %arg3[%mul3A_97, %dma_wait3A_99] : memref<32000x128xf32, #tpu.memory_space<hbm>> -> memref<128x128xf32, #tpu.memory_space<hbm>>
          tpu.wait_dma2 semaphore(%arg13 : memref<!tpu.dma_semaphore, #tpu.memory_space<semaphore_mem>>) src(%dma_wait3A_100 : memref<128x128xf32, #tpu.memory_space<hbm>>) dst(%arg9 : memref<128x128xf32, #tpu.memory_space<vmem>>)
          "tpu.region"() ({
            %run_scoped3A = tpu.sem_alloc : memref<!tpu.dma_semaphore, #tpu.memory_space<semaphore_mem>>
            %dma_start3A = arith.constant 0 : i32
            %dma_start3A_101 = tpu.memref_slice %arg11[%mul3A_57, %dma_start3A] : memref<16x128xi32, #tpu.memory_space<vmem>> -> memref<1x128xi32, #tpu.memory_space<vmem>>
            %dma_start3A_102 = tpu.memref_squeeze %dma_start3A_101 : memref<1x128xi32, #tpu.memory_space<vmem>> -> memref<128xi32, #tpu.memory_space<vmem>>
            %dma_start3A_103 = arith.constant 0 : i32
            %dma_start3A_104 = arith.constant 0 : i32
            %dma_start3A_105 = tpu.memref_slice %arg12[%dma_start3A_103, %dma_start3A_104] : memref<10240x128xf32, #tpu.memory_space<vmem_shared>> -> memref<10240x128xf32, #tpu.memory_space<vmem_shared>>
            tpu.enqueue_indirect_dma source(%arg9 : memref<128x128xf32, #tpu.memory_space<vmem>>) target(%dma_start3A_105 : memref<10240x128xf32, #tpu.memory_space<vmem_shared>>) offsets(%dma_start3A_102 : memref<128xi32, #tpu.memory_space<vmem>>) semaphore(%run_scoped3A : memref<!tpu.dma_semaphore, #tpu.memory_space<semaphore_mem>>) {add = true}
            %dma_wait3A_106 = arith.constant 0 : i32
            %dma_wait3A_107 = tpu.memref_slice %arg11[%mul3A_57, %dma_wait3A_106] : memref<16x128xi32, #tpu.memory_space<vmem>> -> memref<1x128xi32, #tpu.memory_space<vmem>>
            %dma_wait3A_108 = tpu.memref_squeeze %dma_wait3A_107 : memref<1x128xi32, #tpu.memory_space<vmem>> -> memref<128xi32, #tpu.memory_space<vmem>>
            %dma_wait3A_109 = arith.constant 0 : i32
            %dma_wait3A_110 = arith.constant 0 : i32
            %dma_wait3A_111 = tpu.memref_slice %arg12[%dma_wait3A_109, %dma_wait3A_110] : memref<10240x128xf32, #tpu.memory_space<vmem_shared>> -> memref<10240x128xf32, #tpu.memory_space<vmem_shared>>
            tpu.wait_indirect_dma semaphore(%run_scoped3A : memref<!tpu.dma_semaphore, #tpu.memory_space<semaphore_mem>>) src(%arg9 : memref<128x128xf32, #tpu.memory_space<vmem>>) dst(%dma_wait3A_111 : memref<10240x128xf32, #tpu.memory_space<vmem_shared>>)
            tpu.yield
          }) : () -> ()
        } else {
        }
        %add3A_64 = arith.constant 2 : i32
        %add3A_65 = arith.addi %mul3A_57, %add3A_64 : i32
        %lt3A_66 = arith.constant 16 : i32
        %lt3A_67 = arith.cmpi slt, %add3A_65, %lt3A_66 : i32
        %add3A_68 = arith.addi %mul3A_32, %add3A_65 : i32
        %lt3A_69 = arith.constant 250 : i32
        %lt3A_70 = arith.cmpi slt, %add3A_68, %lt3A_69 : i32
        %and3A_71 = arith.andi %lt3A_67, %lt3A_70 : i1
        %convert_element_type3A_72 = arith.extui %and3A_71 : i1 to i32
        %cond3A_73 = arith.constant 0 : i32
        %cond3A_74 = arith.cmpi ne, %convert_element_type3A_72, %cond3A_73 : i32
        scf.if %cond3A_74 {
          %add3A_95 = arith.addi %mul3A_32, %add3A_65 : i32
          %mul3A_96 = arith.constant 128 : i32
          %mul3A_97 = arith.muli %add3A_95, %mul3A_96 : i32
          %dma_start3A = arith.constant 0 : i32
          %dma_start3A_98 = tpu.memref_slice %arg3[%mul3A_97, %dma_start3A] : memref<32000x128xf32, #tpu.memory_space<hbm>> -> memref<128x128xf32, #tpu.memory_space<hbm>>
          %dma_start3A_99 = arith.constant 0 : i32
          %dma_start3A_100 = tpu.memref_slice %arg3[%mul3A_97, %dma_start3A_99] : memref<32000x128xf32, #tpu.memory_space<hbm>> -> memref<128x128xf32, #tpu.memory_space<hbm>>
          tpu.enqueue_dma source(%dma_start3A_100 : memref<128x128xf32, #tpu.memory_space<hbm>>) target(%arg9 : memref<128x128xf32, #tpu.memory_space<vmem>>) target_semaphore(%arg13 : memref<!tpu.dma_semaphore, #tpu.memory_space<semaphore_mem>>)
        } else {
        }
        %add3A_75 = arith.constant 1 : i32
        %add3A_76 = arith.addi %mul3A_57, %add3A_75 : i32
        %add3A_77 = arith.addi %mul3A_32, %add3A_76 : i32
        %lt3A_78 = arith.constant 250 : i32
        %lt3A_79 = arith.cmpi slt, %add3A_77, %lt3A_78 : i32
        %convert_element_type3A_80 = arith.extui %lt3A_79 : i1 to i32
        %cond3A_81 = arith.constant 0 : i32
        %cond3A_82 = arith.cmpi ne, %convert_element_type3A_80, %cond3A_81 : i32
        scf.if %cond3A_82 {
          %add3A_95 = arith.addi %mul3A_32, %add3A_76 : i32
          %mul3A_96 = arith.constant 128 : i32
          %mul3A_97 = arith.muli %add3A_95, %mul3A_96 : i32
          %dma_wait3A = arith.constant 0 : i32
          %dma_wait3A_98 = tpu.memref_slice %arg3[%mul3A_97, %dma_wait3A] : memref<32000x128xf32, #tpu.memory_space<hbm>> -> memref<128x128xf32, #tpu.memory_space<hbm>>
          %dma_wait3A_99 = arith.constant 0 : i32
          %dma_wait3A_100 = tpu.memref_slice %arg3[%mul3A_97, %dma_wait3A_99] : memref<32000x128xf32, #tpu.memory_space<hbm>> -> memref<128x128xf32, #tpu.memory_space<hbm>>
          tpu.wait_dma2 semaphore(%arg14 : memref<!tpu.dma_semaphore, #tpu.memory_space<semaphore_mem>>) src(%dma_wait3A_100 : memref<128x128xf32, #tpu.memory_space<hbm>>) dst(%arg10 : memref<128x128xf32, #tpu.memory_space<vmem>>)
          "tpu.region"() ({
            %run_scoped3A = tpu.sem_alloc : memref<!tpu.dma_semaphore, #tpu.memory_space<semaphore_mem>>
            %dma_start3A = arith.constant 0 : i32
            %dma_start3A_101 = tpu.memref_slice %arg11[%add3A_76, %dma_start3A] : memref<16x128xi32, #tpu.memory_space<vmem>> -> memref<1x128xi32, #tpu.memory_space<vmem>>
            %dma_start3A_102 = tpu.memref_squeeze %dma_start3A_101 : memref<1x128xi32, #tpu.memory_space<vmem>> -> memref<128xi32, #tpu.memory_space<vmem>>
            %dma_start3A_103 = arith.constant 0 : i32
            %dma_start3A_104 = arith.constant 0 : i32
            %dma_start3A_105 = tpu.memref_slice %arg12[%dma_start3A_103, %dma_start3A_104] : memref<10240x128xf32, #tpu.memory_space<vmem_shared>> -> memref<10240x128xf32, #tpu.memory_space<vmem_shared>>
            tpu.enqueue_indirect_dma source(%arg10 : memref<128x128xf32, #tpu.memory_space<vmem>>) target(%dma_start3A_105 : memref<10240x128xf32, #tpu.memory_space<vmem_shared>>) offsets(%dma_start3A_102 : memref<128xi32, #tpu.memory_space<vmem>>) semaphore(%run_scoped3A : memref<!tpu.dma_semaphore, #tpu.memory_space<semaphore_mem>>) {add = true}
            %dma_wait3A_106 = arith.constant 0 : i32
            %dma_wait3A_107 = tpu.memref_slice %arg11[%add3A_76, %dma_wait3A_106] : memref<16x128xi32, #tpu.memory_space<vmem>> -> memref<1x128xi32, #tpu.memory_space<vmem>>
            %dma_wait3A_108 = tpu.memref_squeeze %dma_wait3A_107 : memref<1x128xi32, #tpu.memory_space<vmem>> -> memref<128xi32, #tpu.memory_space<vmem>>
            %dma_wait3A_109 = arith.constant 0 : i32
            %dma_wait3A_110 = arith.constant 0 : i32
            %dma_wait3A_111 = tpu.memref_slice %arg12[%dma_wait3A_109, %dma_wait3A_110] : memref<10240x128xf32, #tpu.memory_space<vmem_shared>> -> memref<10240x128xf32, #tpu.memory_space<vmem_shared>>
            tpu.wait_indirect_dma semaphore(%run_scoped3A : memref<!tpu.dma_semaphore, #tpu.memory_space<semaphore_mem>>) src(%arg10 : memref<128x128xf32, #tpu.memory_space<vmem>>) dst(%dma_wait3A_111 : memref<10240x128xf32, #tpu.memory_space<vmem_shared>>)
            tpu.yield
          }) : () -> ()
        } else {
        }
        %add3A_83 = arith.constant 3 : i32
        %add3A_84 = arith.addi %mul3A_57, %add3A_83 : i32
        %lt3A_85 = arith.constant 16 : i32
        %lt3A_86 = arith.cmpi slt, %add3A_84, %lt3A_85 : i32
        %add3A_87 = arith.addi %mul3A_32, %add3A_84 : i32
        %lt3A_88 = arith.constant 250 : i32
        %lt3A_89 = arith.cmpi slt, %add3A_87, %lt3A_88 : i32
        %and3A_90 = arith.andi %lt3A_86, %lt3A_89 : i1
        %convert_element_type3A_91 = arith.extui %and3A_90 : i1 to i32
        %cond3A_92 = arith.constant 0 : i32
        %cond3A_93 = arith.cmpi ne, %convert_element_type3A_91, %cond3A_92 : i32
        scf.if %cond3A_93 {
          %add3A_95 = arith.addi %mul3A_32, %add3A_84 : i32
          %mul3A_96 = arith.constant 128 : i32
          %mul3A_97 = arith.muli %add3A_95, %mul3A_96 : i32
          %dma_start3A = arith.constant 0 : i32
          %dma_start3A_98 = tpu.memref_slice %arg3[%mul3A_97, %dma_start3A] : memref<32000x128xf32, #tpu.memory_space<hbm>> -> memref<128x128xf32, #tpu.memory_space<hbm>>
          %dma_start3A_99 = arith.constant 0 : i32
          %dma_start3A_100 = tpu.memref_slice %arg3[%mul3A_97, %dma_start3A_99] : memref<32000x128xf32, #tpu.memory_space<hbm>> -> memref<128x128xf32, #tpu.memory_space<hbm>>
          tpu.enqueue_dma source(%dma_start3A_100 : memref<128x128xf32, #tpu.memory_space<hbm>>) target(%arg10 : memref<128x128xf32, #tpu.memory_space<vmem>>) target_semaphore(%arg14 : memref<!tpu.dma_semaphore, #tpu.memory_space<semaphore_mem>>)
        } else {
        }
        %scan3A_94 = arith.constant 0 : i32
        scf.yield %scan3A_94 : i32
      }
      %scan3A_53 = arith.constant 8 : i32
    } else {
    }
    %barrier3A_20 = arith.constant 0 : index
    tpu.barrier barrier_id(%barrier3A_20)
    %eq3A_21 = arith.constant 0 : i32
    %eq3A_22 = arith.cmpi eq, %arg0, %eq3A_21 : i32
    %convert_element_type3A_23 = arith.extui %eq3A_22 : i1 to i32
    %cond3A_24 = arith.constant 0 : i32
    %cond3A_25 = arith.cmpi ne, %convert_element_type3A_23, %cond3A_24 : i32
    scf.if %cond3A_25 {
      "tpu.region"() ({
        %run_scoped3A = tpu.sem_alloc : memref<!tpu.dma_semaphore, #tpu.memory_space<semaphore_mem>>
        %dma_start3A = arith.constant 0 : i32
        %dma_start3A_31 = tpu.memref_slice %arg7[%mul3A_0, %dma_start3A] : memref<10240x128xf32, #tpu.memory_space<hbm>> -> memref<640x128xf32, #tpu.memory_space<hbm>>
        %dma_start3A_32 = arith.constant 0 : i32
        %dma_start3A_33 = tpu.memref_slice %arg12[%mul3A_0, %dma_start3A_32] : memref<10240x128xf32, #tpu.memory_space<vmem_shared>> -> memref<640x128xf32, #tpu.memory_space<vmem_shared>>
        tpu.enqueue_dma source(%dma_start3A_33 : memref<640x128xf32, #tpu.memory_space<vmem_shared>>) target(%dma_start3A_31 : memref<640x128xf32, #tpu.memory_space<hbm>>) target_semaphore(%run_scoped3A : memref<!tpu.dma_semaphore, #tpu.memory_space<semaphore_mem>>)
        %dma_wait3A = arith.constant 0 : i32
        %dma_wait3A_34 = tpu.memref_slice %arg7[%mul3A_0, %dma_wait3A] : memref<10240x128xf32, #tpu.memory_space<hbm>> -> memref<640x128xf32, #tpu.memory_space<hbm>>
        %dma_wait3A_35 = arith.constant 0 : i32
        %dma_wait3A_36 = tpu.memref_slice %arg12[%mul3A_0, %dma_wait3A_35] : memref<10240x128xf32, #tpu.memory_space<vmem_shared>> -> memref<640x128xf32, #tpu.memory_space<vmem_shared>>
        tpu.wait_dma2 semaphore(%run_scoped3A : memref<!tpu.dma_semaphore, #tpu.memory_space<semaphore_mem>>) src(%dma_wait3A_36 : memref<640x128xf32, #tpu.memory_space<vmem_shared>>) dst(%dma_wait3A_34 : memref<640x128xf32, #tpu.memory_space<hbm>>)
        tpu.yield
      }) : () -> ()
    } else {
    }
    %eq3A_26 = arith.constant 1 : i32
    %eq3A_27 = arith.cmpi eq, %arg0, %eq3A_26 : i32
    %convert_element_type3A_28 = arith.extui %eq3A_27 : i1 to i32
    %cond3A_29 = arith.constant 0 : i32
    %cond3A_30 = arith.cmpi ne, %convert_element_type3A_28, %cond3A_29 : i32
    scf.if %cond3A_30 {
      "tpu.region"() ({
        %run_scoped3A = tpu.sem_alloc : memref<!tpu.dma_semaphore, #tpu.memory_space<semaphore_mem>>
        %dma_start3A = arith.constant 0 : i32
        %dma_start3A_31 = tpu.memref_slice %arg8[%mul3A_0, %dma_start3A] : memref<10240x128xf32, #tpu.memory_space<hbm>> -> memref<640x128xf32, #tpu.memory_space<hbm>>
        %dma_start3A_32 = arith.constant 0 : i32
        %dma_start3A_33 = tpu.memref_slice %arg12[%mul3A_0, %dma_start3A_32] : memref<10240x128xf32, #tpu.memory_space<vmem_shared>> -> memref<640x128xf32, #tpu.memory_space<vmem_shared>>
        tpu.enqueue_dma source(%dma_start3A_33 : memref<640x128xf32, #tpu.memory_space<vmem_shared>>) target(%dma_start3A_31 : memref<640x128xf32, #tpu.memory_space<hbm>>) target_semaphore(%run_scoped3A : memref<!tpu.dma_semaphore, #tpu.memory_space<semaphore_mem>>)
        %dma_wait3A = arith.constant 0 : i32
        %dma_wait3A_34 = tpu.memref_slice %arg8[%mul3A_0, %dma_wait3A] : memref<10240x128xf32, #tpu.memory_space<hbm>> -> memref<640x128xf32, #tpu.memory_space<hbm>>
        %dma_wait3A_35 = arith.constant 0 : i32
        %dma_wait3A_36 = tpu.memref_slice %arg12[%mul3A_0, %dma_wait3A_35] : memref<10240x128xf32, #tpu.memory_space<vmem_shared>> -> memref<640x128xf32, #tpu.memory_space<vmem_shared>>
        tpu.wait_dma2 semaphore(%run_scoped3A : memref<!tpu.dma_semaphore, #tpu.memory_space<semaphore_mem>>) src(%dma_wait3A_36 : memref<640x128xf32, #tpu.memory_space<vmem_shared>>) dst(%dma_wait3A_34 : memref<640x128xf32, #tpu.memory_space<hbm>>)
        tpu.yield
      }) : () -> ()
    } else {
    }
    return
  }
}

#map = affine_map<(d0, d1) -> (0, 0)>
module attributes {stable_mosaic.version = 14 : i64} {
  func.func @_seg_body(%arg0: i32, %arg1: i32, %arg2: memref<32000x128xf32, #tpu.memory_space<hbm>>, %arg3: memref<32000x128xf32, #tpu.memory_space<hbm>>, %arg4: memref<256x128xi32, #tpu.memory_space<hbm>>, %arg5: memref<10240x128xf32, #tpu.memory_space<hbm>>, %arg6: memref<10240x128xf32, #tpu.memory_space<hbm>>, %arg7: memref<10240x128xf32, #tpu.memory_space<hbm>>, %arg8: memref<10240x128xf32, #tpu.memory_space<hbm>>, %arg9: memref<128x128xf32, #tpu.memory_space<vmem>>, %arg10: memref<128x128xf32, #tpu.memory_space<vmem>>, %arg11: memref<16x128xi32, #tpu.memory_space<vmem>>, %arg12: memref<10240x128xf32, #tpu.memory_space<vmem_shared>>, %arg13: memref<!tpu.dma_semaphore, #tpu.memory_space<semaphore_mem>>, %arg14: memref<!tpu.dma_semaphore, #tpu.memory_space<semaphore_mem>>) attributes {dimension_semantics = [#tpu.dimension_semantics<core_parallel>, #tpu.dimension_semantics<subcore_parallel>], iteration_bounds = array<i64: 2, 16>, scalar_prefetch = 0 : i64, scratch_operands = 6 : i64, tpu.core_type = #tpu.core_type<sc_vector_subcore>, window_params = [{transform_indices = #map}, {transform_indices = #map}, {transform_indices = #map}, {transform_indices = #map}, {transform_indices = #map}, {transform_indices = #map}, {transform_indices = #map}]} {
    %mul3A = arith.constant 640 : i32
    %mul3A_0 = arith.muli %arg1, %mul3A : i32
    %eq3A = arith.constant 0 : i32
    %eq3A_1 = arith.cmpi eq, %arg0, %eq3A : i32
    %convert_element_type3A = arith.extui %eq3A_1 : i1 to i32
    %cond3A = arith.constant 0 : i32
    %cond3A_2 = arith.cmpi ne, %convert_element_type3A, %cond3A : i32
    scf.if %cond3A_2 {
      "tpu.region"() ({
        %run_scoped3A = tpu.sem_alloc : memref<!tpu.dma_semaphore, #tpu.memory_space<semaphore_mem>>
        %dma_start3A = arith.constant 0 : i32
        %dma_start3A_31 = tpu.memref_slice %arg12[%mul3A_0, %dma_start3A] : memref<10240x128xf32, #tpu.memory_space<vmem_shared>> -> memref<640x128xf32, #tpu.memory_space<vmem_shared>>
        %dma_start3A_32 = arith.constant 0 : i32
        %dma_start3A_33 = tpu.memref_slice %arg5[%mul3A_0, %dma_start3A_32] : memref<10240x128xf32, #tpu.memory_space<hbm>> -> memref<640x128xf32, #tpu.memory_space<hbm>>
        tpu.enqueue_dma source(%dma_start3A_33 : memref<640x128xf32, #tpu.memory_space<hbm>>) target(%dma_start3A_31 : memref<640x128xf32, #tpu.memory_space<vmem_shared>>) target_semaphore(%run_scoped3A : memref<!tpu.dma_semaphore, #tpu.memory_space<semaphore_mem>>)
        %dma_wait3A = arith.constant 0 : i32
        %dma_wait3A_34 = tpu.memref_slice %arg12[%mul3A_0, %dma_wait3A] : memref<10240x128xf32, #tpu.memory_space<vmem_shared>> -> memref<640x128xf32, #tpu.memory_space<vmem_shared>>
        %dma_wait3A_35 = arith.constant 0 : i32
        %dma_wait3A_36 = tpu.memref_slice %arg5[%mul3A_0, %dma_wait3A_35] : memref<10240x128xf32, #tpu.memory_space<hbm>> -> memref<640x128xf32, #tpu.memory_space<hbm>>
        tpu.wait_dma2 semaphore(%run_scoped3A : memref<!tpu.dma_semaphore, #tpu.memory_space<semaphore_mem>>) src(%dma_wait3A_36 : memref<640x128xf32, #tpu.memory_space<hbm>>) dst(%dma_wait3A_34 : memref<640x128xf32, #tpu.memory_space<vmem_shared>>)
        tpu.yield
      }) : () -> ()
    } else {
    }
    %eq3A_3 = arith.constant 1 : i32
    %eq3A_4 = arith.cmpi eq, %arg0, %eq3A_3 : i32
    %convert_element_type3A_5 = arith.extui %eq3A_4 : i1 to i32
    %cond3A_6 = arith.constant 0 : i32
    %cond3A_7 = arith.cmpi ne, %convert_element_type3A_5, %cond3A_6 : i32
    scf.if %cond3A_7 {
      "tpu.region"() ({
        %run_scoped3A = tpu.sem_alloc : memref<!tpu.dma_semaphore, #tpu.memory_space<semaphore_mem>>
        %dma_start3A = arith.constant 0 : i32
        %dma_start3A_31 = tpu.memref_slice %arg12[%mul3A_0, %dma_start3A] : memref<10240x128xf32, #tpu.memory_space<vmem_shared>> -> memref<640x128xf32, #tpu.memory_space<vmem_shared>>
        %dma_start3A_32 = arith.constant 0 : i32
        %dma_start3A_33 = tpu.memref_slice %arg6[%mul3A_0, %dma_start3A_32] : memref<10240x128xf32, #tpu.memory_space<hbm>> -> memref<640x128xf32, #tpu.memory_space<hbm>>
        tpu.enqueue_dma source(%dma_start3A_33 : memref<640x128xf32, #tpu.memory_space<hbm>>) target(%dma_start3A_31 : memref<640x128xf32, #tpu.memory_space<vmem_shared>>) target_semaphore(%run_scoped3A : memref<!tpu.dma_semaphore, #tpu.memory_space<semaphore_mem>>)
        %dma_wait3A = arith.constant 0 : i32
        %dma_wait3A_34 = tpu.memref_slice %arg12[%mul3A_0, %dma_wait3A] : memref<10240x128xf32, #tpu.memory_space<vmem_shared>> -> memref<640x128xf32, #tpu.memory_space<vmem_shared>>
        %dma_wait3A_35 = arith.constant 0 : i32
        %dma_wait3A_36 = tpu.memref_slice %arg6[%mul3A_0, %dma_wait3A_35] : memref<10240x128xf32, #tpu.memory_space<hbm>> -> memref<640x128xf32, #tpu.memory_space<hbm>>
        tpu.wait_dma2 semaphore(%run_scoped3A : memref<!tpu.dma_semaphore, #tpu.memory_space<semaphore_mem>>) src(%dma_wait3A_36 : memref<640x128xf32, #tpu.memory_space<hbm>>) dst(%dma_wait3A_34 : memref<640x128xf32, #tpu.memory_space<vmem_shared>>)
        tpu.yield
      }) : () -> ()
    } else {
    }
    %mul3A_8 = arith.constant 16 : i32
    %mul3A_9 = arith.muli %arg1, %mul3A_8 : i32
    "tpu.region"() ({
      %run_scoped3A = tpu.sem_alloc : memref<!tpu.dma_semaphore, #tpu.memory_space<semaphore_mem>>
      %dma_start3A = arith.constant 0 : i32
      %dma_start3A_31 = tpu.memref_slice %arg4[%mul3A_9, %dma_start3A] : memref<256x128xi32, #tpu.memory_space<hbm>> -> memref<16x128xi32, #tpu.memory_space<hbm>>
      %dma_start3A_32 = arith.constant 0 : i32
      %dma_start3A_33 = tpu.memref_slice %arg4[%mul3A_9, %dma_start3A_32] : memref<256x128xi32, #tpu.memory_space<hbm>> -> memref<16x128xi32, #tpu.memory_space<hbm>>
      tpu.enqueue_dma source(%dma_start3A_33 : memref<16x128xi32, #tpu.memory_space<hbm>>) target(%arg11 : memref<16x128xi32, #tpu.memory_space<vmem>>) target_semaphore(%run_scoped3A : memref<!tpu.dma_semaphore, #tpu.memory_space<semaphore_mem>>)
      %dma_wait3A = arith.constant 0 : i32
      %dma_wait3A_34 = tpu.memref_slice %arg4[%mul3A_9, %dma_wait3A] : memref<256x128xi32, #tpu.memory_space<hbm>> -> memref<16x128xi32, #tpu.memory_space<hbm>>
      %dma_wait3A_35 = arith.constant 0 : i32
      %dma_wait3A_36 = tpu.memref_slice %arg4[%mul3A_9, %dma_wait3A_35] : memref<256x128xi32, #tpu.memory_space<hbm>> -> memref<16x128xi32, #tpu.memory_space<hbm>>
      tpu.wait_dma2 semaphore(%run_scoped3A : memref<!tpu.dma_semaphore, #tpu.memory_space<semaphore_mem>>) src(%dma_wait3A_36 : memref<16x128xi32, #tpu.memory_space<hbm>>) dst(%arg11 : memref<16x128xi32, #tpu.memory_space<vmem>>)
      tpu.yield
    }) : () -> ()
    %barrier3A = arith.constant 0 : index
    tpu.barrier barrier_id(%barrier3A)
    %eq3A_10 = arith.constant 0 : i32
    %eq3A_11 = arith.cmpi eq, %arg0, %eq3A_10 : i32
    %convert_element_type3A_12 = arith.extui %eq3A_11 : i1 to i32
    %cond3A_13 = arith.constant 0 : i32
    %cond3A_14 = arith.cmpi ne, %convert_element_type3A_12, %cond3A_13 : i32
    scf.if %cond3A_14 {
      %mul3A_31 = arith.constant 16 : i32
      %mul3A_32 = arith.muli %arg1, %mul3A_31 : i32
      %add3A = arith.constant 0 : i32
      %add3A_33 = arith.addi %mul3A_32, %add3A : i32
      %lt3A = arith.constant 250 : i32
      %lt3A_34 = arith.cmpi slt, %add3A_33, %lt3A : i32
      %and3A = arith.constant true
      %and3A_35 = arith.andi %and3A, %lt3A_34 : i1
      %convert_element_type3A_36 = arith.extui %and3A_35 : i1 to i32
      %cond3A_37 = arith.constant 0 : i32
      %cond3A_38 = arith.cmpi ne, %convert_element_type3A_36, %cond3A_37 : i32
      scf.if %cond3A_38 {
        %add3A_54 = arith.constant 0 : i32
        %add3A_55 = arith.addi %mul3A_32, %add3A_54 : i32
        %mul3A_56 = arith.constant 128 : i32
        %mul3A_57 = arith.muli %add3A_55, %mul3A_56 : i32
        %dma_start3A = arith.constant 0 : i32
        %dma_start3A_58 = tpu.memref_slice %arg2[%mul3A_57, %dma_start3A] : memref<32000x128xf32, #tpu.memory_space<hbm>> -> memref<128x128xf32, #tpu.memory_space<hbm>>
        %dma_start3A_59 = arith.constant 0 : i32
        %dma_start3A_60 = tpu.memref_slice %arg2[%mul3A_57, %dma_start3A_59] : memref<32000x128xf32, #tpu.memory_space<hbm>> -> memref<128x128xf32, #tpu.memory_space<hbm>>
        tpu.enqueue_dma source(%dma_start3A_60 : memref<128x128xf32, #tpu.memory_space<hbm>>) target(%arg9 : memref<128x128xf32, #tpu.memory_space<vmem>>) target_semaphore(%arg13 : memref<!tpu.dma_semaphore, #tpu.memory_space<semaphore_mem>>)
      } else {
      }
      %add3A_39 = arith.constant 1 : i32
      %add3A_40 = arith.addi %mul3A_32, %add3A_39 : i32
      %lt3A_41 = arith.constant 250 : i32
      %lt3A_42 = arith.cmpi slt, %add3A_40, %lt3A_41 : i32
      %and3A_43 = arith.constant true
      %and3A_44 = arith.andi %and3A_43, %lt3A_42 : i1
      %convert_element_type3A_45 = arith.extui %and3A_44 : i1 to i32
      %cond3A_46 = arith.constant 0 : i32
      %cond3A_47 = arith.cmpi ne, %convert_element_type3A_45, %cond3A_46 : i32
      scf.if %cond3A_47 {
        %add3A_54 = arith.constant 1 : i32
        %add3A_55 = arith.addi %mul3A_32, %add3A_54 : i32
        %mul3A_56 = arith.constant 128 : i32
        %mul3A_57 = arith.muli %add3A_55, %mul3A_56 : i32
        %dma_start3A = arith.constant 0 : i32
        %dma_start3A_58 = tpu.memref_slice %arg2[%mul3A_57, %dma_start3A] : memref<32000x128xf32, #tpu.memory_space<hbm>> -> memref<128x128xf32, #tpu.memory_space<hbm>>
        %dma_start3A_59 = arith.constant 0 : i32
        %dma_start3A_60 = tpu.memref_slice %arg2[%mul3A_57, %dma_start3A_59] : memref<32000x128xf32, #tpu.memory_space<hbm>> -> memref<128x128xf32, #tpu.memory_space<hbm>>
        tpu.enqueue_dma source(%dma_start3A_60 : memref<128x128xf32, #tpu.memory_space<hbm>>) target(%arg10 : memref<128x128xf32, #tpu.memory_space<vmem>>) target_semaphore(%arg14 : memref<!tpu.dma_semaphore, #tpu.memory_space<semaphore_mem>>)
      } else {
      }
      %scan3A = arith.constant 0 : i32
      %scan3A_48 = arith.constant 0 : i32
      %scan3A_49 = arith.constant 8 : i32
      %scan3A_50 = arith.addi %scan3A_48, %scan3A_49 : i32
      %scan3A_51 = arith.constant 1 : i32
      %scan3A_52 = scf.for %scan3A_54 = %scan3A_48 to %scan3A_50 step %scan3A_51 iter_args(%scan3A_55 = %scan3A) -> (i32)  : i32 {
        %mul3A_56 = arith.constant 2 : i32
        %mul3A_57 = arith.muli %scan3A_54, %mul3A_56 : i32
        %add3A_58 = arith.addi %mul3A_32, %mul3A_57 : i32
        %lt3A_59 = arith.constant 250 : i32
        %lt3A_60 = arith.cmpi slt, %add3A_58, %lt3A_59 : i32
        %convert_element_type3A_61 = arith.extui %lt3A_60 : i1 to i32
        %cond3A_62 = arith.constant 0 : i32
        %cond3A_63 = arith.cmpi ne, %convert_element_type3A_61, %cond3A_62 : i32
        scf.if %cond3A_63 {
          %add3A_95 = arith.addi %mul3A_32, %mul3A_57 : i32
          %mul3A_96 = arith.constant 128 : i32
          %mul3A_97 = arith.muli %add3A_95, %mul3A_96 : i32
          %dma_wait3A = arith.constant 0 : i32
          %dma_wait3A_98 = tpu.memref_slice %arg2[%mul3A_97, %dma_wait3A] : memref<32000x128xf32, #tpu.memory_space<hbm>> -> memref<128x128xf32, #tpu.memory_space<hbm>>
          %dma_wait3A_99 = arith.constant 0 : i32
          %dma_wait3A_100 = tpu.memref_slice %arg2[%mul3A_97, %dma_wait3A_99] : memref<32000x128xf32, #tpu.memory_space<hbm>> -> memref<128x128xf32, #tpu.memory_space<hbm>>
          tpu.wait_dma2 semaphore(%arg13 : memref<!tpu.dma_semaphore, #tpu.memory_space<semaphore_mem>>) src(%dma_wait3A_100 : memref<128x128xf32, #tpu.memory_space<hbm>>) dst(%arg9 : memref<128x128xf32, #tpu.memory_space<vmem>>)
          "tpu.region"() ({
            %run_scoped3A = tpu.sem_alloc : memref<!tpu.dma_semaphore, #tpu.memory_space<semaphore_mem>>
            %dma_start3A = arith.constant 0 : i32
            %dma_start3A_101 = tpu.memref_slice %arg11[%mul3A_57, %dma_start3A] : memref<16x128xi32, #tpu.memory_space<vmem>> -> memref<1x128xi32, #tpu.memory_space<vmem>>
            %dma_start3A_102 = tpu.memref_squeeze %dma_start3A_101 : memref<1x128xi32, #tpu.memory_space<vmem>> -> memref<128xi32, #tpu.memory_space<vmem>>
            %dma_start3A_103 = arith.constant 0 : i32
            %dma_start3A_104 = arith.constant 0 : i32
            %dma_start3A_105 = tpu.memref_slice %arg12[%dma_start3A_103, %dma_start3A_104] : memref<10240x128xf32, #tpu.memory_space<vmem_shared>> -> memref<10240x128xf32, #tpu.memory_space<vmem_shared>>
            tpu.enqueue_indirect_dma source(%arg9 : memref<128x128xf32, #tpu.memory_space<vmem>>) target(%dma_start3A_105 : memref<10240x128xf32, #tpu.memory_space<vmem_shared>>) offsets(%dma_start3A_102 : memref<128xi32, #tpu.memory_space<vmem>>) semaphore(%run_scoped3A : memref<!tpu.dma_semaphore, #tpu.memory_space<semaphore_mem>>) {add = true}
            %dma_wait3A_106 = arith.constant 0 : i32
            %dma_wait3A_107 = tpu.memref_slice %arg11[%mul3A_57, %dma_wait3A_106] : memref<16x128xi32, #tpu.memory_space<vmem>> -> memref<1x128xi32, #tpu.memory_space<vmem>>
            %dma_wait3A_108 = tpu.memref_squeeze %dma_wait3A_107 : memref<1x128xi32, #tpu.memory_space<vmem>> -> memref<128xi32, #tpu.memory_space<vmem>>
            %dma_wait3A_109 = arith.constant 0 : i32
            %dma_wait3A_110 = arith.constant 0 : i32
            %dma_wait3A_111 = tpu.memref_slice %arg12[%dma_wait3A_109, %dma_wait3A_110] : memref<10240x128xf32, #tpu.memory_space<vmem_shared>> -> memref<10240x128xf32, #tpu.memory_space<vmem_shared>>
            tpu.wait_indirect_dma semaphore(%run_scoped3A : memref<!tpu.dma_semaphore, #tpu.memory_space<semaphore_mem>>) src(%arg9 : memref<128x128xf32, #tpu.memory_space<vmem>>) dst(%dma_wait3A_111 : memref<10240x128xf32, #tpu.memory_space<vmem_shared>>)
            tpu.yield
          }) : () -> ()
        } else {
        }
        %add3A_64 = arith.constant 2 : i32
        %add3A_65 = arith.addi %mul3A_57, %add3A_64 : i32
        %lt3A_66 = arith.constant 16 : i32
        %lt3A_67 = arith.cmpi slt, %add3A_65, %lt3A_66 : i32
        %add3A_68 = arith.addi %mul3A_32, %add3A_65 : i32
        %lt3A_69 = arith.constant 250 : i32
        %lt3A_70 = arith.cmpi slt, %add3A_68, %lt3A_69 : i32
        %and3A_71 = arith.andi %lt3A_67, %lt3A_70 : i1
        %convert_element_type3A_72 = arith.extui %and3A_71 : i1 to i32
        %cond3A_73 = arith.constant 0 : i32
        %cond3A_74 = arith.cmpi ne, %convert_element_type3A_72, %cond3A_73 : i32
        scf.if %cond3A_74 {
          %add3A_95 = arith.addi %mul3A_32, %add3A_65 : i32
          %mul3A_96 = arith.constant 128 : i32
          %mul3A_97 = arith.muli %add3A_95, %mul3A_96 : i32
          %dma_start3A = arith.constant 0 : i32
          %dma_start3A_98 = tpu.memref_slice %arg2[%mul3A_97, %dma_start3A] : memref<32000x128xf32, #tpu.memory_space<hbm>> -> memref<128x128xf32, #tpu.memory_space<hbm>>
          %dma_start3A_99 = arith.constant 0 : i32
          %dma_start3A_100 = tpu.memref_slice %arg2[%mul3A_97, %dma_start3A_99] : memref<32000x128xf32, #tpu.memory_space<hbm>> -> memref<128x128xf32, #tpu.memory_space<hbm>>
          tpu.enqueue_dma source(%dma_start3A_100 : memref<128x128xf32, #tpu.memory_space<hbm>>) target(%arg9 : memref<128x128xf32, #tpu.memory_space<vmem>>) target_semaphore(%arg13 : memref<!tpu.dma_semaphore, #tpu.memory_space<semaphore_mem>>)
        } else {
        }
        %add3A_75 = arith.constant 1 : i32
        %add3A_76 = arith.addi %mul3A_57, %add3A_75 : i32
        %add3A_77 = arith.addi %mul3A_32, %add3A_76 : i32
        %lt3A_78 = arith.constant 250 : i32
        %lt3A_79 = arith.cmpi slt, %add3A_77, %lt3A_78 : i32
        %convert_element_type3A_80 = arith.extui %lt3A_79 : i1 to i32
        %cond3A_81 = arith.constant 0 : i32
        %cond3A_82 = arith.cmpi ne, %convert_element_type3A_80, %cond3A_81 : i32
        scf.if %cond3A_82 {
          %add3A_95 = arith.addi %mul3A_32, %add3A_76 : i32
          %mul3A_96 = arith.constant 128 : i32
          %mul3A_97 = arith.muli %add3A_95, %mul3A_96 : i32
          %dma_wait3A = arith.constant 0 : i32
          %dma_wait3A_98 = tpu.memref_slice %arg2[%mul3A_97, %dma_wait3A] : memref<32000x128xf32, #tpu.memory_space<hbm>> -> memref<128x128xf32, #tpu.memory_space<hbm>>
          %dma_wait3A_99 = arith.constant 0 : i32
          %dma_wait3A_100 = tpu.memref_slice %arg2[%mul3A_97, %dma_wait3A_99] : memref<32000x128xf32, #tpu.memory_space<hbm>> -> memref<128x128xf32, #tpu.memory_space<hbm>>
          tpu.wait_dma2 semaphore(%arg14 : memref<!tpu.dma_semaphore, #tpu.memory_space<semaphore_mem>>) src(%dma_wait3A_100 : memref<128x128xf32, #tpu.memory_space<hbm>>) dst(%arg10 : memref<128x128xf32, #tpu.memory_space<vmem>>)
          "tpu.region"() ({
            %run_scoped3A = tpu.sem_alloc : memref<!tpu.dma_semaphore, #tpu.memory_space<semaphore_mem>>
            %dma_start3A = arith.constant 0 : i32
            %dma_start3A_101 = tpu.memref_slice %arg11[%add3A_76, %dma_start3A] : memref<16x128xi32, #tpu.memory_space<vmem>> -> memref<1x128xi32, #tpu.memory_space<vmem>>
            %dma_start3A_102 = tpu.memref_squeeze %dma_start3A_101 : memref<1x128xi32, #tpu.memory_space<vmem>> -> memref<128xi32, #tpu.memory_space<vmem>>
            %dma_start3A_103 = arith.constant 0 : i32
            %dma_start3A_104 = arith.constant 0 : i32
            %dma_start3A_105 = tpu.memref_slice %arg12[%dma_start3A_103, %dma_start3A_104] : memref<10240x128xf32, #tpu.memory_space<vmem_shared>> -> memref<10240x128xf32, #tpu.memory_space<vmem_shared>>
            tpu.enqueue_indirect_dma source(%arg10 : memref<128x128xf32, #tpu.memory_space<vmem>>) target(%dma_start3A_105 : memref<10240x128xf32, #tpu.memory_space<vmem_shared>>) offsets(%dma_start3A_102 : memref<128xi32, #tpu.memory_space<vmem>>) semaphore(%run_scoped3A : memref<!tpu.dma_semaphore, #tpu.memory_space<semaphore_mem>>) {add = true}
            %dma_wait3A_106 = arith.constant 0 : i32
            %dma_wait3A_107 = tpu.memref_slice %arg11[%add3A_76, %dma_wait3A_106] : memref<16x128xi32, #tpu.memory_space<vmem>> -> memref<1x128xi32, #tpu.memory_space<vmem>>
            %dma_wait3A_108 = tpu.memref_squeeze %dma_wait3A_107 : memref<1x128xi32, #tpu.memory_space<vmem>> -> memref<128xi32, #tpu.memory_space<vmem>>
            %dma_wait3A_109 = arith.constant 0 : i32
            %dma_wait3A_110 = arith.constant 0 : i32
            %dma_wait3A_111 = tpu.memref_slice %arg12[%dma_wait3A_109, %dma_wait3A_110] : memref<10240x128xf32, #tpu.memory_space<vmem_shared>> -> memref<10240x128xf32, #tpu.memory_space<vmem_shared>>
            tpu.wait_indirect_dma semaphore(%run_scoped3A : memref<!tpu.dma_semaphore, #tpu.memory_space<semaphore_mem>>) src(%arg10 : memref<128x128xf32, #tpu.memory_space<vmem>>) dst(%dma_wait3A_111 : memref<10240x128xf32, #tpu.memory_space<vmem_shared>>)
            tpu.yield
          }) : () -> ()
        } else {
        }
        %add3A_83 = arith.constant 3 : i32
        %add3A_84 = arith.addi %mul3A_57, %add3A_83 : i32
        %lt3A_85 = arith.constant 16 : i32
        %lt3A_86 = arith.cmpi slt, %add3A_84, %lt3A_85 : i32
        %add3A_87 = arith.addi %mul3A_32, %add3A_84 : i32
        %lt3A_88 = arith.constant 250 : i32
        %lt3A_89 = arith.cmpi slt, %add3A_87, %lt3A_88 : i32
        %and3A_90 = arith.andi %lt3A_86, %lt3A_89 : i1
        %convert_element_type3A_91 = arith.extui %and3A_90 : i1 to i32
        %cond3A_92 = arith.constant 0 : i32
        %cond3A_93 = arith.cmpi ne, %convert_element_type3A_91, %cond3A_92 : i32
        scf.if %cond3A_93 {
          %add3A_95 = arith.addi %mul3A_32, %add3A_84 : i32
          %mul3A_96 = arith.constant 128 : i32
          %mul3A_97 = arith.muli %add3A_95, %mul3A_96 : i32
          %dma_start3A = arith.constant 0 : i32
          %dma_start3A_98 = tpu.memref_slice %arg2[%mul3A_97, %dma_start3A] : memref<32000x128xf32, #tpu.memory_space<hbm>> -> memref<128x128xf32, #tpu.memory_space<hbm>>
          %dma_start3A_99 = arith.constant 0 : i32
          %dma_start3A_100 = tpu.memref_slice %arg2[%mul3A_97, %dma_start3A_99] : memref<32000x128xf32, #tpu.memory_space<hbm>> -> memref<128x128xf32, #tpu.memory_space<hbm>>
          tpu.enqueue_dma source(%dma_start3A_100 : memref<128x128xf32, #tpu.memory_space<hbm>>) target(%arg10 : memref<128x128xf32, #tpu.memory_space<vmem>>) target_semaphore(%arg14 : memref<!tpu.dma_semaphore, #tpu.memory_space<semaphore_mem>>)
        } else {
        }
        %scan3A_94 = arith.constant 0 : i32
        scf.yield %scan3A_94 : i32
      }
      %scan3A_53 = arith.constant 8 : i32
    } else {
    }
    %eq3A_15 = arith.constant 1 : i32
    %eq3A_16 = arith.cmpi eq, %arg0, %eq3A_15 : i32
    %convert_element_type3A_17 = arith.extui %eq3A_16 : i1 to i32
    %cond3A_18 = arith.constant 0 : i32
    %cond3A_19 = arith.cmpi ne, %convert_element_type3A_17, %cond3A_18 : i32
    scf.if %cond3A_19 {
      %mul3A_31 = arith.constant 16 : i32
      %mul3A_32 = arith.muli %arg1, %mul3A_31 : i32
      %add3A = arith.constant 0 : i32
      %add3A_33 = arith.addi %mul3A_32, %add3A : i32
      %lt3A = arith.constant 250 : i32
      %lt3A_34 = arith.cmpi slt, %add3A_33, %lt3A : i32
      %and3A = arith.constant true
      %and3A_35 = arith.andi %and3A, %lt3A_34 : i1
      %convert_element_type3A_36 = arith.extui %and3A_35 : i1 to i32
      %cond3A_37 = arith.constant 0 : i32
      %cond3A_38 = arith.cmpi ne, %convert_element_type3A_36, %cond3A_37 : i32
      scf.if %cond3A_38 {
        %add3A_54 = arith.constant 0 : i32
        %add3A_55 = arith.addi %mul3A_32, %add3A_54 : i32
        %mul3A_56 = arith.constant 128 : i32
        %mul3A_57 = arith.muli %add3A_55, %mul3A_56 : i32
        %dma_start3A = arith.constant 0 : i32
        %dma_start3A_58 = tpu.memref_slice %arg3[%mul3A_57, %dma_start3A] : memref<32000x128xf32, #tpu.memory_space<hbm>> -> memref<128x128xf32, #tpu.memory_space<hbm>>
        %dma_start3A_59 = arith.constant 0 : i32
        %dma_start3A_60 = tpu.memref_slice %arg3[%mul3A_57, %dma_start3A_59] : memref<32000x128xf32, #tpu.memory_space<hbm>> -> memref<128x128xf32, #tpu.memory_space<hbm>>
        tpu.enqueue_dma source(%dma_start3A_60 : memref<128x128xf32, #tpu.memory_space<hbm>>) target(%arg9 : memref<128x128xf32, #tpu.memory_space<vmem>>) target_semaphore(%arg13 : memref<!tpu.dma_semaphore, #tpu.memory_space<semaphore_mem>>)
      } else {
      }
      %add3A_39 = arith.constant 1 : i32
      %add3A_40 = arith.addi %mul3A_32, %add3A_39 : i32
      %lt3A_41 = arith.constant 250 : i32
      %lt3A_42 = arith.cmpi slt, %add3A_40, %lt3A_41 : i32
      %and3A_43 = arith.constant true
      %and3A_44 = arith.andi %and3A_43, %lt3A_42 : i1
      %convert_element_type3A_45 = arith.extui %and3A_44 : i1 to i32
      %cond3A_46 = arith.constant 0 : i32
      %cond3A_47 = arith.cmpi ne, %convert_element_type3A_45, %cond3A_46 : i32
      scf.if %cond3A_47 {
        %add3A_54 = arith.constant 1 : i32
        %add3A_55 = arith.addi %mul3A_32, %add3A_54 : i32
        %mul3A_56 = arith.constant 128 : i32
        %mul3A_57 = arith.muli %add3A_55, %mul3A_56 : i32
        %dma_start3A = arith.constant 0 : i32
        %dma_start3A_58 = tpu.memref_slice %arg3[%mul3A_57, %dma_start3A] : memref<32000x128xf32, #tpu.memory_space<hbm>> -> memref<128x128xf32, #tpu.memory_space<hbm>>
        %dma_start3A_59 = arith.constant 0 : i32
        %dma_start3A_60 = tpu.memref_slice %arg3[%mul3A_57, %dma_start3A_59] : memref<32000x128xf32, #tpu.memory_space<hbm>> -> memref<128x128xf32, #tpu.memory_space<hbm>>
        tpu.enqueue_dma source(%dma_start3A_60 : memref<128x128xf32, #tpu.memory_space<hbm>>) target(%arg10 : memref<128x128xf32, #tpu.memory_space<vmem>>) target_semaphore(%arg14 : memref<!tpu.dma_semaphore, #tpu.memory_space<semaphore_mem>>)
      } else {
      }
      %scan3A = arith.constant 0 : i32
      %scan3A_48 = arith.constant 0 : i32
      %scan3A_49 = arith.constant 8 : i32
      %scan3A_50 = arith.addi %scan3A_48, %scan3A_49 : i32
      %scan3A_51 = arith.constant 1 : i32
      %scan3A_52 = scf.for %scan3A_54 = %scan3A_48 to %scan3A_50 step %scan3A_51 iter_args(%scan3A_55 = %scan3A) -> (i32)  : i32 {
        %mul3A_56 = arith.constant 2 : i32
        %mul3A_57 = arith.muli %scan3A_54, %mul3A_56 : i32
        %add3A_58 = arith.addi %mul3A_32, %mul3A_57 : i32
        %lt3A_59 = arith.constant 250 : i32
        %lt3A_60 = arith.cmpi slt, %add3A_58, %lt3A_59 : i32
        %convert_element_type3A_61 = arith.extui %lt3A_60 : i1 to i32
        %cond3A_62 = arith.constant 0 : i32
        %cond3A_63 = arith.cmpi ne, %convert_element_type3A_61, %cond3A_62 : i32
        scf.if %cond3A_63 {
          %add3A_95 = arith.addi %mul3A_32, %mul3A_57 : i32
          %mul3A_96 = arith.constant 128 : i32
          %mul3A_97 = arith.muli %add3A_95, %mul3A_96 : i32
          %dma_wait3A = arith.constant 0 : i32
          %dma_wait3A_98 = tpu.memref_slice %arg3[%mul3A_97, %dma_wait3A] : memref<32000x128xf32, #tpu.memory_space<hbm>> -> memref<128x128xf32, #tpu.memory_space<hbm>>
          %dma_wait3A_99 = arith.constant 0 : i32
          %dma_wait3A_100 = tpu.memref_slice %arg3[%mul3A_97, %dma_wait3A_99] : memref<32000x128xf32, #tpu.memory_space<hbm>> -> memref<128x128xf32, #tpu.memory_space<hbm>>
          tpu.wait_dma2 semaphore(%arg13 : memref<!tpu.dma_semaphore, #tpu.memory_space<semaphore_mem>>) src(%dma_wait3A_100 : memref<128x128xf32, #tpu.memory_space<hbm>>) dst(%arg9 : memref<128x128xf32, #tpu.memory_space<vmem>>)
          "tpu.region"() ({
            %run_scoped3A = tpu.sem_alloc : memref<!tpu.dma_semaphore, #tpu.memory_space<semaphore_mem>>
            %dma_start3A = arith.constant 0 : i32
            %dma_start3A_101 = tpu.memref_slice %arg11[%mul3A_57, %dma_start3A] : memref<16x128xi32, #tpu.memory_space<vmem>> -> memref<1x128xi32, #tpu.memory_space<vmem>>
            %dma_start3A_102 = tpu.memref_squeeze %dma_start3A_101 : memref<1x128xi32, #tpu.memory_space<vmem>> -> memref<128xi32, #tpu.memory_space<vmem>>
            %dma_start3A_103 = arith.constant 0 : i32
            %dma_start3A_104 = arith.constant 0 : i32
            %dma_start3A_105 = tpu.memref_slice %arg12[%dma_start3A_103, %dma_start3A_104] : memref<10240x128xf32, #tpu.memory_space<vmem_shared>> -> memref<10240x128xf32, #tpu.memory_space<vmem_shared>>
            tpu.enqueue_indirect_dma source(%arg9 : memref<128x128xf32, #tpu.memory_space<vmem>>) target(%dma_start3A_105 : memref<10240x128xf32, #tpu.memory_space<vmem_shared>>) offsets(%dma_start3A_102 : memref<128xi32, #tpu.memory_space<vmem>>) semaphore(%run_scoped3A : memref<!tpu.dma_semaphore, #tpu.memory_space<semaphore_mem>>) {add = true}
            %dma_wait3A_106 = arith.constant 0 : i32
            %dma_wait3A_107 = tpu.memref_slice %arg11[%mul3A_57, %dma_wait3A_106] : memref<16x128xi32, #tpu.memory_space<vmem>> -> memref<1x128xi32, #tpu.memory_space<vmem>>
            %dma_wait3A_108 = tpu.memref_squeeze %dma_wait3A_107 : memref<1x128xi32, #tpu.memory_space<vmem>> -> memref<128xi32, #tpu.memory_space<vmem>>
            %dma_wait3A_109 = arith.constant 0 : i32
            %dma_wait3A_110 = arith.constant 0 : i32
            %dma_wait3A_111 = tpu.memref_slice %arg12[%dma_wait3A_109, %dma_wait3A_110] : memref<10240x128xf32, #tpu.memory_space<vmem_shared>> -> memref<10240x128xf32, #tpu.memory_space<vmem_shared>>
            tpu.wait_indirect_dma semaphore(%run_scoped3A : memref<!tpu.dma_semaphore, #tpu.memory_space<semaphore_mem>>) src(%arg9 : memref<128x128xf32, #tpu.memory_space<vmem>>) dst(%dma_wait3A_111 : memref<10240x128xf32, #tpu.memory_space<vmem_shared>>)
            tpu.yield
          }) : () -> ()
        } else {
        }
        %add3A_64 = arith.constant 2 : i32
        %add3A_65 = arith.addi %mul3A_57, %add3A_64 : i32
        %lt3A_66 = arith.constant 16 : i32
        %lt3A_67 = arith.cmpi slt, %add3A_65, %lt3A_66 : i32
        %add3A_68 = arith.addi %mul3A_32, %add3A_65 : i32
        %lt3A_69 = arith.constant 250 : i32
        %lt3A_70 = arith.cmpi slt, %add3A_68, %lt3A_69 : i32
        %and3A_71 = arith.andi %lt3A_67, %lt3A_70 : i1
        %convert_element_type3A_72 = arith.extui %and3A_71 : i1 to i32
        %cond3A_73 = arith.constant 0 : i32
        %cond3A_74 = arith.cmpi ne, %convert_element_type3A_72, %cond3A_73 : i32
        scf.if %cond3A_74 {
          %add3A_95 = arith.addi %mul3A_32, %add3A_65 : i32
          %mul3A_96 = arith.constant 128 : i32
          %mul3A_97 = arith.muli %add3A_95, %mul3A_96 : i32
          %dma_start3A = arith.constant 0 : i32
          %dma_start3A_98 = tpu.memref_slice %arg3[%mul3A_97, %dma_start3A] : memref<32000x128xf32, #tpu.memory_space<hbm>> -> memref<128x128xf32, #tpu.memory_space<hbm>>
          %dma_start3A_99 = arith.constant 0 : i32
          %dma_start3A_100 = tpu.memref_slice %arg3[%mul3A_97, %dma_start3A_99] : memref<32000x128xf32, #tpu.memory_space<hbm>> -> memref<128x128xf32, #tpu.memory_space<hbm>>
          tpu.enqueue_dma source(%dma_start3A_100 : memref<128x128xf32, #tpu.memory_space<hbm>>) target(%arg9 : memref<128x128xf32, #tpu.memory_space<vmem>>) target_semaphore(%arg13 : memref<!tpu.dma_semaphore, #tpu.memory_space<semaphore_mem>>)
        } else {
        }
        %add3A_75 = arith.constant 1 : i32
        %add3A_76 = arith.addi %mul3A_57, %add3A_75 : i32
        %add3A_77 = arith.addi %mul3A_32, %add3A_76 : i32
        %lt3A_78 = arith.constant 250 : i32
        %lt3A_79 = arith.cmpi slt, %add3A_77, %lt3A_78 : i32
        %convert_element_type3A_80 = arith.extui %lt3A_79 : i1 to i32
        %cond3A_81 = arith.constant 0 : i32
        %cond3A_82 = arith.cmpi ne, %convert_element_type3A_80, %cond3A_81 : i32
        scf.if %cond3A_82 {
          %add3A_95 = arith.addi %mul3A_32, %add3A_76 : i32
          %mul3A_96 = arith.constant 128 : i32
          %mul3A_97 = arith.muli %add3A_95, %mul3A_96 : i32
          %dma_wait3A = arith.constant 0 : i32
          %dma_wait3A_98 = tpu.memref_slice %arg3[%mul3A_97, %dma_wait3A] : memref<32000x128xf32, #tpu.memory_space<hbm>> -> memref<128x128xf32, #tpu.memory_space<hbm>>
          %dma_wait3A_99 = arith.constant 0 : i32
          %dma_wait3A_100 = tpu.memref_slice %arg3[%mul3A_97, %dma_wait3A_99] : memref<32000x128xf32, #tpu.memory_space<hbm>> -> memref<128x128xf32, #tpu.memory_space<hbm>>
          tpu.wait_dma2 semaphore(%arg14 : memref<!tpu.dma_semaphore, #tpu.memory_space<semaphore_mem>>) src(%dma_wait3A_100 : memref<128x128xf32, #tpu.memory_space<hbm>>) dst(%arg10 : memref<128x128xf32, #tpu.memory_space<vmem>>)
          "tpu.region"() ({
            %run_scoped3A = tpu.sem_alloc : memref<!tpu.dma_semaphore, #tpu.memory_space<semaphore_mem>>
            %dma_start3A = arith.constant 0 : i32
            %dma_start3A_101 = tpu.memref_slice %arg11[%add3A_76, %dma_start3A] : memref<16x128xi32, #tpu.memory_space<vmem>> -> memref<1x128xi32, #tpu.memory_space<vmem>>
            %dma_start3A_102 = tpu.memref_squeeze %dma_start3A_101 : memref<1x128xi32, #tpu.memory_space<vmem>> -> memref<128xi32, #tpu.memory_space<vmem>>
            %dma_start3A_103 = arith.constant 0 : i32
            %dma_start3A_104 = arith.constant 0 : i32
            %dma_start3A_105 = tpu.memref_slice %arg12[%dma_start3A_103, %dma_start3A_104] : memref<10240x128xf32, #tpu.memory_space<vmem_shared>> -> memref<10240x128xf32, #tpu.memory_space<vmem_shared>>
            tpu.enqueue_indirect_dma source(%arg10 : memref<128x128xf32, #tpu.memory_space<vmem>>) target(%dma_start3A_105 : memref<10240x128xf32, #tpu.memory_space<vmem_shared>>) offsets(%dma_start3A_102 : memref<128xi32, #tpu.memory_space<vmem>>) semaphore(%run_scoped3A : memref<!tpu.dma_semaphore, #tpu.memory_space<semaphore_mem>>) {add = true}
            %dma_wait3A_106 = arith.constant 0 : i32
            %dma_wait3A_107 = tpu.memref_slice %arg11[%add3A_76, %dma_wait3A_106] : memref<16x128xi32, #tpu.memory_space<vmem>> -> memref<1x128xi32, #tpu.memory_space<vmem>>
            %dma_wait3A_108 = tpu.memref_squeeze %dma_wait3A_107 : memref<1x128xi32, #tpu.memory_space<vmem>> -> memref<128xi32, #tpu.memory_space<vmem>>
            %dma_wait3A_109 = arith.constant 0 : i32
            %dma_wait3A_110 = arith.constant 0 : i32
            %dma_wait3A_111 = tpu.memref_slice %arg12[%dma_wait3A_109, %dma_wait3A_110] : memref<10240x128xf32, #tpu.memory_space<vmem_shared>> -> memref<10240x128xf32, #tpu.memory_space<vmem_shared>>
            tpu.wait_indirect_dma semaphore(%run_scoped3A : memref<!tpu.dma_semaphore, #tpu.memory_space<semaphore_mem>>) src(%arg10 : memref<128x128xf32, #tpu.memory_space<vmem>>) dst(%dma_wait3A_111 : memref<10240x128xf32, #tpu.memory_space<vmem_shared>>)
            tpu.yield
          }) : () -> ()
        } else {
        }
        %add3A_83 = arith.constant 3 : i32
        %add3A_84 = arith.addi %mul3A_57, %add3A_83 : i32
        %lt3A_85 = arith.constant 16 : i32
        %lt3A_86 = arith.cmpi slt, %add3A_84, %lt3A_85 : i32
        %add3A_87 = arith.addi %mul3A_32, %add3A_84 : i32
        %lt3A_88 = arith.constant 250 : i32
        %lt3A_89 = arith.cmpi slt, %add3A_87, %lt3A_88 : i32
        %and3A_90 = arith.andi %lt3A_86, %lt3A_89 : i1
        %convert_element_type3A_91 = arith.extui %and3A_90 : i1 to i32
        %cond3A_92 = arith.constant 0 : i32
        %cond3A_93 = arith.cmpi ne, %convert_element_type3A_91, %cond3A_92 : i32
        scf.if %cond3A_93 {
          %add3A_95 = arith.addi %mul3A_32, %add3A_84 : i32
          %mul3A_96 = arith.constant 128 : i32
          %mul3A_97 = arith.muli %add3A_95, %mul3A_96 : i32
          %dma_start3A = arith.constant 0 : i32
          %dma_start3A_98 = tpu.memref_slice %arg3[%mul3A_97, %dma_start3A] : memref<32000x128xf32, #tpu.memory_space<hbm>> -> memref<128x128xf32, #tpu.memory_space<hbm>>
          %dma_start3A_99 = arith.constant 0 : i32
          %dma_start3A_100 = tpu.memref_slice %arg3[%mul3A_97, %dma_start3A_99] : memref<32000x128xf32, #tpu.memory_space<hbm>> -> memref<128x128xf32, #tpu.memory_space<hbm>>
          tpu.enqueue_dma source(%dma_start3A_100 : memref<128x128xf32, #tpu.memory_space<hbm>>) target(%arg10 : memref<128x128xf32, #tpu.memory_space<vmem>>) target_semaphore(%arg14 : memref<!tpu.dma_semaphore, #tpu.memory_space<semaphore_mem>>)
        } else {
        }
        %scan3A_94 = arith.constant 0 : i32
        scf.yield %scan3A_94 : i32
      }
      %scan3A_53 = arith.constant 8 : i32
    } else {
    }
    %barrier3A_20 = arith.constant 0 : index
    tpu.barrier barrier_id(%barrier3A_20)
    %eq3A_21 = arith.constant 0 : i32
    %eq3A_22 = arith.cmpi eq, %arg0, %eq3A_21 : i32
    %convert_element_type3A_23 = arith.extui %eq3A_22 : i1 to i32
    %cond3A_24 = arith.constant 0 : i32
    %cond3A_25 = arith.cmpi ne, %convert_element_type3A_23, %cond3A_24 : i32
    scf.if %cond3A_25 {
      "tpu.region"() ({
        %run_scoped3A = tpu.sem_alloc : memref<!tpu.dma_semaphore, #tpu.memory_space<semaphore_mem>>
        %dma_start3A = arith.constant 0 : i32
        %dma_start3A_31 = tpu.memref_slice %arg7[%mul3A_0, %dma_start3A] : memref<10240x128xf32, #tpu.memory_space<hbm>> -> memref<640x128xf32, #tpu.memory_space<hbm>>
        %dma_start3A_32 = arith.constant 0 : i32
        %dma_start3A_33 = tpu.memref_slice %arg12[%mul3A_0, %dma_start3A_32] : memref<10240x128xf32, #tpu.memory_space<vmem_shared>> -> memref<640x128xf32, #tpu.memory_space<vmem_shared>>
        tpu.enqueue_dma source(%dma_start3A_33 : memref<640x128xf32, #tpu.memory_space<vmem_shared>>) target(%dma_start3A_31 : memref<640x128xf32, #tpu.memory_space<hbm>>) target_semaphore(%run_scoped3A : memref<!tpu.dma_semaphore, #tpu.memory_space<semaphore_mem>>)
        %dma_wait3A = arith.constant 0 : i32
        %dma_wait3A_34 = tpu.memref_slice %arg7[%mul3A_0, %dma_wait3A] : memref<10240x128xf32, #tpu.memory_space<hbm>> -> memref<640x128xf32, #tpu.memory_space<hbm>>
        %dma_wait3A_35 = arith.constant 0 : i32
        %dma_wait3A_36 = tpu.memref_slice %arg12[%mul3A_0, %dma_wait3A_35] : memref<10240x128xf32, #tpu.memory_space<vmem_shared>> -> memref<640x128xf32, #tpu.memory_space<vmem_shared>>
        tpu.wait_dma2 semaphore(%run_scoped3A : memref<!tpu.dma_semaphore, #tpu.memory_space<semaphore_mem>>) src(%dma_wait3A_36 : memref<640x128xf32, #tpu.memory_space<vmem_shared>>) dst(%dma_wait3A_34 : memref<640x128xf32, #tpu.memory_space<hbm>>)
        tpu.yield
      }) : () -> ()
    } else {
    }
    %eq3A_26 = arith.constant 1 : i32
    %eq3A_27 = arith.cmpi eq, %arg0, %eq3A_26 : i32
    %convert_element_type3A_28 = arith.extui %eq3A_27 : i1 to i32
    %cond3A_29 = arith.constant 0 : i32
    %cond3A_30 = arith.cmpi ne, %convert_element_type3A_28, %cond3A_29 : i32
    scf.if %cond3A_30 {
      "tpu.region"() ({
        %run_scoped3A = tpu.sem_alloc : memref<!tpu.dma_semaphore, #tpu.memory_space<semaphore_mem>>
        %dma_start3A = arith.constant 0 : i32
        %dma_start3A_31 = tpu.memref_slice %arg8[%mul3A_0, %dma_start3A] : memref<10240x128xf32, #tpu.memory_space<hbm>> -> memref<640x128xf32, #tpu.memory_space<hbm>>
        %dma_start3A_32 = arith.constant 0 : i32
        %dma_start3A_33 = tpu.memref_slice %arg12[%mul3A_0, %dma_start3A_32] : memref<10240x128xf32, #tpu.memory_space<vmem_shared>> -> memref<640x128xf32, #tpu.memory_space<vmem_shared>>
        tpu.enqueue_dma source(%dma_start3A_33 : memref<640x128xf32, #tpu.memory_space<vmem_shared>>) target(%dma_start3A_31 : memref<640x128xf32, #tpu.memory_space<hbm>>) target_semaphore(%run_scoped3A : memref<!tpu.dma_semaphore, #tpu.memory_space<semaphore_mem>>)
        %dma_wait3A = arith.constant 0 : i32
        %dma_wait3A_34 = tpu.memref_slice %arg8[%mul3A_0, %dma_wait3A] : memref<10240x128xf32, #tpu.memory_space<hbm>> -> memref<640x128xf32, #tpu.memory_space<hbm>>
        %dma_wait3A_35 = arith.constant 0 : i32
        %dma_wait3A_36 = tpu.memref_slice %arg12[%mul3A_0, %dma_wait3A_35] : memref<10240x128xf32, #tpu.memory_space<vmem_shared>> -> memref<640x128xf32, #tpu.memory_space<vmem_shared>>
        tpu.wait_dma2 semaphore(%run_scoped3A : memref<!tpu.dma_semaphore, #tpu.memory_space<semaphore_mem>>) src(%dma_wait3A_36 : memref<640x128xf32, #tpu.memory_space<vmem_shared>>) dst(%dma_wait3A_34 : memref<640x128xf32, #tpu.memory_space<hbm>>)
        tpu.yield
      }) : () -> ()
    } else {
    }
    return
  }
}

#map = affine_map<(d0, d1) -> (0, 0)>
module attributes {stable_mosaic.version = 14 : i64} {
  func.func @_seg_body(%arg0: i32, %arg1: i32, %arg2: memref<48000x128xf32, #tpu.memory_space<hbm>>, %arg3: memref<48000x128xf32, #tpu.memory_space<hbm>>, %arg4: memref<384x128xi32, #tpu.memory_space<hbm>>, %arg5: memref<10240x128xf32, #tpu.memory_space<hbm>>, %arg6: memref<10240x128xf32, #tpu.memory_space<hbm>>, %arg7: memref<10240x128xf32, #tpu.memory_space<hbm>>, %arg8: memref<10240x128xf32, #tpu.memory_space<hbm>>, %arg9: memref<128x128xf32, #tpu.memory_space<vmem>>, %arg10: memref<128x128xf32, #tpu.memory_space<vmem>>, %arg11: memref<24x128xi32, #tpu.memory_space<vmem>>, %arg12: memref<10240x128xf32, #tpu.memory_space<vmem_shared>>, %arg13: memref<!tpu.dma_semaphore, #tpu.memory_space<semaphore_mem>>, %arg14: memref<!tpu.dma_semaphore, #tpu.memory_space<semaphore_mem>>) attributes {dimension_semantics = [#tpu.dimension_semantics<core_parallel>, #tpu.dimension_semantics<subcore_parallel>], iteration_bounds = array<i64: 2, 16>, scalar_prefetch = 0 : i64, scratch_operands = 6 : i64, tpu.core_type = #tpu.core_type<sc_vector_subcore>, window_params = [{transform_indices = #map}, {transform_indices = #map}, {transform_indices = #map}, {transform_indices = #map}, {transform_indices = #map}, {transform_indices = #map}, {transform_indices = #map}]} {
    %mul3A = arith.constant 640 : i32
    %mul3A_0 = arith.muli %arg1, %mul3A : i32
    %eq3A = arith.constant 0 : i32
    %eq3A_1 = arith.cmpi eq, %arg0, %eq3A : i32
    %convert_element_type3A = arith.extui %eq3A_1 : i1 to i32
    %cond3A = arith.constant 0 : i32
    %cond3A_2 = arith.cmpi ne, %convert_element_type3A, %cond3A : i32
    scf.if %cond3A_2 {
      "tpu.region"() ({
        %run_scoped3A = tpu.sem_alloc : memref<!tpu.dma_semaphore, #tpu.memory_space<semaphore_mem>>
        %dma_start3A = arith.constant 0 : i32
        %dma_start3A_31 = tpu.memref_slice %arg12[%mul3A_0, %dma_start3A] : memref<10240x128xf32, #tpu.memory_space<vmem_shared>> -> memref<640x128xf32, #tpu.memory_space<vmem_shared>>
        %dma_start3A_32 = arith.constant 0 : i32
        %dma_start3A_33 = tpu.memref_slice %arg5[%mul3A_0, %dma_start3A_32] : memref<10240x128xf32, #tpu.memory_space<hbm>> -> memref<640x128xf32, #tpu.memory_space<hbm>>
        tpu.enqueue_dma source(%dma_start3A_33 : memref<640x128xf32, #tpu.memory_space<hbm>>) target(%dma_start3A_31 : memref<640x128xf32, #tpu.memory_space<vmem_shared>>) target_semaphore(%run_scoped3A : memref<!tpu.dma_semaphore, #tpu.memory_space<semaphore_mem>>)
        %dma_wait3A = arith.constant 0 : i32
        %dma_wait3A_34 = tpu.memref_slice %arg12[%mul3A_0, %dma_wait3A] : memref<10240x128xf32, #tpu.memory_space<vmem_shared>> -> memref<640x128xf32, #tpu.memory_space<vmem_shared>>
        %dma_wait3A_35 = arith.constant 0 : i32
        %dma_wait3A_36 = tpu.memref_slice %arg5[%mul3A_0, %dma_wait3A_35] : memref<10240x128xf32, #tpu.memory_space<hbm>> -> memref<640x128xf32, #tpu.memory_space<hbm>>
        tpu.wait_dma2 semaphore(%run_scoped3A : memref<!tpu.dma_semaphore, #tpu.memory_space<semaphore_mem>>) src(%dma_wait3A_36 : memref<640x128xf32, #tpu.memory_space<hbm>>) dst(%dma_wait3A_34 : memref<640x128xf32, #tpu.memory_space<vmem_shared>>)
        tpu.yield
      }) : () -> ()
    } else {
    }
    %eq3A_3 = arith.constant 1 : i32
    %eq3A_4 = arith.cmpi eq, %arg0, %eq3A_3 : i32
    %convert_element_type3A_5 = arith.extui %eq3A_4 : i1 to i32
    %cond3A_6 = arith.constant 0 : i32
    %cond3A_7 = arith.cmpi ne, %convert_element_type3A_5, %cond3A_6 : i32
    scf.if %cond3A_7 {
      "tpu.region"() ({
        %run_scoped3A = tpu.sem_alloc : memref<!tpu.dma_semaphore, #tpu.memory_space<semaphore_mem>>
        %dma_start3A = arith.constant 0 : i32
        %dma_start3A_31 = tpu.memref_slice %arg12[%mul3A_0, %dma_start3A] : memref<10240x128xf32, #tpu.memory_space<vmem_shared>> -> memref<640x128xf32, #tpu.memory_space<vmem_shared>>
        %dma_start3A_32 = arith.constant 0 : i32
        %dma_start3A_33 = tpu.memref_slice %arg6[%mul3A_0, %dma_start3A_32] : memref<10240x128xf32, #tpu.memory_space<hbm>> -> memref<640x128xf32, #tpu.memory_space<hbm>>
        tpu.enqueue_dma source(%dma_start3A_33 : memref<640x128xf32, #tpu.memory_space<hbm>>) target(%dma_start3A_31 : memref<640x128xf32, #tpu.memory_space<vmem_shared>>) target_semaphore(%run_scoped3A : memref<!tpu.dma_semaphore, #tpu.memory_space<semaphore_mem>>)
        %dma_wait3A = arith.constant 0 : i32
        %dma_wait3A_34 = tpu.memref_slice %arg12[%mul3A_0, %dma_wait3A] : memref<10240x128xf32, #tpu.memory_space<vmem_shared>> -> memref<640x128xf32, #tpu.memory_space<vmem_shared>>
        %dma_wait3A_35 = arith.constant 0 : i32
        %dma_wait3A_36 = tpu.memref_slice %arg6[%mul3A_0, %dma_wait3A_35] : memref<10240x128xf32, #tpu.memory_space<hbm>> -> memref<640x128xf32, #tpu.memory_space<hbm>>
        tpu.wait_dma2 semaphore(%run_scoped3A : memref<!tpu.dma_semaphore, #tpu.memory_space<semaphore_mem>>) src(%dma_wait3A_36 : memref<640x128xf32, #tpu.memory_space<hbm>>) dst(%dma_wait3A_34 : memref<640x128xf32, #tpu.memory_space<vmem_shared>>)
        tpu.yield
      }) : () -> ()
    } else {
    }
    %mul3A_8 = arith.constant 24 : i32
    %mul3A_9 = arith.muli %arg1, %mul3A_8 : i32
    "tpu.region"() ({
      %run_scoped3A = tpu.sem_alloc : memref<!tpu.dma_semaphore, #tpu.memory_space<semaphore_mem>>
      %dma_start3A = arith.constant 0 : i32
      %dma_start3A_31 = tpu.memref_slice %arg4[%mul3A_9, %dma_start3A] : memref<384x128xi32, #tpu.memory_space<hbm>> -> memref<24x128xi32, #tpu.memory_space<hbm>>
      %dma_start3A_32 = arith.constant 0 : i32
      %dma_start3A_33 = tpu.memref_slice %arg4[%mul3A_9, %dma_start3A_32] : memref<384x128xi32, #tpu.memory_space<hbm>> -> memref<24x128xi32, #tpu.memory_space<hbm>>
      tpu.enqueue_dma source(%dma_start3A_33 : memref<24x128xi32, #tpu.memory_space<hbm>>) target(%arg11 : memref<24x128xi32, #tpu.memory_space<vmem>>) target_semaphore(%run_scoped3A : memref<!tpu.dma_semaphore, #tpu.memory_space<semaphore_mem>>)
      %dma_wait3A = arith.constant 0 : i32
      %dma_wait3A_34 = tpu.memref_slice %arg4[%mul3A_9, %dma_wait3A] : memref<384x128xi32, #tpu.memory_space<hbm>> -> memref<24x128xi32, #tpu.memory_space<hbm>>
      %dma_wait3A_35 = arith.constant 0 : i32
      %dma_wait3A_36 = tpu.memref_slice %arg4[%mul3A_9, %dma_wait3A_35] : memref<384x128xi32, #tpu.memory_space<hbm>> -> memref<24x128xi32, #tpu.memory_space<hbm>>
      tpu.wait_dma2 semaphore(%run_scoped3A : memref<!tpu.dma_semaphore, #tpu.memory_space<semaphore_mem>>) src(%dma_wait3A_36 : memref<24x128xi32, #tpu.memory_space<hbm>>) dst(%arg11 : memref<24x128xi32, #tpu.memory_space<vmem>>)
      tpu.yield
    }) : () -> ()
    %barrier3A = arith.constant 0 : index
    tpu.barrier barrier_id(%barrier3A)
    %eq3A_10 = arith.constant 0 : i32
    %eq3A_11 = arith.cmpi eq, %arg0, %eq3A_10 : i32
    %convert_element_type3A_12 = arith.extui %eq3A_11 : i1 to i32
    %cond3A_13 = arith.constant 0 : i32
    %cond3A_14 = arith.cmpi ne, %convert_element_type3A_12, %cond3A_13 : i32
    scf.if %cond3A_14 {
      %mul3A_31 = arith.constant 24 : i32
      %mul3A_32 = arith.muli %arg1, %mul3A_31 : i32
      %add3A = arith.constant 0 : i32
      %add3A_33 = arith.addi %mul3A_32, %add3A : i32
      %lt3A = arith.constant 375 : i32
      %lt3A_34 = arith.cmpi slt, %add3A_33, %lt3A : i32
      %and3A = arith.constant true
      %and3A_35 = arith.andi %and3A, %lt3A_34 : i1
      %convert_element_type3A_36 = arith.extui %and3A_35 : i1 to i32
      %cond3A_37 = arith.constant 0 : i32
      %cond3A_38 = arith.cmpi ne, %convert_element_type3A_36, %cond3A_37 : i32
      scf.if %cond3A_38 {
        %add3A_54 = arith.constant 0 : i32
        %add3A_55 = arith.addi %mul3A_32, %add3A_54 : i32
        %mul3A_56 = arith.constant 128 : i32
        %mul3A_57 = arith.muli %add3A_55, %mul3A_56 : i32
        %dma_start3A = arith.constant 0 : i32
        %dma_start3A_58 = tpu.memref_slice %arg2[%mul3A_57, %dma_start3A] : memref<48000x128xf32, #tpu.memory_space<hbm>> -> memref<128x128xf32, #tpu.memory_space<hbm>>
        %dma_start3A_59 = arith.constant 0 : i32
        %dma_start3A_60 = tpu.memref_slice %arg2[%mul3A_57, %dma_start3A_59] : memref<48000x128xf32, #tpu.memory_space<hbm>> -> memref<128x128xf32, #tpu.memory_space<hbm>>
        tpu.enqueue_dma source(%dma_start3A_60 : memref<128x128xf32, #tpu.memory_space<hbm>>) target(%arg9 : memref<128x128xf32, #tpu.memory_space<vmem>>) target_semaphore(%arg13 : memref<!tpu.dma_semaphore, #tpu.memory_space<semaphore_mem>>)
      } else {
      }
      %add3A_39 = arith.constant 1 : i32
      %add3A_40 = arith.addi %mul3A_32, %add3A_39 : i32
      %lt3A_41 = arith.constant 375 : i32
      %lt3A_42 = arith.cmpi slt, %add3A_40, %lt3A_41 : i32
      %and3A_43 = arith.constant true
      %and3A_44 = arith.andi %and3A_43, %lt3A_42 : i1
      %convert_element_type3A_45 = arith.extui %and3A_44 : i1 to i32
      %cond3A_46 = arith.constant 0 : i32
      %cond3A_47 = arith.cmpi ne, %convert_element_type3A_45, %cond3A_46 : i32
      scf.if %cond3A_47 {
        %add3A_54 = arith.constant 1 : i32
        %add3A_55 = arith.addi %mul3A_32, %add3A_54 : i32
        %mul3A_56 = arith.constant 128 : i32
        %mul3A_57 = arith.muli %add3A_55, %mul3A_56 : i32
        %dma_start3A = arith.constant 0 : i32
        %dma_start3A_58 = tpu.memref_slice %arg2[%mul3A_57, %dma_start3A] : memref<48000x128xf32, #tpu.memory_space<hbm>> -> memref<128x128xf32, #tpu.memory_space<hbm>>
        %dma_start3A_59 = arith.constant 0 : i32
        %dma_start3A_60 = tpu.memref_slice %arg2[%mul3A_57, %dma_start3A_59] : memref<48000x128xf32, #tpu.memory_space<hbm>> -> memref<128x128xf32, #tpu.memory_space<hbm>>
        tpu.enqueue_dma source(%dma_start3A_60 : memref<128x128xf32, #tpu.memory_space<hbm>>) target(%arg10 : memref<128x128xf32, #tpu.memory_space<vmem>>) target_semaphore(%arg14 : memref<!tpu.dma_semaphore, #tpu.memory_space<semaphore_mem>>)
      } else {
      }
      %scan3A = arith.constant 0 : i32
      %scan3A_48 = arith.constant 0 : i32
      %scan3A_49 = arith.constant 12 : i32
      %scan3A_50 = arith.addi %scan3A_48, %scan3A_49 : i32
      %scan3A_51 = arith.constant 1 : i32
      %scan3A_52 = scf.for %scan3A_54 = %scan3A_48 to %scan3A_50 step %scan3A_51 iter_args(%scan3A_55 = %scan3A) -> (i32)  : i32 {
        %mul3A_56 = arith.constant 2 : i32
        %mul3A_57 = arith.muli %scan3A_54, %mul3A_56 : i32
        %add3A_58 = arith.addi %mul3A_32, %mul3A_57 : i32
        %lt3A_59 = arith.constant 375 : i32
        %lt3A_60 = arith.cmpi slt, %add3A_58, %lt3A_59 : i32
        %convert_element_type3A_61 = arith.extui %lt3A_60 : i1 to i32
        %cond3A_62 = arith.constant 0 : i32
        %cond3A_63 = arith.cmpi ne, %convert_element_type3A_61, %cond3A_62 : i32
        scf.if %cond3A_63 {
          %add3A_95 = arith.addi %mul3A_32, %mul3A_57 : i32
          %mul3A_96 = arith.constant 128 : i32
          %mul3A_97 = arith.muli %add3A_95, %mul3A_96 : i32
          %dma_wait3A = arith.constant 0 : i32
          %dma_wait3A_98 = tpu.memref_slice %arg2[%mul3A_97, %dma_wait3A] : memref<48000x128xf32, #tpu.memory_space<hbm>> -> memref<128x128xf32, #tpu.memory_space<hbm>>
          %dma_wait3A_99 = arith.constant 0 : i32
          %dma_wait3A_100 = tpu.memref_slice %arg2[%mul3A_97, %dma_wait3A_99] : memref<48000x128xf32, #tpu.memory_space<hbm>> -> memref<128x128xf32, #tpu.memory_space<hbm>>
          tpu.wait_dma2 semaphore(%arg13 : memref<!tpu.dma_semaphore, #tpu.memory_space<semaphore_mem>>) src(%dma_wait3A_100 : memref<128x128xf32, #tpu.memory_space<hbm>>) dst(%arg9 : memref<128x128xf32, #tpu.memory_space<vmem>>)
          "tpu.region"() ({
            %run_scoped3A = tpu.sem_alloc : memref<!tpu.dma_semaphore, #tpu.memory_space<semaphore_mem>>
            %dma_start3A = arith.constant 0 : i32
            %dma_start3A_101 = tpu.memref_slice %arg11[%mul3A_57, %dma_start3A] : memref<24x128xi32, #tpu.memory_space<vmem>> -> memref<1x128xi32, #tpu.memory_space<vmem>>
            %dma_start3A_102 = tpu.memref_squeeze %dma_start3A_101 : memref<1x128xi32, #tpu.memory_space<vmem>> -> memref<128xi32, #tpu.memory_space<vmem>>
            %dma_start3A_103 = arith.constant 0 : i32
            %dma_start3A_104 = arith.constant 0 : i32
            %dma_start3A_105 = tpu.memref_slice %arg12[%dma_start3A_103, %dma_start3A_104] : memref<10240x128xf32, #tpu.memory_space<vmem_shared>> -> memref<10240x128xf32, #tpu.memory_space<vmem_shared>>
            tpu.enqueue_indirect_dma source(%arg9 : memref<128x128xf32, #tpu.memory_space<vmem>>) target(%dma_start3A_105 : memref<10240x128xf32, #tpu.memory_space<vmem_shared>>) offsets(%dma_start3A_102 : memref<128xi32, #tpu.memory_space<vmem>>) semaphore(%run_scoped3A : memref<!tpu.dma_semaphore, #tpu.memory_space<semaphore_mem>>) {add = true}
            %dma_wait3A_106 = arith.constant 0 : i32
            %dma_wait3A_107 = tpu.memref_slice %arg11[%mul3A_57, %dma_wait3A_106] : memref<24x128xi32, #tpu.memory_space<vmem>> -> memref<1x128xi32, #tpu.memory_space<vmem>>
            %dma_wait3A_108 = tpu.memref_squeeze %dma_wait3A_107 : memref<1x128xi32, #tpu.memory_space<vmem>> -> memref<128xi32, #tpu.memory_space<vmem>>
            %dma_wait3A_109 = arith.constant 0 : i32
            %dma_wait3A_110 = arith.constant 0 : i32
            %dma_wait3A_111 = tpu.memref_slice %arg12[%dma_wait3A_109, %dma_wait3A_110] : memref<10240x128xf32, #tpu.memory_space<vmem_shared>> -> memref<10240x128xf32, #tpu.memory_space<vmem_shared>>
            tpu.wait_indirect_dma semaphore(%run_scoped3A : memref<!tpu.dma_semaphore, #tpu.memory_space<semaphore_mem>>) src(%arg9 : memref<128x128xf32, #tpu.memory_space<vmem>>) dst(%dma_wait3A_111 : memref<10240x128xf32, #tpu.memory_space<vmem_shared>>)
            tpu.yield
          }) : () -> ()
        } else {
        }
        %add3A_64 = arith.constant 2 : i32
        %add3A_65 = arith.addi %mul3A_57, %add3A_64 : i32
        %lt3A_66 = arith.constant 24 : i32
        %lt3A_67 = arith.cmpi slt, %add3A_65, %lt3A_66 : i32
        %add3A_68 = arith.addi %mul3A_32, %add3A_65 : i32
        %lt3A_69 = arith.constant 375 : i32
        %lt3A_70 = arith.cmpi slt, %add3A_68, %lt3A_69 : i32
        %and3A_71 = arith.andi %lt3A_67, %lt3A_70 : i1
        %convert_element_type3A_72 = arith.extui %and3A_71 : i1 to i32
        %cond3A_73 = arith.constant 0 : i32
        %cond3A_74 = arith.cmpi ne, %convert_element_type3A_72, %cond3A_73 : i32
        scf.if %cond3A_74 {
          %add3A_95 = arith.addi %mul3A_32, %add3A_65 : i32
          %mul3A_96 = arith.constant 128 : i32
          %mul3A_97 = arith.muli %add3A_95, %mul3A_96 : i32
          %dma_start3A = arith.constant 0 : i32
          %dma_start3A_98 = tpu.memref_slice %arg2[%mul3A_97, %dma_start3A] : memref<48000x128xf32, #tpu.memory_space<hbm>> -> memref<128x128xf32, #tpu.memory_space<hbm>>
          %dma_start3A_99 = arith.constant 0 : i32
          %dma_start3A_100 = tpu.memref_slice %arg2[%mul3A_97, %dma_start3A_99] : memref<48000x128xf32, #tpu.memory_space<hbm>> -> memref<128x128xf32, #tpu.memory_space<hbm>>
          tpu.enqueue_dma source(%dma_start3A_100 : memref<128x128xf32, #tpu.memory_space<hbm>>) target(%arg9 : memref<128x128xf32, #tpu.memory_space<vmem>>) target_semaphore(%arg13 : memref<!tpu.dma_semaphore, #tpu.memory_space<semaphore_mem>>)
        } else {
        }
        %add3A_75 = arith.constant 1 : i32
        %add3A_76 = arith.addi %mul3A_57, %add3A_75 : i32
        %add3A_77 = arith.addi %mul3A_32, %add3A_76 : i32
        %lt3A_78 = arith.constant 375 : i32
        %lt3A_79 = arith.cmpi slt, %add3A_77, %lt3A_78 : i32
        %convert_element_type3A_80 = arith.extui %lt3A_79 : i1 to i32
        %cond3A_81 = arith.constant 0 : i32
        %cond3A_82 = arith.cmpi ne, %convert_element_type3A_80, %cond3A_81 : i32
        scf.if %cond3A_82 {
          %add3A_95 = arith.addi %mul3A_32, %add3A_76 : i32
          %mul3A_96 = arith.constant 128 : i32
          %mul3A_97 = arith.muli %add3A_95, %mul3A_96 : i32
          %dma_wait3A = arith.constant 0 : i32
          %dma_wait3A_98 = tpu.memref_slice %arg2[%mul3A_97, %dma_wait3A] : memref<48000x128xf32, #tpu.memory_space<hbm>> -> memref<128x128xf32, #tpu.memory_space<hbm>>
          %dma_wait3A_99 = arith.constant 0 : i32
          %dma_wait3A_100 = tpu.memref_slice %arg2[%mul3A_97, %dma_wait3A_99] : memref<48000x128xf32, #tpu.memory_space<hbm>> -> memref<128x128xf32, #tpu.memory_space<hbm>>
          tpu.wait_dma2 semaphore(%arg14 : memref<!tpu.dma_semaphore, #tpu.memory_space<semaphore_mem>>) src(%dma_wait3A_100 : memref<128x128xf32, #tpu.memory_space<hbm>>) dst(%arg10 : memref<128x128xf32, #tpu.memory_space<vmem>>)
          "tpu.region"() ({
            %run_scoped3A = tpu.sem_alloc : memref<!tpu.dma_semaphore, #tpu.memory_space<semaphore_mem>>
            %dma_start3A = arith.constant 0 : i32
            %dma_start3A_101 = tpu.memref_slice %arg11[%add3A_76, %dma_start3A] : memref<24x128xi32, #tpu.memory_space<vmem>> -> memref<1x128xi32, #tpu.memory_space<vmem>>
            %dma_start3A_102 = tpu.memref_squeeze %dma_start3A_101 : memref<1x128xi32, #tpu.memory_space<vmem>> -> memref<128xi32, #tpu.memory_space<vmem>>
            %dma_start3A_103 = arith.constant 0 : i32
            %dma_start3A_104 = arith.constant 0 : i32
            %dma_start3A_105 = tpu.memref_slice %arg12[%dma_start3A_103, %dma_start3A_104] : memref<10240x128xf32, #tpu.memory_space<vmem_shared>> -> memref<10240x128xf32, #tpu.memory_space<vmem_shared>>
            tpu.enqueue_indirect_dma source(%arg10 : memref<128x128xf32, #tpu.memory_space<vmem>>) target(%dma_start3A_105 : memref<10240x128xf32, #tpu.memory_space<vmem_shared>>) offsets(%dma_start3A_102 : memref<128xi32, #tpu.memory_space<vmem>>) semaphore(%run_scoped3A : memref<!tpu.dma_semaphore, #tpu.memory_space<semaphore_mem>>) {add = true}
            %dma_wait3A_106 = arith.constant 0 : i32
            %dma_wait3A_107 = tpu.memref_slice %arg11[%add3A_76, %dma_wait3A_106] : memref<24x128xi32, #tpu.memory_space<vmem>> -> memref<1x128xi32, #tpu.memory_space<vmem>>
            %dma_wait3A_108 = tpu.memref_squeeze %dma_wait3A_107 : memref<1x128xi32, #tpu.memory_space<vmem>> -> memref<128xi32, #tpu.memory_space<vmem>>
            %dma_wait3A_109 = arith.constant 0 : i32
            %dma_wait3A_110 = arith.constant 0 : i32
            %dma_wait3A_111 = tpu.memref_slice %arg12[%dma_wait3A_109, %dma_wait3A_110] : memref<10240x128xf32, #tpu.memory_space<vmem_shared>> -> memref<10240x128xf32, #tpu.memory_space<vmem_shared>>
            tpu.wait_indirect_dma semaphore(%run_scoped3A : memref<!tpu.dma_semaphore, #tpu.memory_space<semaphore_mem>>) src(%arg10 : memref<128x128xf32, #tpu.memory_space<vmem>>) dst(%dma_wait3A_111 : memref<10240x128xf32, #tpu.memory_space<vmem_shared>>)
            tpu.yield
          }) : () -> ()
        } else {
        }
        %add3A_83 = arith.constant 3 : i32
        %add3A_84 = arith.addi %mul3A_57, %add3A_83 : i32
        %lt3A_85 = arith.constant 24 : i32
        %lt3A_86 = arith.cmpi slt, %add3A_84, %lt3A_85 : i32
        %add3A_87 = arith.addi %mul3A_32, %add3A_84 : i32
        %lt3A_88 = arith.constant 375 : i32
        %lt3A_89 = arith.cmpi slt, %add3A_87, %lt3A_88 : i32
        %and3A_90 = arith.andi %lt3A_86, %lt3A_89 : i1
        %convert_element_type3A_91 = arith.extui %and3A_90 : i1 to i32
        %cond3A_92 = arith.constant 0 : i32
        %cond3A_93 = arith.cmpi ne, %convert_element_type3A_91, %cond3A_92 : i32
        scf.if %cond3A_93 {
          %add3A_95 = arith.addi %mul3A_32, %add3A_84 : i32
          %mul3A_96 = arith.constant 128 : i32
          %mul3A_97 = arith.muli %add3A_95, %mul3A_96 : i32
          %dma_start3A = arith.constant 0 : i32
          %dma_start3A_98 = tpu.memref_slice %arg2[%mul3A_97, %dma_start3A] : memref<48000x128xf32, #tpu.memory_space<hbm>> -> memref<128x128xf32, #tpu.memory_space<hbm>>
          %dma_start3A_99 = arith.constant 0 : i32
          %dma_start3A_100 = tpu.memref_slice %arg2[%mul3A_97, %dma_start3A_99] : memref<48000x128xf32, #tpu.memory_space<hbm>> -> memref<128x128xf32, #tpu.memory_space<hbm>>
          tpu.enqueue_dma source(%dma_start3A_100 : memref<128x128xf32, #tpu.memory_space<hbm>>) target(%arg10 : memref<128x128xf32, #tpu.memory_space<vmem>>) target_semaphore(%arg14 : memref<!tpu.dma_semaphore, #tpu.memory_space<semaphore_mem>>)
        } else {
        }
        %scan3A_94 = arith.constant 0 : i32
        scf.yield %scan3A_94 : i32
      }
      %scan3A_53 = arith.constant 12 : i32
    } else {
    }
    %eq3A_15 = arith.constant 1 : i32
    %eq3A_16 = arith.cmpi eq, %arg0, %eq3A_15 : i32
    %convert_element_type3A_17 = arith.extui %eq3A_16 : i1 to i32
    %cond3A_18 = arith.constant 0 : i32
    %cond3A_19 = arith.cmpi ne, %convert_element_type3A_17, %cond3A_18 : i32
    scf.if %cond3A_19 {
      %mul3A_31 = arith.constant 24 : i32
      %mul3A_32 = arith.muli %arg1, %mul3A_31 : i32
      %add3A = arith.constant 0 : i32
      %add3A_33 = arith.addi %mul3A_32, %add3A : i32
      %lt3A = arith.constant 375 : i32
      %lt3A_34 = arith.cmpi slt, %add3A_33, %lt3A : i32
      %and3A = arith.constant true
      %and3A_35 = arith.andi %and3A, %lt3A_34 : i1
      %convert_element_type3A_36 = arith.extui %and3A_35 : i1 to i32
      %cond3A_37 = arith.constant 0 : i32
      %cond3A_38 = arith.cmpi ne, %convert_element_type3A_36, %cond3A_37 : i32
      scf.if %cond3A_38 {
        %add3A_54 = arith.constant 0 : i32
        %add3A_55 = arith.addi %mul3A_32, %add3A_54 : i32
        %mul3A_56 = arith.constant 128 : i32
        %mul3A_57 = arith.muli %add3A_55, %mul3A_56 : i32
        %dma_start3A = arith.constant 0 : i32
        %dma_start3A_58 = tpu.memref_slice %arg3[%mul3A_57, %dma_start3A] : memref<48000x128xf32, #tpu.memory_space<hbm>> -> memref<128x128xf32, #tpu.memory_space<hbm>>
        %dma_start3A_59 = arith.constant 0 : i32
        %dma_start3A_60 = tpu.memref_slice %arg3[%mul3A_57, %dma_start3A_59] : memref<48000x128xf32, #tpu.memory_space<hbm>> -> memref<128x128xf32, #tpu.memory_space<hbm>>
        tpu.enqueue_dma source(%dma_start3A_60 : memref<128x128xf32, #tpu.memory_space<hbm>>) target(%arg9 : memref<128x128xf32, #tpu.memory_space<vmem>>) target_semaphore(%arg13 : memref<!tpu.dma_semaphore, #tpu.memory_space<semaphore_mem>>)
      } else {
      }
      %add3A_39 = arith.constant 1 : i32
      %add3A_40 = arith.addi %mul3A_32, %add3A_39 : i32
      %lt3A_41 = arith.constant 375 : i32
      %lt3A_42 = arith.cmpi slt, %add3A_40, %lt3A_41 : i32
      %and3A_43 = arith.constant true
      %and3A_44 = arith.andi %and3A_43, %lt3A_42 : i1
      %convert_element_type3A_45 = arith.extui %and3A_44 : i1 to i32
      %cond3A_46 = arith.constant 0 : i32
      %cond3A_47 = arith.cmpi ne, %convert_element_type3A_45, %cond3A_46 : i32
      scf.if %cond3A_47 {
        %add3A_54 = arith.constant 1 : i32
        %add3A_55 = arith.addi %mul3A_32, %add3A_54 : i32
        %mul3A_56 = arith.constant 128 : i32
        %mul3A_57 = arith.muli %add3A_55, %mul3A_56 : i32
        %dma_start3A = arith.constant 0 : i32
        %dma_start3A_58 = tpu.memref_slice %arg3[%mul3A_57, %dma_start3A] : memref<48000x128xf32, #tpu.memory_space<hbm>> -> memref<128x128xf32, #tpu.memory_space<hbm>>
        %dma_start3A_59 = arith.constant 0 : i32
        %dma_start3A_60 = tpu.memref_slice %arg3[%mul3A_57, %dma_start3A_59] : memref<48000x128xf32, #tpu.memory_space<hbm>> -> memref<128x128xf32, #tpu.memory_space<hbm>>
        tpu.enqueue_dma source(%dma_start3A_60 : memref<128x128xf32, #tpu.memory_space<hbm>>) target(%arg10 : memref<128x128xf32, #tpu.memory_space<vmem>>) target_semaphore(%arg14 : memref<!tpu.dma_semaphore, #tpu.memory_space<semaphore_mem>>)
      } else {
      }
      %scan3A = arith.constant 0 : i32
      %scan3A_48 = arith.constant 0 : i32
      %scan3A_49 = arith.constant 12 : i32
      %scan3A_50 = arith.addi %scan3A_48, %scan3A_49 : i32
      %scan3A_51 = arith.constant 1 : i32
      %scan3A_52 = scf.for %scan3A_54 = %scan3A_48 to %scan3A_50 step %scan3A_51 iter_args(%scan3A_55 = %scan3A) -> (i32)  : i32 {
        %mul3A_56 = arith.constant 2 : i32
        %mul3A_57 = arith.muli %scan3A_54, %mul3A_56 : i32
        %add3A_58 = arith.addi %mul3A_32, %mul3A_57 : i32
        %lt3A_59 = arith.constant 375 : i32
        %lt3A_60 = arith.cmpi slt, %add3A_58, %lt3A_59 : i32
        %convert_element_type3A_61 = arith.extui %lt3A_60 : i1 to i32
        %cond3A_62 = arith.constant 0 : i32
        %cond3A_63 = arith.cmpi ne, %convert_element_type3A_61, %cond3A_62 : i32
        scf.if %cond3A_63 {
          %add3A_95 = arith.addi %mul3A_32, %mul3A_57 : i32
          %mul3A_96 = arith.constant 128 : i32
          %mul3A_97 = arith.muli %add3A_95, %mul3A_96 : i32
          %dma_wait3A = arith.constant 0 : i32
          %dma_wait3A_98 = tpu.memref_slice %arg3[%mul3A_97, %dma_wait3A] : memref<48000x128xf32, #tpu.memory_space<hbm>> -> memref<128x128xf32, #tpu.memory_space<hbm>>
          %dma_wait3A_99 = arith.constant 0 : i32
          %dma_wait3A_100 = tpu.memref_slice %arg3[%mul3A_97, %dma_wait3A_99] : memref<48000x128xf32, #tpu.memory_space<hbm>> -> memref<128x128xf32, #tpu.memory_space<hbm>>
          tpu.wait_dma2 semaphore(%arg13 : memref<!tpu.dma_semaphore, #tpu.memory_space<semaphore_mem>>) src(%dma_wait3A_100 : memref<128x128xf32, #tpu.memory_space<hbm>>) dst(%arg9 : memref<128x128xf32, #tpu.memory_space<vmem>>)
          "tpu.region"() ({
            %run_scoped3A = tpu.sem_alloc : memref<!tpu.dma_semaphore, #tpu.memory_space<semaphore_mem>>
            %dma_start3A = arith.constant 0 : i32
            %dma_start3A_101 = tpu.memref_slice %arg11[%mul3A_57, %dma_start3A] : memref<24x128xi32, #tpu.memory_space<vmem>> -> memref<1x128xi32, #tpu.memory_space<vmem>>
            %dma_start3A_102 = tpu.memref_squeeze %dma_start3A_101 : memref<1x128xi32, #tpu.memory_space<vmem>> -> memref<128xi32, #tpu.memory_space<vmem>>
            %dma_start3A_103 = arith.constant 0 : i32
            %dma_start3A_104 = arith.constant 0 : i32
            %dma_start3A_105 = tpu.memref_slice %arg12[%dma_start3A_103, %dma_start3A_104] : memref<10240x128xf32, #tpu.memory_space<vmem_shared>> -> memref<10240x128xf32, #tpu.memory_space<vmem_shared>>
            tpu.enqueue_indirect_dma source(%arg9 : memref<128x128xf32, #tpu.memory_space<vmem>>) target(%dma_start3A_105 : memref<10240x128xf32, #tpu.memory_space<vmem_shared>>) offsets(%dma_start3A_102 : memref<128xi32, #tpu.memory_space<vmem>>) semaphore(%run_scoped3A : memref<!tpu.dma_semaphore, #tpu.memory_space<semaphore_mem>>) {add = true}
            %dma_wait3A_106 = arith.constant 0 : i32
            %dma_wait3A_107 = tpu.memref_slice %arg11[%mul3A_57, %dma_wait3A_106] : memref<24x128xi32, #tpu.memory_space<vmem>> -> memref<1x128xi32, #tpu.memory_space<vmem>>
            %dma_wait3A_108 = tpu.memref_squeeze %dma_wait3A_107 : memref<1x128xi32, #tpu.memory_space<vmem>> -> memref<128xi32, #tpu.memory_space<vmem>>
            %dma_wait3A_109 = arith.constant 0 : i32
            %dma_wait3A_110 = arith.constant 0 : i32
            %dma_wait3A_111 = tpu.memref_slice %arg12[%dma_wait3A_109, %dma_wait3A_110] : memref<10240x128xf32, #tpu.memory_space<vmem_shared>> -> memref<10240x128xf32, #tpu.memory_space<vmem_shared>>
            tpu.wait_indirect_dma semaphore(%run_scoped3A : memref<!tpu.dma_semaphore, #tpu.memory_space<semaphore_mem>>) src(%arg9 : memref<128x128xf32, #tpu.memory_space<vmem>>) dst(%dma_wait3A_111 : memref<10240x128xf32, #tpu.memory_space<vmem_shared>>)
            tpu.yield
          }) : () -> ()
        } else {
        }
        %add3A_64 = arith.constant 2 : i32
        %add3A_65 = arith.addi %mul3A_57, %add3A_64 : i32
        %lt3A_66 = arith.constant 24 : i32
        %lt3A_67 = arith.cmpi slt, %add3A_65, %lt3A_66 : i32
        %add3A_68 = arith.addi %mul3A_32, %add3A_65 : i32
        %lt3A_69 = arith.constant 375 : i32
        %lt3A_70 = arith.cmpi slt, %add3A_68, %lt3A_69 : i32
        %and3A_71 = arith.andi %lt3A_67, %lt3A_70 : i1
        %convert_element_type3A_72 = arith.extui %and3A_71 : i1 to i32
        %cond3A_73 = arith.constant 0 : i32
        %cond3A_74 = arith.cmpi ne, %convert_element_type3A_72, %cond3A_73 : i32
        scf.if %cond3A_74 {
          %add3A_95 = arith.addi %mul3A_32, %add3A_65 : i32
          %mul3A_96 = arith.constant 128 : i32
          %mul3A_97 = arith.muli %add3A_95, %mul3A_96 : i32
          %dma_start3A = arith.constant 0 : i32
          %dma_start3A_98 = tpu.memref_slice %arg3[%mul3A_97, %dma_start3A] : memref<48000x128xf32, #tpu.memory_space<hbm>> -> memref<128x128xf32, #tpu.memory_space<hbm>>
          %dma_start3A_99 = arith.constant 0 : i32
          %dma_start3A_100 = tpu.memref_slice %arg3[%mul3A_97, %dma_start3A_99] : memref<48000x128xf32, #tpu.memory_space<hbm>> -> memref<128x128xf32, #tpu.memory_space<hbm>>
          tpu.enqueue_dma source(%dma_start3A_100 : memref<128x128xf32, #tpu.memory_space<hbm>>) target(%arg9 : memref<128x128xf32, #tpu.memory_space<vmem>>) target_semaphore(%arg13 : memref<!tpu.dma_semaphore, #tpu.memory_space<semaphore_mem>>)
        } else {
        }
        %add3A_75 = arith.constant 1 : i32
        %add3A_76 = arith.addi %mul3A_57, %add3A_75 : i32
        %add3A_77 = arith.addi %mul3A_32, %add3A_76 : i32
        %lt3A_78 = arith.constant 375 : i32
        %lt3A_79 = arith.cmpi slt, %add3A_77, %lt3A_78 : i32
        %convert_element_type3A_80 = arith.extui %lt3A_79 : i1 to i32
        %cond3A_81 = arith.constant 0 : i32
        %cond3A_82 = arith.cmpi ne, %convert_element_type3A_80, %cond3A_81 : i32
        scf.if %cond3A_82 {
          %add3A_95 = arith.addi %mul3A_32, %add3A_76 : i32
          %mul3A_96 = arith.constant 128 : i32
          %mul3A_97 = arith.muli %add3A_95, %mul3A_96 : i32
          %dma_wait3A = arith.constant 0 : i32
          %dma_wait3A_98 = tpu.memref_slice %arg3[%mul3A_97, %dma_wait3A] : memref<48000x128xf32, #tpu.memory_space<hbm>> -> memref<128x128xf32, #tpu.memory_space<hbm>>
          %dma_wait3A_99 = arith.constant 0 : i32
          %dma_wait3A_100 = tpu.memref_slice %arg3[%mul3A_97, %dma_wait3A_99] : memref<48000x128xf32, #tpu.memory_space<hbm>> -> memref<128x128xf32, #tpu.memory_space<hbm>>
          tpu.wait_dma2 semaphore(%arg14 : memref<!tpu.dma_semaphore, #tpu.memory_space<semaphore_mem>>) src(%dma_wait3A_100 : memref<128x128xf32, #tpu.memory_space<hbm>>) dst(%arg10 : memref<128x128xf32, #tpu.memory_space<vmem>>)
          "tpu.region"() ({
            %run_scoped3A = tpu.sem_alloc : memref<!tpu.dma_semaphore, #tpu.memory_space<semaphore_mem>>
            %dma_start3A = arith.constant 0 : i32
            %dma_start3A_101 = tpu.memref_slice %arg11[%add3A_76, %dma_start3A] : memref<24x128xi32, #tpu.memory_space<vmem>> -> memref<1x128xi32, #tpu.memory_space<vmem>>
            %dma_start3A_102 = tpu.memref_squeeze %dma_start3A_101 : memref<1x128xi32, #tpu.memory_space<vmem>> -> memref<128xi32, #tpu.memory_space<vmem>>
            %dma_start3A_103 = arith.constant 0 : i32
            %dma_start3A_104 = arith.constant 0 : i32
            %dma_start3A_105 = tpu.memref_slice %arg12[%dma_start3A_103, %dma_start3A_104] : memref<10240x128xf32, #tpu.memory_space<vmem_shared>> -> memref<10240x128xf32, #tpu.memory_space<vmem_shared>>
            tpu.enqueue_indirect_dma source(%arg10 : memref<128x128xf32, #tpu.memory_space<vmem>>) target(%dma_start3A_105 : memref<10240x128xf32, #tpu.memory_space<vmem_shared>>) offsets(%dma_start3A_102 : memref<128xi32, #tpu.memory_space<vmem>>) semaphore(%run_scoped3A : memref<!tpu.dma_semaphore, #tpu.memory_space<semaphore_mem>>) {add = true}
            %dma_wait3A_106 = arith.constant 0 : i32
            %dma_wait3A_107 = tpu.memref_slice %arg11[%add3A_76, %dma_wait3A_106] : memref<24x128xi32, #tpu.memory_space<vmem>> -> memref<1x128xi32, #tpu.memory_space<vmem>>
            %dma_wait3A_108 = tpu.memref_squeeze %dma_wait3A_107 : memref<1x128xi32, #tpu.memory_space<vmem>> -> memref<128xi32, #tpu.memory_space<vmem>>
            %dma_wait3A_109 = arith.constant 0 : i32
            %dma_wait3A_110 = arith.constant 0 : i32
            %dma_wait3A_111 = tpu.memref_slice %arg12[%dma_wait3A_109, %dma_wait3A_110] : memref<10240x128xf32, #tpu.memory_space<vmem_shared>> -> memref<10240x128xf32, #tpu.memory_space<vmem_shared>>
            tpu.wait_indirect_dma semaphore(%run_scoped3A : memref<!tpu.dma_semaphore, #tpu.memory_space<semaphore_mem>>) src(%arg10 : memref<128x128xf32, #tpu.memory_space<vmem>>) dst(%dma_wait3A_111 : memref<10240x128xf32, #tpu.memory_space<vmem_shared>>)
            tpu.yield
          }) : () -> ()
        } else {
        }
        %add3A_83 = arith.constant 3 : i32
        %add3A_84 = arith.addi %mul3A_57, %add3A_83 : i32
        %lt3A_85 = arith.constant 24 : i32
        %lt3A_86 = arith.cmpi slt, %add3A_84, %lt3A_85 : i32
        %add3A_87 = arith.addi %mul3A_32, %add3A_84 : i32
        %lt3A_88 = arith.constant 375 : i32
        %lt3A_89 = arith.cmpi slt, %add3A_87, %lt3A_88 : i32
        %and3A_90 = arith.andi %lt3A_86, %lt3A_89 : i1
        %convert_element_type3A_91 = arith.extui %and3A_90 : i1 to i32
        %cond3A_92 = arith.constant 0 : i32
        %cond3A_93 = arith.cmpi ne, %convert_element_type3A_91, %cond3A_92 : i32
        scf.if %cond3A_93 {
          %add3A_95 = arith.addi %mul3A_32, %add3A_84 : i32
          %mul3A_96 = arith.constant 128 : i32
          %mul3A_97 = arith.muli %add3A_95, %mul3A_96 : i32
          %dma_start3A = arith.constant 0 : i32
          %dma_start3A_98 = tpu.memref_slice %arg3[%mul3A_97, %dma_start3A] : memref<48000x128xf32, #tpu.memory_space<hbm>> -> memref<128x128xf32, #tpu.memory_space<hbm>>
          %dma_start3A_99 = arith.constant 0 : i32
          %dma_start3A_100 = tpu.memref_slice %arg3[%mul3A_97, %dma_start3A_99] : memref<48000x128xf32, #tpu.memory_space<hbm>> -> memref<128x128xf32, #tpu.memory_space<hbm>>
          tpu.enqueue_dma source(%dma_start3A_100 : memref<128x128xf32, #tpu.memory_space<hbm>>) target(%arg10 : memref<128x128xf32, #tpu.memory_space<vmem>>) target_semaphore(%arg14 : memref<!tpu.dma_semaphore, #tpu.memory_space<semaphore_mem>>)
        } else {
        }
        %scan3A_94 = arith.constant 0 : i32
        scf.yield %scan3A_94 : i32
      }
      %scan3A_53 = arith.constant 12 : i32
    } else {
    }
    %barrier3A_20 = arith.constant 0 : index
    tpu.barrier barrier_id(%barrier3A_20)
    %eq3A_21 = arith.constant 0 : i32
    %eq3A_22 = arith.cmpi eq, %arg0, %eq3A_21 : i32
    %convert_element_type3A_23 = arith.extui %eq3A_22 : i1 to i32
    %cond3A_24 = arith.constant 0 : i32
    %cond3A_25 = arith.cmpi ne, %convert_element_type3A_23, %cond3A_24 : i32
    scf.if %cond3A_25 {
      "tpu.region"() ({
        %run_scoped3A = tpu.sem_alloc : memref<!tpu.dma_semaphore, #tpu.memory_space<semaphore_mem>>
        %dma_start3A = arith.constant 0 : i32
        %dma_start3A_31 = tpu.memref_slice %arg7[%mul3A_0, %dma_start3A] : memref<10240x128xf32, #tpu.memory_space<hbm>> -> memref<640x128xf32, #tpu.memory_space<hbm>>
        %dma_start3A_32 = arith.constant 0 : i32
        %dma_start3A_33 = tpu.memref_slice %arg12[%mul3A_0, %dma_start3A_32] : memref<10240x128xf32, #tpu.memory_space<vmem_shared>> -> memref<640x128xf32, #tpu.memory_space<vmem_shared>>
        tpu.enqueue_dma source(%dma_start3A_33 : memref<640x128xf32, #tpu.memory_space<vmem_shared>>) target(%dma_start3A_31 : memref<640x128xf32, #tpu.memory_space<hbm>>) target_semaphore(%run_scoped3A : memref<!tpu.dma_semaphore, #tpu.memory_space<semaphore_mem>>)
        %dma_wait3A = arith.constant 0 : i32
        %dma_wait3A_34 = tpu.memref_slice %arg7[%mul3A_0, %dma_wait3A] : memref<10240x128xf32, #tpu.memory_space<hbm>> -> memref<640x128xf32, #tpu.memory_space<hbm>>
        %dma_wait3A_35 = arith.constant 0 : i32
        %dma_wait3A_36 = tpu.memref_slice %arg12[%mul3A_0, %dma_wait3A_35] : memref<10240x128xf32, #tpu.memory_space<vmem_shared>> -> memref<640x128xf32, #tpu.memory_space<vmem_shared>>
        tpu.wait_dma2 semaphore(%run_scoped3A : memref<!tpu.dma_semaphore, #tpu.memory_space<semaphore_mem>>) src(%dma_wait3A_36 : memref<640x128xf32, #tpu.memory_space<vmem_shared>>) dst(%dma_wait3A_34 : memref<640x128xf32, #tpu.memory_space<hbm>>)
        tpu.yield
      }) : () -> ()
    } else {
    }
    %eq3A_26 = arith.constant 1 : i32
    %eq3A_27 = arith.cmpi eq, %arg0, %eq3A_26 : i32
    %convert_element_type3A_28 = arith.extui %eq3A_27 : i1 to i32
    %cond3A_29 = arith.constant 0 : i32
    %cond3A_30 = arith.cmpi ne, %convert_element_type3A_28, %cond3A_29 : i32
    scf.if %cond3A_30 {
      "tpu.region"() ({
        %run_scoped3A = tpu.sem_alloc : memref<!tpu.dma_semaphore, #tpu.memory_space<semaphore_mem>>
        %dma_start3A = arith.constant 0 : i32
        %dma_start3A_31 = tpu.memref_slice %arg8[%mul3A_0, %dma_start3A] : memref<10240x128xf32, #tpu.memory_space<hbm>> -> memref<640x128xf32, #tpu.memory_space<hbm>>
        %dma_start3A_32 = arith.constant 0 : i32
        %dma_start3A_33 = tpu.memref_slice %arg12[%mul3A_0, %dma_start3A_32] : memref<10240x128xf32, #tpu.memory_space<vmem_shared>> -> memref<640x128xf32, #tpu.memory_space<vmem_shared>>
        tpu.enqueue_dma source(%dma_start3A_33 : memref<640x128xf32, #tpu.memory_space<vmem_shared>>) target(%dma_start3A_31 : memref<640x128xf32, #tpu.memory_space<hbm>>) target_semaphore(%run_scoped3A : memref<!tpu.dma_semaphore, #tpu.memory_space<semaphore_mem>>)
        %dma_wait3A = arith.constant 0 : i32
        %dma_wait3A_34 = tpu.memref_slice %arg8[%mul3A_0, %dma_wait3A] : memref<10240x128xf32, #tpu.memory_space<hbm>> -> memref<640x128xf32, #tpu.memory_space<hbm>>
        %dma_wait3A_35 = arith.constant 0 : i32
        %dma_wait3A_36 = tpu.memref_slice %arg12[%mul3A_0, %dma_wait3A_35] : memref<10240x128xf32, #tpu.memory_space<vmem_shared>> -> memref<640x128xf32, #tpu.memory_space<vmem_shared>>
        tpu.wait_dma2 semaphore(%run_scoped3A : memref<!tpu.dma_semaphore, #tpu.memory_space<semaphore_mem>>) src(%dma_wait3A_36 : memref<640x128xf32, #tpu.memory_space<vmem_shared>>) dst(%dma_wait3A_34 : memref<640x128xf32, #tpu.memory_space<hbm>>)
        tpu.yield
      }) : () -> ()
    } else {
    }
    return
  }
}

#map = affine_map<(d0, d1) -> (0, 0)>
module attributes {stable_mosaic.version = 14 : i64} {
  func.func @_seg_body(%arg0: i32, %arg1: i32, %arg2: memref<48000x128xf32, #tpu.memory_space<hbm>>, %arg3: memref<48000x128xf32, #tpu.memory_space<hbm>>, %arg4: memref<384x128xi32, #tpu.memory_space<hbm>>, %arg5: memref<10240x128xf32, #tpu.memory_space<hbm>>, %arg6: memref<10240x128xf32, #tpu.memory_space<hbm>>, %arg7: memref<10240x128xf32, #tpu.memory_space<hbm>>, %arg8: memref<10240x128xf32, #tpu.memory_space<hbm>>, %arg9: memref<128x128xf32, #tpu.memory_space<vmem>>, %arg10: memref<128x128xf32, #tpu.memory_space<vmem>>, %arg11: memref<24x128xi32, #tpu.memory_space<vmem>>, %arg12: memref<10240x128xf32, #tpu.memory_space<vmem_shared>>, %arg13: memref<!tpu.dma_semaphore, #tpu.memory_space<semaphore_mem>>, %arg14: memref<!tpu.dma_semaphore, #tpu.memory_space<semaphore_mem>>) attributes {dimension_semantics = [#tpu.dimension_semantics<core_parallel>, #tpu.dimension_semantics<subcore_parallel>], iteration_bounds = array<i64: 2, 16>, scalar_prefetch = 0 : i64, scratch_operands = 6 : i64, tpu.core_type = #tpu.core_type<sc_vector_subcore>, window_params = [{transform_indices = #map}, {transform_indices = #map}, {transform_indices = #map}, {transform_indices = #map}, {transform_indices = #map}, {transform_indices = #map}, {transform_indices = #map}]} {
    %mul3A = arith.constant 640 : i32
    %mul3A_0 = arith.muli %arg1, %mul3A : i32
    %eq3A = arith.constant 0 : i32
    %eq3A_1 = arith.cmpi eq, %arg0, %eq3A : i32
    %convert_element_type3A = arith.extui %eq3A_1 : i1 to i32
    %cond3A = arith.constant 0 : i32
    %cond3A_2 = arith.cmpi ne, %convert_element_type3A, %cond3A : i32
    scf.if %cond3A_2 {
      "tpu.region"() ({
        %run_scoped3A = tpu.sem_alloc : memref<!tpu.dma_semaphore, #tpu.memory_space<semaphore_mem>>
        %dma_start3A = arith.constant 0 : i32
        %dma_start3A_31 = tpu.memref_slice %arg12[%mul3A_0, %dma_start3A] : memref<10240x128xf32, #tpu.memory_space<vmem_shared>> -> memref<640x128xf32, #tpu.memory_space<vmem_shared>>
        %dma_start3A_32 = arith.constant 0 : i32
        %dma_start3A_33 = tpu.memref_slice %arg5[%mul3A_0, %dma_start3A_32] : memref<10240x128xf32, #tpu.memory_space<hbm>> -> memref<640x128xf32, #tpu.memory_space<hbm>>
        tpu.enqueue_dma source(%dma_start3A_33 : memref<640x128xf32, #tpu.memory_space<hbm>>) target(%dma_start3A_31 : memref<640x128xf32, #tpu.memory_space<vmem_shared>>) target_semaphore(%run_scoped3A : memref<!tpu.dma_semaphore, #tpu.memory_space<semaphore_mem>>)
        %dma_wait3A = arith.constant 0 : i32
        %dma_wait3A_34 = tpu.memref_slice %arg12[%mul3A_0, %dma_wait3A] : memref<10240x128xf32, #tpu.memory_space<vmem_shared>> -> memref<640x128xf32, #tpu.memory_space<vmem_shared>>
        %dma_wait3A_35 = arith.constant 0 : i32
        %dma_wait3A_36 = tpu.memref_slice %arg5[%mul3A_0, %dma_wait3A_35] : memref<10240x128xf32, #tpu.memory_space<hbm>> -> memref<640x128xf32, #tpu.memory_space<hbm>>
        tpu.wait_dma2 semaphore(%run_scoped3A : memref<!tpu.dma_semaphore, #tpu.memory_space<semaphore_mem>>) src(%dma_wait3A_36 : memref<640x128xf32, #tpu.memory_space<hbm>>) dst(%dma_wait3A_34 : memref<640x128xf32, #tpu.memory_space<vmem_shared>>)
        tpu.yield
      }) : () -> ()
    } else {
    }
    %eq3A_3 = arith.constant 1 : i32
    %eq3A_4 = arith.cmpi eq, %arg0, %eq3A_3 : i32
    %convert_element_type3A_5 = arith.extui %eq3A_4 : i1 to i32
    %cond3A_6 = arith.constant 0 : i32
    %cond3A_7 = arith.cmpi ne, %convert_element_type3A_5, %cond3A_6 : i32
    scf.if %cond3A_7 {
      "tpu.region"() ({
        %run_scoped3A = tpu.sem_alloc : memref<!tpu.dma_semaphore, #tpu.memory_space<semaphore_mem>>
        %dma_start3A = arith.constant 0 : i32
        %dma_start3A_31 = tpu.memref_slice %arg12[%mul3A_0, %dma_start3A] : memref<10240x128xf32, #tpu.memory_space<vmem_shared>> -> memref<640x128xf32, #tpu.memory_space<vmem_shared>>
        %dma_start3A_32 = arith.constant 0 : i32
        %dma_start3A_33 = tpu.memref_slice %arg6[%mul3A_0, %dma_start3A_32] : memref<10240x128xf32, #tpu.memory_space<hbm>> -> memref<640x128xf32, #tpu.memory_space<hbm>>
        tpu.enqueue_dma source(%dma_start3A_33 : memref<640x128xf32, #tpu.memory_space<hbm>>) target(%dma_start3A_31 : memref<640x128xf32, #tpu.memory_space<vmem_shared>>) target_semaphore(%run_scoped3A : memref<!tpu.dma_semaphore, #tpu.memory_space<semaphore_mem>>)
        %dma_wait3A = arith.constant 0 : i32
        %dma_wait3A_34 = tpu.memref_slice %arg12[%mul3A_0, %dma_wait3A] : memref<10240x128xf32, #tpu.memory_space<vmem_shared>> -> memref<640x128xf32, #tpu.memory_space<vmem_shared>>
        %dma_wait3A_35 = arith.constant 0 : i32
        %dma_wait3A_36 = tpu.memref_slice %arg6[%mul3A_0, %dma_wait3A_35] : memref<10240x128xf32, #tpu.memory_space<hbm>> -> memref<640x128xf32, #tpu.memory_space<hbm>>
        tpu.wait_dma2 semaphore(%run_scoped3A : memref<!tpu.dma_semaphore, #tpu.memory_space<semaphore_mem>>) src(%dma_wait3A_36 : memref<640x128xf32, #tpu.memory_space<hbm>>) dst(%dma_wait3A_34 : memref<640x128xf32, #tpu.memory_space<vmem_shared>>)
        tpu.yield
      }) : () -> ()
    } else {
    }
    %mul3A_8 = arith.constant 24 : i32
    %mul3A_9 = arith.muli %arg1, %mul3A_8 : i32
    "tpu.region"() ({
      %run_scoped3A = tpu.sem_alloc : memref<!tpu.dma_semaphore, #tpu.memory_space<semaphore_mem>>
      %dma_start3A = arith.constant 0 : i32
      %dma_start3A_31 = tpu.memref_slice %arg4[%mul3A_9, %dma_start3A] : memref<384x128xi32, #tpu.memory_space<hbm>> -> memref<24x128xi32, #tpu.memory_space<hbm>>
      %dma_start3A_32 = arith.constant 0 : i32
      %dma_start3A_33 = tpu.memref_slice %arg4[%mul3A_9, %dma_start3A_32] : memref<384x128xi32, #tpu.memory_space<hbm>> -> memref<24x128xi32, #tpu.memory_space<hbm>>
      tpu.enqueue_dma source(%dma_start3A_33 : memref<24x128xi32, #tpu.memory_space<hbm>>) target(%arg11 : memref<24x128xi32, #tpu.memory_space<vmem>>) target_semaphore(%run_scoped3A : memref<!tpu.dma_semaphore, #tpu.memory_space<semaphore_mem>>)
      %dma_wait3A = arith.constant 0 : i32
      %dma_wait3A_34 = tpu.memref_slice %arg4[%mul3A_9, %dma_wait3A] : memref<384x128xi32, #tpu.memory_space<hbm>> -> memref<24x128xi32, #tpu.memory_space<hbm>>
      %dma_wait3A_35 = arith.constant 0 : i32
      %dma_wait3A_36 = tpu.memref_slice %arg4[%mul3A_9, %dma_wait3A_35] : memref<384x128xi32, #tpu.memory_space<hbm>> -> memref<24x128xi32, #tpu.memory_space<hbm>>
      tpu.wait_dma2 semaphore(%run_scoped3A : memref<!tpu.dma_semaphore, #tpu.memory_space<semaphore_mem>>) src(%dma_wait3A_36 : memref<24x128xi32, #tpu.memory_space<hbm>>) dst(%arg11 : memref<24x128xi32, #tpu.memory_space<vmem>>)
      tpu.yield
    }) : () -> ()
    %barrier3A = arith.constant 0 : index
    tpu.barrier barrier_id(%barrier3A)
    %eq3A_10 = arith.constant 0 : i32
    %eq3A_11 = arith.cmpi eq, %arg0, %eq3A_10 : i32
    %convert_element_type3A_12 = arith.extui %eq3A_11 : i1 to i32
    %cond3A_13 = arith.constant 0 : i32
    %cond3A_14 = arith.cmpi ne, %convert_element_type3A_12, %cond3A_13 : i32
    scf.if %cond3A_14 {
      %mul3A_31 = arith.constant 24 : i32
      %mul3A_32 = arith.muli %arg1, %mul3A_31 : i32
      %add3A = arith.constant 0 : i32
      %add3A_33 = arith.addi %mul3A_32, %add3A : i32
      %lt3A = arith.constant 375 : i32
      %lt3A_34 = arith.cmpi slt, %add3A_33, %lt3A : i32
      %and3A = arith.constant true
      %and3A_35 = arith.andi %and3A, %lt3A_34 : i1
      %convert_element_type3A_36 = arith.extui %and3A_35 : i1 to i32
      %cond3A_37 = arith.constant 0 : i32
      %cond3A_38 = arith.cmpi ne, %convert_element_type3A_36, %cond3A_37 : i32
      scf.if %cond3A_38 {
        %add3A_54 = arith.constant 0 : i32
        %add3A_55 = arith.addi %mul3A_32, %add3A_54 : i32
        %mul3A_56 = arith.constant 128 : i32
        %mul3A_57 = arith.muli %add3A_55, %mul3A_56 : i32
        %dma_start3A = arith.constant 0 : i32
        %dma_start3A_58 = tpu.memref_slice %arg2[%mul3A_57, %dma_start3A] : memref<48000x128xf32, #tpu.memory_space<hbm>> -> memref<128x128xf32, #tpu.memory_space<hbm>>
        %dma_start3A_59 = arith.constant 0 : i32
        %dma_start3A_60 = tpu.memref_slice %arg2[%mul3A_57, %dma_start3A_59] : memref<48000x128xf32, #tpu.memory_space<hbm>> -> memref<128x128xf32, #tpu.memory_space<hbm>>
        tpu.enqueue_dma source(%dma_start3A_60 : memref<128x128xf32, #tpu.memory_space<hbm>>) target(%arg9 : memref<128x128xf32, #tpu.memory_space<vmem>>) target_semaphore(%arg13 : memref<!tpu.dma_semaphore, #tpu.memory_space<semaphore_mem>>)
      } else {
      }
      %add3A_39 = arith.constant 1 : i32
      %add3A_40 = arith.addi %mul3A_32, %add3A_39 : i32
      %lt3A_41 = arith.constant 375 : i32
      %lt3A_42 = arith.cmpi slt, %add3A_40, %lt3A_41 : i32
      %and3A_43 = arith.constant true
      %and3A_44 = arith.andi %and3A_43, %lt3A_42 : i1
      %convert_element_type3A_45 = arith.extui %and3A_44 : i1 to i32
      %cond3A_46 = arith.constant 0 : i32
      %cond3A_47 = arith.cmpi ne, %convert_element_type3A_45, %cond3A_46 : i32
      scf.if %cond3A_47 {
        %add3A_54 = arith.constant 1 : i32
        %add3A_55 = arith.addi %mul3A_32, %add3A_54 : i32
        %mul3A_56 = arith.constant 128 : i32
        %mul3A_57 = arith.muli %add3A_55, %mul3A_56 : i32
        %dma_start3A = arith.constant 0 : i32
        %dma_start3A_58 = tpu.memref_slice %arg2[%mul3A_57, %dma_start3A] : memref<48000x128xf32, #tpu.memory_space<hbm>> -> memref<128x128xf32, #tpu.memory_space<hbm>>
        %dma_start3A_59 = arith.constant 0 : i32
        %dma_start3A_60 = tpu.memref_slice %arg2[%mul3A_57, %dma_start3A_59] : memref<48000x128xf32, #tpu.memory_space<hbm>> -> memref<128x128xf32, #tpu.memory_space<hbm>>
        tpu.enqueue_dma source(%dma_start3A_60 : memref<128x128xf32, #tpu.memory_space<hbm>>) target(%arg10 : memref<128x128xf32, #tpu.memory_space<vmem>>) target_semaphore(%arg14 : memref<!tpu.dma_semaphore, #tpu.memory_space<semaphore_mem>>)
      } else {
      }
      %scan3A = arith.constant 0 : i32
      %scan3A_48 = arith.constant 0 : i32
      %scan3A_49 = arith.constant 12 : i32
      %scan3A_50 = arith.addi %scan3A_48, %scan3A_49 : i32
      %scan3A_51 = arith.constant 1 : i32
      %scan3A_52 = scf.for %scan3A_54 = %scan3A_48 to %scan3A_50 step %scan3A_51 iter_args(%scan3A_55 = %scan3A) -> (i32)  : i32 {
        %mul3A_56 = arith.constant 2 : i32
        %mul3A_57 = arith.muli %scan3A_54, %mul3A_56 : i32
        %add3A_58 = arith.addi %mul3A_32, %mul3A_57 : i32
        %lt3A_59 = arith.constant 375 : i32
        %lt3A_60 = arith.cmpi slt, %add3A_58, %lt3A_59 : i32
        %convert_element_type3A_61 = arith.extui %lt3A_60 : i1 to i32
        %cond3A_62 = arith.constant 0 : i32
        %cond3A_63 = arith.cmpi ne, %convert_element_type3A_61, %cond3A_62 : i32
        scf.if %cond3A_63 {
          %add3A_95 = arith.addi %mul3A_32, %mul3A_57 : i32
          %mul3A_96 = arith.constant 128 : i32
          %mul3A_97 = arith.muli %add3A_95, %mul3A_96 : i32
          %dma_wait3A = arith.constant 0 : i32
          %dma_wait3A_98 = tpu.memref_slice %arg2[%mul3A_97, %dma_wait3A] : memref<48000x128xf32, #tpu.memory_space<hbm>> -> memref<128x128xf32, #tpu.memory_space<hbm>>
          %dma_wait3A_99 = arith.constant 0 : i32
          %dma_wait3A_100 = tpu.memref_slice %arg2[%mul3A_97, %dma_wait3A_99] : memref<48000x128xf32, #tpu.memory_space<hbm>> -> memref<128x128xf32, #tpu.memory_space<hbm>>
          tpu.wait_dma2 semaphore(%arg13 : memref<!tpu.dma_semaphore, #tpu.memory_space<semaphore_mem>>) src(%dma_wait3A_100 : memref<128x128xf32, #tpu.memory_space<hbm>>) dst(%arg9 : memref<128x128xf32, #tpu.memory_space<vmem>>)
          "tpu.region"() ({
            %run_scoped3A = tpu.sem_alloc : memref<!tpu.dma_semaphore, #tpu.memory_space<semaphore_mem>>
            %dma_start3A = arith.constant 0 : i32
            %dma_start3A_101 = tpu.memref_slice %arg11[%mul3A_57, %dma_start3A] : memref<24x128xi32, #tpu.memory_space<vmem>> -> memref<1x128xi32, #tpu.memory_space<vmem>>
            %dma_start3A_102 = tpu.memref_squeeze %dma_start3A_101 : memref<1x128xi32, #tpu.memory_space<vmem>> -> memref<128xi32, #tpu.memory_space<vmem>>
            %dma_start3A_103 = arith.constant 0 : i32
            %dma_start3A_104 = arith.constant 0 : i32
            %dma_start3A_105 = tpu.memref_slice %arg12[%dma_start3A_103, %dma_start3A_104] : memref<10240x128xf32, #tpu.memory_space<vmem_shared>> -> memref<10240x128xf32, #tpu.memory_space<vmem_shared>>
            tpu.enqueue_indirect_dma source(%arg9 : memref<128x128xf32, #tpu.memory_space<vmem>>) target(%dma_start3A_105 : memref<10240x128xf32, #tpu.memory_space<vmem_shared>>) offsets(%dma_start3A_102 : memref<128xi32, #tpu.memory_space<vmem>>) semaphore(%run_scoped3A : memref<!tpu.dma_semaphore, #tpu.memory_space<semaphore_mem>>) {add = true}
            %dma_wait3A_106 = arith.constant 0 : i32
            %dma_wait3A_107 = tpu.memref_slice %arg11[%mul3A_57, %dma_wait3A_106] : memref<24x128xi32, #tpu.memory_space<vmem>> -> memref<1x128xi32, #tpu.memory_space<vmem>>
            %dma_wait3A_108 = tpu.memref_squeeze %dma_wait3A_107 : memref<1x128xi32, #tpu.memory_space<vmem>> -> memref<128xi32, #tpu.memory_space<vmem>>
            %dma_wait3A_109 = arith.constant 0 : i32
            %dma_wait3A_110 = arith.constant 0 : i32
            %dma_wait3A_111 = tpu.memref_slice %arg12[%dma_wait3A_109, %dma_wait3A_110] : memref<10240x128xf32, #tpu.memory_space<vmem_shared>> -> memref<10240x128xf32, #tpu.memory_space<vmem_shared>>
            tpu.wait_indirect_dma semaphore(%run_scoped3A : memref<!tpu.dma_semaphore, #tpu.memory_space<semaphore_mem>>) src(%arg9 : memref<128x128xf32, #tpu.memory_space<vmem>>) dst(%dma_wait3A_111 : memref<10240x128xf32, #tpu.memory_space<vmem_shared>>)
            tpu.yield
          }) : () -> ()
        } else {
        }
        %add3A_64 = arith.constant 2 : i32
        %add3A_65 = arith.addi %mul3A_57, %add3A_64 : i32
        %lt3A_66 = arith.constant 24 : i32
        %lt3A_67 = arith.cmpi slt, %add3A_65, %lt3A_66 : i32
        %add3A_68 = arith.addi %mul3A_32, %add3A_65 : i32
        %lt3A_69 = arith.constant 375 : i32
        %lt3A_70 = arith.cmpi slt, %add3A_68, %lt3A_69 : i32
        %and3A_71 = arith.andi %lt3A_67, %lt3A_70 : i1
        %convert_element_type3A_72 = arith.extui %and3A_71 : i1 to i32
        %cond3A_73 = arith.constant 0 : i32
        %cond3A_74 = arith.cmpi ne, %convert_element_type3A_72, %cond3A_73 : i32
        scf.if %cond3A_74 {
          %add3A_95 = arith.addi %mul3A_32, %add3A_65 : i32
          %mul3A_96 = arith.constant 128 : i32
          %mul3A_97 = arith.muli %add3A_95, %mul3A_96 : i32
          %dma_start3A = arith.constant 0 : i32
          %dma_start3A_98 = tpu.memref_slice %arg2[%mul3A_97, %dma_start3A] : memref<48000x128xf32, #tpu.memory_space<hbm>> -> memref<128x128xf32, #tpu.memory_space<hbm>>
          %dma_start3A_99 = arith.constant 0 : i32
          %dma_start3A_100 = tpu.memref_slice %arg2[%mul3A_97, %dma_start3A_99] : memref<48000x128xf32, #tpu.memory_space<hbm>> -> memref<128x128xf32, #tpu.memory_space<hbm>>
          tpu.enqueue_dma source(%dma_start3A_100 : memref<128x128xf32, #tpu.memory_space<hbm>>) target(%arg9 : memref<128x128xf32, #tpu.memory_space<vmem>>) target_semaphore(%arg13 : memref<!tpu.dma_semaphore, #tpu.memory_space<semaphore_mem>>)
        } else {
        }
        %add3A_75 = arith.constant 1 : i32
        %add3A_76 = arith.addi %mul3A_57, %add3A_75 : i32
        %add3A_77 = arith.addi %mul3A_32, %add3A_76 : i32
        %lt3A_78 = arith.constant 375 : i32
        %lt3A_79 = arith.cmpi slt, %add3A_77, %lt3A_78 : i32
        %convert_element_type3A_80 = arith.extui %lt3A_79 : i1 to i32
        %cond3A_81 = arith.constant 0 : i32
        %cond3A_82 = arith.cmpi ne, %convert_element_type3A_80, %cond3A_81 : i32
        scf.if %cond3A_82 {
          %add3A_95 = arith.addi %mul3A_32, %add3A_76 : i32
          %mul3A_96 = arith.constant 128 : i32
          %mul3A_97 = arith.muli %add3A_95, %mul3A_96 : i32
          %dma_wait3A = arith.constant 0 : i32
          %dma_wait3A_98 = tpu.memref_slice %arg2[%mul3A_97, %dma_wait3A] : memref<48000x128xf32, #tpu.memory_space<hbm>> -> memref<128x128xf32, #tpu.memory_space<hbm>>
          %dma_wait3A_99 = arith.constant 0 : i32
          %dma_wait3A_100 = tpu.memref_slice %arg2[%mul3A_97, %dma_wait3A_99] : memref<48000x128xf32, #tpu.memory_space<hbm>> -> memref<128x128xf32, #tpu.memory_space<hbm>>
          tpu.wait_dma2 semaphore(%arg14 : memref<!tpu.dma_semaphore, #tpu.memory_space<semaphore_mem>>) src(%dma_wait3A_100 : memref<128x128xf32, #tpu.memory_space<hbm>>) dst(%arg10 : memref<128x128xf32, #tpu.memory_space<vmem>>)
          "tpu.region"() ({
            %run_scoped3A = tpu.sem_alloc : memref<!tpu.dma_semaphore, #tpu.memory_space<semaphore_mem>>
            %dma_start3A = arith.constant 0 : i32
            %dma_start3A_101 = tpu.memref_slice %arg11[%add3A_76, %dma_start3A] : memref<24x128xi32, #tpu.memory_space<vmem>> -> memref<1x128xi32, #tpu.memory_space<vmem>>
            %dma_start3A_102 = tpu.memref_squeeze %dma_start3A_101 : memref<1x128xi32, #tpu.memory_space<vmem>> -> memref<128xi32, #tpu.memory_space<vmem>>
            %dma_start3A_103 = arith.constant 0 : i32
            %dma_start3A_104 = arith.constant 0 : i32
            %dma_start3A_105 = tpu.memref_slice %arg12[%dma_start3A_103, %dma_start3A_104] : memref<10240x128xf32, #tpu.memory_space<vmem_shared>> -> memref<10240x128xf32, #tpu.memory_space<vmem_shared>>
            tpu.enqueue_indirect_dma source(%arg10 : memref<128x128xf32, #tpu.memory_space<vmem>>) target(%dma_start3A_105 : memref<10240x128xf32, #tpu.memory_space<vmem_shared>>) offsets(%dma_start3A_102 : memref<128xi32, #tpu.memory_space<vmem>>) semaphore(%run_scoped3A : memref<!tpu.dma_semaphore, #tpu.memory_space<semaphore_mem>>) {add = true}
            %dma_wait3A_106 = arith.constant 0 : i32
            %dma_wait3A_107 = tpu.memref_slice %arg11[%add3A_76, %dma_wait3A_106] : memref<24x128xi32, #tpu.memory_space<vmem>> -> memref<1x128xi32, #tpu.memory_space<vmem>>
            %dma_wait3A_108 = tpu.memref_squeeze %dma_wait3A_107 : memref<1x128xi32, #tpu.memory_space<vmem>> -> memref<128xi32, #tpu.memory_space<vmem>>
            %dma_wait3A_109 = arith.constant 0 : i32
            %dma_wait3A_110 = arith.constant 0 : i32
            %dma_wait3A_111 = tpu.memref_slice %arg12[%dma_wait3A_109, %dma_wait3A_110] : memref<10240x128xf32, #tpu.memory_space<vmem_shared>> -> memref<10240x128xf32, #tpu.memory_space<vmem_shared>>
            tpu.wait_indirect_dma semaphore(%run_scoped3A : memref<!tpu.dma_semaphore, #tpu.memory_space<semaphore_mem>>) src(%arg10 : memref<128x128xf32, #tpu.memory_space<vmem>>) dst(%dma_wait3A_111 : memref<10240x128xf32, #tpu.memory_space<vmem_shared>>)
            tpu.yield
          }) : () -> ()
        } else {
        }
        %add3A_83 = arith.constant 3 : i32
        %add3A_84 = arith.addi %mul3A_57, %add3A_83 : i32
        %lt3A_85 = arith.constant 24 : i32
        %lt3A_86 = arith.cmpi slt, %add3A_84, %lt3A_85 : i32
        %add3A_87 = arith.addi %mul3A_32, %add3A_84 : i32
        %lt3A_88 = arith.constant 375 : i32
        %lt3A_89 = arith.cmpi slt, %add3A_87, %lt3A_88 : i32
        %and3A_90 = arith.andi %lt3A_86, %lt3A_89 : i1
        %convert_element_type3A_91 = arith.extui %and3A_90 : i1 to i32
        %cond3A_92 = arith.constant 0 : i32
        %cond3A_93 = arith.cmpi ne, %convert_element_type3A_91, %cond3A_92 : i32
        scf.if %cond3A_93 {
          %add3A_95 = arith.addi %mul3A_32, %add3A_84 : i32
          %mul3A_96 = arith.constant 128 : i32
          %mul3A_97 = arith.muli %add3A_95, %mul3A_96 : i32
          %dma_start3A = arith.constant 0 : i32
          %dma_start3A_98 = tpu.memref_slice %arg2[%mul3A_97, %dma_start3A] : memref<48000x128xf32, #tpu.memory_space<hbm>> -> memref<128x128xf32, #tpu.memory_space<hbm>>
          %dma_start3A_99 = arith.constant 0 : i32
          %dma_start3A_100 = tpu.memref_slice %arg2[%mul3A_97, %dma_start3A_99] : memref<48000x128xf32, #tpu.memory_space<hbm>> -> memref<128x128xf32, #tpu.memory_space<hbm>>
          tpu.enqueue_dma source(%dma_start3A_100 : memref<128x128xf32, #tpu.memory_space<hbm>>) target(%arg10 : memref<128x128xf32, #tpu.memory_space<vmem>>) target_semaphore(%arg14 : memref<!tpu.dma_semaphore, #tpu.memory_space<semaphore_mem>>)
        } else {
        }
        %scan3A_94 = arith.constant 0 : i32
        scf.yield %scan3A_94 : i32
      }
      %scan3A_53 = arith.constant 12 : i32
    } else {
    }
    %eq3A_15 = arith.constant 1 : i32
    %eq3A_16 = arith.cmpi eq, %arg0, %eq3A_15 : i32
    %convert_element_type3A_17 = arith.extui %eq3A_16 : i1 to i32
    %cond3A_18 = arith.constant 0 : i32
    %cond3A_19 = arith.cmpi ne, %convert_element_type3A_17, %cond3A_18 : i32
    scf.if %cond3A_19 {
      %mul3A_31 = arith.constant 24 : i32
      %mul3A_32 = arith.muli %arg1, %mul3A_31 : i32
      %add3A = arith.constant 0 : i32
      %add3A_33 = arith.addi %mul3A_32, %add3A : i32
      %lt3A = arith.constant 375 : i32
      %lt3A_34 = arith.cmpi slt, %add3A_33, %lt3A : i32
      %and3A = arith.constant true
      %and3A_35 = arith.andi %and3A, %lt3A_34 : i1
      %convert_element_type3A_36 = arith.extui %and3A_35 : i1 to i32
      %cond3A_37 = arith.constant 0 : i32
      %cond3A_38 = arith.cmpi ne, %convert_element_type3A_36, %cond3A_37 : i32
      scf.if %cond3A_38 {
        %add3A_54 = arith.constant 0 : i32
        %add3A_55 = arith.addi %mul3A_32, %add3A_54 : i32
        %mul3A_56 = arith.constant 128 : i32
        %mul3A_57 = arith.muli %add3A_55, %mul3A_56 : i32
        %dma_start3A = arith.constant 0 : i32
        %dma_start3A_58 = tpu.memref_slice %arg3[%mul3A_57, %dma_start3A] : memref<48000x128xf32, #tpu.memory_space<hbm>> -> memref<128x128xf32, #tpu.memory_space<hbm>>
        %dma_start3A_59 = arith.constant 0 : i32
        %dma_start3A_60 = tpu.memref_slice %arg3[%mul3A_57, %dma_start3A_59] : memref<48000x128xf32, #tpu.memory_space<hbm>> -> memref<128x128xf32, #tpu.memory_space<hbm>>
        tpu.enqueue_dma source(%dma_start3A_60 : memref<128x128xf32, #tpu.memory_space<hbm>>) target(%arg9 : memref<128x128xf32, #tpu.memory_space<vmem>>) target_semaphore(%arg13 : memref<!tpu.dma_semaphore, #tpu.memory_space<semaphore_mem>>)
      } else {
      }
      %add3A_39 = arith.constant 1 : i32
      %add3A_40 = arith.addi %mul3A_32, %add3A_39 : i32
      %lt3A_41 = arith.constant 375 : i32
      %lt3A_42 = arith.cmpi slt, %add3A_40, %lt3A_41 : i32
      %and3A_43 = arith.constant true
      %and3A_44 = arith.andi %and3A_43, %lt3A_42 : i1
      %convert_element_type3A_45 = arith.extui %and3A_44 : i1 to i32
      %cond3A_46 = arith.constant 0 : i32
      %cond3A_47 = arith.cmpi ne, %convert_element_type3A_45, %cond3A_46 : i32
      scf.if %cond3A_47 {
        %add3A_54 = arith.constant 1 : i32
        %add3A_55 = arith.addi %mul3A_32, %add3A_54 : i32
        %mul3A_56 = arith.constant 128 : i32
        %mul3A_57 = arith.muli %add3A_55, %mul3A_56 : i32
        %dma_start3A = arith.constant 0 : i32
        %dma_start3A_58 = tpu.memref_slice %arg3[%mul3A_57, %dma_start3A] : memref<48000x128xf32, #tpu.memory_space<hbm>> -> memref<128x128xf32, #tpu.memory_space<hbm>>
        %dma_start3A_59 = arith.constant 0 : i32
        %dma_start3A_60 = tpu.memref_slice %arg3[%mul3A_57, %dma_start3A_59] : memref<48000x128xf32, #tpu.memory_space<hbm>> -> memref<128x128xf32, #tpu.memory_space<hbm>>
        tpu.enqueue_dma source(%dma_start3A_60 : memref<128x128xf32, #tpu.memory_space<hbm>>) target(%arg10 : memref<128x128xf32, #tpu.memory_space<vmem>>) target_semaphore(%arg14 : memref<!tpu.dma_semaphore, #tpu.memory_space<semaphore_mem>>)
      } else {
      }
      %scan3A = arith.constant 0 : i32
      %scan3A_48 = arith.constant 0 : i32
      %scan3A_49 = arith.constant 12 : i32
      %scan3A_50 = arith.addi %scan3A_48, %scan3A_49 : i32
      %scan3A_51 = arith.constant 1 : i32
      %scan3A_52 = scf.for %scan3A_54 = %scan3A_48 to %scan3A_50 step %scan3A_51 iter_args(%scan3A_55 = %scan3A) -> (i32)  : i32 {
        %mul3A_56 = arith.constant 2 : i32
        %mul3A_57 = arith.muli %scan3A_54, %mul3A_56 : i32
        %add3A_58 = arith.addi %mul3A_32, %mul3A_57 : i32
        %lt3A_59 = arith.constant 375 : i32
        %lt3A_60 = arith.cmpi slt, %add3A_58, %lt3A_59 : i32
        %convert_element_type3A_61 = arith.extui %lt3A_60 : i1 to i32
        %cond3A_62 = arith.constant 0 : i32
        %cond3A_63 = arith.cmpi ne, %convert_element_type3A_61, %cond3A_62 : i32
        scf.if %cond3A_63 {
          %add3A_95 = arith.addi %mul3A_32, %mul3A_57 : i32
          %mul3A_96 = arith.constant 128 : i32
          %mul3A_97 = arith.muli %add3A_95, %mul3A_96 : i32
          %dma_wait3A = arith.constant 0 : i32
          %dma_wait3A_98 = tpu.memref_slice %arg3[%mul3A_97, %dma_wait3A] : memref<48000x128xf32, #tpu.memory_space<hbm>> -> memref<128x128xf32, #tpu.memory_space<hbm>>
          %dma_wait3A_99 = arith.constant 0 : i32
          %dma_wait3A_100 = tpu.memref_slice %arg3[%mul3A_97, %dma_wait3A_99] : memref<48000x128xf32, #tpu.memory_space<hbm>> -> memref<128x128xf32, #tpu.memory_space<hbm>>
          tpu.wait_dma2 semaphore(%arg13 : memref<!tpu.dma_semaphore, #tpu.memory_space<semaphore_mem>>) src(%dma_wait3A_100 : memref<128x128xf32, #tpu.memory_space<hbm>>) dst(%arg9 : memref<128x128xf32, #tpu.memory_space<vmem>>)
          "tpu.region"() ({
            %run_scoped3A = tpu.sem_alloc : memref<!tpu.dma_semaphore, #tpu.memory_space<semaphore_mem>>
            %dma_start3A = arith.constant 0 : i32
            %dma_start3A_101 = tpu.memref_slice %arg11[%mul3A_57, %dma_start3A] : memref<24x128xi32, #tpu.memory_space<vmem>> -> memref<1x128xi32, #tpu.memory_space<vmem>>
            %dma_start3A_102 = tpu.memref_squeeze %dma_start3A_101 : memref<1x128xi32, #tpu.memory_space<vmem>> -> memref<128xi32, #tpu.memory_space<vmem>>
            %dma_start3A_103 = arith.constant 0 : i32
            %dma_start3A_104 = arith.constant 0 : i32
            %dma_start3A_105 = tpu.memref_slice %arg12[%dma_start3A_103, %dma_start3A_104] : memref<10240x128xf32, #tpu.memory_space<vmem_shared>> -> memref<10240x128xf32, #tpu.memory_space<vmem_shared>>
            tpu.enqueue_indirect_dma source(%arg9 : memref<128x128xf32, #tpu.memory_space<vmem>>) target(%dma_start3A_105 : memref<10240x128xf32, #tpu.memory_space<vmem_shared>>) offsets(%dma_start3A_102 : memref<128xi32, #tpu.memory_space<vmem>>) semaphore(%run_scoped3A : memref<!tpu.dma_semaphore, #tpu.memory_space<semaphore_mem>>) {add = true}
            %dma_wait3A_106 = arith.constant 0 : i32
            %dma_wait3A_107 = tpu.memref_slice %arg11[%mul3A_57, %dma_wait3A_106] : memref<24x128xi32, #tpu.memory_space<vmem>> -> memref<1x128xi32, #tpu.memory_space<vmem>>
            %dma_wait3A_108 = tpu.memref_squeeze %dma_wait3A_107 : memref<1x128xi32, #tpu.memory_space<vmem>> -> memref<128xi32, #tpu.memory_space<vmem>>
            %dma_wait3A_109 = arith.constant 0 : i32
            %dma_wait3A_110 = arith.constant 0 : i32
            %dma_wait3A_111 = tpu.memref_slice %arg12[%dma_wait3A_109, %dma_wait3A_110] : memref<10240x128xf32, #tpu.memory_space<vmem_shared>> -> memref<10240x128xf32, #tpu.memory_space<vmem_shared>>
            tpu.wait_indirect_dma semaphore(%run_scoped3A : memref<!tpu.dma_semaphore, #tpu.memory_space<semaphore_mem>>) src(%arg9 : memref<128x128xf32, #tpu.memory_space<vmem>>) dst(%dma_wait3A_111 : memref<10240x128xf32, #tpu.memory_space<vmem_shared>>)
            tpu.yield
          }) : () -> ()
        } else {
        }
        %add3A_64 = arith.constant 2 : i32
        %add3A_65 = arith.addi %mul3A_57, %add3A_64 : i32
        %lt3A_66 = arith.constant 24 : i32
        %lt3A_67 = arith.cmpi slt, %add3A_65, %lt3A_66 : i32
        %add3A_68 = arith.addi %mul3A_32, %add3A_65 : i32
        %lt3A_69 = arith.constant 375 : i32
        %lt3A_70 = arith.cmpi slt, %add3A_68, %lt3A_69 : i32
        %and3A_71 = arith.andi %lt3A_67, %lt3A_70 : i1
        %convert_element_type3A_72 = arith.extui %and3A_71 : i1 to i32
        %cond3A_73 = arith.constant 0 : i32
        %cond3A_74 = arith.cmpi ne, %convert_element_type3A_72, %cond3A_73 : i32
        scf.if %cond3A_74 {
          %add3A_95 = arith.addi %mul3A_32, %add3A_65 : i32
          %mul3A_96 = arith.constant 128 : i32
          %mul3A_97 = arith.muli %add3A_95, %mul3A_96 : i32
          %dma_start3A = arith.constant 0 : i32
          %dma_start3A_98 = tpu.memref_slice %arg3[%mul3A_97, %dma_start3A] : memref<48000x128xf32, #tpu.memory_space<hbm>> -> memref<128x128xf32, #tpu.memory_space<hbm>>
          %dma_start3A_99 = arith.constant 0 : i32
          %dma_start3A_100 = tpu.memref_slice %arg3[%mul3A_97, %dma_start3A_99] : memref<48000x128xf32, #tpu.memory_space<hbm>> -> memref<128x128xf32, #tpu.memory_space<hbm>>
          tpu.enqueue_dma source(%dma_start3A_100 : memref<128x128xf32, #tpu.memory_space<hbm>>) target(%arg9 : memref<128x128xf32, #tpu.memory_space<vmem>>) target_semaphore(%arg13 : memref<!tpu.dma_semaphore, #tpu.memory_space<semaphore_mem>>)
        } else {
        }
        %add3A_75 = arith.constant 1 : i32
        %add3A_76 = arith.addi %mul3A_57, %add3A_75 : i32
        %add3A_77 = arith.addi %mul3A_32, %add3A_76 : i32
        %lt3A_78 = arith.constant 375 : i32
        %lt3A_79 = arith.cmpi slt, %add3A_77, %lt3A_78 : i32
        %convert_element_type3A_80 = arith.extui %lt3A_79 : i1 to i32
        %cond3A_81 = arith.constant 0 : i32
        %cond3A_82 = arith.cmpi ne, %convert_element_type3A_80, %cond3A_81 : i32
        scf.if %cond3A_82 {
          %add3A_95 = arith.addi %mul3A_32, %add3A_76 : i32
          %mul3A_96 = arith.constant 128 : i32
          %mul3A_97 = arith.muli %add3A_95, %mul3A_96 : i32
          %dma_wait3A = arith.constant 0 : i32
          %dma_wait3A_98 = tpu.memref_slice %arg3[%mul3A_97, %dma_wait3A] : memref<48000x128xf32, #tpu.memory_space<hbm>> -> memref<128x128xf32, #tpu.memory_space<hbm>>
          %dma_wait3A_99 = arith.constant 0 : i32
          %dma_wait3A_100 = tpu.memref_slice %arg3[%mul3A_97, %dma_wait3A_99] : memref<48000x128xf32, #tpu.memory_space<hbm>> -> memref<128x128xf32, #tpu.memory_space<hbm>>
          tpu.wait_dma2 semaphore(%arg14 : memref<!tpu.dma_semaphore, #tpu.memory_space<semaphore_mem>>) src(%dma_wait3A_100 : memref<128x128xf32, #tpu.memory_space<hbm>>) dst(%arg10 : memref<128x128xf32, #tpu.memory_space<vmem>>)
          "tpu.region"() ({
            %run_scoped3A = tpu.sem_alloc : memref<!tpu.dma_semaphore, #tpu.memory_space<semaphore_mem>>
            %dma_start3A = arith.constant 0 : i32
            %dma_start3A_101 = tpu.memref_slice %arg11[%add3A_76, %dma_start3A] : memref<24x128xi32, #tpu.memory_space<vmem>> -> memref<1x128xi32, #tpu.memory_space<vmem>>
            %dma_start3A_102 = tpu.memref_squeeze %dma_start3A_101 : memref<1x128xi32, #tpu.memory_space<vmem>> -> memref<128xi32, #tpu.memory_space<vmem>>
            %dma_start3A_103 = arith.constant 0 : i32
            %dma_start3A_104 = arith.constant 0 : i32
            %dma_start3A_105 = tpu.memref_slice %arg12[%dma_start3A_103, %dma_start3A_104] : memref<10240x128xf32, #tpu.memory_space<vmem_shared>> -> memref<10240x128xf32, #tpu.memory_space<vmem_shared>>
            tpu.enqueue_indirect_dma source(%arg10 : memref<128x128xf32, #tpu.memory_space<vmem>>) target(%dma_start3A_105 : memref<10240x128xf32, #tpu.memory_space<vmem_shared>>) offsets(%dma_start3A_102 : memref<128xi32, #tpu.memory_space<vmem>>) semaphore(%run_scoped3A : memref<!tpu.dma_semaphore, #tpu.memory_space<semaphore_mem>>) {add = true}
            %dma_wait3A_106 = arith.constant 0 : i32
            %dma_wait3A_107 = tpu.memref_slice %arg11[%add3A_76, %dma_wait3A_106] : memref<24x128xi32, #tpu.memory_space<vmem>> -> memref<1x128xi32, #tpu.memory_space<vmem>>
            %dma_wait3A_108 = tpu.memref_squeeze %dma_wait3A_107 : memref<1x128xi32, #tpu.memory_space<vmem>> -> memref<128xi32, #tpu.memory_space<vmem>>
            %dma_wait3A_109 = arith.constant 0 : i32
            %dma_wait3A_110 = arith.constant 0 : i32
            %dma_wait3A_111 = tpu.memref_slice %arg12[%dma_wait3A_109, %dma_wait3A_110] : memref<10240x128xf32, #tpu.memory_space<vmem_shared>> -> memref<10240x128xf32, #tpu.memory_space<vmem_shared>>
            tpu.wait_indirect_dma semaphore(%run_scoped3A : memref<!tpu.dma_semaphore, #tpu.memory_space<semaphore_mem>>) src(%arg10 : memref<128x128xf32, #tpu.memory_space<vmem>>) dst(%dma_wait3A_111 : memref<10240x128xf32, #tpu.memory_space<vmem_shared>>)
            tpu.yield
          }) : () -> ()
        } else {
        }
        %add3A_83 = arith.constant 3 : i32
        %add3A_84 = arith.addi %mul3A_57, %add3A_83 : i32
        %lt3A_85 = arith.constant 24 : i32
        %lt3A_86 = arith.cmpi slt, %add3A_84, %lt3A_85 : i32
        %add3A_87 = arith.addi %mul3A_32, %add3A_84 : i32
        %lt3A_88 = arith.constant 375 : i32
        %lt3A_89 = arith.cmpi slt, %add3A_87, %lt3A_88 : i32
        %and3A_90 = arith.andi %lt3A_86, %lt3A_89 : i1
        %convert_element_type3A_91 = arith.extui %and3A_90 : i1 to i32
        %cond3A_92 = arith.constant 0 : i32
        %cond3A_93 = arith.cmpi ne, %convert_element_type3A_91, %cond3A_92 : i32
        scf.if %cond3A_93 {
          %add3A_95 = arith.addi %mul3A_32, %add3A_84 : i32
          %mul3A_96 = arith.constant 128 : i32
          %mul3A_97 = arith.muli %add3A_95, %mul3A_96 : i32
          %dma_start3A = arith.constant 0 : i32
          %dma_start3A_98 = tpu.memref_slice %arg3[%mul3A_97, %dma_start3A] : memref<48000x128xf32, #tpu.memory_space<hbm>> -> memref<128x128xf32, #tpu.memory_space<hbm>>
          %dma_start3A_99 = arith.constant 0 : i32
          %dma_start3A_100 = tpu.memref_slice %arg3[%mul3A_97, %dma_start3A_99] : memref<48000x128xf32, #tpu.memory_space<hbm>> -> memref<128x128xf32, #tpu.memory_space<hbm>>
          tpu.enqueue_dma source(%dma_start3A_100 : memref<128x128xf32, #tpu.memory_space<hbm>>) target(%arg10 : memref<128x128xf32, #tpu.memory_space<vmem>>) target_semaphore(%arg14 : memref<!tpu.dma_semaphore, #tpu.memory_space<semaphore_mem>>)
        } else {
        }
        %scan3A_94 = arith.constant 0 : i32
        scf.yield %scan3A_94 : i32
      }
      %scan3A_53 = arith.constant 12 : i32
    } else {
    }
    %barrier3A_20 = arith.constant 0 : index
    tpu.barrier barrier_id(%barrier3A_20)
    %eq3A_21 = arith.constant 0 : i32
    %eq3A_22 = arith.cmpi eq, %arg0, %eq3A_21 : i32
    %convert_element_type3A_23 = arith.extui %eq3A_22 : i1 to i32
    %cond3A_24 = arith.constant 0 : i32
    %cond3A_25 = arith.cmpi ne, %convert_element_type3A_23, %cond3A_24 : i32
    scf.if %cond3A_25 {
      "tpu.region"() ({
        %run_scoped3A = tpu.sem_alloc : memref<!tpu.dma_semaphore, #tpu.memory_space<semaphore_mem>>
        %dma_start3A = arith.constant 0 : i32
        %dma_start3A_31 = tpu.memref_slice %arg7[%mul3A_0, %dma_start3A] : memref<10240x128xf32, #tpu.memory_space<hbm>> -> memref<640x128xf32, #tpu.memory_space<hbm>>
        %dma_start3A_32 = arith.constant 0 : i32
        %dma_start3A_33 = tpu.memref_slice %arg12[%mul3A_0, %dma_start3A_32] : memref<10240x128xf32, #tpu.memory_space<vmem_shared>> -> memref<640x128xf32, #tpu.memory_space<vmem_shared>>
        tpu.enqueue_dma source(%dma_start3A_33 : memref<640x128xf32, #tpu.memory_space<vmem_shared>>) target(%dma_start3A_31 : memref<640x128xf32, #tpu.memory_space<hbm>>) target_semaphore(%run_scoped3A : memref<!tpu.dma_semaphore, #tpu.memory_space<semaphore_mem>>)
        %dma_wait3A = arith.constant 0 : i32
        %dma_wait3A_34 = tpu.memref_slice %arg7[%mul3A_0, %dma_wait3A] : memref<10240x128xf32, #tpu.memory_space<hbm>> -> memref<640x128xf32, #tpu.memory_space<hbm>>
        %dma_wait3A_35 = arith.constant 0 : i32
        %dma_wait3A_36 = tpu.memref_slice %arg12[%mul3A_0, %dma_wait3A_35] : memref<10240x128xf32, #tpu.memory_space<vmem_shared>> -> memref<640x128xf32, #tpu.memory_space<vmem_shared>>
        tpu.wait_dma2 semaphore(%run_scoped3A : memref<!tpu.dma_semaphore, #tpu.memory_space<semaphore_mem>>) src(%dma_wait3A_36 : memref<640x128xf32, #tpu.memory_space<vmem_shared>>) dst(%dma_wait3A_34 : memref<640x128xf32, #tpu.memory_space<hbm>>)
        tpu.yield
      }) : () -> ()
    } else {
    }
    %eq3A_26 = arith.constant 1 : i32
    %eq3A_27 = arith.cmpi eq, %arg0, %eq3A_26 : i32
    %convert_element_type3A_28 = arith.extui %eq3A_27 : i1 to i32
    %cond3A_29 = arith.constant 0 : i32
    %cond3A_30 = arith.cmpi ne, %convert_element_type3A_28, %cond3A_29 : i32
    scf.if %cond3A_30 {
      "tpu.region"() ({
        %run_scoped3A = tpu.sem_alloc : memref<!tpu.dma_semaphore, #tpu.memory_space<semaphore_mem>>
        %dma_start3A = arith.constant 0 : i32
        %dma_start3A_31 = tpu.memref_slice %arg8[%mul3A_0, %dma_start3A] : memref<10240x128xf32, #tpu.memory_space<hbm>> -> memref<640x128xf32, #tpu.memory_space<hbm>>
        %dma_start3A_32 = arith.constant 0 : i32
        %dma_start3A_33 = tpu.memref_slice %arg12[%mul3A_0, %dma_start3A_32] : memref<10240x128xf32, #tpu.memory_space<vmem_shared>> -> memref<640x128xf32, #tpu.memory_space<vmem_shared>>
        tpu.enqueue_dma source(%dma_start3A_33 : memref<640x128xf32, #tpu.memory_space<vmem_shared>>) target(%dma_start3A_31 : memref<640x128xf32, #tpu.memory_space<hbm>>) target_semaphore(%run_scoped3A : memref<!tpu.dma_semaphore, #tpu.memory_space<semaphore_mem>>)
        %dma_wait3A = arith.constant 0 : i32
        %dma_wait3A_34 = tpu.memref_slice %arg8[%mul3A_0, %dma_wait3A] : memref<10240x128xf32, #tpu.memory_space<hbm>> -> memref<640x128xf32, #tpu.memory_space<hbm>>
        %dma_wait3A_35 = arith.constant 0 : i32
        %dma_wait3A_36 = tpu.memref_slice %arg12[%mul3A_0, %dma_wait3A_35] : memref<10240x128xf32, #tpu.memory_space<vmem_shared>> -> memref<640x128xf32, #tpu.memory_space<vmem_shared>>
        tpu.wait_dma2 semaphore(%run_scoped3A : memref<!tpu.dma_semaphore, #tpu.memory_space<semaphore_mem>>) src(%dma_wait3A_36 : memref<640x128xf32, #tpu.memory_space<vmem_shared>>) dst(%dma_wait3A_34 : memref<640x128xf32, #tpu.memory_space<hbm>>)
        tpu.yield
      }) : () -> ()
    } else {
    }
    return
  }
}

module attributes {stable_mosaic.version = 14 : i64} {
  func.func @_vb_body(%arg0: i32, %arg1: memref<2000x128xf32, #tpu.memory_space<vmem>>, %arg2: memref<128x256xf32, #tpu.memory_space<vmem>>, %arg3: memref<128x256xf32, #tpu.memory_space<vmem>>, %arg4: memref<256xf32, #tpu.memory_space<vmem>>, %arg5: memref<256xf32, #tpu.memory_space<vmem>>, %arg6: memref<256x128xf32, #tpu.memory_space<vmem>>, %arg7: memref<256x128xf32, #tpu.memory_space<vmem>>, %arg8: memref<128xf32, #tpu.memory_space<vmem>>, %arg9: memref<128xf32, #tpu.memory_space<vmem>>, %arg10: memref<2000x128xf32, #tpu.memory_space<vmem>>, %arg11: memref<2000x128xf32, #tpu.memory_space<vmem>>, %arg12: memref<128x256xf32, #tpu.memory_space<vmem>>, %arg13: memref<256x128xf32, #tpu.memory_space<vmem>>, %arg14: memref<256x128xf32, #tpu.memory_space<vmem>>) attributes {dimension_semantics = [#tpu.dimension_semantics<arbitrary>], iteration_bounds = array<i64: 24>, scalar_prefetch = 0 : i64, scratch_operands = 3 : i64, tpu.core_type = #tpu.core_type<tc>, window_params = [{transform_indices = @transform_0, window_bounds = array<i64: 2000, 128>}, {pipeline_mode = #tpu.pipeline_mode<synchronous>, transform_indices = @transform_1, window_bounds = array<i64: 128, 256>}, {pipeline_mode = #tpu.pipeline_mode<synchronous>, transform_indices = @transform_2, window_bounds = array<i64: 128, 256>}, {pipeline_mode = #tpu.pipeline_mode<synchronous>, transform_indices = @transform_3, window_bounds = array<i64: 256>}, {pipeline_mode = #tpu.pipeline_mode<synchronous>, transform_indices = @transform_4, window_bounds = array<i64: 256>}, {pipeline_mode = #tpu.pipeline_mode<synchronous>, transform_indices = @transform_5, window_bounds = array<i64: 256, 128>}, {pipeline_mode = #tpu.pipeline_mode<synchronous>, transform_indices = @transform_6, window_bounds = array<i64: 256, 128>}, {pipeline_mode = #tpu.pipeline_mode<synchronous>, transform_indices = @transform_7, window_bounds = array<i64: 128>}, {pipeline_mode = #tpu.pipeline_mode<synchronous>, transform_indices = @transform_8, window_bounds = array<i64: 128>}, {transform_indices = @transform_9, window_bounds = array<i64: 2000, 128>}, {transform_indices = @transform_10, window_bounds = array<i64: 2000, 128>}]} {
    %eq3A = arith.constant 0 : i32
    %eq3A_0 = arith.cmpi eq, %arg0, %eq3A : i32
    %convert_element_type3A = arith.extui %eq3A_0 : i1 to i32
    %cond3A = arith.constant 0 : i32
    %cond3A_1 = arith.cmpi ne, %convert_element_type3A, %cond3A : i32
    scf.if %cond3A_1 {
      %get3A_100 = arith.constant 0 : index
      %get3A_101 = arith.constant 0 : index
      %get3A_102 = vector.load %arg3[%get3A_100, %get3A_101] : memref<128x256xf32, #tpu.memory_space<vmem>>, vector<128x256xf32>
      %exp3A_103 = math.exp %get3A_102 : vector<128x256xf32>
      %swap3A_104 = arith.constant 0 : index
      %swap3A_105 = arith.constant 0 : index
      %swap3A_106 = vector.load %arg12[%swap3A_104, %swap3A_105] : memref<128x256xf32, #tpu.memory_space<vmem>>, vector<128x256xf32>
      tpu.vector_store %arg12[%swap3A_104, %swap3A_105], %exp3A_103 {strides = array<i32>} : memref<128x256xf32, #tpu.memory_space<vmem>>, vector<128x256xf32>,
      %get3A_107 = arith.constant 0 : index
      %get3A_108 = arith.constant 0 : index
      %get3A_109 = vector.load %arg7[%get3A_107, %get3A_108] : memref<256x128xf32, #tpu.memory_space<vmem>>, vector<256x128xf32>
      %exp3A_110 = math.exp %get3A_109 : vector<256x128xf32>
      %swap3A_111 = arith.constant 0 : index
      %swap3A_112 = arith.constant 0 : index
      %swap3A_113 = vector.load %arg13[%swap3A_111, %swap3A_112] : memref<256x128xf32, #tpu.memory_space<vmem>>, vector<256x128xf32>
      tpu.vector_store %arg13[%swap3A_111, %swap3A_112], %exp3A_110 {strides = array<i32>} : memref<256x128xf32, #tpu.memory_space<vmem>>, vector<256x128xf32>,
      %get3A_114 = arith.constant 0 : index
      %get3A_115 = arith.constant 0 : index
      %get3A_116 = vector.load %arg6[%get3A_114, %get3A_115] : memref<256x128xf32, #tpu.memory_space<vmem>>, vector<256x128xf32>
      %mul3A_117 = arith.mulf %get3A_116, %get3A_116 : vector<256x128xf32>
      %add3A_118 = arith.addf %exp3A_110, %mul3A_117 : vector<256x128xf32>
      %swap3A_119 = arith.constant 0 : index
      %swap3A_120 = arith.constant 0 : index
      %swap3A_121 = vector.load %arg14[%swap3A_119, %swap3A_120] : memref<256x128xf32, #tpu.memory_space<vmem>>, vector<256x128xf32>
      tpu.vector_store %arg14[%swap3A_119, %swap3A_120], %add3A_118 {strides = array<i32>} : memref<256x128xf32, #tpu.memory_space<vmem>>, vector<256x128xf32>,
    } else {
    }
    %get3A = arith.constant 0 : index
    %get3A_2 = arith.constant 0 : index
    %get3A_3 = vector.load %arg1[%get3A, %get3A_2] : memref<2000x128xf32, #tpu.memory_space<vmem>>, vector<2000x128xf32>
    %get3A_4 = arith.constant 0 : index
    %get3A_5 = vector.load %arg4[%get3A_4] : memref<256xf32, #tpu.memory_space<vmem>>, vector<256xf32>
    %get3A_6 = arith.constant 0 : index
    %get3A_7 = vector.load %arg5[%get3A_6] : memref<256xf32, #tpu.memory_space<vmem>>, vector<256xf32>
    %exp3A = math.exp %get3A_7 : vector<256xf32>
    %get3A_8 = arith.constant 0 : index
    %get3A_9 = arith.constant 0 : index
    %get3A_10 = vector.load %arg2[%get3A_8, %get3A_9] : memref<128x256xf32, #tpu.memory_space<vmem>>, vector<128x256xf32>
    %dot_general3A = arith.constant dense<0.000000e+00> : vector<2000x256xf32>
    %dot_general3A_11 = tpu.matmul %get3A_3, %get3A_10, %dot_general3A {dimension_numbers = #tpu.dot_dimension_numbers<[1], [0], [0], [1], [0, 0, 1, 1], [], []>, transpose_lhs_hint = false} : vector<2000x128xf32>, vector<128x256xf32>, vector<2000x256xf32> -> vector<2000x256xf32>
    %broadcast_in_dim3A = vector.shape_cast %get3A_5 : vector<256xf32> to vector<1x256xf32>
    %add3A = vector.broadcast %broadcast_in_dim3A : vector<1x256xf32> to vector<2000x256xf32>
    %add3A_12 = arith.addf %dot_general3A_11, %add3A : vector<2000x256xf32>
    %mul3A = arith.mulf %get3A_3, %get3A_3 : vector<2000x128xf32>
    %get3A_13 = arith.constant 0 : index
    %get3A_14 = arith.constant 0 : index
    %get3A_15 = vector.load %arg12[%get3A_13, %get3A_14] : memref<128x256xf32, #tpu.memory_space<vmem>>, vector<128x256xf32>
    %dot_general3A_16 = arith.constant dense<0.000000e+00> : vector<2000x256xf32>
    %dot_general3A_17 = tpu.matmul %mul3A, %get3A_15, %dot_general3A_16 {dimension_numbers = #tpu.dot_dimension_numbers<[1], [0], [0], [1], [0, 0, 1, 1], [], []>, transpose_lhs_hint = false} : vector<2000x128xf32>, vector<128x256xf32>, vector<2000x256xf32> -> vector<2000x256xf32>
    %broadcast_in_dim3A_18 = vector.shape_cast %exp3A : vector<256xf32> to vector<1x256xf32>
    %add3A_19 = vector.broadcast %broadcast_in_dim3A_18 : vector<1x256xf32> to vector<2000x256xf32>
    %add3A_20 = arith.addf %dot_general3A_17, %add3A_19 : vector<2000x256xf32>
    %max3A = arith.constant 9.99999993E-9 : f32
    %max3A_21 = vector.broadcast %max3A : f32 to vector<2000x256xf32>
    %max3A_22 = arith.maximumf %add3A_20, %max3A_21 : vector<2000x256xf32>
    %rsqrt3A = math.rsqrt %max3A_22 : vector<2000x256xf32>
    %mul3A_23 = arith.mulf %add3A_12, %rsqrt3A : vector<2000x256xf32>
    %mul3A_24 = arith.mulf %max3A_22, %rsqrt3A : vector<2000x256xf32>
    %mul3A_25 = arith.mulf %mul3A_23, %mul3A_23 : vector<2000x256xf32>
    %mul3A_26 = arith.constant 4.471500e-02 : f32
    %mul3A_27 = vector.broadcast %mul3A_26 : f32 to vector<2000x256xf32>
    %mul3A_28 = arith.mulf %mul3A_27, %mul3A_25 : vector<2000x256xf32>
    %add3A_29 = arith.constant 1.000000e+00 : f32
    %add3A_30 = vector.broadcast %add3A_29 : f32 to vector<2000x256xf32>
    %add3A_31 = arith.addf %add3A_30, %mul3A_28 : vector<2000x256xf32>
    %mul3A_32 = arith.mulf %mul3A_23, %add3A_31 : vector<2000x256xf32>
    %mul3A_33 = arith.constant 0.797884583 : f32
    %mul3A_34 = vector.broadcast %mul3A_33 : f32 to vector<2000x256xf32>
    %mul3A_35 = arith.mulf %mul3A_34, %mul3A_32 : vector<2000x256xf32>
    %tanh3A = math.tanh %mul3A_35 : vector<2000x256xf32>
    %mul3A_36 = arith.constant 5.000000e-01 : f32
    %mul3A_37 = vector.broadcast %mul3A_36 : f32 to vector<2000x256xf32>
    %mul3A_38 = arith.mulf %mul3A_37, %tanh3A : vector<2000x256xf32>
    %add3A_39 = arith.constant 5.000000e-01 : f32
    %add3A_40 = vector.broadcast %add3A_39 : f32 to vector<2000x256xf32>
    %add3A_41 = arith.addf %add3A_40, %mul3A_38 : vector<2000x256xf32>
    %mul3A_42 = arith.constant -5.000000e-01 : f32
    %mul3A_43 = vector.broadcast %mul3A_42 : f32 to vector<2000x256xf32>
    %mul3A_44 = arith.mulf %mul3A_43, %mul3A_25 : vector<2000x256xf32>
    %exp3A_45 = math.exp %mul3A_44 : vector<2000x256xf32>
    %mul3A_46 = arith.constant 0.398942292 : f32
    %mul3A_47 = vector.broadcast %mul3A_46 : f32 to vector<2000x256xf32>
    %mul3A_48 = arith.mulf %exp3A_45, %mul3A_47 : vector<2000x256xf32>
    %mul3A_49 = arith.mulf %add3A_12, %add3A_41 : vector<2000x256xf32>
    %mul3A_50 = arith.mulf %mul3A_24, %mul3A_48 : vector<2000x256xf32>
    %add3A_51 = arith.addf %mul3A_49, %mul3A_50 : vector<2000x256xf32>
    %sub3A = arith.subf %add3A_12, %add3A_51 : vector<2000x256xf32>
    %mul3A_52 = arith.mulf %add3A_51, %sub3A : vector<2000x256xf32>
    %mul3A_53 = arith.mulf %max3A_22, %add3A_41 : vector<2000x256xf32>
    %add3A_54 = arith.addf %mul3A_52, %mul3A_53 : vector<2000x256xf32>
    %max3A_55 = arith.constant 9.99999993E-9 : f32
    %max3A_56 = vector.broadcast %max3A_55 : f32 to vector<2000x256xf32>
    %max3A_57 = arith.maximumf %add3A_54, %max3A_56 : vector<2000x256xf32>
    %get3A_58 = arith.constant 0 : index
    %get3A_59 = vector.load %arg8[%get3A_58] : memref<128xf32, #tpu.memory_space<vmem>>, vector<128xf32>
    %get3A_60 = arith.constant 0 : index
    %get3A_61 = vector.load %arg9[%get3A_60] : memref<128xf32, #tpu.memory_space<vmem>>, vector<128xf32>
    %exp3A_62 = math.exp %get3A_61 : vector<128xf32>
    %get3A_63 = arith.constant 0 : index
    %get3A_64 = arith.constant 0 : index
    %get3A_65 = vector.load %arg6[%get3A_63, %get3A_64] : memref<256x128xf32, #tpu.memory_space<vmem>>, vector<256x128xf32>
    %dot_general3A_66 = arith.constant dense<0.000000e+00> : vector<2000x128xf32>
    %dot_general3A_67 = tpu.matmul %add3A_51, %get3A_65, %dot_general3A_66 {dimension_numbers = #tpu.dot_dimension_numbers<[1], [0], [0], [1], [0, 0, 1, 1], [], []>, transpose_lhs_hint = false} : vector<2000x256xf32>, vector<256x128xf32>, vector<2000x128xf32> -> vector<2000x128xf32>
    %broadcast_in_dim3A_68 = vector.shape_cast %get3A_59 : vector<128xf32> to vector<1x128xf32>
    %add3A_69 = vector.broadcast %broadcast_in_dim3A_68 : vector<1x128xf32> to vector<2000x128xf32>
    %add3A_70 = arith.addf %dot_general3A_67, %add3A_69 : vector<2000x128xf32>
    %get3A_71 = arith.constant 0 : index
    %get3A_72 = arith.constant 0 : index
    %get3A_73 = vector.load %arg14[%get3A_71, %get3A_72] : memref<256x128xf32, #tpu.memory_space<vmem>>, vector<256x128xf32>
    %dot_general3A_74 = arith.constant dense<0.000000e+00> : vector<2000x128xf32>
    %dot_general3A_75 = tpu.matmul %max3A_57, %get3A_73, %dot_general3A_74 {dimension_numbers = #tpu.dot_dimension_numbers<[1], [0], [0], [1], [0, 0, 1, 1], [], []>, transpose_lhs_hint = false} : vector<2000x256xf32>, vector<256x128xf32>, vector<2000x128xf32> -> vector<2000x128xf32>
    %mul3A_76 = arith.mulf %add3A_51, %add3A_51 : vector<2000x256xf32>
    %get3A_77 = arith.constant 0 : index
    %get3A_78 = arith.constant 0 : index
    %get3A_79 = vector.load %arg13[%get3A_77, %get3A_78] : memref<256x128xf32, #tpu.memory_space<vmem>>, vector<256x128xf32>
    %dot_general3A_80 = arith.constant dense<0.000000e+00> : vector<2000x128xf32>
    %dot_general3A_81 = tpu.matmul %mul3A_76, %get3A_79, %dot_general3A_80 {dimension_numbers = #tpu.dot_dimension_numbers<[1], [0], [0], [1], [0, 0, 1, 1], [], []>, transpose_lhs_hint = false} : vector<2000x256xf32>, vector<256x128xf32>, vector<2000x128xf32> -> vector<2000x128xf32>
    %add3A_82 = arith.addf %dot_general3A_75, %dot_general3A_81 : vector<2000x128xf32>
    %broadcast_in_dim3A_83 = vector.shape_cast %exp3A_62 : vector<128xf32> to vector<1x128xf32>
    %add3A_84 = vector.broadcast %broadcast_in_dim3A_83 : vector<1x128xf32> to vector<2000x128xf32>
    %add3A_85 = arith.addf %add3A_82, %add3A_84 : vector<2000x128xf32>
    %max3A_86 = arith.constant 9.99999993E-9 : f32
    %max3A_87 = vector.broadcast %max3A_86 : f32 to vector<2000x128xf32>
    %max3A_88 = arith.maximumf %add3A_85, %max3A_87 : vector<2000x128xf32>
    %add3A_89 = arith.constant 9.99999993E-9 : f32
    %add3A_90 = vector.broadcast %add3A_89 : f32 to vector<2000x128xf32>
    %add3A_91 = arith.addf %max3A_88, %add3A_90 : vector<2000x128xf32>
    %div3A = arith.constant 1.000000e+00 : f32
    %div3A_92 = vector.broadcast %div3A : f32 to vector<2000x128xf32>
    %div3A_93 = arith.divf %div3A_92, %add3A_91 : vector<2000x128xf32>
    %swap3A = arith.constant 0 : index
    %swap3A_94 = arith.constant 0 : index
    %swap3A_95 = vector.load %arg10[%swap3A, %swap3A_94] : memref<2000x128xf32, #tpu.memory_space<vmem>>, vector<2000x128xf32>
    tpu.vector_store %arg10[%swap3A, %swap3A_94], %div3A_93 {strides = array<i32>} : memref<2000x128xf32, #tpu.memory_space<vmem>>, vector<2000x128xf32>,
    %mul3A_96 = arith.mulf %div3A_93, %add3A_70 : vector<2000x128xf32>
    %swap3A_97 = arith.constant 0 : index
    %swap3A_98 = arith.constant 0 : index
    %swap3A_99 = vector.load %arg11[%swap3A_97, %swap3A_98] : memref<2000x128xf32, #tpu.memory_space<vmem>>, vector<2000x128xf32>
    tpu.vector_store %arg11[%swap3A_97, %swap3A_98], %mul3A_96 {strides = array<i32>} : memref<2000x128xf32, #tpu.memory_space<vmem>>, vector<2000x128xf32>,
    return
  }
  func.func @transform_0(%arg0: i32) -> (i32, i32) {
    %add3A = arith.constant 0 : i32
    %add3A_0 = arith.addi %arg0, %add3A : i32
    %c0_i32 = arith.constant 0 : i32
    %c0_i32_1 = arith.constant 0 : i32
    return %add3A_0, %c0_i32 : i32, i32
  }
  func.func @transform_1(%arg0: i32) -> (i32, i32) {
    %c0_i32 = arith.constant 0 : i32
    %c0_i32_0 = arith.constant 0 : i32
    %c0_i32_1 = arith.constant 0 : i32
    return %c0_i32, %c0_i32_0 : i32, i32
  }
  func.func @transform_2(%arg0: i32) -> (i32, i32) {
    %c0_i32 = arith.constant 0 : i32
    %c0_i32_0 = arith.constant 0 : i32
    %c0_i32_1 = arith.constant 0 : i32
    return %c0_i32, %c0_i32_0 : i32, i32
  }
  func.func @transform_3(%arg0: i32) -> i32 {
    %c0_i32 = arith.constant 0 : i32
    %c0_i32_0 = arith.constant 0 : i32
    return %c0_i32 : i32
  }
  func.func @transform_4(%arg0: i32) -> i32 {
    %c0_i32 = arith.constant 0 : i32
    %c0_i32_0 = arith.constant 0 : i32
    return %c0_i32 : i32
  }
  func.func @transform_5(%arg0: i32) -> (i32, i32) {
    %c0_i32 = arith.constant 0 : i32
    %c0_i32_0 = arith.constant 0 : i32
    %c0_i32_1 = arith.constant 0 : i32
    return %c0_i32, %c0_i32_0 : i32, i32
  }
  func.func @transform_6(%arg0: i32) -> (i32, i32) {
    %c0_i32 = arith.constant 0 : i32
    %c0_i32_0 = arith.constant 0 : i32
    %c0_i32_1 = arith.constant 0 : i32
    return %c0_i32, %c0_i32_0 : i32, i32
  }
  func.func @transform_7(%arg0: i32) -> i32 {
    %c0_i32 = arith.constant 0 : i32
    %c0_i32_0 = arith.constant 0 : i32
    return %c0_i32 : i32
  }
  func.func @transform_8(%arg0: i32) -> i32 {
    %c0_i32 = arith.constant 0 : i32
    %c0_i32_0 = arith.constant 0 : i32
    return %c0_i32 : i32
  }
  func.func @transform_9(%arg0: i32) -> (i32, i32) {
    %c0_i32 = arith.constant 0 : i32
    %c0_i32_0 = arith.constant 0 : i32
    return %arg0, %c0_i32 : i32, i32
  }
  func.func @transform_10(%arg0: i32) -> (i32, i32) {
    %c0_i32 = arith.constant 0 : i32
    %c0_i32_0 = arith.constant 0 : i32
    return %arg0, %c0_i32 : i32, i32
  }
}

module attributes {stable_mosaic.version = 14 : i64} {
  func.func @_vb_body(%arg0: i32, %arg1: memref<2000x128xf32, #tpu.memory_space<vmem>>, %arg2: memref<128x256xf32, #tpu.memory_space<vmem>>, %arg3: memref<128x256xf32, #tpu.memory_space<vmem>>, %arg4: memref<256xf32, #tpu.memory_space<vmem>>, %arg5: memref<256xf32, #tpu.memory_space<vmem>>, %arg6: memref<256x128xf32, #tpu.memory_space<vmem>>, %arg7: memref<256x128xf32, #tpu.memory_space<vmem>>, %arg8: memref<128xf32, #tpu.memory_space<vmem>>, %arg9: memref<128xf32, #tpu.memory_space<vmem>>, %arg10: memref<2000x128xf32, #tpu.memory_space<vmem>>, %arg11: memref<2000x128xf32, #tpu.memory_space<vmem>>, %arg12: memref<128x256xf32, #tpu.memory_space<vmem>>, %arg13: memref<256x128xf32, #tpu.memory_space<vmem>>, %arg14: memref<256x128xf32, #tpu.memory_space<vmem>>) attributes {dimension_semantics = [#tpu.dimension_semantics<arbitrary>], iteration_bounds = array<i64: 16>, scalar_prefetch = 0 : i64, scratch_operands = 3 : i64, tpu.core_type = #tpu.core_type<tc>, window_params = [{transform_indices = @transform_0, window_bounds = array<i64: 2000, 128>}, {pipeline_mode = #tpu.pipeline_mode<synchronous>, transform_indices = @transform_1, window_bounds = array<i64: 128, 256>}, {pipeline_mode = #tpu.pipeline_mode<synchronous>, transform_indices = @transform_2, window_bounds = array<i64: 128, 256>}, {pipeline_mode = #tpu.pipeline_mode<synchronous>, transform_indices = @transform_3, window_bounds = array<i64: 256>}, {pipeline_mode = #tpu.pipeline_mode<synchronous>, transform_indices = @transform_4, window_bounds = array<i64: 256>}, {pipeline_mode = #tpu.pipeline_mode<synchronous>, transform_indices = @transform_5, window_bounds = array<i64: 256, 128>}, {pipeline_mode = #tpu.pipeline_mode<synchronous>, transform_indices = @transform_6, window_bounds = array<i64: 256, 128>}, {pipeline_mode = #tpu.pipeline_mode<synchronous>, transform_indices = @transform_7, window_bounds = array<i64: 128>}, {pipeline_mode = #tpu.pipeline_mode<synchronous>, transform_indices = @transform_8, window_bounds = array<i64: 128>}, {transform_indices = @transform_9, window_bounds = array<i64: 2000, 128>}, {transform_indices = @transform_10, window_bounds = array<i64: 2000, 128>}]} {
    %eq3A = arith.constant 0 : i32
    %eq3A_0 = arith.cmpi eq, %arg0, %eq3A : i32
    %convert_element_type3A = arith.extui %eq3A_0 : i1 to i32
    %cond3A = arith.constant 0 : i32
    %cond3A_1 = arith.cmpi ne, %convert_element_type3A, %cond3A : i32
    scf.if %cond3A_1 {
      %get3A_100 = arith.constant 0 : index
      %get3A_101 = arith.constant 0 : index
      %get3A_102 = vector.load %arg3[%get3A_100, %get3A_101] : memref<128x256xf32, #tpu.memory_space<vmem>>, vector<128x256xf32>
      %exp3A_103 = math.exp %get3A_102 : vector<128x256xf32>
      %swap3A_104 = arith.constant 0 : index
      %swap3A_105 = arith.constant 0 : index
      %swap3A_106 = vector.load %arg12[%swap3A_104, %swap3A_105] : memref<128x256xf32, #tpu.memory_space<vmem>>, vector<128x256xf32>
      tpu.vector_store %arg12[%swap3A_104, %swap3A_105], %exp3A_103 {strides = array<i32>} : memref<128x256xf32, #tpu.memory_space<vmem>>, vector<128x256xf32>,
      %get3A_107 = arith.constant 0 : index
      %get3A_108 = arith.constant 0 : index
      %get3A_109 = vector.load %arg7[%get3A_107, %get3A_108] : memref<256x128xf32, #tpu.memory_space<vmem>>, vector<256x128xf32>
      %exp3A_110 = math.exp %get3A_109 : vector<256x128xf32>
      %swap3A_111 = arith.constant 0 : index
      %swap3A_112 = arith.constant 0 : index
      %swap3A_113 = vector.load %arg13[%swap3A_111, %swap3A_112] : memref<256x128xf32, #tpu.memory_space<vmem>>, vector<256x128xf32>
      tpu.vector_store %arg13[%swap3A_111, %swap3A_112], %exp3A_110 {strides = array<i32>} : memref<256x128xf32, #tpu.memory_space<vmem>>, vector<256x128xf32>,
      %get3A_114 = arith.constant 0 : index
      %get3A_115 = arith.constant 0 : index
      %get3A_116 = vector.load %arg6[%get3A_114, %get3A_115] : memref<256x128xf32, #tpu.memory_space<vmem>>, vector<256x128xf32>
      %mul3A_117 = arith.mulf %get3A_116, %get3A_116 : vector<256x128xf32>
      %add3A_118 = arith.addf %exp3A_110, %mul3A_117 : vector<256x128xf32>
      %swap3A_119 = arith.constant 0 : index
      %swap3A_120 = arith.constant 0 : index
      %swap3A_121 = vector.load %arg14[%swap3A_119, %swap3A_120] : memref<256x128xf32, #tpu.memory_space<vmem>>, vector<256x128xf32>
      tpu.vector_store %arg14[%swap3A_119, %swap3A_120], %add3A_118 {strides = array<i32>} : memref<256x128xf32, #tpu.memory_space<vmem>>, vector<256x128xf32>,
    } else {
    }
    %get3A = arith.constant 0 : index
    %get3A_2 = arith.constant 0 : index
    %get3A_3 = vector.load %arg1[%get3A, %get3A_2] : memref<2000x128xf32, #tpu.memory_space<vmem>>, vector<2000x128xf32>
    %get3A_4 = arith.constant 0 : index
    %get3A_5 = vector.load %arg4[%get3A_4] : memref<256xf32, #tpu.memory_space<vmem>>, vector<256xf32>
    %get3A_6 = arith.constant 0 : index
    %get3A_7 = vector.load %arg5[%get3A_6] : memref<256xf32, #tpu.memory_space<vmem>>, vector<256xf32>
    %exp3A = math.exp %get3A_7 : vector<256xf32>
    %get3A_8 = arith.constant 0 : index
    %get3A_9 = arith.constant 0 : index
    %get3A_10 = vector.load %arg2[%get3A_8, %get3A_9] : memref<128x256xf32, #tpu.memory_space<vmem>>, vector<128x256xf32>
    %dot_general3A = arith.constant dense<0.000000e+00> : vector<2000x256xf32>
    %dot_general3A_11 = tpu.matmul %get3A_3, %get3A_10, %dot_general3A {dimension_numbers = #tpu.dot_dimension_numbers<[1], [0], [0], [1], [0, 0, 1, 1], [], []>, transpose_lhs_hint = false} : vector<2000x128xf32>, vector<128x256xf32>, vector<2000x256xf32> -> vector<2000x256xf32>
    %broadcast_in_dim3A = vector.shape_cast %get3A_5 : vector<256xf32> to vector<1x256xf32>
    %add3A = vector.broadcast %broadcast_in_dim3A : vector<1x256xf32> to vector<2000x256xf32>
    %add3A_12 = arith.addf %dot_general3A_11, %add3A : vector<2000x256xf32>
    %mul3A = arith.mulf %get3A_3, %get3A_3 : vector<2000x128xf32>
    %get3A_13 = arith.constant 0 : index
    %get3A_14 = arith.constant 0 : index
    %get3A_15 = vector.load %arg12[%get3A_13, %get3A_14] : memref<128x256xf32, #tpu.memory_space<vmem>>, vector<128x256xf32>
    %dot_general3A_16 = arith.constant dense<0.000000e+00> : vector<2000x256xf32>
    %dot_general3A_17 = tpu.matmul %mul3A, %get3A_15, %dot_general3A_16 {dimension_numbers = #tpu.dot_dimension_numbers<[1], [0], [0], [1], [0, 0, 1, 1], [], []>, transpose_lhs_hint = false} : vector<2000x128xf32>, vector<128x256xf32>, vector<2000x256xf32> -> vector<2000x256xf32>
    %broadcast_in_dim3A_18 = vector.shape_cast %exp3A : vector<256xf32> to vector<1x256xf32>
    %add3A_19 = vector.broadcast %broadcast_in_dim3A_18 : vector<1x256xf32> to vector<2000x256xf32>
    %add3A_20 = arith.addf %dot_general3A_17, %add3A_19 : vector<2000x256xf32>
    %max3A = arith.constant 9.99999993E-9 : f32
    %max3A_21 = vector.broadcast %max3A : f32 to vector<2000x256xf32>
    %max3A_22 = arith.maximumf %add3A_20, %max3A_21 : vector<2000x256xf32>
    %rsqrt3A = math.rsqrt %max3A_22 : vector<2000x256xf32>
    %mul3A_23 = arith.mulf %add3A_12, %rsqrt3A : vector<2000x256xf32>
    %mul3A_24 = arith.mulf %max3A_22, %rsqrt3A : vector<2000x256xf32>
    %mul3A_25 = arith.mulf %mul3A_23, %mul3A_23 : vector<2000x256xf32>
    %mul3A_26 = arith.constant 4.471500e-02 : f32
    %mul3A_27 = vector.broadcast %mul3A_26 : f32 to vector<2000x256xf32>
    %mul3A_28 = arith.mulf %mul3A_27, %mul3A_25 : vector<2000x256xf32>
    %add3A_29 = arith.constant 1.000000e+00 : f32
    %add3A_30 = vector.broadcast %add3A_29 : f32 to vector<2000x256xf32>
    %add3A_31 = arith.addf %add3A_30, %mul3A_28 : vector<2000x256xf32>
    %mul3A_32 = arith.mulf %mul3A_23, %add3A_31 : vector<2000x256xf32>
    %mul3A_33 = arith.constant 0.797884583 : f32
    %mul3A_34 = vector.broadcast %mul3A_33 : f32 to vector<2000x256xf32>
    %mul3A_35 = arith.mulf %mul3A_34, %mul3A_32 : vector<2000x256xf32>
    %tanh3A = math.tanh %mul3A_35 : vector<2000x256xf32>
    %mul3A_36 = arith.constant 5.000000e-01 : f32
    %mul3A_37 = vector.broadcast %mul3A_36 : f32 to vector<2000x256xf32>
    %mul3A_38 = arith.mulf %mul3A_37, %tanh3A : vector<2000x256xf32>
    %add3A_39 = arith.constant 5.000000e-01 : f32
    %add3A_40 = vector.broadcast %add3A_39 : f32 to vector<2000x256xf32>
    %add3A_41 = arith.addf %add3A_40, %mul3A_38 : vector<2000x256xf32>
    %mul3A_42 = arith.constant -5.000000e-01 : f32
    %mul3A_43 = vector.broadcast %mul3A_42 : f32 to vector<2000x256xf32>
    %mul3A_44 = arith.mulf %mul3A_43, %mul3A_25 : vector<2000x256xf32>
    %exp3A_45 = math.exp %mul3A_44 : vector<2000x256xf32>
    %mul3A_46 = arith.constant 0.398942292 : f32
    %mul3A_47 = vector.broadcast %mul3A_46 : f32 to vector<2000x256xf32>
    %mul3A_48 = arith.mulf %exp3A_45, %mul3A_47 : vector<2000x256xf32>
    %mul3A_49 = arith.mulf %add3A_12, %add3A_41 : vector<2000x256xf32>
    %mul3A_50 = arith.mulf %mul3A_24, %mul3A_48 : vector<2000x256xf32>
    %add3A_51 = arith.addf %mul3A_49, %mul3A_50 : vector<2000x256xf32>
    %sub3A = arith.subf %add3A_12, %add3A_51 : vector<2000x256xf32>
    %mul3A_52 = arith.mulf %add3A_51, %sub3A : vector<2000x256xf32>
    %mul3A_53 = arith.mulf %max3A_22, %add3A_41 : vector<2000x256xf32>
    %add3A_54 = arith.addf %mul3A_52, %mul3A_53 : vector<2000x256xf32>
    %max3A_55 = arith.constant 9.99999993E-9 : f32
    %max3A_56 = vector.broadcast %max3A_55 : f32 to vector<2000x256xf32>
    %max3A_57 = arith.maximumf %add3A_54, %max3A_56 : vector<2000x256xf32>
    %get3A_58 = arith.constant 0 : index
    %get3A_59 = vector.load %arg8[%get3A_58] : memref<128xf32, #tpu.memory_space<vmem>>, vector<128xf32>
    %get3A_60 = arith.constant 0 : index
    %get3A_61 = vector.load %arg9[%get3A_60] : memref<128xf32, #tpu.memory_space<vmem>>, vector<128xf32>
    %exp3A_62 = math.exp %get3A_61 : vector<128xf32>
    %get3A_63 = arith.constant 0 : index
    %get3A_64 = arith.constant 0 : index
    %get3A_65 = vector.load %arg6[%get3A_63, %get3A_64] : memref<256x128xf32, #tpu.memory_space<vmem>>, vector<256x128xf32>
    %dot_general3A_66 = arith.constant dense<0.000000e+00> : vector<2000x128xf32>
    %dot_general3A_67 = tpu.matmul %add3A_51, %get3A_65, %dot_general3A_66 {dimension_numbers = #tpu.dot_dimension_numbers<[1], [0], [0], [1], [0, 0, 1, 1], [], []>, transpose_lhs_hint = false} : vector<2000x256xf32>, vector<256x128xf32>, vector<2000x128xf32> -> vector<2000x128xf32>
    %broadcast_in_dim3A_68 = vector.shape_cast %get3A_59 : vector<128xf32> to vector<1x128xf32>
    %add3A_69 = vector.broadcast %broadcast_in_dim3A_68 : vector<1x128xf32> to vector<2000x128xf32>
    %add3A_70 = arith.addf %dot_general3A_67, %add3A_69 : vector<2000x128xf32>
    %get3A_71 = arith.constant 0 : index
    %get3A_72 = arith.constant 0 : index
    %get3A_73 = vector.load %arg14[%get3A_71, %get3A_72] : memref<256x128xf32, #tpu.memory_space<vmem>>, vector<256x128xf32>
    %dot_general3A_74 = arith.constant dense<0.000000e+00> : vector<2000x128xf32>
    %dot_general3A_75 = tpu.matmul %max3A_57, %get3A_73, %dot_general3A_74 {dimension_numbers = #tpu.dot_dimension_numbers<[1], [0], [0], [1], [0, 0, 1, 1], [], []>, transpose_lhs_hint = false} : vector<2000x256xf32>, vector<256x128xf32>, vector<2000x128xf32> -> vector<2000x128xf32>
    %mul3A_76 = arith.mulf %add3A_51, %add3A_51 : vector<2000x256xf32>
    %get3A_77 = arith.constant 0 : index
    %get3A_78 = arith.constant 0 : index
    %get3A_79 = vector.load %arg13[%get3A_77, %get3A_78] : memref<256x128xf32, #tpu.memory_space<vmem>>, vector<256x128xf32>
    %dot_general3A_80 = arith.constant dense<0.000000e+00> : vector<2000x128xf32>
    %dot_general3A_81 = tpu.matmul %mul3A_76, %get3A_79, %dot_general3A_80 {dimension_numbers = #tpu.dot_dimension_numbers<[1], [0], [0], [1], [0, 0, 1, 1], [], []>, transpose_lhs_hint = false} : vector<2000x256xf32>, vector<256x128xf32>, vector<2000x128xf32> -> vector<2000x128xf32>
    %add3A_82 = arith.addf %dot_general3A_75, %dot_general3A_81 : vector<2000x128xf32>
    %broadcast_in_dim3A_83 = vector.shape_cast %exp3A_62 : vector<128xf32> to vector<1x128xf32>
    %add3A_84 = vector.broadcast %broadcast_in_dim3A_83 : vector<1x128xf32> to vector<2000x128xf32>
    %add3A_85 = arith.addf %add3A_82, %add3A_84 : vector<2000x128xf32>
    %max3A_86 = arith.constant 9.99999993E-9 : f32
    %max3A_87 = vector.broadcast %max3A_86 : f32 to vector<2000x128xf32>
    %max3A_88 = arith.maximumf %add3A_85, %max3A_87 : vector<2000x128xf32>
    %add3A_89 = arith.constant 9.99999993E-9 : f32
    %add3A_90 = vector.broadcast %add3A_89 : f32 to vector<2000x128xf32>
    %add3A_91 = arith.addf %max3A_88, %add3A_90 : vector<2000x128xf32>
    %div3A = arith.constant 1.000000e+00 : f32
    %div3A_92 = vector.broadcast %div3A : f32 to vector<2000x128xf32>
    %div3A_93 = arith.divf %div3A_92, %add3A_91 : vector<2000x128xf32>
    %swap3A = arith.constant 0 : index
    %swap3A_94 = arith.constant 0 : index
    %swap3A_95 = vector.load %arg10[%swap3A, %swap3A_94] : memref<2000x128xf32, #tpu.memory_space<vmem>>, vector<2000x128xf32>
    tpu.vector_store %arg10[%swap3A, %swap3A_94], %div3A_93 {strides = array<i32>} : memref<2000x128xf32, #tpu.memory_space<vmem>>, vector<2000x128xf32>,
    %mul3A_96 = arith.mulf %div3A_93, %add3A_70 : vector<2000x128xf32>
    %swap3A_97 = arith.constant 0 : index
    %swap3A_98 = arith.constant 0 : index
    %swap3A_99 = vector.load %arg11[%swap3A_97, %swap3A_98] : memref<2000x128xf32, #tpu.memory_space<vmem>>, vector<2000x128xf32>
    tpu.vector_store %arg11[%swap3A_97, %swap3A_98], %mul3A_96 {strides = array<i32>} : memref<2000x128xf32, #tpu.memory_space<vmem>>, vector<2000x128xf32>,
    return
  }
  func.func @transform_0(%arg0: i32) -> (i32, i32) {
    %add3A = arith.constant 24 : i32
    %add3A_0 = arith.addi %arg0, %add3A : i32
    %c0_i32 = arith.constant 0 : i32
    %c0_i32_1 = arith.constant 0 : i32
    return %add3A_0, %c0_i32 : i32, i32
  }
  func.func @transform_1(%arg0: i32) -> (i32, i32) {
    %c0_i32 = arith.constant 0 : i32
    %c0_i32_0 = arith.constant 0 : i32
    %c0_i32_1 = arith.constant 0 : i32
    return %c0_i32, %c0_i32_0 : i32, i32
  }
  func.func @transform_2(%arg0: i32) -> (i32, i32) {
    %c0_i32 = arith.constant 0 : i32
    %c0_i32_0 = arith.constant 0 : i32
    %c0_i32_1 = arith.constant 0 : i32
    return %c0_i32, %c0_i32_0 : i32, i32
  }
  func.func @transform_3(%arg0: i32) -> i32 {
    %c0_i32 = arith.constant 0 : i32
    %c0_i32_0 = arith.constant 0 : i32
    return %c0_i32 : i32
  }
  func.func @transform_4(%arg0: i32) -> i32 {
    %c0_i32 = arith.constant 0 : i32
    %c0_i32_0 = arith.constant 0 : i32
    return %c0_i32 : i32
  }
  func.func @transform_5(%arg0: i32) -> (i32, i32) {
    %c0_i32 = arith.constant 0 : i32
    %c0_i32_0 = arith.constant 0 : i32
    %c0_i32_1 = arith.constant 0 : i32
    return %c0_i32, %c0_i32_0 : i32, i32
  }
  func.func @transform_6(%arg0: i32) -> (i32, i32) {
    %c0_i32 = arith.constant 0 : i32
    %c0_i32_0 = arith.constant 0 : i32
    %c0_i32_1 = arith.constant 0 : i32
    return %c0_i32, %c0_i32_0 : i32, i32
  }
  func.func @transform_7(%arg0: i32) -> i32 {
    %c0_i32 = arith.constant 0 : i32
    %c0_i32_0 = arith.constant 0 : i32
    return %c0_i32 : i32
  }
  func.func @transform_8(%arg0: i32) -> i32 {
    %c0_i32 = arith.constant 0 : i32
    %c0_i32_0 = arith.constant 0 : i32
    return %c0_i32 : i32
  }
  func.func @transform_9(%arg0: i32) -> (i32, i32) {
    %c0_i32 = arith.constant 0 : i32
    %c0_i32_0 = arith.constant 0 : i32
    return %arg0, %c0_i32 : i32, i32
  }
  func.func @transform_10(%arg0: i32) -> (i32, i32) {
    %c0_i32 = arith.constant 0 : i32
    %c0_i32_0 = arith.constant 0 : i32
    return %arg0, %c0_i32 : i32, i32
  }
}

module attributes {stable_mosaic.version = 14 : i64} {
  func.func @_vb_body(%arg0: i32, %arg1: memref<2000x128xf32, #tpu.memory_space<vmem>>, %arg2: memref<128x256xf32, #tpu.memory_space<vmem>>, %arg3: memref<128x256xf32, #tpu.memory_space<vmem>>, %arg4: memref<256xf32, #tpu.memory_space<vmem>>, %arg5: memref<256xf32, #tpu.memory_space<vmem>>, %arg6: memref<256x128xf32, #tpu.memory_space<vmem>>, %arg7: memref<256x128xf32, #tpu.memory_space<vmem>>, %arg8: memref<128xf32, #tpu.memory_space<vmem>>, %arg9: memref<128xf32, #tpu.memory_space<vmem>>, %arg10: memref<2000x128xf32, #tpu.memory_space<vmem>>, %arg11: memref<2000x128xf32, #tpu.memory_space<vmem>>, %arg12: memref<128x256xf32, #tpu.memory_space<vmem>>, %arg13: memref<256x128xf32, #tpu.memory_space<vmem>>, %arg14: memref<256x128xf32, #tpu.memory_space<vmem>>) attributes {dimension_semantics = [#tpu.dimension_semantics<arbitrary>], iteration_bounds = array<i64: 24>, scalar_prefetch = 0 : i64, scratch_operands = 3 : i64, tpu.core_type = #tpu.core_type<tc>, window_params = [{transform_indices = @transform_0, window_bounds = array<i64: 2000, 128>}, {pipeline_mode = #tpu.pipeline_mode<synchronous>, transform_indices = @transform_1, window_bounds = array<i64: 128, 256>}, {pipeline_mode = #tpu.pipeline_mode<synchronous>, transform_indices = @transform_2, window_bounds = array<i64: 128, 256>}, {pipeline_mode = #tpu.pipeline_mode<synchronous>, transform_indices = @transform_3, window_bounds = array<i64: 256>}, {pipeline_mode = #tpu.pipeline_mode<synchronous>, transform_indices = @transform_4, window_bounds = array<i64: 256>}, {pipeline_mode = #tpu.pipeline_mode<synchronous>, transform_indices = @transform_5, window_bounds = array<i64: 256, 128>}, {pipeline_mode = #tpu.pipeline_mode<synchronous>, transform_indices = @transform_6, window_bounds = array<i64: 256, 128>}, {pipeline_mode = #tpu.pipeline_mode<synchronous>, transform_indices = @transform_7, window_bounds = array<i64: 128>}, {pipeline_mode = #tpu.pipeline_mode<synchronous>, transform_indices = @transform_8, window_bounds = array<i64: 128>}, {transform_indices = @transform_9, window_bounds = array<i64: 2000, 128>}, {transform_indices = @transform_10, window_bounds = array<i64: 2000, 128>}]} {
    %eq3A = arith.constant 0 : i32
    %eq3A_0 = arith.cmpi eq, %arg0, %eq3A : i32
    %convert_element_type3A = arith.extui %eq3A_0 : i1 to i32
    %cond3A = arith.constant 0 : i32
    %cond3A_1 = arith.cmpi ne, %convert_element_type3A, %cond3A : i32
    scf.if %cond3A_1 {
      %get3A_100 = arith.constant 0 : index
      %get3A_101 = arith.constant 0 : index
      %get3A_102 = vector.load %arg3[%get3A_100, %get3A_101] : memref<128x256xf32, #tpu.memory_space<vmem>>, vector<128x256xf32>
      %exp3A_103 = math.exp %get3A_102 : vector<128x256xf32>
      %swap3A_104 = arith.constant 0 : index
      %swap3A_105 = arith.constant 0 : index
      %swap3A_106 = vector.load %arg12[%swap3A_104, %swap3A_105] : memref<128x256xf32, #tpu.memory_space<vmem>>, vector<128x256xf32>
      tpu.vector_store %arg12[%swap3A_104, %swap3A_105], %exp3A_103 {strides = array<i32>} : memref<128x256xf32, #tpu.memory_space<vmem>>, vector<128x256xf32>,
      %get3A_107 = arith.constant 0 : index
      %get3A_108 = arith.constant 0 : index
      %get3A_109 = vector.load %arg7[%get3A_107, %get3A_108] : memref<256x128xf32, #tpu.memory_space<vmem>>, vector<256x128xf32>
      %exp3A_110 = math.exp %get3A_109 : vector<256x128xf32>
      %swap3A_111 = arith.constant 0 : index
      %swap3A_112 = arith.constant 0 : index
      %swap3A_113 = vector.load %arg13[%swap3A_111, %swap3A_112] : memref<256x128xf32, #tpu.memory_space<vmem>>, vector<256x128xf32>
      tpu.vector_store %arg13[%swap3A_111, %swap3A_112], %exp3A_110 {strides = array<i32>} : memref<256x128xf32, #tpu.memory_space<vmem>>, vector<256x128xf32>,
      %get3A_114 = arith.constant 0 : index
      %get3A_115 = arith.constant 0 : index
      %get3A_116 = vector.load %arg6[%get3A_114, %get3A_115] : memref<256x128xf32, #tpu.memory_space<vmem>>, vector<256x128xf32>
      %mul3A_117 = arith.mulf %get3A_116, %get3A_116 : vector<256x128xf32>
      %add3A_118 = arith.addf %exp3A_110, %mul3A_117 : vector<256x128xf32>
      %swap3A_119 = arith.constant 0 : index
      %swap3A_120 = arith.constant 0 : index
      %swap3A_121 = vector.load %arg14[%swap3A_119, %swap3A_120] : memref<256x128xf32, #tpu.memory_space<vmem>>, vector<256x128xf32>
      tpu.vector_store %arg14[%swap3A_119, %swap3A_120], %add3A_118 {strides = array<i32>} : memref<256x128xf32, #tpu.memory_space<vmem>>, vector<256x128xf32>,
    } else {
    }
    %get3A = arith.constant 0 : index
    %get3A_2 = arith.constant 0 : index
    %get3A_3 = vector.load %arg1[%get3A, %get3A_2] : memref<2000x128xf32, #tpu.memory_space<vmem>>, vector<2000x128xf32>
    %get3A_4 = arith.constant 0 : index
    %get3A_5 = vector.load %arg4[%get3A_4] : memref<256xf32, #tpu.memory_space<vmem>>, vector<256xf32>
    %get3A_6 = arith.constant 0 : index
    %get3A_7 = vector.load %arg5[%get3A_6] : memref<256xf32, #tpu.memory_space<vmem>>, vector<256xf32>
    %exp3A = math.exp %get3A_7 : vector<256xf32>
    %get3A_8 = arith.constant 0 : index
    %get3A_9 = arith.constant 0 : index
    %get3A_10 = vector.load %arg2[%get3A_8, %get3A_9] : memref<128x256xf32, #tpu.memory_space<vmem>>, vector<128x256xf32>
    %dot_general3A = arith.constant dense<0.000000e+00> : vector<2000x256xf32>
    %dot_general3A_11 = tpu.matmul %get3A_3, %get3A_10, %dot_general3A {dimension_numbers = #tpu.dot_dimension_numbers<[1], [0], [0], [1], [0, 0, 1, 1], [], []>, transpose_lhs_hint = false} : vector<2000x128xf32>, vector<128x256xf32>, vector<2000x256xf32> -> vector<2000x256xf32>
    %broadcast_in_dim3A = vector.shape_cast %get3A_5 : vector<256xf32> to vector<1x256xf32>
    %add3A = vector.broadcast %broadcast_in_dim3A : vector<1x256xf32> to vector<2000x256xf32>
    %add3A_12 = arith.addf %dot_general3A_11, %add3A : vector<2000x256xf32>
    %mul3A = arith.mulf %get3A_3, %get3A_3 : vector<2000x128xf32>
    %get3A_13 = arith.constant 0 : index
    %get3A_14 = arith.constant 0 : index
    %get3A_15 = vector.load %arg12[%get3A_13, %get3A_14] : memref<128x256xf32, #tpu.memory_space<vmem>>, vector<128x256xf32>
    %dot_general3A_16 = arith.constant dense<0.000000e+00> : vector<2000x256xf32>
    %dot_general3A_17 = tpu.matmul %mul3A, %get3A_15, %dot_general3A_16 {dimension_numbers = #tpu.dot_dimension_numbers<[1], [0], [0], [1], [0, 0, 1, 1], [], []>, transpose_lhs_hint = false} : vector<2000x128xf32>, vector<128x256xf32>, vector<2000x256xf32> -> vector<2000x256xf32>
    %broadcast_in_dim3A_18 = vector.shape_cast %exp3A : vector<256xf32> to vector<1x256xf32>
    %add3A_19 = vector.broadcast %broadcast_in_dim3A_18 : vector<1x256xf32> to vector<2000x256xf32>
    %add3A_20 = arith.addf %dot_general3A_17, %add3A_19 : vector<2000x256xf32>
    %max3A = arith.constant 9.99999993E-9 : f32
    %max3A_21 = vector.broadcast %max3A : f32 to vector<2000x256xf32>
    %max3A_22 = arith.maximumf %add3A_20, %max3A_21 : vector<2000x256xf32>
    %rsqrt3A = math.rsqrt %max3A_22 : vector<2000x256xf32>
    %mul3A_23 = arith.mulf %add3A_12, %rsqrt3A : vector<2000x256xf32>
    %mul3A_24 = arith.mulf %max3A_22, %rsqrt3A : vector<2000x256xf32>
    %mul3A_25 = arith.mulf %mul3A_23, %mul3A_23 : vector<2000x256xf32>
    %mul3A_26 = arith.constant 4.471500e-02 : f32
    %mul3A_27 = vector.broadcast %mul3A_26 : f32 to vector<2000x256xf32>
    %mul3A_28 = arith.mulf %mul3A_27, %mul3A_25 : vector<2000x256xf32>
    %add3A_29 = arith.constant 1.000000e+00 : f32
    %add3A_30 = vector.broadcast %add3A_29 : f32 to vector<2000x256xf32>
    %add3A_31 = arith.addf %add3A_30, %mul3A_28 : vector<2000x256xf32>
    %mul3A_32 = arith.mulf %mul3A_23, %add3A_31 : vector<2000x256xf32>
    %mul3A_33 = arith.constant 0.797884583 : f32
    %mul3A_34 = vector.broadcast %mul3A_33 : f32 to vector<2000x256xf32>
    %mul3A_35 = arith.mulf %mul3A_34, %mul3A_32 : vector<2000x256xf32>
    %tanh3A = math.tanh %mul3A_35 : vector<2000x256xf32>
    %mul3A_36 = arith.constant 5.000000e-01 : f32
    %mul3A_37 = vector.broadcast %mul3A_36 : f32 to vector<2000x256xf32>
    %mul3A_38 = arith.mulf %mul3A_37, %tanh3A : vector<2000x256xf32>
    %add3A_39 = arith.constant 5.000000e-01 : f32
    %add3A_40 = vector.broadcast %add3A_39 : f32 to vector<2000x256xf32>
    %add3A_41 = arith.addf %add3A_40, %mul3A_38 : vector<2000x256xf32>
    %mul3A_42 = arith.constant -5.000000e-01 : f32
    %mul3A_43 = vector.broadcast %mul3A_42 : f32 to vector<2000x256xf32>
    %mul3A_44 = arith.mulf %mul3A_43, %mul3A_25 : vector<2000x256xf32>
    %exp3A_45 = math.exp %mul3A_44 : vector<2000x256xf32>
    %mul3A_46 = arith.constant 0.398942292 : f32
    %mul3A_47 = vector.broadcast %mul3A_46 : f32 to vector<2000x256xf32>
    %mul3A_48 = arith.mulf %exp3A_45, %mul3A_47 : vector<2000x256xf32>
    %mul3A_49 = arith.mulf %add3A_12, %add3A_41 : vector<2000x256xf32>
    %mul3A_50 = arith.mulf %mul3A_24, %mul3A_48 : vector<2000x256xf32>
    %add3A_51 = arith.addf %mul3A_49, %mul3A_50 : vector<2000x256xf32>
    %sub3A = arith.subf %add3A_12, %add3A_51 : vector<2000x256xf32>
    %mul3A_52 = arith.mulf %add3A_51, %sub3A : vector<2000x256xf32>
    %mul3A_53 = arith.mulf %max3A_22, %add3A_41 : vector<2000x256xf32>
    %add3A_54 = arith.addf %mul3A_52, %mul3A_53 : vector<2000x256xf32>
    %max3A_55 = arith.constant 9.99999993E-9 : f32
    %max3A_56 = vector.broadcast %max3A_55 : f32 to vector<2000x256xf32>
    %max3A_57 = arith.maximumf %add3A_54, %max3A_56 : vector<2000x256xf32>
    %get3A_58 = arith.constant 0 : index
    %get3A_59 = vector.load %arg8[%get3A_58] : memref<128xf32, #tpu.memory_space<vmem>>, vector<128xf32>
    %get3A_60 = arith.constant 0 : index
    %get3A_61 = vector.load %arg9[%get3A_60] : memref<128xf32, #tpu.memory_space<vmem>>, vector<128xf32>
    %exp3A_62 = math.exp %get3A_61 : vector<128xf32>
    %get3A_63 = arith.constant 0 : index
    %get3A_64 = arith.constant 0 : index
    %get3A_65 = vector.load %arg6[%get3A_63, %get3A_64] : memref<256x128xf32, #tpu.memory_space<vmem>>, vector<256x128xf32>
    %dot_general3A_66 = arith.constant dense<0.000000e+00> : vector<2000x128xf32>
    %dot_general3A_67 = tpu.matmul %add3A_51, %get3A_65, %dot_general3A_66 {dimension_numbers = #tpu.dot_dimension_numbers<[1], [0], [0], [1], [0, 0, 1, 1], [], []>, transpose_lhs_hint = false} : vector<2000x256xf32>, vector<256x128xf32>, vector<2000x128xf32> -> vector<2000x128xf32>
    %broadcast_in_dim3A_68 = vector.shape_cast %get3A_59 : vector<128xf32> to vector<1x128xf32>
    %add3A_69 = vector.broadcast %broadcast_in_dim3A_68 : vector<1x128xf32> to vector<2000x128xf32>
    %add3A_70 = arith.addf %dot_general3A_67, %add3A_69 : vector<2000x128xf32>
    %get3A_71 = arith.constant 0 : index
    %get3A_72 = arith.constant 0 : index
    %get3A_73 = vector.load %arg14[%get3A_71, %get3A_72] : memref<256x128xf32, #tpu.memory_space<vmem>>, vector<256x128xf32>
    %dot_general3A_74 = arith.constant dense<0.000000e+00> : vector<2000x128xf32>
    %dot_general3A_75 = tpu.matmul %max3A_57, %get3A_73, %dot_general3A_74 {dimension_numbers = #tpu.dot_dimension_numbers<[1], [0], [0], [1], [0, 0, 1, 1], [], []>, transpose_lhs_hint = false} : vector<2000x256xf32>, vector<256x128xf32>, vector<2000x128xf32> -> vector<2000x128xf32>
    %mul3A_76 = arith.mulf %add3A_51, %add3A_51 : vector<2000x256xf32>
    %get3A_77 = arith.constant 0 : index
    %get3A_78 = arith.constant 0 : index
    %get3A_79 = vector.load %arg13[%get3A_77, %get3A_78] : memref<256x128xf32, #tpu.memory_space<vmem>>, vector<256x128xf32>
    %dot_general3A_80 = arith.constant dense<0.000000e+00> : vector<2000x128xf32>
    %dot_general3A_81 = tpu.matmul %mul3A_76, %get3A_79, %dot_general3A_80 {dimension_numbers = #tpu.dot_dimension_numbers<[1], [0], [0], [1], [0, 0, 1, 1], [], []>, transpose_lhs_hint = false} : vector<2000x256xf32>, vector<256x128xf32>, vector<2000x128xf32> -> vector<2000x128xf32>
    %add3A_82 = arith.addf %dot_general3A_75, %dot_general3A_81 : vector<2000x128xf32>
    %broadcast_in_dim3A_83 = vector.shape_cast %exp3A_62 : vector<128xf32> to vector<1x128xf32>
    %add3A_84 = vector.broadcast %broadcast_in_dim3A_83 : vector<1x128xf32> to vector<2000x128xf32>
    %add3A_85 = arith.addf %add3A_82, %add3A_84 : vector<2000x128xf32>
    %max3A_86 = arith.constant 9.99999993E-9 : f32
    %max3A_87 = vector.broadcast %max3A_86 : f32 to vector<2000x128xf32>
    %max3A_88 = arith.maximumf %add3A_85, %max3A_87 : vector<2000x128xf32>
    %add3A_89 = arith.constant 9.99999993E-9 : f32
    %add3A_90 = vector.broadcast %add3A_89 : f32 to vector<2000x128xf32>
    %add3A_91 = arith.addf %max3A_88, %add3A_90 : vector<2000x128xf32>
    %div3A = arith.constant 1.000000e+00 : f32
    %div3A_92 = vector.broadcast %div3A : f32 to vector<2000x128xf32>
    %div3A_93 = arith.divf %div3A_92, %add3A_91 : vector<2000x128xf32>
    %swap3A = arith.constant 0 : index
    %swap3A_94 = arith.constant 0 : index
    %swap3A_95 = vector.load %arg10[%swap3A, %swap3A_94] : memref<2000x128xf32, #tpu.memory_space<vmem>>, vector<2000x128xf32>
    tpu.vector_store %arg10[%swap3A, %swap3A_94], %div3A_93 {strides = array<i32>} : memref<2000x128xf32, #tpu.memory_space<vmem>>, vector<2000x128xf32>,
    %mul3A_96 = arith.mulf %div3A_93, %add3A_70 : vector<2000x128xf32>
    %swap3A_97 = arith.constant 0 : index
    %swap3A_98 = arith.constant 0 : index
    %swap3A_99 = vector.load %arg11[%swap3A_97, %swap3A_98] : memref<2000x128xf32, #tpu.memory_space<vmem>>, vector<2000x128xf32>
    tpu.vector_store %arg11[%swap3A_97, %swap3A_98], %mul3A_96 {strides = array<i32>} : memref<2000x128xf32, #tpu.memory_space<vmem>>, vector<2000x128xf32>,
    return
  }
  func.func @transform_0(%arg0: i32) -> (i32, i32) {
    %add3A = arith.constant 40 : i32
    %add3A_0 = arith.addi %arg0, %add3A : i32
    %c0_i32 = arith.constant 0 : i32
    %c0_i32_1 = arith.constant 0 : i32
    return %add3A_0, %c0_i32 : i32, i32
  }
  func.func @transform_1(%arg0: i32) -> (i32, i32) {
    %c0_i32 = arith.constant 0 : i32
    %c0_i32_0 = arith.constant 0 : i32
    %c0_i32_1 = arith.constant 0 : i32
    return %c0_i32, %c0_i32_0 : i32, i32
  }
  func.func @transform_2(%arg0: i32) -> (i32, i32) {
    %c0_i32 = arith.constant 0 : i32
    %c0_i32_0 = arith.constant 0 : i32
    %c0_i32_1 = arith.constant 0 : i32
    return %c0_i32, %c0_i32_0 : i32, i32
  }
  func.func @transform_3(%arg0: i32) -> i32 {
    %c0_i32 = arith.constant 0 : i32
    %c0_i32_0 = arith.constant 0 : i32
    return %c0_i32 : i32
  }
  func.func @transform_4(%arg0: i32) -> i32 {
    %c0_i32 = arith.constant 0 : i32
    %c0_i32_0 = arith.constant 0 : i32
    return %c0_i32 : i32
  }
  func.func @transform_5(%arg0: i32) -> (i32, i32) {
    %c0_i32 = arith.constant 0 : i32
    %c0_i32_0 = arith.constant 0 : i32
    %c0_i32_1 = arith.constant 0 : i32
    return %c0_i32, %c0_i32_0 : i32, i32
  }
  func.func @transform_6(%arg0: i32) -> (i32, i32) {
    %c0_i32 = arith.constant 0 : i32
    %c0_i32_0 = arith.constant 0 : i32
    %c0_i32_1 = arith.constant 0 : i32
    return %c0_i32, %c0_i32_0 : i32, i32
  }
  func.func @transform_7(%arg0: i32) -> i32 {
    %c0_i32 = arith.constant 0 : i32
    %c0_i32_0 = arith.constant 0 : i32
    return %c0_i32 : i32
  }
  func.func @transform_8(%arg0: i32) -> i32 {
    %c0_i32 = arith.constant 0 : i32
    %c0_i32_0 = arith.constant 0 : i32
    return %c0_i32 : i32
  }
  func.func @transform_9(%arg0: i32) -> (i32, i32) {
    %c0_i32 = arith.constant 0 : i32
    %c0_i32_0 = arith.constant 0 : i32
    return %arg0, %c0_i32 : i32, i32
  }
  func.func @transform_10(%arg0: i32) -> (i32, i32) {
    %c0_i32 = arith.constant 0 : i32
    %c0_i32_0 = arith.constant 0 : i32
    return %arg0, %c0_i32 : i32, i32
  }
}

module attributes {stable_mosaic.version = 14 : i64} {
  func.func @_vb_body(%arg0: i32, %arg1: memref<2000x128xf32, #tpu.memory_space<vmem>>, %arg2: memref<128x256xf32, #tpu.memory_space<vmem>>, %arg3: memref<128x256xf32, #tpu.memory_space<vmem>>, %arg4: memref<256xf32, #tpu.memory_space<vmem>>, %arg5: memref<256xf32, #tpu.memory_space<vmem>>, %arg6: memref<256x128xf32, #tpu.memory_space<vmem>>, %arg7: memref<256x128xf32, #tpu.memory_space<vmem>>, %arg8: memref<128xf32, #tpu.memory_space<vmem>>, %arg9: memref<128xf32, #tpu.memory_space<vmem>>, %arg10: memref<2000x128xf32, #tpu.memory_space<vmem>>, %arg11: memref<2000x128xf32, #tpu.memory_space<vmem>>, %arg12: memref<128x256xf32, #tpu.memory_space<vmem>>, %arg13: memref<256x128xf32, #tpu.memory_space<vmem>>, %arg14: memref<256x128xf32, #tpu.memory_space<vmem>>) attributes {dimension_semantics = [#tpu.dimension_semantics<arbitrary>], iteration_bounds = array<i64: 16>, scalar_prefetch = 0 : i64, scratch_operands = 3 : i64, tpu.core_type = #tpu.core_type<tc>, window_params = [{transform_indices = @transform_0, window_bounds = array<i64: 2000, 128>}, {pipeline_mode = #tpu.pipeline_mode<synchronous>, transform_indices = @transform_1, window_bounds = array<i64: 128, 256>}, {pipeline_mode = #tpu.pipeline_mode<synchronous>, transform_indices = @transform_2, window_bounds = array<i64: 128, 256>}, {pipeline_mode = #tpu.pipeline_mode<synchronous>, transform_indices = @transform_3, window_bounds = array<i64: 256>}, {pipeline_mode = #tpu.pipeline_mode<synchronous>, transform_indices = @transform_4, window_bounds = array<i64: 256>}, {pipeline_mode = #tpu.pipeline_mode<synchronous>, transform_indices = @transform_5, window_bounds = array<i64: 256, 128>}, {pipeline_mode = #tpu.pipeline_mode<synchronous>, transform_indices = @transform_6, window_bounds = array<i64: 256, 128>}, {pipeline_mode = #tpu.pipeline_mode<synchronous>, transform_indices = @transform_7, window_bounds = array<i64: 128>}, {pipeline_mode = #tpu.pipeline_mode<synchronous>, transform_indices = @transform_8, window_bounds = array<i64: 128>}, {transform_indices = @transform_9, window_bounds = array<i64: 2000, 128>}, {transform_indices = @transform_10, window_bounds = array<i64: 2000, 128>}]} {
    %eq3A = arith.constant 0 : i32
    %eq3A_0 = arith.cmpi eq, %arg0, %eq3A : i32
    %convert_element_type3A = arith.extui %eq3A_0 : i1 to i32
    %cond3A = arith.constant 0 : i32
    %cond3A_1 = arith.cmpi ne, %convert_element_type3A, %cond3A : i32
    scf.if %cond3A_1 {
      %get3A_100 = arith.constant 0 : index
      %get3A_101 = arith.constant 0 : index
      %get3A_102 = vector.load %arg3[%get3A_100, %get3A_101] : memref<128x256xf32, #tpu.memory_space<vmem>>, vector<128x256xf32>
      %exp3A_103 = math.exp %get3A_102 : vector<128x256xf32>
      %swap3A_104 = arith.constant 0 : index
      %swap3A_105 = arith.constant 0 : index
      %swap3A_106 = vector.load %arg12[%swap3A_104, %swap3A_105] : memref<128x256xf32, #tpu.memory_space<vmem>>, vector<128x256xf32>
      tpu.vector_store %arg12[%swap3A_104, %swap3A_105], %exp3A_103 {strides = array<i32>} : memref<128x256xf32, #tpu.memory_space<vmem>>, vector<128x256xf32>,
      %get3A_107 = arith.constant 0 : index
      %get3A_108 = arith.constant 0 : index
      %get3A_109 = vector.load %arg7[%get3A_107, %get3A_108] : memref<256x128xf32, #tpu.memory_space<vmem>>, vector<256x128xf32>
      %exp3A_110 = math.exp %get3A_109 : vector<256x128xf32>
      %swap3A_111 = arith.constant 0 : index
      %swap3A_112 = arith.constant 0 : index
      %swap3A_113 = vector.load %arg13[%swap3A_111, %swap3A_112] : memref<256x128xf32, #tpu.memory_space<vmem>>, vector<256x128xf32>
      tpu.vector_store %arg13[%swap3A_111, %swap3A_112], %exp3A_110 {strides = array<i32>} : memref<256x128xf32, #tpu.memory_space<vmem>>, vector<256x128xf32>,
      %get3A_114 = arith.constant 0 : index
      %get3A_115 = arith.constant 0 : index
      %get3A_116 = vector.load %arg6[%get3A_114, %get3A_115] : memref<256x128xf32, #tpu.memory_space<vmem>>, vector<256x128xf32>
      %mul3A_117 = arith.mulf %get3A_116, %get3A_116 : vector<256x128xf32>
      %add3A_118 = arith.addf %exp3A_110, %mul3A_117 : vector<256x128xf32>
      %swap3A_119 = arith.constant 0 : index
      %swap3A_120 = arith.constant 0 : index
      %swap3A_121 = vector.load %arg14[%swap3A_119, %swap3A_120] : memref<256x128xf32, #tpu.memory_space<vmem>>, vector<256x128xf32>
      tpu.vector_store %arg14[%swap3A_119, %swap3A_120], %add3A_118 {strides = array<i32>} : memref<256x128xf32, #tpu.memory_space<vmem>>, vector<256x128xf32>,
    } else {
    }
    %get3A = arith.constant 0 : index
    %get3A_2 = arith.constant 0 : index
    %get3A_3 = vector.load %arg1[%get3A, %get3A_2] : memref<2000x128xf32, #tpu.memory_space<vmem>>, vector<2000x128xf32>
    %get3A_4 = arith.constant 0 : index
    %get3A_5 = vector.load %arg4[%get3A_4] : memref<256xf32, #tpu.memory_space<vmem>>, vector<256xf32>
    %get3A_6 = arith.constant 0 : index
    %get3A_7 = vector.load %arg5[%get3A_6] : memref<256xf32, #tpu.memory_space<vmem>>, vector<256xf32>
    %exp3A = math.exp %get3A_7 : vector<256xf32>
    %get3A_8 = arith.constant 0 : index
    %get3A_9 = arith.constant 0 : index
    %get3A_10 = vector.load %arg2[%get3A_8, %get3A_9] : memref<128x256xf32, #tpu.memory_space<vmem>>, vector<128x256xf32>
    %dot_general3A = arith.constant dense<0.000000e+00> : vector<2000x256xf32>
    %dot_general3A_11 = tpu.matmul %get3A_3, %get3A_10, %dot_general3A {dimension_numbers = #tpu.dot_dimension_numbers<[1], [0], [0], [1], [0, 0, 1, 1], [], []>, transpose_lhs_hint = false} : vector<2000x128xf32>, vector<128x256xf32>, vector<2000x256xf32> -> vector<2000x256xf32>
    %broadcast_in_dim3A = vector.shape_cast %get3A_5 : vector<256xf32> to vector<1x256xf32>
    %add3A = vector.broadcast %broadcast_in_dim3A : vector<1x256xf32> to vector<2000x256xf32>
    %add3A_12 = arith.addf %dot_general3A_11, %add3A : vector<2000x256xf32>
    %mul3A = arith.mulf %get3A_3, %get3A_3 : vector<2000x128xf32>
    %get3A_13 = arith.constant 0 : index
    %get3A_14 = arith.constant 0 : index
    %get3A_15 = vector.load %arg12[%get3A_13, %get3A_14] : memref<128x256xf32, #tpu.memory_space<vmem>>, vector<128x256xf32>
    %dot_general3A_16 = arith.constant dense<0.000000e+00> : vector<2000x256xf32>
    %dot_general3A_17 = tpu.matmul %mul3A, %get3A_15, %dot_general3A_16 {dimension_numbers = #tpu.dot_dimension_numbers<[1], [0], [0], [1], [0, 0, 1, 1], [], []>, transpose_lhs_hint = false} : vector<2000x128xf32>, vector<128x256xf32>, vector<2000x256xf32> -> vector<2000x256xf32>
    %broadcast_in_dim3A_18 = vector.shape_cast %exp3A : vector<256xf32> to vector<1x256xf32>
    %add3A_19 = vector.broadcast %broadcast_in_dim3A_18 : vector<1x256xf32> to vector<2000x256xf32>
    %add3A_20 = arith.addf %dot_general3A_17, %add3A_19 : vector<2000x256xf32>
    %max3A = arith.constant 9.99999993E-9 : f32
    %max3A_21 = vector.broadcast %max3A : f32 to vector<2000x256xf32>
    %max3A_22 = arith.maximumf %add3A_20, %max3A_21 : vector<2000x256xf32>
    %rsqrt3A = math.rsqrt %max3A_22 : vector<2000x256xf32>
    %mul3A_23 = arith.mulf %add3A_12, %rsqrt3A : vector<2000x256xf32>
    %mul3A_24 = arith.mulf %max3A_22, %rsqrt3A : vector<2000x256xf32>
    %mul3A_25 = arith.mulf %mul3A_23, %mul3A_23 : vector<2000x256xf32>
    %mul3A_26 = arith.constant 4.471500e-02 : f32
    %mul3A_27 = vector.broadcast %mul3A_26 : f32 to vector<2000x256xf32>
    %mul3A_28 = arith.mulf %mul3A_27, %mul3A_25 : vector<2000x256xf32>
    %add3A_29 = arith.constant 1.000000e+00 : f32
    %add3A_30 = vector.broadcast %add3A_29 : f32 to vector<2000x256xf32>
    %add3A_31 = arith.addf %add3A_30, %mul3A_28 : vector<2000x256xf32>
    %mul3A_32 = arith.mulf %mul3A_23, %add3A_31 : vector<2000x256xf32>
    %mul3A_33 = arith.constant 0.797884583 : f32
    %mul3A_34 = vector.broadcast %mul3A_33 : f32 to vector<2000x256xf32>
    %mul3A_35 = arith.mulf %mul3A_34, %mul3A_32 : vector<2000x256xf32>
    %tanh3A = math.tanh %mul3A_35 : vector<2000x256xf32>
    %mul3A_36 = arith.constant 5.000000e-01 : f32
    %mul3A_37 = vector.broadcast %mul3A_36 : f32 to vector<2000x256xf32>
    %mul3A_38 = arith.mulf %mul3A_37, %tanh3A : vector<2000x256xf32>
    %add3A_39 = arith.constant 5.000000e-01 : f32
    %add3A_40 = vector.broadcast %add3A_39 : f32 to vector<2000x256xf32>
    %add3A_41 = arith.addf %add3A_40, %mul3A_38 : vector<2000x256xf32>
    %mul3A_42 = arith.constant -5.000000e-01 : f32
    %mul3A_43 = vector.broadcast %mul3A_42 : f32 to vector<2000x256xf32>
    %mul3A_44 = arith.mulf %mul3A_43, %mul3A_25 : vector<2000x256xf32>
    %exp3A_45 = math.exp %mul3A_44 : vector<2000x256xf32>
    %mul3A_46 = arith.constant 0.398942292 : f32
    %mul3A_47 = vector.broadcast %mul3A_46 : f32 to vector<2000x256xf32>
    %mul3A_48 = arith.mulf %exp3A_45, %mul3A_47 : vector<2000x256xf32>
    %mul3A_49 = arith.mulf %add3A_12, %add3A_41 : vector<2000x256xf32>
    %mul3A_50 = arith.mulf %mul3A_24, %mul3A_48 : vector<2000x256xf32>
    %add3A_51 = arith.addf %mul3A_49, %mul3A_50 : vector<2000x256xf32>
    %sub3A = arith.subf %add3A_12, %add3A_51 : vector<2000x256xf32>
    %mul3A_52 = arith.mulf %add3A_51, %sub3A : vector<2000x256xf32>
    %mul3A_53 = arith.mulf %max3A_22, %add3A_41 : vector<2000x256xf32>
    %add3A_54 = arith.addf %mul3A_52, %mul3A_53 : vector<2000x256xf32>
    %max3A_55 = arith.constant 9.99999993E-9 : f32
    %max3A_56 = vector.broadcast %max3A_55 : f32 to vector<2000x256xf32>
    %max3A_57 = arith.maximumf %add3A_54, %max3A_56 : vector<2000x256xf32>
    %get3A_58 = arith.constant 0 : index
    %get3A_59 = vector.load %arg8[%get3A_58] : memref<128xf32, #tpu.memory_space<vmem>>, vector<128xf32>
    %get3A_60 = arith.constant 0 : index
    %get3A_61 = vector.load %arg9[%get3A_60] : memref<128xf32, #tpu.memory_space<vmem>>, vector<128xf32>
    %exp3A_62 = math.exp %get3A_61 : vector<128xf32>
    %get3A_63 = arith.constant 0 : index
    %get3A_64 = arith.constant 0 : index
    %get3A_65 = vector.load %arg6[%get3A_63, %get3A_64] : memref<256x128xf32, #tpu.memory_space<vmem>>, vector<256x128xf32>
    %dot_general3A_66 = arith.constant dense<0.000000e+00> : vector<2000x128xf32>
    %dot_general3A_67 = tpu.matmul %add3A_51, %get3A_65, %dot_general3A_66 {dimension_numbers = #tpu.dot_dimension_numbers<[1], [0], [0], [1], [0, 0, 1, 1], [], []>, transpose_lhs_hint = false} : vector<2000x256xf32>, vector<256x128xf32>, vector<2000x128xf32> -> vector<2000x128xf32>
    %broadcast_in_dim3A_68 = vector.shape_cast %get3A_59 : vector<128xf32> to vector<1x128xf32>
    %add3A_69 = vector.broadcast %broadcast_in_dim3A_68 : vector<1x128xf32> to vector<2000x128xf32>
    %add3A_70 = arith.addf %dot_general3A_67, %add3A_69 : vector<2000x128xf32>
    %get3A_71 = arith.constant 0 : index
    %get3A_72 = arith.constant 0 : index
    %get3A_73 = vector.load %arg14[%get3A_71, %get3A_72] : memref<256x128xf32, #tpu.memory_space<vmem>>, vector<256x128xf32>
    %dot_general3A_74 = arith.constant dense<0.000000e+00> : vector<2000x128xf32>
    %dot_general3A_75 = tpu.matmul %max3A_57, %get3A_73, %dot_general3A_74 {dimension_numbers = #tpu.dot_dimension_numbers<[1], [0], [0], [1], [0, 0, 1, 1], [], []>, transpose_lhs_hint = false} : vector<2000x256xf32>, vector<256x128xf32>, vector<2000x128xf32> -> vector<2000x128xf32>
    %mul3A_76 = arith.mulf %add3A_51, %add3A_51 : vector<2000x256xf32>
    %get3A_77 = arith.constant 0 : index
    %get3A_78 = arith.constant 0 : index
    %get3A_79 = vector.load %arg13[%get3A_77, %get3A_78] : memref<256x128xf32, #tpu.memory_space<vmem>>, vector<256x128xf32>
    %dot_general3A_80 = arith.constant dense<0.000000e+00> : vector<2000x128xf32>
    %dot_general3A_81 = tpu.matmul %mul3A_76, %get3A_79, %dot_general3A_80 {dimension_numbers = #tpu.dot_dimension_numbers<[1], [0], [0], [1], [0, 0, 1, 1], [], []>, transpose_lhs_hint = false} : vector<2000x256xf32>, vector<256x128xf32>, vector<2000x128xf32> -> vector<2000x128xf32>
    %add3A_82 = arith.addf %dot_general3A_75, %dot_general3A_81 : vector<2000x128xf32>
    %broadcast_in_dim3A_83 = vector.shape_cast %exp3A_62 : vector<128xf32> to vector<1x128xf32>
    %add3A_84 = vector.broadcast %broadcast_in_dim3A_83 : vector<1x128xf32> to vector<2000x128xf32>
    %add3A_85 = arith.addf %add3A_82, %add3A_84 : vector<2000x128xf32>
    %max3A_86 = arith.constant 9.99999993E-9 : f32
    %max3A_87 = vector.broadcast %max3A_86 : f32 to vector<2000x128xf32>
    %max3A_88 = arith.maximumf %add3A_85, %max3A_87 : vector<2000x128xf32>
    %add3A_89 = arith.constant 9.99999993E-9 : f32
    %add3A_90 = vector.broadcast %add3A_89 : f32 to vector<2000x128xf32>
    %add3A_91 = arith.addf %max3A_88, %add3A_90 : vector<2000x128xf32>
    %div3A = arith.constant 1.000000e+00 : f32
    %div3A_92 = vector.broadcast %div3A : f32 to vector<2000x128xf32>
    %div3A_93 = arith.divf %div3A_92, %add3A_91 : vector<2000x128xf32>
    %swap3A = arith.constant 0 : index
    %swap3A_94 = arith.constant 0 : index
    %swap3A_95 = vector.load %arg10[%swap3A, %swap3A_94] : memref<2000x128xf32, #tpu.memory_space<vmem>>, vector<2000x128xf32>
    tpu.vector_store %arg10[%swap3A, %swap3A_94], %div3A_93 {strides = array<i32>} : memref<2000x128xf32, #tpu.memory_space<vmem>>, vector<2000x128xf32>,
    %mul3A_96 = arith.mulf %div3A_93, %add3A_70 : vector<2000x128xf32>
    %swap3A_97 = arith.constant 0 : index
    %swap3A_98 = arith.constant 0 : index
    %swap3A_99 = vector.load %arg11[%swap3A_97, %swap3A_98] : memref<2000x128xf32, #tpu.memory_space<vmem>>, vector<2000x128xf32>
    tpu.vector_store %arg11[%swap3A_97, %swap3A_98], %mul3A_96 {strides = array<i32>} : memref<2000x128xf32, #tpu.memory_space<vmem>>, vector<2000x128xf32>,
    return
  }
  func.func @transform_0(%arg0: i32) -> (i32, i32) {
    %add3A = arith.constant 64 : i32
    %add3A_0 = arith.addi %arg0, %add3A : i32
    %c0_i32 = arith.constant 0 : i32
    %c0_i32_1 = arith.constant 0 : i32
    return %add3A_0, %c0_i32 : i32, i32
  }
  func.func @transform_1(%arg0: i32) -> (i32, i32) {
    %c0_i32 = arith.constant 0 : i32
    %c0_i32_0 = arith.constant 0 : i32
    %c0_i32_1 = arith.constant 0 : i32
    return %c0_i32, %c0_i32_0 : i32, i32
  }
  func.func @transform_2(%arg0: i32) -> (i32, i32) {
    %c0_i32 = arith.constant 0 : i32
    %c0_i32_0 = arith.constant 0 : i32
    %c0_i32_1 = arith.constant 0 : i32
    return %c0_i32, %c0_i32_0 : i32, i32
  }
  func.func @transform_3(%arg0: i32) -> i32 {
    %c0_i32 = arith.constant 0 : i32
    %c0_i32_0 = arith.constant 0 : i32
    return %c0_i32 : i32
  }
  func.func @transform_4(%arg0: i32) -> i32 {
    %c0_i32 = arith.constant 0 : i32
    %c0_i32_0 = arith.constant 0 : i32
    return %c0_i32 : i32
  }
  func.func @transform_5(%arg0: i32) -> (i32, i32) {
    %c0_i32 = arith.constant 0 : i32
    %c0_i32_0 = arith.constant 0 : i32
    %c0_i32_1 = arith.constant 0 : i32
    return %c0_i32, %c0_i32_0 : i32, i32
  }
  func.func @transform_6(%arg0: i32) -> (i32, i32) {
    %c0_i32 = arith.constant 0 : i32
    %c0_i32_0 = arith.constant 0 : i32
    %c0_i32_1 = arith.constant 0 : i32
    return %c0_i32, %c0_i32_0 : i32, i32
  }
  func.func @transform_7(%arg0: i32) -> i32 {
    %c0_i32 = arith.constant 0 : i32
    %c0_i32_0 = arith.constant 0 : i32
    return %c0_i32 : i32
  }
  func.func @transform_8(%arg0: i32) -> i32 {
    %c0_i32 = arith.constant 0 : i32
    %c0_i32_0 = arith.constant 0 : i32
    return %c0_i32 : i32
  }
  func.func @transform_9(%arg0: i32) -> (i32, i32) {
    %c0_i32 = arith.constant 0 : i32
    %c0_i32_0 = arith.constant 0 : i32
    return %arg0, %c0_i32 : i32, i32
  }
  func.func @transform_10(%arg0: i32) -> (i32, i32) {
    %c0_i32 = arith.constant 0 : i32
    %c0_i32_0 = arith.constant 0 : i32
    return %arg0, %c0_i32 : i32, i32
  }
}

module attributes {stable_mosaic.version = 14 : i64} {
  func.func @_norm_body(%arg0: i32, %arg1: memref<2000x128xf32, #tpu.memory_space<vmem>>, %arg2: memref<2000x128xf32, #tpu.memory_space<vmem>>, %arg3: memref<2000x128xf32, #tpu.memory_space<vmem>>, %arg4: memref<2000x128xf32, #tpu.memory_space<vmem>>) attributes {dimension_semantics = [#tpu.dimension_semantics<arbitrary>], iteration_bounds = array<i64: 5>, scalar_prefetch = 0 : i64, scratch_operands = 0 : i64, tpu.core_type = #tpu.core_type<tc>, window_params = [{transform_indices = @transform_0, window_bounds = array<i64: 2000, 128>}, {transform_indices = @transform_1, window_bounds = array<i64: 2000, 128>}, {transform_indices = @transform_2, window_bounds = array<i64: 2000, 128>}, {transform_indices = @transform_3, window_bounds = array<i64: 2000, 128>}]} {
    %get3A = arith.constant 0 : index
    %get3A_0 = arith.constant 0 : index
    %get3A_1 = vector.load %arg1[%get3A, %get3A_0] : memref<2000x128xf32, #tpu.memory_space<vmem>>, vector<2000x128xf32>
    %add3A = arith.constant 9.99999993E-9 : f32
    %add3A_2 = vector.broadcast %add3A : f32 to vector<2000x128xf32>
    %add3A_3 = arith.addf %get3A_1, %add3A_2 : vector<2000x128xf32>
    %div3A = arith.constant 1.000000e+00 : f32
    %div3A_4 = vector.broadcast %div3A : f32 to vector<2000x128xf32>
    %div3A_5 = arith.divf %div3A_4, %add3A_3 : vector<2000x128xf32>
    %swap3A = arith.constant 0 : index
    %swap3A_6 = arith.constant 0 : index
    %swap3A_7 = vector.load %arg4[%swap3A, %swap3A_6] : memref<2000x128xf32, #tpu.memory_space<vmem>>, vector<2000x128xf32>
    tpu.vector_store %arg4[%swap3A, %swap3A_6], %div3A_5 {strides = array<i32>} : memref<2000x128xf32, #tpu.memory_space<vmem>>, vector<2000x128xf32>,
    %get3A_8 = arith.constant 0 : index
    %get3A_9 = arith.constant 0 : index
    %get3A_10 = vector.load %arg2[%get3A_8, %get3A_9] : memref<2000x128xf32, #tpu.memory_space<vmem>>, vector<2000x128xf32>
    %mul3A = arith.mulf %get3A_10, %div3A_5 : vector<2000x128xf32>
    %swap3A_11 = arith.constant 0 : index
    %swap3A_12 = arith.constant 0 : index
    %swap3A_13 = vector.load %arg3[%swap3A_11, %swap3A_12] : memref<2000x128xf32, #tpu.memory_space<vmem>>, vector<2000x128xf32>
    tpu.vector_store %arg3[%swap3A_11, %swap3A_12], %mul3A {strides = array<i32>} : memref<2000x128xf32, #tpu.memory_space<vmem>>, vector<2000x128xf32>,
    return
  }
  func.func @transform_0(%arg0: i32) -> (i32, i32) {
    %c0_i32 = arith.constant 0 : i32
    %c0_i32_0 = arith.constant 0 : i32
    return %arg0, %c0_i32 : i32, i32
  }
  func.func @transform_1(%arg0: i32) -> (i32, i32) {
    %c0_i32 = arith.constant 0 : i32
    %c0_i32_0 = arith.constant 0 : i32
    return %arg0, %c0_i32 : i32, i32
  }
  func.func @transform_2(%arg0: i32) -> (i32, i32) {
    %c0_i32 = arith.constant 0 : i32
    %c0_i32_0 = arith.constant 0 : i32
    return %arg0, %c0_i32 : i32, i32
  }
  func.func @transform_3(%arg0: i32) -> (i32, i32) {
    %c0_i32 = arith.constant 0 : i32
    %c0_i32_0 = arith.constant 0 : i32
    return %arg0, %c0_i32 : i32, i32
  }
}

</mosaic_0001>

<sc_bundles>
// kernel: kernel.11.cloned.1.call-start
scs
__scs_entry_jumppad:
0x0: {  	(pc) =	sbr.rel $0x88, $3  }
0x1: {  	(tag) =	ssettag $0x0;
	lr =	simm.s32 $0x1  }
0x2: {  	[smem:$0x3F97] =	sst lr;
	_ =	strace $0xD0000000  }
0x3: {  	_ = 	snop  }
0x4: {  	_ = 	snop  }
0x5: {  	_ = 	snop  }
0x6: {  	_ = 	snop  }
0x7: {  	_ = 	snop  }
__scs_overlays_trampoline_lowered:
0x8: {  	[smem:$0x3FA6] =	sst s0  }
0x9: {  	[smem:$0x3FA7] =	sst s1  }
0xa: {  	[smem:$0x3FA8] =	sst s2  }
0xb: {  	[smem:$0x3FA9] =	sst s3  }
0xc: {  	[smem:$0x3FAA] =	sst s4  }
0xd: {  	[smem:$0x3FAB] =	sst s5  }
0xe: {  	[smem:$0x3FAC] =	sst s6  }
0xf: {  	[smem:$0x3FAD] =	sst s7  }
0x10: {  	[smem:$0x3FAE] =	sst s8  }
0x11: {  	[smem:$0x3FAF] =	sst s9;
	s0 =	simm.s32 @!p0 $0x0  }
0x12: {  	s1 =	sld [smem:$0x3F95];
	s0 =	simm.s32 @p0 $0x1  }
0x13: {  	[smem:$0x3FB0] =	sst s0;
	s0 =	simm.s32 @!p1 $0x0  }
0x14: {  	s2 =	sld [smem:$0x3F94];
	s0 =	simm.s32 @p1 $0x1  }
0x15: {  	[smem:$0x3FB1] =	sst s0;
	s0 =	simm.s32 @!p2 $0x0  }
0x16: {  	s3 =	sld [smem:$0x3FDB];
	s0 =	simm.s32 @p2 $0x1  }
0x17: {  	s4 =	simm.s32 $0x1BF5;
	[smem:$0x3FB3] =	sst s0  }
0x18: {  	s0 =	sld [smem:$0x3F96];
	_ =	swait.ge [sflag:s4], $0x0  }
0x19: {  	s7 =	sld [smem:$0x3F97]  }
0x1a: {  	s8 =	sadd.s32 $0xFFFFE003, lr  }
0x1b: {  	s9 =	sadd.s32 $0xFFFFFEF7, lr;
	s5 =	simm.s32 $0xFFFFFFFF;
	p2 =	slt.u32 s8, $0xFFFFF086  }
0x1c: {  	p1 =	slt.u32 s9, $0xF7A;
	s5 =	simm.s32 @!p2 $0x0  }
0x1d: {  	s5 =	simm.s32 @p1 $0x1;
	p0 =	seq.s32 s7, s2  }
0x1e: {  	s7 =	smul.u32 @!p0 $0xF7A, s2;
	p2 =	seq.s32 @!p0 s5, $0x0  }
0x1f: {  	s9 =	smul.u32 $0xF7A, s1;
	s8 =	simm.s32 @!p0 $0x1BF5;
	p2 =	por !p2, p0  }
0x20: {  	[sflag:s8] =	ssyncset.s32 @!p0 $0xFFFFF086;
	s6 =	sadd.s32 @!p0 s3, s7;
	s7 =	simm.s32 @!p0 $0x108  }
0x21: {  	s3 =	sadd.s32 s3, s9;
	s6 =	sadd.s32 @!p0 $0x88, s6;
	s7 =	simm.s32 @p2 $0x1082  }
0x22: {  	[simem:s7], [sflag:s8] =	dma.local @!p0 [hbm:s6], $0xF7A  }
0x23: {  	s9 =	sor.u32 $0xD0000000, s2;
	s6 =	simm.s32 $0x108;
	_ =	swait.ge @!p0 [sflag:s8], $0x0  }
0x24: {  	s3 =	sadd.s32 $0x88, s3;
	s6 =	simm.s32 @!p1 $0x1082;
	[sflag:s4] =	ssyncset.s32 $0xFFFFF086  }
0x25: {  	[simem:s6], [sflag:s4] =	dma.local [hbm:s3], $0xF7A  }
0x26: {  	[smem:$0x3F97] =	sst s1;
	(tag) =	ssettag s2;
	_ =	strace s9  }
0x27: {  	s1 =	sld [smem:$0x3FA7]  }
0x28: {  	s2 =	sld [smem:$0x3FA8]  }
0x29: {  	s4 =	sld [smem:$0x3FAA]  }
0x2a: {  	p0 =	seq.s32 s5, $0x0;
	s5 =	sld [smem:$0x3FAB]  }
0x2b: {  	s6 =	sld [smem:$0x3FAC]  }
0x2c: {  	s7 =	sld [smem:$0x3FAD]  }
0x2d: {  	s3 =	simm.s32 $0x108;
	s8 =	sld [smem:$0x3FAE]  }
0x2e: {  	s3 =	simm.s32 @!p0 $0x1082;
	s9 =	sld [smem:$0x3FAF]  }
0x2f: {  	lr =	sadd.s32 s0, s3;
	s0 =	sld [smem:$0x3FA6]  }
0x30: {  	s3 =	sld [smem:$0x3FA9]  }
0x31: {  	[smem:$0x3FB2] =	sst s10  }
0x32: {  	s10 =	sld [smem:$0x3FB0];
	_ =	sdelay $0x3  }
0x33: {  	p0 =	seq.s32 s10, $0x1;
	s10 =	sld [smem:$0x3FB2];
	_ =	sdelay $0x3  }
0x34: {  	[smem:$0x3FB2] =	sst s10  }
0x35: {  	s10 =	sld [smem:$0x3FB1];
	_ =	sdelay $0x3  }
0x36: {  	p1 =	seq.s32 s10, $0x1;
	s10 =	sld [smem:$0x3FB2];
	_ =	sdelay $0x3  }
0x37: {  	[smem:$0x3FB2] =	sst s10  }
0x38: {  	s10 =	sld [smem:$0x3FB3]  }
0x39: {  	_ = 	snop;
	(pc) =	sbr.ind lr, $3  }
0x3a: {  	_ = 	snop  }
0x3b: {  	_ = 	snop  }
0x3c: {  	p2 =	seq.s32 s10, $0x1;
	s10 =	sld [smem:$0x3FB2]  }
0x3d: {  	_ =	shalt  }
0x3e: {  	_ =	shalt  }
0x3f: {  	_ =	shalt  }
0x40: {  	_ =	shalt  }
0x41: {  	_ =	shalt  }
0x42: {  	_ =	shalt  }
0x43: {  	_ =	shalt  }
0x44: {  	_ =	shalt  }
0x45: {  	_ =	shalt  }
0x46: {  	_ =	shalt  }
0x47: {  	_ =	shalt  }
0x48: {  	_ =	shalt  }
0x49: {  	_ =	shalt  }
0x4a: {  	_ =	shalt  }
0x4b: {  	_ =	shalt  }
0x4c: {  	_ =	shalt  }
0x4d: {  	_ =	shalt  }
0x4e: {  	_ =	shalt  }
0x4f: {  	_ =	shalt  }
0x50: {  	_ =	shalt  }
0x51: {  	_ =	shalt  }
0x52: {  	_ =	shalt  }
0x53: {  	_ =	shalt  }
0x54: {  	_ =	shalt  }
0x55: {  	_ =	shalt  }
0x56: {  	_ =	shalt  }
0x57: {  	_ =	shalt  }
0x58: {  	_ =	shalt  }
0x59: {  	_ =	shalt  }
0x5a: {  	_ =	shalt  }
0x5b: {  	_ =	shalt  }
0x5c: {  	_ =	shalt  }
0x5d: {  	_ =	shalt  }
0x5e: {  	_ =	shalt  }
0x5f: {  	_ =	shalt  }
0x60: {  	_ =	shalt  }
0x61: {  	_ =	shalt  }
0x62: {  	_ =	shalt  }
0x63: {  	_ =	shalt  }
0x64: {  	_ =	shalt  }
0x65: {  	_ =	shalt  }
0x66: {  	_ =	shalt  }
0x67: {  	_ =	shalt  }
0x68: {  	_ =	shalt  }
0x69: {  	_ =	shalt  }
0x6a: {  	_ =	shalt  }
0x6b: {  	_ =	shalt  }
0x6c: {  	_ =	shalt  }
0x6d: {  	_ =	shalt  }
0x6e: {  	_ =	shalt  }
0x6f: {  	_ =	shalt  }
0x70: {  	_ =	shalt  }
0x71: {  	_ =	shalt  }
0x72: {  	_ =	shalt  }
0x73: {  	_ =	shalt  }
0x74: {  	_ =	shalt  }
0x75: {  	_ =	shalt  }
0x76: {  	_ =	shalt  }
0x77: {  	_ =	shalt  }
0x78: {  	_ =	shalt  }
0x79: {  	_ =	shalt  }
0x7a: {  	_ =	shalt  }
0x7b: {  	_ =	shalt  }
0x7c: {  	_ =	shalt  }
0x7d: {  	_ =	shalt  }
0x7e: {  	_ =	shalt  }
0x7f: {  	_ =	shalt  }
0x80: {  	_ =	shalt  }
0x81: {  	_ =	shalt  }
0x82: {  	_ =	shalt  }
0x83: {  	_ =	shalt  }
0x84: {  	_ =	shalt  }
0x85: {  	_ =	shalt  }
0x86: {  	_ =	shalt  }
0x87: {  	_ =	shalt  }
.Lfunc_end0:
.L_simem_size_0:
called_computation_lowered:
.L_overlay_start_0:
0x88: {  	s2 =	sld [smem:$0x3FD9]  }
0x89: {  	s3 =	sld [smem:$0x3FFE];
	_ =	sdelay $0x1  }
0x8a: {  	s1 =	srdreg.scid  }
0x8b: {  	s0 =	sand.u32 $0x1, s1  }
0x8c: {  	s14 =	sshll.u32 s0, $0xA;
	s2 =	sadd.s32 s3, s2  }
0x8d: {  	s2 =	sadd.s32 s2, s14  }
0x8e: {  	[smem:$0x3FBE] =	sst s2  }
0x8f: {  	_ = 	snop  }
0x90: {  	s2 =	sld [smem:$0x3FD0];
	_ =	sdelay $0x2  }
0x91: {  	s15 =	simm.s32 $0xA;
	s4 =	simm.s32 $0x10  }
0x92: {  	[smem:s4], [sflag:s15] =	dma.local [hbm:s2], $0x1  }
0x93: {  	_ =	swait.eq [sflag:s15], $0x1  }
0x94: {  	[sflag:s15] =	ssyncset.done $0x0  }
0x95: {  	[sflag:s15] =	ssyncadd.s32 $0xFFFFFFFF  }
0x96: {  	s16 =	sld [smem:$0x11];
	(tm) =	ssettm $0x1  }
0x97: {  	s17 =	sld [smem:$0x3FFB];
	_ =	sdelay $0x3  }
0x98: {  	_ =	strace s17  }
0x99: {  	s3 =	sld [smem:$0x3FFC];
	_ =	sdelay $0x3  }
0x9a: {  	_ =	strace s3  }
0x9b: {  	s3 =	sld [smem:$0x3FFD];
	_ =	sdelay $0x3  }
0x9c: {  	_ =	strace s3  }
0x9d: {  	_ =	strace $0x8FFFFFFF  }
0x9e: {  	s18 =	sld [smem:$0x3FDB];
	_ =	sdelay $0x1  }
0x9f: {  	s19 =	simm.s32 $_scs_section_size  }
0xa0: {  	s5 =	simm.s32 $_size__tile_overlayer_lowered;
	s6 =	simm.s32 $_tile_overlayer_lowered  }
0xa1: {  	s22 =	simm.s32 $0x1BFF;
	s21 =	sshll.u32 s6, $0x1;
	s3 =	sadd.s32 s19, s18  }
0xa2: {  	s7 =	simm.s32 $0x0;
	s20 =	sshll.u32 s5, $0x1;
	s5 =	sadd.s32 s21, s3  }
0xa3: {  	[timem:s7], [sflag:s22] =	dma.local [hbm:s5], s20  }
0xa4: {  	_ =	swait.ge [sflag:s22], s20  }
0xa5: {  	s4 =	ssub.s32 $0x0, s20;
	[sflag:s22] =	ssyncset.done $0x0  }
0xa6: {  	[sflag:s22] =	ssyncadd.s32 s4;
	_ =	sdelay $0x1  }
0xa7: {  	s23 =	simm.s32 $0x1B8B  }
0xa8: {  	_ =	swait.ge [sflag:s23], $0x1  }
0xa9: {  	[sflag:s23] =	ssyncset.done $0x0  }
0xaa: {  	s25 =	simm.s32 $0x1B8E;
	s24 =	sld [smem:$0x3FFE];
	[sflag:s23] =	ssyncadd.s32 $0xFFFFFFFF  }
0xab: {  	s26 =	simm.s32 $execute0_lowered;
	[smem:$0x3FD2] =	sst s25  }
0xac: {  	s5 =	sshll.u32 s26, $0x1;
	_ =	strace $0x80000046;
	[dreg:$0x1] =	wrdreg $0xFFFFFFFF  }
0xad: {  	s28 =	simm.s32 $_size_execute0_lowered;
	s3 =	sadd.s32 s3, s5;
	[dreg:$0x0] =	wrdreg $0x0  }
0xae: {  	s5 =	sshll.u32 s28, $0x1;
	[dreg:$0x2] =	wrdreg s3  }
0xaf: {  	[dreg:$0x3] =	wrdreg s5  }
0xb0: {  	[dreg:$0x4] =	wrdreg $0xC0  }
0xb1: {  	_ =	task [dreg:s7], $0x5FFFF  }
0xb2: {  	[dreg:$0x1] =	wrdreg $0xFFFFFFFF  }
0xb3: {  	[dreg:$0x0] =	wrdreg $0x60  }
0xb4: {  	[dreg:$0x2] =	wrdreg s24  }
0xb5: {  	[dreg:$0x3] =	wrdreg s16  }
0xb6: {  	[dreg:$0x4] =	wrdreg $0x8C000  }
0xb7: {  	[dreg:$0x5] =	wrdreg $0x9  }
0xb8: {  	_ =	task.clear_ibuf [dreg:s7], $0x6FFFF;
	_ =	strace $0x90000046  }
0xb9: {  	s29 =	simm.s32 $0x9;
	_ =	strace $0x80000048  }
0xba: {  	_ =	swait.ge [sflag:s29], $0x1  }
0xbb: {  	[sflag:s29] =	ssyncadd.s32 $0xFFFFFFFF  }
0xbc: {  	_ =	strace $0x90000048  }
0xbd: {  	_ =	sfence  }
0xbe: {  	s30 =	sld [smem:$0x0];
	_ =	sdelay $0x2  }
0xbf: {  	s31 =	sshll.u32 s1, $0xD;
	s1 =	sshrl.u32 s1, $0x2  }
0xc0: {  	s3 =	sand.u32 $0x4000, s31;
	s1 =	sadd.s32 s1, s30  }
0xc1: {  	s0 =	sor.u32 s3, s0;
	s1 =	sshll.u32 s1, $0x11  }
0xc2: {  	s0 =	sor.u32 s1, s0  }
0xc3: {  	s0 =	sadd.s32 $0x8F2B, s0  }
0xc4: {  	[sflag:s0] =	ssyncadd.remote.s32 $0x1  }
0xc5: {  	_ =	sfence.sel $0xFFFF  }
0xc6: {  	[dreg:$0x0] =	wrdreg $0xFFFFFFFF;
	(pc) =	sbr.abs _section_cstart, $3  }
0xc7: {  	[dreg:$0x1] =	wrdreg $0xFFFFFFFF  }
0xc8: {  	_ =	task.clear_ibuf [dreg:s7], $0x2FFFF;
	_ =	strace $0x9FFFFFFF  }
0xc9: {  	(tm) =	ssettm $0x7FFFFFFF  }
tec
execute0_lowered:
.L_overlay_start_1:
0x0: {  	(tag) =	ssettag $0x1  }
0x1: {  	s0 =	rddreg [dreg:$0x0]  }
0x2: {  	s1 =	rddreg [dreg:$0x1]  }
0x3: {  	s2 =	rddreg [dreg:$0x2];
	s8 =	stileid.u32;
	s3 =	simm.s32 $0x0  }
0x4: {  	s5 =	srdreg.scid;
	s20 =	simm.s32 $0x4000;
	s4 =	smul.u32 $0xC000, s8  }
0x5: {  	s21 =	simm.s32 $0x1;
	s22 =	simm.s32 $0x80;
	s6 =	smul.u32 $0x2800, s8  }
0x6: {  	[smem:$0x7FF] =	sst s3;
	s16 =	sand.u32 $0x1, s5;
	s7 =	smul.u32 $0x50000, s8  }
0x7: {  	s26 =	smul.u32 $0x180, s8;
	s31 =	sshll.u32 s8, $0x6;
	p1 =	seq.s32 s8, $0xF  }
0x8: {  	_ =	strace $0x80000047;
	s5 =	ssub.s32 $0x2, s16;
	s14 =	sor.u32 $0x1C03, s31  }
0x9: {  	p0 =	sne.s32 s16, $0x0;
	s17 =	sadd.s32 s4, s0;
	s0 =	sadd.s32 s6, s0  }
0xa: {  	s24 =	sshrl.u32 s5, $0x1;
	s25 =	sshrl.u32 s7, $0x2;
	s6 =	sadd.s32 s1, s26  }
0xb: {  	s26 =	simm.s32 $0x0;
	s13 =	ssub.s32 s5, s24;
	s18 =	sadd.s32 s25, s2  }
0xc: {  	s4 =	sadd.s32 $0x17C400, s0;
	s5 =	smul.u32 $0x18, s8;
	s28 =	sadd.s32 $0xC0C00, s17  }
.Ltmp0:
0xd: {  	s29 =	sadd.s32 $0xC1400, s17;
	s9 =	sadd.s32 $0x1CC400, s0;
	(pc) =	sbr.rel .LBB2_1-.Ltmp0, $4  }
0xe: {  	s30 =	sadd.s32 $0x5400, s17;
	s11 =	sadd.s32 $0x5C00, s17;
	[dreg:$0x4] =	wrdreg s28  }
0xf: {  	s12 =	sadd.s32 $0x1A4400, s0;
	s15 =	sadd.s32 $0xC2400, s17;
	[dreg:$0x5] =	wrdreg s29  }
0x10: {  	s0 =	sadd.s32 $0x6C00, s17;
	s24 =	simm.s32 $0x2;
	[dreg:$0x6] =	wrdreg s30  }
0x11: {  	s13 =	smax.u32 s13, $0x1;
	s17 =	sshrl.u32 s18, $0x3;
	s18 =	simm.s32 $0x3  }
.LBB2_8:
0x12: {  	_ =	swait.ge [sflag:s21], $0x4000  }
0x13: {  	[sflag:s21] =	ssyncset.done $0x0  }
0x14: {  	s7 =	simm.s32 $0x8B00;
	[sflag:s21] =	ssyncadd.s32 $0xFFFFC000  }
0x15: {  	[spmem:s2] =	stream.indirect.scatter.add.f32 [tilespmem:s3], [sflag:$0x3], $0x80, s7, s22, $0xb8;
	[tilespmem:$0x1CC00] =	vst v63  }
0x16: {  	_ =	swait.ge [sflag:s18], $0x4000  }
0x17: {  	[sflag:s18] =	ssyncset.done $0x0  }
0x18: {  	[sflag:s18] =	ssyncadd.s32 $0xFFFFC000  }
0x19: {  	_ =	swait.ge [sflag:s24], $0x4000  }
0x1a: {  	[sflag:s24] =	ssyncset.done $0x0  }
0x1b: {  	s31 =	simm.s32 $0x8B80;
	[sflag:s24] =	ssyncadd.s32 $0xFFFFC000  }
0x1c: {  	[spmem:s2] =	stream.indirect.scatter.add.f32 [tilespmem:s20], [sflag:$0x3], $0x80, s31, s22, $0xb8;
	[tilespmem:$0x1CC00] =	vst v63  }
0x1d: {  	_ =	swait.ge [sflag:s18], $0x4000  }
0x1e: {  	[sflag:s18] =	ssyncset.done $0x0  }
0x1f: {  	[sflag:s18] =	ssyncadd.s32 $0xFFFFC000  }
.LBB2_9:
0x20: {  	s26 =	sadd.s32 $0x1, s26  }
0x21: {  	p2 =	sne.s32 s26, s13  }
.Ltmp1:
0x22: {  	[bflag:$0x0] =	sbarrier.arrive $0xFFFF;
	(pc) =	sbr.rel @!p2 .LBB2_10-.Ltmp1, $4  }
0x23: {  	[hbm:s1], [sflag:s14] =	dma.local [spmem:s17], $0x2800  }
0x24: {  	_ =	swait.ge [sflag:s18], $0x2800  }
0x25: {  	[sflag:s18] =	ssyncset.done $0x0  }
0x26: {  	[sflag:s18] =	ssyncadd.s32 $0xFFFFD800  }
.LBB2_1:
0x27: {  	[spmem:s17], [sflag:s14] =	dma.local [hbm:s4], $0x2800  }
0x28: {  	_ =	swait.ge [sflag:s18], $0x2800  }
0x29: {  	[sflag:s18] =	ssyncset.done $0x0  }
0x2a: {  	s1 =	simm.s32 $0x8000;
	[sflag:s18] =	ssyncadd.s32 $0xFFFFD800  }
0x2b: {  	[tilespmem:s1], [sflag:$0x3] =	stream.linear.gather [hbm4b:s6+s3], $0xC00, $0x38;
	[tilespmem:$0x1CC00] =	vst v63  }
.Ltmp2:
0x2c: {  	_ =	swait.ge [sflag:s18], $0xC00;
	(pc) =	sbr.rel @p0 .LBB2_5-.Ltmp2, $4  }
0x2d: {  	[sflag:s18] =	ssyncset.done $0x0  }
0x2e: {  	[sflag:s18] =	ssyncadd.s32 $0xFFFFF400  }
0x2f: {  	[bflag:$0x0] =	sbarrier.arrive $0xFFFF  }
0x30: {  	s1 =	simm.s32 $0x0  }
0x31: {  	s7 =	rddreg [dreg:$0x6];
	s8 =	sadd.s32 $0x0, s5  }
0x32: {  	[tilespmem:s1], [sflag:$0x1] =	stream.linear.gather [hbm4b:s7+s1], $0x4000, $0x38;
	[tilespmem:$0x1CC00] =	vst v63  }
0x33: {  	s23 =	simm.s32 $0x8000;
	p2 =	sgt.u32 s8, $0x176  }
0x34: {  	s30 =	simm.s32 $0x4;
	s31 =	sadd.s32 $0x2, s5;
	s16 =	simm.s32 @!p2 $0x1  }
0x35: {  	[tilespmem:s20], [sflag:$0x2] =	stream.linear.gather [hbm4b:s11+s1], $0x4000, $0x38;
	[tilespmem:$0x1CC00] =	vst v63  }
0x36: {  	s10 =	sadd.s32 $0x2, s8;
	s19 =	sadd.s32 $0x1, s8;
	_ =	swait.ge @!p2 [sflag:s16], $0x4000  }
0x37: {  	s25 =	simm.s32 @!p2 $0x3;
	s28 =	simm.s32 @!p2 $0x80;
	[sflag:s16] =	ssyncset.done @!p2 $0x0  }
0x38: {  	s29 =	simm.s32 @!p2 $0x0;
	p4 =	sgt.u32 s10, $0x176;
	[sflag:s16] =	ssyncadd.s32 @!p2 $0xFFFFC000  }
0x39: {  	[spmem:s2] =	stream.indirect.scatter.add.f32 @!p2 [tilespmem:s29], [sflag:$0x3], $0x80, s23, s28, $0xb8;
	[tilespmem:$0x1CC00] =	vst v63  }
0x3a: {  	p3 =	sgt.u32 s19, $0x176;
	s1 =	sadd.s32 $0x3, s8;
	_ =	swait.ge @!p2 [sflag:s25], $0x4000  }
0x3b: {  	s16 =	simm.s32 @!p3 $0x2;
	s23 =	sadd.s32 @!p4 $0xFFFFF800, s0;
	[sflag:s25] =	ssyncset.done @!p2 $0x0  }
0x3c: {  	s28 =	simm.s32 @!p4 $0x0;
	s29 =	simm.s32 $0x8100;
	[sflag:s25] =	ssyncadd.s32 @!p2 $0xFFFFC000  }
0x3d: {  	[tilespmem:s28], [sflag:$0x1] =	stream.linear.gather @!p4 [hbm4b:s23+s28], $0x4000, $0x38;
	[tilespmem:$0x1CC00] =	vst v63  }
0x3e: {  	p2 =	sgt.u32 s1, $0x176;
	s1 =	simm.s32 @!p3 $0x4000;
	_ =	swait.ge @!p3 [sflag:s16], $0x4000  }
0x3f: {  	s25 =	simm.s32 @!p3 $0x3;
	s23 =	simm.s32 @!p3 $0x80;
	[sflag:s16] =	ssyncset.done @!p3 $0x0  }
0x40: {  	s28 =	sadd.s32 $0x1000, s0;
	[sflag:s16] =	ssyncadd.s32 @!p3 $0xFFFFC000;
	s16 =	simm.s32 @!p3 $0x8080  }
0x41: {  	[spmem:s2] =	stream.indirect.scatter.add.f32 @!p3 [tilespmem:s1], [sflag:$0x3], $0x80, s16, s23, $0xb8;
	[tilespmem:$0x1CC00] =	vst v63  }
0x42: {  	s1 =	simm.s32 @!p2 $0x4000;
	s23 =	simm.s32 @!p2 $0x0;
	s16 =	smov.u32 s0  }
.LBB2_3:
0x43: {  	p5 =	sgt.u32 s31, $0x176;
	s7 =	sadd.s32 $0x3, s31;
	_ =	swait.ge @!p3 [sflag:s25], $0x4000  }
0x44: {  	s8 =	smov.u32 s30;
	s19 =	smov.u32 s29;
	p6 =	por p2, p2  }
0x45: {  	s30 =	sadd.s32 $0x2, s30;
	s10 =	simm.s32 @!p5 $0x1;
	[sflag:s25] =	ssyncset.done @!p3 $0x0  }
0x46: {  	p4 =	sne.s32 s30, $0x16;
	p2 =	sgt.u32 s7, $0x176;
	[sflag:s25] =	ssyncadd.s32 @!p3 $0xFFFFC000  }
0x47: {  	[tilespmem:s1], [sflag:$0x2] =	stream.linear.gather @!p6 [hbm4b:s16+s23], $0x4000, $0x38;
	[tilespmem:$0x1CC00] =	vst v63  }
0x48: {  	s1 =	simm.s32 @!p5 $0x3;
	s16 =	smov.u32 s28;
	_ =	swait.ge @!p5 [sflag:s10], $0x4000  }
0x49: {  	s7 =	simm.s32 @!p5 $0x80;
	s23 =	simm.s32 @!p5 $0x0;
	[sflag:s10] =	ssyncset.done @!p5 $0x0  }
0x4a: {  	s28 =	sadd.s32 $0x1000, s28;
	[sflag:s10] =	ssyncadd.s32 @!p5 $0xFFFFC000;
	s10 =	sadd.s32 $0x2, s31  }
0x4b: {  	[spmem:s2] =	stream.indirect.scatter.add.f32 @!p5 [tilespmem:s23], [sflag:$0x3], $0x80, s29, s7, $0xb8;
	[tilespmem:$0x1CC00] =	vst v63  }
0x4c: {  	p6 =	sgt.u32 s10, $0x176;
	s7 =	sadd.s32 $0x1, s31;
	_ =	swait.ge @!p5 [sflag:s1], $0x4000  }
0x4d: {  	s10 =	sadd.s32 @!p6 $0xFFFFF800, s16;
	s23 =	simm.s32 @!p6 $0x0;
	[sflag:s1] =	ssyncset.done @!p5 $0x0  }
0x4e: {  	s29 =	sadd.s32 $0x100, s29;
	p3 =	sgt.u32 s7, $0x176;
	[sflag:s1] =	ssyncadd.s32 @!p5 $0xFFFFC000  }
0x4f: {  	[tilespmem:s23], [sflag:$0x1] =	stream.linear.gather @!p6 [hbm4b:s10+s23], $0x4000, $0x38;
	[tilespmem:$0x1CC00] =	vst v63  }
.Ltmp3:
0x50: {  	s7 =	simm.s32 @!p3 $0x2;
	s1 =	simm.s32 @!p2 $0x4000;
	(pc) =	sbr.rel @p4 .LBB2_3-.Ltmp3, $4  }
0x51: {  	s31 =	sadd.s32 s8, s5;
	s23 =	simm.s32 @!p2 $0x0;
	_ =	swait.ge @!p3 [sflag:s7], $0x4000  }
0x52: {  	s8 =	simm.s32 @!p3 $0x4000;
	s25 =	simm.s32 @!p3 $0x3;
	[sflag:s7] =	ssyncset.done @!p3 $0x0  }
0x53: {  	s10 =	simm.s32 @!p3 $0x80;
	[sflag:s7] =	ssyncadd.s32 @!p3 $0xFFFFC000;
	s7 =	sadd.s32 @!p3 $0x80, s19  }
0x54: {  	[spmem:s2] =	stream.indirect.scatter.add.f32 @!p3 [tilespmem:s8], [sflag:$0x3], $0x80, s7, s10, $0xb8;
	[tilespmem:$0x1CC00] =	vst v63  }
0x55: {  	_ =	swait.ge @!p3 [sflag:s25], $0x4000  }
0x56: {  	p4 =	sgt.u32 s31, $0x176;
	[sflag:s25] =	ssyncset.done @!p3 $0x0  }
0x57: {  	p2 =	por p2, p2;
	s7 =	simm.s32 @!p4 $0x1;
	[sflag:s25] =	ssyncadd.s32 @!p3 $0xFFFFC000  }
0x58: {  	[tilespmem:s1], [sflag:$0x2] =	stream.linear.gather @!p2 [hbm4b:s16+s23], $0x4000, $0x38;
	[tilespmem:$0x1CC00] =	vst v63  }
0x59: {  	_ =	swait.ge @!p4 [sflag:s7], $0x4000  }
0x5a: {  	s8 =	simm.s32 @!p4 $0x80;
	s10 =	simm.s32 @!p4 $0x0;
	[sflag:s7] =	ssyncset.done @!p4 $0x0  }
0x5b: {  	s25 =	sadd.s32 $0x2, s31;
	s1 =	simm.s32 @!p4 $0x3;
	[sflag:s7] =	ssyncadd.s32 @!p4 $0xFFFFC000  }
0x5c: {  	[spmem:s2] =	stream.indirect.scatter.add.f32 @!p4 [tilespmem:s10], [sflag:$0x3], $0x80, s29, s8, $0xb8;
	[tilespmem:$0x1CC00] =	vst v63  }
0x5d: {  	s30 =	sadd.s32 $0x1, s31;
	p3 =	sgt.u32 s25, $0x176;
	_ =	swait.ge @!p4 [sflag:s1], $0x4000  }
0x5e: {  	p2 =	sgt.u32 s30, $0x176;
	s8 =	sadd.s32 @!p3 $0xFFFFF800, s28;
	[sflag:s1] =	ssyncset.done @!p4 $0x0  }
0x5f: {  	s10 =	simm.s32 @!p3 $0x0;
	[sflag:s1] =	ssyncadd.s32 @!p4 $0xFFFFC000;
	s1 =	simm.s32 @!p2 $0x2  }
0x60: {  	[tilespmem:s10], [sflag:$0x1] =	stream.linear.gather @!p3 [hbm4b:s8+s10], $0x4000, $0x38;
	[tilespmem:$0x1CC00] =	vst v63  }
0x61: {  	s31 =	sadd.s32 $0x3, s31;
	_ =	swait.ge @!p2 [sflag:s1], $0x4000  }
0x62: {  	s16 =	simm.s32 @!p2 $0x80;
	s8 =	simm.s32 @!p2 $0x4000;
	[sflag:s1] =	ssyncset.done @!p2 $0x0  }
0x63: {  	s10 =	simm.s32 @!p2 $0x3;
	[sflag:s1] =	ssyncadd.s32 @!p2 $0xFFFFC000;
	s1 =	sadd.s32 @!p2 $0x80, s29  }
0x64: {  	[spmem:s2] =	stream.indirect.scatter.add.f32 @!p2 [tilespmem:s8], [sflag:$0x3], $0x80, s1, s16, $0xb8;
	[tilespmem:$0x1CC00] =	vst v63  }
.Ltmp4:
0x65: {  	p3 =	sgt.u32 s31, $0x176;
	_ =	swait.ge @!p2 [sflag:s10], $0x4000;
	(pc) =	sbr.rel @p1 .LBB2_9-.Ltmp4, $4  }
.Ltmp5:
0x66: {  	s7 =	simm.s32 @!p3 $0x0;
	[sflag:s10] =	ssyncset.done @!p2 $0x0;
	(pc) =	sbr.rel @!p1 .LBB2_8-.Ltmp5, $4  }
0x67: {  	s1 =	simm.s32 @!p3 $0x4000;
	p3 =	por p3, p3;
	[sflag:s10] =	ssyncadd.s32 @!p2 $0xFFFFC000  }
0x68: {  	[tilespmem:s1], [sflag:$0x2] =	stream.linear.gather @!p3 [hbm4b:s28+s7], $0x4000, $0x38;
	[tilespmem:$0x1CC00] =	vst v63  }
0x69: {  	s1 =	smov.u32 s12  }
0x6a: {  	_ = 	snop  }
.LBB2_5:
0x6b: {  	s7 =	rddreg [dreg:$0x4]  }
0x6c: {  	[tilespmem:s1], [sflag:$0x1] =	stream.linear.gather [hbm4b:s7+s1], $0x4000, $0x38;
	[tilespmem:$0x1CC00] =	vst v63  }
0x6d: {  	s19 =	rddreg [dreg:$0x5]  }
0x6e: {  	[tilespmem:s20], [sflag:$0x2] =	stream.linear.gather [hbm4b:s19+s1], $0x4000, $0x38;
	[tilespmem:$0x1CC00] =	vst v63  }
0x6f: {  	s1 =	sadd.s32 $0x0, s5  }
0x70: {  	s8 =	simm.s32 $0x8000;
	p2 =	sgt.u32 s1, $0x176  }
0x71: {  	s30 =	simm.s32 $0x4;
	s28 =	sadd.s32 $0x1000, s15;
	s7 =	simm.s32 @!p2 $0x1  }
0x72: {  	s29 =	simm.s32 $0x8100;
	s31 =	sadd.s32 $0x2, s5;
	_ =	swait.ge @!p2 [sflag:s7], $0x4000  }
0x73: {  	s25 =	sadd.s32 $0x1, s1;
	s10 =	simm.s32 @!p2 $0x3;
	[sflag:s7] =	ssyncset.done @!p2 $0x0  }
0x74: {  	s16 =	simm.s32 @!p2 $0x80;
	s19 =	simm.s32 @!p2 $0x0;
	[sflag:s7] =	ssyncadd.s32 @!p2 $0xFFFFC000  }
0x75: {  	[spmem:s2] =	stream.indirect.scatter.add.f32 @!p2 [tilespmem:s19], [sflag:$0x3], $0x80, s8, s16, $0xb8;
	[tilespmem:$0x1CC00] =	vst v63  }
0x76: {  	s23 =	sadd.s32 $0x2, s1;
	p3 =	sgt.u32 s25, $0x176;
	_ =	swait.ge @!p2 [sflag:s10], $0x4000  }
0x77: {  	p4 =	sgt.u32 s23, $0x176;
	s7 =	simm.s32 @!p3 $0x2;
	[sflag:s10] =	ssyncset.done @!p2 $0x0  }
0x78: {  	s8 =	sadd.s32 @!p4 $0xFFFFF800, s15;
	s16 =	simm.s32 @!p4 $0x0;
	[sflag:s10] =	ssyncadd.s32 @!p2 $0xFFFFC000  }
0x79: {  	[tilespmem:s16], [sflag:$0x1] =	stream.linear.gather @!p4 [hbm4b:s8+s16], $0x4000, $0x38;
	[tilespmem:$0x1CC00] =	vst v63  }
0x7a: {  	s1 =	sadd.s32 $0x3, s1;
	s25 =	simm.s32 @!p3 $0x3;
	_ =	swait.ge @!p3 [sflag:s7], $0x4000  }
0x7b: {  	p2 =	sgt.u32 s1, $0x176;
	s1 =	simm.s32 @!p3 $0x4000;
	[sflag:s7] =	ssyncset.done @!p3 $0x0  }
0x7c: {  	s8 =	simm.s32 @!p3 $0x80;
	[sflag:s7] =	ssyncadd.s32 @!p3 $0xFFFFC000;
	s7 =	simm.s32 @!p3 $0x8080  }
0x7d: {  	[spmem:s2] =	stream.indirect.scatter.add.f32 @!p3 [tilespmem:s1], [sflag:$0x3], $0x80, s7, s8, $0xb8;
	[tilespmem:$0x1CC00] =	vst v63  }
0x7e: {  	s23 =	simm.s32 @!p2 $0x0;
	s16 =	smov.u32 s15;
	s1 =	simm.s32 @!p2 $0x4000  }
.LBB2_6:
0x7f: {  	p5 =	sgt.u32 s31, $0x176;
	s7 =	sadd.s32 $0x3, s31;
	_ =	swait.ge @!p3 [sflag:s25], $0x4000  }
0x80: {  	s8 =	smov.u32 s30;
	s10 =	smov.u32 s29;
	p6 =	por p2, p2  }
0x81: {  	s30 =	sadd.s32 $0x2, s30;
	s19 =	simm.s32 @!p5 $0x1;
	[sflag:s25] =	ssyncset.done @!p3 $0x0  }
0x82: {  	p4 =	sne.s32 s30, $0x16;
	p2 =	sgt.u32 s7, $0x176;
	[sflag:s25] =	ssyncadd.s32 @!p3 $0xFFFFC000  }
0x83: {  	[tilespmem:s1], [sflag:$0x2] =	stream.linear.gather @!p6 [hbm4b:s16+s23], $0x4000, $0x38;
	[tilespmem:$0x1CC00] =	vst v63  }
0x84: {  	s1 =	simm.s32 @!p5 $0x3;
	s16 =	smov.u32 s28;
	_ =	swait.ge @!p5 [sflag:s19], $0x4000  }
0x85: {  	s7 =	simm.s32 @!p5 $0x80;
	s23 =	simm.s32 @!p5 $0x0;
	[sflag:s19] =	ssyncset.done @!p5 $0x0  }
0x86: {  	s28 =	sadd.s32 $0x1000, s28;
	[sflag:s19] =	ssyncadd.s32 @!p5 $0xFFFFC000;
	s19 =	sadd.s32 $0x2, s31  }
0x87: {  	[spmem:s2] =	stream.indirect.scatter.add.f32 @!p5 [tilespmem:s23], [sflag:$0x3], $0x80, s29, s7, $0xb8;
	[tilespmem:$0x1CC00] =	vst v63  }
0x88: {  	p6 =	sgt.u32 s19, $0x176;
	s7 =	sadd.s32 $0x1, s31;
	_ =	swait.ge @!p5 [sflag:s1], $0x4000  }
0x89: {  	s19 =	sadd.s32 @!p6 $0xFFFFF800, s16;
	s23 =	simm.s32 @!p6 $0x0;
	[sflag:s1] =	ssyncset.done @!p5 $0x0  }
0x8a: {  	s29 =	sadd.s32 $0x100, s29;
	p3 =	sgt.u32 s7, $0x176;
	[sflag:s1] =	ssyncadd.s32 @!p5 $0xFFFFC000  }
0x8b: {  	[tilespmem:s23], [sflag:$0x1] =	stream.linear.gather @!p6 [hbm4b:s19+s23], $0x4000, $0x38;
	[tilespmem:$0x1CC00] =	vst v63  }
.Ltmp6:
0x8c: {  	s7 =	simm.s32 @!p3 $0x2;
	s1 =	simm.s32 @!p2 $0x4000;
	(pc) =	sbr.rel @p4 .LBB2_6-.Ltmp6, $4  }
0x8d: {  	s31 =	sadd.s32 s8, s5;
	s23 =	simm.s32 @!p2 $0x0;
	_ =	swait.ge @!p3 [sflag:s7], $0x4000  }
0x8e: {  	s8 =	simm.s32 @!p3 $0x4000;
	s25 =	simm.s32 @!p3 $0x3;
	[sflag:s7] =	ssyncset.done @!p3 $0x0  }
0x8f: {  	[sflag:s7] =	ssyncadd.s32 @!p3 $0xFFFFC000;
	s7 =	sadd.s32 @!p3 $0x80, s10;
	s10 =	simm.s32 @!p3 $0x80  }
0x90: {  	[spmem:s2] =	stream.indirect.scatter.add.f32 @!p3 [tilespmem:s8], [sflag:$0x3], $0x80, s7, s10, $0xb8;
	[tilespmem:$0x1CC00] =	vst v63  }
0x91: {  	_ =	swait.ge @!p3 [sflag:s25], $0x4000  }
0x92: {  	p4 =	sgt.u32 s31, $0x176;
	[sflag:s25] =	ssyncset.done @!p3 $0x0  }
0x93: {  	p2 =	por p2, p2;
	s7 =	simm.s32 @!p4 $0x1;
	[sflag:s25] =	ssyncadd.s32 @!p3 $0xFFFFC000  }
0x94: {  	[tilespmem:s1], [sflag:$0x2] =	stream.linear.gather @!p2 [hbm4b:s16+s23], $0x4000, $0x38;
	[tilespmem:$0x1CC00] =	vst v63  }
0x95: {  	_ =	swait.ge @!p4 [sflag:s7], $0x4000  }
0x96: {  	s8 =	simm.s32 @!p4 $0x80;
	s10 =	simm.s32 @!p4 $0x0;
	[sflag:s7] =	ssyncset.done @!p4 $0x0  }
0x97: {  	s25 =	sadd.s32 $0x2, s31;
	s1 =	simm.s32 @!p4 $0x3;
	[sflag:s7] =	ssyncadd.s32 @!p4 $0xFFFFC000  }
0x98: {  	[spmem:s2] =	stream.indirect.scatter.add.f32 @!p4 [tilespmem:s10], [sflag:$0x3], $0x80, s29, s8, $0xb8;
	[tilespmem:$0x1CC00] =	vst v63  }
0x99: {  	s30 =	sadd.s32 $0x1, s31;
	p3 =	sgt.u32 s25, $0x176;
	_ =	swait.ge @!p4 [sflag:s1], $0x4000  }
0x9a: {  	p2 =	sgt.u32 s30, $0x176;
	s8 =	sadd.s32 @!p3 $0xFFFFF800, s28;
	[sflag:s1] =	ssyncset.done @!p4 $0x0  }
0x9b: {  	s10 =	simm.s32 @!p3 $0x0;
	[sflag:s1] =	ssyncadd.s32 @!p4 $0xFFFFC000;
	s1 =	simm.s32 @!p2 $0x2  }
0x9c: {  	[tilespmem:s10], [sflag:$0x1] =	stream.linear.gather @!p3 [hbm4b:s8+s10], $0x4000, $0x38;
	[tilespmem:$0x1CC00] =	vst v63  }
0x9d: {  	s31 =	sadd.s32 $0x3, s31;
	_ =	swait.ge @!p2 [sflag:s1], $0x4000  }
0x9e: {  	s16 =	simm.s32 @!p2 $0x80;
	s8 =	simm.s32 @!p2 $0x4000;
	[sflag:s1] =	ssyncset.done @!p2 $0x0  }
0x9f: {  	s10 =	simm.s32 @!p2 $0x3;
	[sflag:s1] =	ssyncadd.s32 @!p2 $0xFFFFC000;
	s1 =	sadd.s32 @!p2 $0x80, s29  }
0xa0: {  	[spmem:s2] =	stream.indirect.scatter.add.f32 @!p2 [tilespmem:s8], [sflag:$0x3], $0x80, s1, s16, $0xb8;
	[tilespmem:$0x1CC00] =	vst v63  }
.Ltmp7:
0xa1: {  	p3 =	sgt.u32 s31, $0x176;
	_ =	swait.ge @!p2 [sflag:s10], $0x4000;
	(pc) =	sbr.rel @p1 .LBB2_9-.Ltmp7, $4  }
.Ltmp8:
0xa2: {  	s7 =	simm.s32 @!p3 $0x0;
	[sflag:s10] =	ssyncset.done @!p2 $0x0;
	(pc) =	sbr.rel @!p1 .LBB2_8-.Ltmp8, $4  }
0xa3: {  	s1 =	simm.s32 @!p3 $0x4000;
	p3 =	por p3, p3;
	[sflag:s10] =	ssyncadd.s32 @!p2 $0xFFFFC000  }
0xa4: {  	[tilespmem:s1], [sflag:$0x2] =	stream.linear.gather @!p3 [hbm4b:s28+s7], $0x4000, $0x38;
	[tilespmem:$0x1CC00] =	vst v63  }
0xa5: {  	s1 =	smov.u32 s9  }
0xa6: {  	_ = 	snop  }
.LBB2_10:
0xa7: {  	_ =	sfence.sel $0x180000  }
0xa8: {  	[bflag:$0x0] =	sbarrier.arrive $0xFFFF  }
0xa9: {  	_ =	strace $0x90000047  }
0xaa: {  	s0 =	stileid.u32;
	[bflag:$0x2] =	sbarrier.arrive $0xFFFF  }
0xab: {  	p0 =	sne.s32 s0, $0x0;
	s0 =	rddreg [dreg:$0x3]  }
0xac: {  	s0 =	sadd.s32 @!p0 $0x100000, s0  }
0xad: {  	[sflag:s0] =	ssyncadd.tile.s32 @!p0 $0x1;
	_ =	shalt  }
.Lfunc_end2:
_tile_overlayer_lowered:
.L_overlay_start_2:
0xae: {  	(tag) =	ssettag $0x2  }
0xaf: {  	s0 =	rddreg [dreg:$0x0];
	s2 =	stileid.u32  }
0xb0: {  	s1 =	rddreg [dreg:$0x1];
	p0 =	sne.s32 s2, $0x0  }
0xb1: {  	s3 =	rddreg [dreg:$0x2];
	[bflag:$0x3] =	sbarrier.arrive $0xFFFF;
	s2 =	simm.s32 @!p0 $0x1C03  }
0xb2: {  	[timem:s3], [sflag:s2] =	dma.local @!p0 [hbm:s0], s1  }
0xb3: {  	s0 =	simm.s32 @!p0 $0x3  }
0xb4: {  	_ =	swait.ge @!p0 [sflag:s0], s1  }
0xb5: {  	s1 =	ssub.s32 @!p0 $0x0, s1;
	[sflag:s0] =	ssyncset.done @!p0 $0x0  }
0xb6: {  	[sflag:s0] =	ssyncadd.s32 @!p0 s1  }
0xb7: {  	[bflag:$0x3] =	sbarrier.arrive $0xFFFF  }
0xb8: {  	_ =	shalt  }

// kernel: kernel.14.cloned.1.call-start
scs
__scs_entry_jumppad:
0x0: {  	(pc) =	sbr.rel $0x88, $3  }
0x1: {  	(tag) =	ssettag $0x0;
	lr =	simm.s32 $0x1  }
0x2: {  	[smem:$0x3F97] =	sst lr;
	_ =	strace $0xD0000000  }
0x3: {  	_ = 	snop  }
0x4: {  	_ = 	snop  }
0x5: {  	_ = 	snop  }
0x6: {  	_ = 	snop  }
0x7: {  	_ = 	snop  }
__scs_overlays_trampoline_lowered:
0x8: {  	[smem:$0x3FA6] =	sst s0  }
0x9: {  	[smem:$0x3FA7] =	sst s1  }
0xa: {  	[smem:$0x3FA8] =	sst s2  }
0xb: {  	[smem:$0x3FA9] =	sst s3  }
0xc: {  	[smem:$0x3FAA] =	sst s4  }
0xd: {  	[smem:$0x3FAB] =	sst s5  }
0xe: {  	[smem:$0x3FAC] =	sst s6  }
0xf: {  	[smem:$0x3FAD] =	sst s7  }
0x10: {  	[smem:$0x3FAE] =	sst s8  }
0x11: {  	[smem:$0x3FAF] =	sst s9;
	s0 =	simm.s32 @!p0 $0x0  }
0x12: {  	s1 =	sld [smem:$0x3F95];
	s0 =	simm.s32 @p0 $0x1  }
0x13: {  	[smem:$0x3FB0] =	sst s0;
	s0 =	simm.s32 @!p1 $0x0  }
0x14: {  	s2 =	sld [smem:$0x3F94];
	s0 =	simm.s32 @p1 $0x1  }
0x15: {  	[smem:$0x3FB1] =	sst s0;
	s0 =	simm.s32 @!p2 $0x0  }
0x16: {  	s3 =	sld [smem:$0x3FDB];
	s0 =	simm.s32 @p2 $0x1  }
0x17: {  	s4 =	simm.s32 $0x1BF5;
	[smem:$0x3FB3] =	sst s0  }
0x18: {  	s0 =	sld [smem:$0x3F96];
	_ =	swait.ge [sflag:s4], $0x0  }
0x19: {  	s7 =	sld [smem:$0x3F97]  }
0x1a: {  	s8 =	sadd.s32 $0xFFFFE003, lr  }
0x1b: {  	s9 =	sadd.s32 $0xFFFFFEF7, lr;
	s5 =	simm.s32 $0xFFFFFFFF;
	p2 =	slt.u32 s8, $0xFFFFF086  }
0x1c: {  	p1 =	slt.u32 s9, $0xF7A;
	s5 =	simm.s32 @!p2 $0x0  }
0x1d: {  	s5 =	simm.s32 @p1 $0x1;
	p0 =	seq.s32 s7, s2  }
0x1e: {  	s7 =	smul.u32 @!p0 $0xF7A, s2;
	p2 =	seq.s32 @!p0 s5, $0x0  }
0x1f: {  	s9 =	smul.u32 $0xF7A, s1;
	s8 =	simm.s32 @!p0 $0x1BF5;
	p2 =	por !p2, p0  }
0x20: {  	[sflag:s8] =	ssyncset.s32 @!p0 $0xFFFFF086;
	s6 =	sadd.s32 @!p0 s3, s7;
	s7 =	simm.s32 @!p0 $0x108  }
0x21: {  	s3 =	sadd.s32 s3, s9;
	s6 =	sadd.s32 @!p0 $0x88, s6;
	s7 =	simm.s32 @p2 $0x1082  }
0x22: {  	[simem:s7], [sflag:s8] =	dma.local @!p0 [hbm:s6], $0xF7A  }
0x23: {  	s9 =	sor.u32 $0xD0000000, s2;
	s6 =	simm.s32 $0x108;
	_ =	swait.ge @!p0 [sflag:s8], $0x0  }
0x24: {  	s3 =	sadd.s32 $0x88, s3;
	s6 =	simm.s32 @!p1 $0x1082;
	[sflag:s4] =	ssyncset.s32 $0xFFFFF086  }
0x25: {  	[simem:s6], [sflag:s4] =	dma.local [hbm:s3], $0xF7A  }
0x26: {  	[smem:$0x3F97] =	sst s1;
	(tag) =	ssettag s2;
	_ =	strace s9  }
0x27: {  	s1 =	sld [smem:$0x3FA7]  }
0x28: {  	s2 =	sld [smem:$0x3FA8]  }
0x29: {  	s4 =	sld [smem:$0x3FAA]  }
0x2a: {  	p0 =	seq.s32 s5, $0x0;
	s5 =	sld [smem:$0x3FAB]  }
0x2b: {  	s6 =	sld [smem:$0x3FAC]  }
0x2c: {  	s7 =	sld [smem:$0x3FAD]  }
0x2d: {  	s3 =	simm.s32 $0x108;
	s8 =	sld [smem:$0x3FAE]  }
0x2e: {  	s3 =	simm.s32 @!p0 $0x1082;
	s9 =	sld [smem:$0x3FAF]  }
0x2f: {  	lr =	sadd.s32 s0, s3;
	s0 =	sld [smem:$0x3FA6]  }
0x30: {  	s3 =	sld [smem:$0x3FA9]  }
0x31: {  	[smem:$0x3FB2] =	sst s10  }
0x32: {  	s10 =	sld [smem:$0x3FB0];
	_ =	sdelay $0x3  }
0x33: {  	p0 =	seq.s32 s10, $0x1;
	s10 =	sld [smem:$0x3FB2];
	_ =	sdelay $0x3  }
0x34: {  	[smem:$0x3FB2] =	sst s10  }
0x35: {  	s10 =	sld [smem:$0x3FB1];
	_ =	sdelay $0x3  }
0x36: {  	p1 =	seq.s32 s10, $0x1;
	s10 =	sld [smem:$0x3FB2];
	_ =	sdelay $0x3  }
0x37: {  	[smem:$0x3FB2] =	sst s10  }
0x38: {  	s10 =	sld [smem:$0x3FB3]  }
0x39: {  	_ = 	snop;
	(pc) =	sbr.ind lr, $3  }
0x3a: {  	_ = 	snop  }
0x3b: {  	_ = 	snop  }
0x3c: {  	p2 =	seq.s32 s10, $0x1;
	s10 =	sld [smem:$0x3FB2]  }
0x3d: {  	_ =	shalt  }
0x3e: {  	_ =	shalt  }
0x3f: {  	_ =	shalt  }
0x40: {  	_ =	shalt  }
0x41: {  	_ =	shalt  }
0x42: {  	_ =	shalt  }
0x43: {  	_ =	shalt  }
0x44: {  	_ =	shalt  }
0x45: {  	_ =	shalt  }
0x46: {  	_ =	shalt  }
0x47: {  	_ =	shalt  }
0x48: {  	_ =	shalt  }
0x49: {  	_ =	shalt  }
0x4a: {  	_ =	shalt  }
0x4b: {  	_ =	shalt  }
0x4c: {  	_ =	shalt  }
0x4d: {  	_ =	shalt  }
0x4e: {  	_ =	shalt  }
0x4f: {  	_ =	shalt  }
0x50: {  	_ =	shalt  }
0x51: {  	_ =	shalt  }
0x52: {  	_ =	shalt  }
0x53: {  	_ =	shalt  }
0x54: {  	_ =	shalt  }
0x55: {  	_ =	shalt  }
0x56: {  	_ =	shalt  }
0x57: {  	_ =	shalt  }
0x58: {  	_ =	shalt  }
0x59: {  	_ =	shalt  }
0x5a: {  	_ =	shalt  }
0x5b: {  	_ =	shalt  }
0x5c: {  	_ =	shalt  }
0x5d: {  	_ =	shalt  }
0x5e: {  	_ =	shalt  }
0x5f: {  	_ =	shalt  }
0x60: {  	_ =	shalt  }
0x61: {  	_ =	shalt  }
0x62: {  	_ =	shalt  }
0x63: {  	_ =	shalt  }
0x64: {  	_ =	shalt  }
0x65: {  	_ =	shalt  }
0x66: {  	_ =	shalt  }
0x67: {  	_ =	shalt  }
0x68: {  	_ =	shalt  }
0x69: {  	_ =	shalt  }
0x6a: {  	_ =	shalt  }
0x6b: {  	_ =	shalt  }
0x6c: {  	_ =	shalt  }
0x6d: {  	_ =	shalt  }
0x6e: {  	_ =	shalt  }
0x6f: {  	_ =	shalt  }
0x70: {  	_ =	shalt  }
0x71: {  	_ =	shalt  }
0x72: {  	_ =	shalt  }
0x73: {  	_ =	shalt  }
0x74: {  	_ =	shalt  }
0x75: {  	_ =	shalt  }
0x76: {  	_ =	shalt  }
0x77: {  	_ =	shalt  }
0x78: {  	_ =	shalt  }
0x79: {  	_ =	shalt  }
0x7a: {  	_ =	shalt  }
0x7b: {  	_ =	shalt  }
0x7c: {  	_ =	shalt  }
0x7d: {  	_ =	shalt  }
0x7e: {  	_ =	shalt  }
0x7f: {  	_ =	shalt  }
0x80: {  	_ =	shalt  }
0x81: {  	_ =	shalt  }
0x82: {  	_ =	shalt  }
0x83: {  	_ =	shalt  }
0x84: {  	_ =	shalt  }
0x85: {  	_ =	shalt  }
0x86: {  	_ =	shalt  }
0x87: {  	_ =	shalt  }
.Lfunc_end0:
.L_simem_size_0:
called_computation.1_lowered:
.L_overlay_start_0:
0x88: {  	s2 =	sld [smem:$0x3FD9]  }
0x89: {  	s3 =	sld [smem:$0x3FFE];
	_ =	sdelay $0x1  }
0x8a: {  	s1 =	srdreg.scid  }
0x8b: {  	s0 =	sand.u32 $0x1, s1  }
0x8c: {  	s14 =	sshll.u32 s0, $0xA;
	s2 =	sadd.s32 s3, s2  }
0x8d: {  	s2 =	sadd.s32 s2, s14  }
0x8e: {  	[smem:$0x3FBE] =	sst s2  }
0x8f: {  	_ = 	snop  }
0x90: {  	s2 =	sld [smem:$0x3FD0];
	_ =	sdelay $0x2  }
0x91: {  	s15 =	simm.s32 $0xA;
	s4 =	simm.s32 $0x10  }
0x92: {  	[smem:s4], [sflag:s15] =	dma.local [hbm:s2], $0x1  }
0x93: {  	_ =	swait.eq [sflag:s15], $0x1  }
0x94: {  	[sflag:s15] =	ssyncset.done $0x0  }
0x95: {  	[sflag:s15] =	ssyncadd.s32 $0xFFFFFFFF  }
0x96: {  	s16 =	sld [smem:$0x10];
	(tm) =	ssettm $0x1  }
0x97: {  	s17 =	sld [smem:$0x3FFB];
	_ =	sdelay $0x3  }
0x98: {  	_ =	strace s17  }
0x99: {  	s3 =	sld [smem:$0x3FFC];
	_ =	sdelay $0x3  }
0x9a: {  	_ =	strace s3  }
0x9b: {  	s3 =	sld [smem:$0x3FFD];
	_ =	sdelay $0x3  }
0x9c: {  	_ =	strace s3  }
0x9d: {  	_ =	strace $0x8FFFFFFF  }
0x9e: {  	s18 =	sld [smem:$0x3FDB];
	_ =	sdelay $0x1  }
0x9f: {  	s19 =	simm.s32 $_scs_section_size  }
0xa0: {  	s5 =	simm.s32 $_size__tile_overlayer_lowered;
	s6 =	simm.s32 $_tile_overlayer_lowered  }
0xa1: {  	s22 =	simm.s32 $0x1BFF;
	s21 =	sshll.u32 s6, $0x1;
	s3 =	sadd.s32 s19, s18  }
0xa2: {  	s7 =	simm.s32 $0x0;
	s20 =	sshll.u32 s5, $0x1;
	s5 =	sadd.s32 s21, s3  }
0xa3: {  	[timem:s7], [sflag:s22] =	dma.local [hbm:s5], s20  }
0xa4: {  	_ =	swait.ge [sflag:s22], s20  }
0xa5: {  	s4 =	ssub.s32 $0x0, s20;
	[sflag:s22] =	ssyncset.done $0x0  }
0xa6: {  	[sflag:s22] =	ssyncadd.s32 s4;
	_ =	sdelay $0x1  }
0xa7: {  	s23 =	simm.s32 $0x1B8B  }
0xa8: {  	_ =	swait.ge [sflag:s23], $0x1  }
0xa9: {  	[sflag:s23] =	ssyncset.done $0x0  }
0xaa: {  	s25 =	simm.s32 $0x1B8E;
	s24 =	sld [smem:$0x3FFE];
	[sflag:s23] =	ssyncadd.s32 $0xFFFFFFFF  }
0xab: {  	s26 =	simm.s32 $execute0_lowered;
	[smem:$0x3FD2] =	sst s25  }
0xac: {  	s5 =	sshll.u32 s26, $0x1;
	_ =	strace $0x80000049;
	[dreg:$0x1] =	wrdreg $0xFFFFFFFF  }
0xad: {  	s28 =	simm.s32 $_size_execute0_lowered;
	s3 =	sadd.s32 s3, s5;
	[dreg:$0x0] =	wrdreg $0x0  }
0xae: {  	s5 =	sshll.u32 s28, $0x1;
	[dreg:$0x2] =	wrdreg s3  }
0xaf: {  	[dreg:$0x3] =	wrdreg s5  }
0xb0: {  	[dreg:$0x4] =	wrdreg $0xC0  }
0xb1: {  	_ =	task [dreg:s7], $0x5FFFF  }
0xb2: {  	[dreg:$0x1] =	wrdreg $0xFFFFFFFF  }
0xb3: {  	[dreg:$0x0] =	wrdreg $0x60  }
0xb4: {  	[dreg:$0x2] =	wrdreg s24  }
0xb5: {  	[dreg:$0x3] =	wrdreg s16  }
0xb6: {  	[dreg:$0x4] =	wrdreg $0x88000  }
0xb7: {  	[dreg:$0x5] =	wrdreg $0x9  }
0xb8: {  	_ =	task.clear_ibuf [dreg:s7], $0x6FFFF;
	_ =	strace $0x90000049  }
0xb9: {  	s29 =	simm.s32 $0x9;
	_ =	strace $0x8000004B  }
0xba: {  	_ =	swait.ge [sflag:s29], $0x1  }
0xbb: {  	[sflag:s29] =	ssyncadd.s32 $0xFFFFFFFF  }
0xbc: {  	_ =	strace $0x9000004B  }
0xbd: {  	_ =	sfence  }
0xbe: {  	s30 =	sld [smem:$0x0];
	_ =	sdelay $0x2  }
0xbf: {  	s31 =	sshll.u32 s1, $0xD;
	s1 =	sshrl.u32 s1, $0x2  }
0xc0: {  	s3 =	sand.u32 $0x4000, s31;
	s1 =	sadd.s32 s1, s30  }
0xc1: {  	s0 =	sor.u32 s3, s0;
	s1 =	sshll.u32 s1, $0x11  }
0xc2: {  	s0 =	sor.u32 s1, s0  }
0xc3: {  	s0 =	sadd.s32 $0x8F2B, s0  }
0xc4: {  	[sflag:s0] =	ssyncadd.remote.s32 $0x1  }
0xc5: {  	_ =	sfence.sel $0xFFFF  }
0xc6: {  	[dreg:$0x0] =	wrdreg $0xFFFFFFFF;
	(pc) =	sbr.abs _section_cstart, $3  }
0xc7: {  	[dreg:$0x1] =	wrdreg $0xFFFFFFFF  }
0xc8: {  	_ =	task.clear_ibuf [dreg:s7], $0x2FFFF;
	_ =	strace $0x9FFFFFFF  }
0xc9: {  	(tm) =	ssettm $0x7FFFFFFF  }
tec
execute0_lowered:
.L_overlay_start_1:
0x0: {  	(tag) =	ssettag $0x1  }
0x1: {  	s0 =	rddreg [dreg:$0x0]  }
0x2: {  	s1 =	rddreg [dreg:$0x1]  }
0x3: {  	s2 =	rddreg [dreg:$0x2];
	s3 =	simm.s32 $0x0;
	s10 =	stileid.u32  }
0x4: {  	s5 =	srdreg.scid;
	s20 =	simm.s32 $0x8000;
	s21 =	simm.s32 $0x4000  }
0x5: {  	s22 =	simm.s32 $0x1;
	s28 =	simm.s32 $0x0;
	[smem:$0x7FF] =	sst s3  }
0x6: {  	s4 =	smul.u32 $0x2800, s10;
	s6 =	sshll.u32 s10, $0xF;
	s17 =	sand.u32 $0x1, s5  }
0x7: {  	s23 =	smul.u32 $0x50000, s10;
	s9 =	sshll.u32 s10, $0x8;
	s14 =	sshll.u32 s10, $0x6  }
0x8: {  	p1 =	seq.s32 s10, $0xF;
	_ =	strace $0x8000004A;
	s18 =	sadd.s32 s6, s0  }
0x9: {  	s24 =	ssub.s32 $0x2, s17;
	p0 =	seq.s32 s17, $0x0;
	s9 =	sadd.s32 s1, s9  }
0xa: {  	s1 =	simm.s32 $0x1A4400;
	s14 =	sor.u32 $0x1C03, s14;
	s0 =	sadd.s32 s4, s0  }
0xb: {  	s25 =	sshrl.u32 s24, $0x1;
	s26 =	sadd.s32 $0x1F4400, s18;
	s29 =	sadd.s32 $0x1F4C00, s18  }
0xc: {  	s5 =	sshrl.u32 s23, $0x2;
	s30 =	sadd.s32 $0x271400, s18;
	s31 =	sadd.s32 $0x271C00, s18  }
0xd: {  	s4 =	sshll.u32 s10, $0x4;
	s1 =	simm.s32 @!p0 $0x1CC400;
	s16 =	sadd.s32 $0x1F5C00, s18  }
0xe: {  	p0 =	sne.s32 s17, $0x0;
	s23 =	simm.s32 $0x80;
	[dreg:$0x4] =	wrdreg s26  }
.Ltmp0:
0xf: {  	s13 =	ssub.s32 s24, s25;
	[dreg:$0x5] =	wrdreg s29;
	(pc) =	sbr.rel .LBB2_1-.Ltmp0, $4  }
0x10: {  	s19 =	sadd.s32 s5, s2;
	s7 =	sxor.u32 $0xFA, s4;
	[dreg:$0x6] =	wrdreg s30  }
0x11: {  	s8 =	sadd.s32 $0x2D400, s0;
	[dreg:$0x7] =	wrdreg s31;
	s12 =	sadd.s32 $0x5400, s0  }
0x12: {  	s15 =	sadd.s32 s1, s0;
	s24 =	sadd.s32 $0x272C00, s18;
	s25 =	simm.s32 $0x2  }
0x13: {  	s13 =	smax.u32 s13, $0x1;
	s18 =	sshrl.u32 s19, $0x3;
	s19 =	simm.s32 $0x3  }
.LBB2_8:
0x14: {  	_ =	swait.ge [sflag:s22], $0x4000  }
0x15: {  	[sflag:s22] =	ssyncset.done $0x0  }
0x16: {  	s1 =	simm.s32 $0x8700;
	[sflag:s22] =	ssyncadd.s32 $0xFFFFC000  }
0x17: {  	[spmem:s2] =	stream.indirect.scatter.add.f32 [tilespmem:s3], [sflag:$0x3], $0x80, s1, s23, $0xb8;
	[tilespmem:$0x1C800] =	vst v63  }
0x18: {  	_ =	swait.ge [sflag:s19], $0x4000  }
0x19: {  	[sflag:s19] =	ssyncset.done $0x0  }
0x1a: {  	[sflag:s19] =	ssyncadd.s32 $0xFFFFC000  }
0x1b: {  	_ =	swait.ge [sflag:s25], $0x4000  }
0x1c: {  	[sflag:s25] =	ssyncset.done $0x0  }
0x1d: {  	s31 =	simm.s32 $0x8780;
	[sflag:s25] =	ssyncadd.s32 $0xFFFFC000  }
0x1e: {  	[spmem:s2] =	stream.indirect.scatter.add.f32 [tilespmem:s21], [sflag:$0x3], $0x80, s31, s23, $0xb8;
	[tilespmem:$0x1C800] =	vst v63  }
0x1f: {  	_ =	swait.ge [sflag:s19], $0x4000  }
0x20: {  	[sflag:s19] =	ssyncset.done $0x0  }
0x21: {  	[sflag:s19] =	ssyncadd.s32 $0xFFFFC000  }
.LBB2_9:
0x22: {  	s28 =	sadd.s32 $0x1, s28  }
0x23: {  	p2 =	sne.s32 s28, s13  }
.Ltmp1:
0x24: {  	[bflag:$0x0] =	sbarrier.arrive $0xFFFF;
	(pc) =	sbr.rel @!p2 .LBB2_10-.Ltmp1, $4  }
0x25: {  	[hbm:s0], [sflag:s14] =	dma.local [spmem:s18], $0x2800  }
0x26: {  	_ =	swait.ge [sflag:s19], $0x2800  }
0x27: {  	[sflag:s19] =	ssyncset.done $0x0  }
0x28: {  	[sflag:s19] =	ssyncadd.s32 $0xFFFFD800  }
.LBB2_1:
0x29: {  	[spmem:s18], [sflag:s14] =	dma.local [hbm:s15], $0x2800  }
0x2a: {  	_ =	swait.ge [sflag:s19], $0x2800  }
0x2b: {  	[sflag:s19] =	ssyncset.done $0x0  }
0x2c: {  	[sflag:s19] =	ssyncadd.s32 $0xFFFFD800  }
0x2d: {  	[tilespmem:s20], [sflag:$0x3] =	stream.linear.gather [hbm4b:s9+s3], $0x800, $0x38;
	[tilespmem:$0x1C800] =	vst v63  }
.Ltmp2:
0x2e: {  	_ =	swait.ge [sflag:s19], $0x800;
	(pc) =	sbr.rel @p0 .LBB2_5-.Ltmp2, $4  }
0x2f: {  	[sflag:s19] =	ssyncset.done $0x0  }
0x30: {  	[sflag:s19] =	ssyncadd.s32 $0xFFFFF800  }
0x31: {  	[bflag:$0x0] =	sbarrier.arrive $0xFFFF  }
0x32: {  	s0 =	simm.s32 $0x0  }
0x33: {  	s1 =	rddreg [dreg:$0x6]  }
0x34: {  	[tilespmem:s0], [sflag:$0x1] =	stream.linear.gather [hbm4b:s1+s0], $0x4000, $0x38;
	[tilespmem:$0x1C800] =	vst v63  }
0x35: {  	s10 =	rddreg [dreg:$0x7];
	p2 =	sle.u32 s7, $0x0  }
0x36: {  	[tilespmem:s21], [sflag:$0x2] =	stream.linear.gather [hbm4b:s10+s0], $0x4000, $0x38;
	[tilespmem:$0x1C800] =	vst v63  }
0x37: {  	s0 =	simm.s32 @!p2 $0x1;
	p2 =	por p2, p2  }
0x38: {  	s17 =	sadd.s32 $0x0, s4;
	s1 =	simm.s32 $0x8000;
	_ =	swait.ge @!p2 [sflag:s0], $0x4000  }
0x39: {  	s11 =	sadd.s32 $0x2, s17;
	s31 =	simm.s32 @!p2 $0x3;
	[sflag:s0] =	ssyncset.done @!p2 $0x0  }
0x3a: {  	s29 =	simm.s32 @!p2 $0x80;
	s30 =	simm.s32 @!p2 $0x0;
	[sflag:s0] =	ssyncadd.s32 @!p2 $0xFFFFC000  }
0x3b: {  	[spmem:s2] =	stream.indirect.scatter.add.f32 @!p2 [tilespmem:s30], [sflag:$0x3], $0x80, s1, s29, $0xb8;
	[tilespmem:$0x1C800] =	vst v63  }
0x3c: {  	p3 =	sgt.u32 s11, $0xF9;
	_ =	swait.ge @!p2 [sflag:s31], $0x4000  }
0x3d: {  	s0 =	sadd.s32 @!p3 $0xFFFFF800, s24;
	[sflag:s31] =	ssyncset.done @!p2 $0x0  }
0x3e: {  	s30 =	simm.s32 @!p2 $0x2;
	s1 =	simm.s32 @!p3 $0x0;
	[sflag:s31] =	ssyncadd.s32 @!p2 $0xFFFFC000  }
0x3f: {  	[tilespmem:s1], [sflag:$0x1] =	stream.linear.gather @!p3 [hbm4b:s0+s1], $0x4000, $0x38;
	[tilespmem:$0x1C800] =	vst v63  }
0x40: {  	p5 =	sle.u32 s7, $0x2;
	_ =	swait.ge @!p2 [sflag:s30], $0x4000  }
0x41: {  	s26 =	simm.s32 @!p2 $0x8080;
	s5 =	simm.s32 @!p2 $0x4000;
	[sflag:s30] =	ssyncset.done @!p2 $0x0  }
0x42: {  	s1 =	simm.s32 $0x2;
	s0 =	simm.s32 $0x4;
	[sflag:s30] =	ssyncadd.s32 @!p2 $0xFFFFC000  }
0x43: {  	[spmem:s2] =	stream.indirect.scatter.add.f32 @!p2 [tilespmem:s5], [sflag:$0x3], $0x80, s26, s29, $0xb8;
	[tilespmem:$0x1C800] =	vst v63  }
0x44: {  	s30 =	simm.s32 $0x8100;
	s26 =	sadd.s32 $0x3, s17;
	s29 =	sadd.s32 $0x1000, s24  }
0x45: {  	s17 =	smov.u32 s24;
	_ =	swait.ge @!p2 [sflag:s31], $0x4000;
	p4 =	sgt.u32 s26, $0xF9  }
.LBB2_3:
0x46: {  	s5 =	simm.s32 @!p5 $0x1;
	[sflag:s31] =	ssyncset.done @!p2 $0x0;
	s26 =	simm.s32 @!p4 $0x4000  }
0x47: {  	s6 =	smov.u32 s0;
	p3 =	por p2, p2;
	p2 =	por p5, p5  }
0x48: {  	s0 =	sadd.s32 $0x2, s0;
	[sflag:s31] =	ssyncadd.s32 @!p3 $0xFFFFC000;
	s31 =	simm.s32 @!p4 $0x0  }
0x49: {  	[tilespmem:s26], [sflag:$0x2] =	stream.linear.gather @!p4 [hbm4b:s17+s31], $0x4000, $0x38;
	[tilespmem:$0x1C800] =	vst v63  }
0x4a: {  	s1 =	sadd.s32 s1, s4;
	s31 =	simm.s32 @!p2 $0x3;
	_ =	swait.ge @!p2 [sflag:s5], $0x4000  }
0x4b: {  	s26 =	simm.s32 @!p2 $0x80;
	s17 =	simm.s32 @!p2 $0x0;
	[sflag:s5] =	ssyncset.done @!p2 $0x0  }
0x4c: {  	s10 =	sadd.s32 $0x3, s1;
	[sflag:s5] =	ssyncadd.s32 @!p2 $0xFFFFC000;
	s5 =	sadd.s32 $0x2, s1  }
0x4d: {  	[spmem:s2] =	stream.indirect.scatter.add.f32 @!p2 [tilespmem:s17], [sflag:$0x3], $0x80, s30, s26, $0xb8;
	[tilespmem:$0x1C800] =	vst v63  }
0x4e: {  	p3 =	sne.s32 s0, $0xE;
	p4 =	sgt.u32 s5, $0xF9;
	_ =	swait.ge @!p2 [sflag:s31], $0x4000  }
0x4f: {  	s11 =	simm.s32 @!p2 $0x2;
	s5 =	sadd.s32 @!p4 $0xFFFFF800, s29;
	[sflag:s31] =	ssyncset.done @!p2 $0x0  }
0x50: {  	s1 =	smov.u32 s6;
	s17 =	simm.s32 @!p4 $0x0;
	[sflag:s31] =	ssyncadd.s32 @!p2 $0xFFFFC000  }
0x51: {  	[tilespmem:s17], [sflag:$0x1] =	stream.linear.gather @!p4 [hbm4b:s5+s17], $0x4000, $0x38;
	[tilespmem:$0x1C800] =	vst v63  }
.Ltmp3:
0x52: {  	s17 =	smov.u32 s29;
	_ =	swait.ge @!p2 [sflag:s11], $0x4000;
	(pc) =	sbr.rel @p3 .LBB2_3-.Ltmp3, $4  }
0x53: {  	s6 =	simm.s32 @!p2 $0x4000;
	s5 =	sadd.s32 @!p2 $0x80, s30;
	[sflag:s11] =	ssyncset.done @!p2 $0x0  }
0x54: {  	s30 =	sadd.s32 $0x100, s30;
	s29 =	sadd.s32 $0x1000, s29;
	[sflag:s11] =	ssyncadd.s32 @!p2 $0xFFFFC000  }
0x55: {  	[spmem:s2] =	stream.indirect.scatter.add.f32 @!p2 [tilespmem:s6], [sflag:$0x3], $0x80, s5, s26, $0xb8;
	[tilespmem:$0x1C800] =	vst v63  }
0x56: {  	p5 =	sge.u32 s1, s7;
	p4 =	sgt.u32 s10, $0xF9;
	_ =	swait.ge @!p2 [sflag:s31], $0x4000  }
0x57: {  	s0 =	simm.s32 @!p5 $0x1  }
0x58: {  	[sflag:s31] =	ssyncset.done @!p2 $0x0;
	s5 =	simm.s32 @!p4 $0x4000;
	p3 =	por p2, p2  }
0x59: {  	p2 =	por p5, p5;
	s6 =	simm.s32 @!p4 $0x0;
	[sflag:s31] =	ssyncadd.s32 @!p3 $0xFFFFC000  }
0x5a: {  	[tilespmem:s5], [sflag:$0x2] =	stream.linear.gather @!p4 [hbm4b:s17+s6], $0x4000, $0x38;
	[tilespmem:$0x1C800] =	vst v63  }
0x5b: {  	s1 =	sadd.s32 s1, s4;
	_ =	swait.ge @!p2 [sflag:s0], $0x4000  }
0x5c: {  	s10 =	simm.s32 @!p2 $0x0;
	s26 =	sadd.s32 $0x2, s1;
	[sflag:s0] =	ssyncset.done @!p2 $0x0  }
0x5d: {  	s5 =	simm.s32 @!p2 $0x3;
	s6 =	simm.s32 @!p2 $0x80;
	[sflag:s0] =	ssyncadd.s32 @!p2 $0xFFFFC000  }
0x5e: {  	[spmem:s2] =	stream.indirect.scatter.add.f32 @!p2 [tilespmem:s10], [sflag:$0x3], $0x80, s30, s6, $0xb8;
	[tilespmem:$0x1C800] =	vst v63  }
0x5f: {  	p3 =	sgt.u32 s26, $0xF9;
	_ =	swait.ge @!p2 [sflag:s5], $0x4000  }
0x60: {  	s11 =	simm.s32 @!p3 $0x0;
	[sflag:s5] =	ssyncset.done @!p2 $0x0  }
0x61: {  	s0 =	sadd.s32 @!p3 $0xFFFFF800, s29;
	s10 =	simm.s32 @!p2 $0x2;
	[sflag:s5] =	ssyncadd.s32 @!p2 $0xFFFFC000  }
0x62: {  	[tilespmem:s11], [sflag:$0x1] =	stream.linear.gather @!p3 [hbm4b:s0+s11], $0x4000, $0x38;
	[tilespmem:$0x1C800] =	vst v63  }
0x63: {  	_ =	swait.ge @!p2 [sflag:s10], $0x4000  }
0x64: {  	s31 =	sadd.s32 $0x3, s1;
	[sflag:s10] =	ssyncset.done @!p2 $0x0  }
0x65: {  	s0 =	sadd.s32 @!p2 $0x80, s30;
	s11 =	simm.s32 @!p2 $0x4000;
	[sflag:s10] =	ssyncadd.s32 @!p2 $0xFFFFC000  }
0x66: {  	[spmem:s2] =	stream.indirect.scatter.add.f32 @!p2 [tilespmem:s11], [sflag:$0x3], $0x80, s0, s6, $0xb8;
	[tilespmem:$0x1C800] =	vst v63  }
.Ltmp4:
0x67: {  	p3 =	sgt.u32 s31, $0xF9;
	_ =	swait.ge @!p2 [sflag:s5], $0x4000;
	(pc) =	sbr.rel @p1 .LBB2_9-.Ltmp4, $4  }
.Ltmp5:
0x68: {  	[sflag:s5] =	ssyncset.done @!p2 $0x0;
	p2 =	por p2, p2;
	(pc) =	sbr.rel @!p1 .LBB2_8-.Ltmp5, $4  }
0x69: {  	s1 =	simm.s32 @!p3 $0x0;
	s0 =	simm.s32 @!p3 $0x4000;
	[sflag:s5] =	ssyncadd.s32 @!p2 $0xFFFFC000  }
0x6a: {  	[tilespmem:s0], [sflag:$0x2] =	stream.linear.gather @!p3 [hbm4b:s29+s1], $0x4000, $0x38;
	[tilespmem:$0x1C800] =	vst v63  }
0x6b: {  	s0 =	smov.u32 s12  }
0x6c: {  	_ = 	snop  }
.LBB2_5:
0x6d: {  	s1 =	rddreg [dreg:$0x4]  }
0x6e: {  	[tilespmem:s0], [sflag:$0x1] =	stream.linear.gather [hbm4b:s1+s0], $0x4000, $0x38;
	[tilespmem:$0x1C800] =	vst v63  }
0x6f: {  	s17 =	rddreg [dreg:$0x5];
	p2 =	sle.u32 s7, $0x0  }
0x70: {  	[tilespmem:s21], [sflag:$0x2] =	stream.linear.gather [hbm4b:s17+s0], $0x4000, $0x38;
	[tilespmem:$0x1C800] =	vst v63  }
0x71: {  	s0 =	simm.s32 @!p2 $0x1;
	p2 =	por p2, p2  }
0x72: {  	s5 =	sadd.s32 $0x0, s4;
	s1 =	simm.s32 $0x8000;
	_ =	swait.ge @!p2 [sflag:s0], $0x4000  }
0x73: {  	s26 =	sadd.s32 $0x2, s5;
	s31 =	simm.s32 @!p2 $0x3;
	[sflag:s0] =	ssyncset.done @!p2 $0x0  }
0x74: {  	s6 =	simm.s32 @!p2 $0x80;
	s10 =	simm.s32 @!p2 $0x0;
	[sflag:s0] =	ssyncadd.s32 @!p2 $0xFFFFC000  }
0x75: {  	[spmem:s2] =	stream.indirect.scatter.add.f32 @!p2 [tilespmem:s10], [sflag:$0x3], $0x80, s1, s6, $0xb8;
	[tilespmem:$0x1C800] =	vst v63  }
0x76: {  	s30 =	simm.s32 $0x8100;
	p3 =	sgt.u32 s26, $0xF9;
	_ =	swait.ge @!p2 [sflag:s31], $0x4000  }
0x77: {  	s29 =	sadd.s32 $0x1000, s16;
	s0 =	sadd.s32 @!p3 $0xFFFFF800, s16;
	[sflag:s31] =	ssyncset.done @!p2 $0x0  }
0x78: {  	s10 =	simm.s32 @!p2 $0x2;
	s1 =	simm.s32 @!p3 $0x0;
	[sflag:s31] =	ssyncadd.s32 @!p2 $0xFFFFC000  }
0x79: {  	[tilespmem:s1], [sflag:$0x1] =	stream.linear.gather @!p3 [hbm4b:s0+s1], $0x4000, $0x38;
	[tilespmem:$0x1C800] =	vst v63  }
0x7a: {  	p5 =	sle.u32 s7, $0x2;
	s5 =	sadd.s32 $0x3, s5;
	_ =	swait.ge @!p2 [sflag:s10], $0x4000  }
0x7b: {  	p4 =	sgt.u32 s5, $0xF9;
	s11 =	simm.s32 @!p2 $0x8080;
	[sflag:s10] =	ssyncset.done @!p2 $0x0  }
0x7c: {  	s17 =	simm.s32 @!p2 $0x4000;
	s1 =	simm.s32 $0x2;
	[sflag:s10] =	ssyncadd.s32 @!p2 $0xFFFFC000  }
0x7d: {  	[spmem:s2] =	stream.indirect.scatter.add.f32 @!p2 [tilespmem:s17], [sflag:$0x3], $0x80, s11, s6, $0xb8;
	[tilespmem:$0x1C800] =	vst v63  }
0x7e: {  	s0 =	simm.s32 $0x4;
	s17 =	smov.u32 s16;
	_ =	swait.ge @!p2 [sflag:s31], $0x4000  }
.LBB2_6:
0x7f: {  	s5 =	simm.s32 @!p5 $0x1;
	[sflag:s31] =	ssyncset.done @!p2 $0x0;
	s6 =	simm.s32 @!p4 $0x4000  }
0x80: {  	s10 =	smov.u32 s0;
	p3 =	por p2, p2;
	p2 =	por p5, p5  }
0x81: {  	s0 =	sadd.s32 $0x2, s0;
	s11 =	simm.s32 @!p4 $0x0;
	[sflag:s31] =	ssyncadd.s32 @!p3 $0xFFFFC000  }
0x82: {  	[tilespmem:s6], [sflag:$0x2] =	stream.linear.gather @!p4 [hbm4b:s17+s11], $0x4000, $0x38;
	[tilespmem:$0x1C800] =	vst v63  }
0x83: {  	s1 =	sadd.s32 s1, s4;
	s31 =	simm.s32 @!p2 $0x3;
	_ =	swait.ge @!p2 [sflag:s5], $0x4000  }
0x84: {  	s6 =	simm.s32 @!p2 $0x80;
	s11 =	simm.s32 @!p2 $0x0;
	[sflag:s5] =	ssyncset.done @!p2 $0x0  }
0x85: {  	s26 =	sadd.s32 $0x3, s1;
	[sflag:s5] =	ssyncadd.s32 @!p2 $0xFFFFC000;
	s5 =	sadd.s32 $0x2, s1  }
0x86: {  	[spmem:s2] =	stream.indirect.scatter.add.f32 @!p2 [tilespmem:s11], [sflag:$0x3], $0x80, s30, s6, $0xb8;
	[tilespmem:$0x1C800] =	vst v63  }
0x87: {  	p3 =	sne.s32 s0, $0xE;
	p4 =	sgt.u32 s5, $0xF9;
	_ =	swait.ge @!p2 [sflag:s31], $0x4000  }
0x88: {  	s11 =	simm.s32 @!p2 $0x2;
	s5 =	sadd.s32 @!p4 $0xFFFFF800, s29;
	[sflag:s31] =	ssyncset.done @!p2 $0x0  }
0x89: {  	s1 =	smov.u32 s10;
	s17 =	simm.s32 @!p4 $0x0;
	[sflag:s31] =	ssyncadd.s32 @!p2 $0xFFFFC000  }
0x8a: {  	[tilespmem:s17], [sflag:$0x1] =	stream.linear.gather @!p4 [hbm4b:s5+s17], $0x4000, $0x38;
	[tilespmem:$0x1C800] =	vst v63  }
.Ltmp6:
0x8b: {  	s17 =	smov.u32 s29;
	_ =	swait.ge @!p2 [sflag:s11], $0x4000;
	(pc) =	sbr.rel @p3 .LBB2_6-.Ltmp6, $4  }
0x8c: {  	s10 =	simm.s32 @!p2 $0x4000;
	s5 =	sadd.s32 @!p2 $0x80, s30;
	[sflag:s11] =	ssyncset.done @!p2 $0x0  }
0x8d: {  	s30 =	sadd.s32 $0x100, s30;
	s29 =	sadd.s32 $0x1000, s29;
	[sflag:s11] =	ssyncadd.s32 @!p2 $0xFFFFC000  }
0x8e: {  	[spmem:s2] =	stream.indirect.scatter.add.f32 @!p2 [tilespmem:s10], [sflag:$0x3], $0x80, s5, s6, $0xb8;
	[tilespmem:$0x1C800] =	vst v63  }
0x8f: {  	p5 =	sge.u32 s1, s7;
	p4 =	sgt.u32 s26, $0xF9;
	_ =	swait.ge @!p2 [sflag:s31], $0x4000  }
0x90: {  	s0 =	simm.s32 @!p5 $0x1  }
0x91: {  	[sflag:s31] =	ssyncset.done @!p2 $0x0;
	s5 =	simm.s32 @!p4 $0x4000;
	p3 =	por p2, p2  }
0x92: {  	p2 =	por p5, p5;
	s6 =	simm.s32 @!p4 $0x0;
	[sflag:s31] =	ssyncadd.s32 @!p3 $0xFFFFC000  }
0x93: {  	[tilespmem:s5], [sflag:$0x2] =	stream.linear.gather @!p4 [hbm4b:s17+s6], $0x4000, $0x38;
	[tilespmem:$0x1C800] =	vst v63  }
0x94: {  	s1 =	sadd.s32 s1, s4;
	_ =	swait.ge @!p2 [sflag:s0], $0x4000  }
0x95: {  	s10 =	simm.s32 @!p2 $0x0;
	s26 =	sadd.s32 $0x2, s1;
	[sflag:s0] =	ssyncset.done @!p2 $0x0  }
0x96: {  	s5 =	simm.s32 @!p2 $0x3;
	s6 =	simm.s32 @!p2 $0x80;
	[sflag:s0] =	ssyncadd.s32 @!p2 $0xFFFFC000  }
0x97: {  	[spmem:s2] =	stream.indirect.scatter.add.f32 @!p2 [tilespmem:s10], [sflag:$0x3], $0x80, s30, s6, $0xb8;
	[tilespmem:$0x1C800] =	vst v63  }
0x98: {  	p3 =	sgt.u32 s26, $0xF9;
	_ =	swait.ge @!p2 [sflag:s5], $0x4000  }
0x99: {  	s11 =	simm.s32 @!p3 $0x0;
	[sflag:s5] =	ssyncset.done @!p2 $0x0  }
0x9a: {  	s0 =	sadd.s32 @!p3 $0xFFFFF800, s29;
	s10 =	simm.s32 @!p2 $0x2;
	[sflag:s5] =	ssyncadd.s32 @!p2 $0xFFFFC000  }
0x9b: {  	[tilespmem:s11], [sflag:$0x1] =	stream.linear.gather @!p3 [hbm4b:s0+s11], $0x4000, $0x38;
	[tilespmem:$0x1C800] =	vst v63  }
0x9c: {  	_ =	swait.ge @!p2 [sflag:s10], $0x4000  }
0x9d: {  	s31 =	sadd.s32 $0x3, s1;
	[sflag:s10] =	ssyncset.done @!p2 $0x0  }
0x9e: {  	s0 =	sadd.s32 @!p2 $0x80, s30;
	s11 =	simm.s32 @!p2 $0x4000;
	[sflag:s10] =	ssyncadd.s32 @!p2 $0xFFFFC000  }
0x9f: {  	[spmem:s2] =	stream.indirect.scatter.add.f32 @!p2 [tilespmem:s11], [sflag:$0x3], $0x80, s0, s6, $0xb8;
	[tilespmem:$0x1C800] =	vst v63  }
.Ltmp7:
0xa0: {  	p3 =	sgt.u32 s31, $0xF9;
	_ =	swait.ge @!p2 [sflag:s5], $0x4000;
	(pc) =	sbr.rel @p1 .LBB2_9-.Ltmp7, $4  }
.Ltmp8:
0xa1: {  	[sflag:s5] =	ssyncset.done @!p2 $0x0;
	p2 =	por p2, p2;
	(pc) =	sbr.rel @!p1 .LBB2_8-.Ltmp8, $4  }
0xa2: {  	s1 =	simm.s32 @!p3 $0x0;
	s0 =	simm.s32 @!p3 $0x4000;
	[sflag:s5] =	ssyncadd.s32 @!p2 $0xFFFFC000  }
0xa3: {  	[tilespmem:s0], [sflag:$0x2] =	stream.linear.gather @!p3 [hbm4b:s29+s1], $0x4000, $0x38;
	[tilespmem:$0x1C800] =	vst v63  }
0xa4: {  	s0 =	smov.u32 s8  }
0xa5: {  	_ = 	snop  }
.LBB2_10:
0xa6: {  	_ =	sfence.sel $0x180000  }
0xa7: {  	[bflag:$0x0] =	sbarrier.arrive $0xFFFF  }
0xa8: {  	_ =	strace $0x9000004A  }
0xa9: {  	s0 =	stileid.u32;
	[bflag:$0x2] =	sbarrier.arrive $0xFFFF  }
0xaa: {  	p0 =	sne.s32 s0, $0x0;
	s0 =	rddreg [dreg:$0x3]  }
0xab: {  	s0 =	sadd.s32 @!p0 $0x100000, s0  }
0xac: {  	[sflag:s0] =	ssyncadd.tile.s32 @!p0 $0x1;
	_ =	shalt  }
.Lfunc_end2:
_tile_overlayer_lowered:
.L_overlay_start_2:
0xad: {  	(tag) =	ssettag $0x2  }
0xae: {  	s0 =	rddreg [dreg:$0x0];
	s2 =	stileid.u32  }
0xaf: {  	s1 =	rddreg [dreg:$0x1];
	p0 =	sne.s32 s2, $0x0  }
0xb0: {  	s3 =	rddreg [dreg:$0x2];
	[bflag:$0x3] =	sbarrier.arrive $0xFFFF;
	s2 =	simm.s32 @!p0 $0x1C03  }
0xb1: {  	[timem:s3], [sflag:s2] =	dma.local @!p0 [hbm:s0], s1  }
0xb2: {  	s0 =	simm.s32 @!p0 $0x3  }
0xb3: {  	_ =	swait.ge @!p0 [sflag:s0], s1  }
0xb4: {  	s1 =	ssub.s32 @!p0 $0x0, s1;
	[sflag:s0] =	ssyncset.done @!p0 $0x0  }
0xb5: {  	[sflag:s0] =	ssyncadd.s32 @!p0 s1  }
0xb6: {  	[bflag:$0x3] =	sbarrier.arrive $0xFFFF  }
0xb7: {  	_ =	shalt  }

// kernel: kernel.17.cloned.1.call-start
scs
__scs_entry_jumppad:
0x0: {  	(pc) =	sbr.rel $0x88, $3  }
0x1: {  	(tag) =	ssettag $0x0;
	lr =	simm.s32 $0x1  }
0x2: {  	[smem:$0x3F97] =	sst lr;
	_ =	strace $0xD0000000  }
0x3: {  	_ = 	snop  }
0x4: {  	_ = 	snop  }
0x5: {  	_ = 	snop  }
0x6: {  	_ = 	snop  }
0x7: {  	_ = 	snop  }
__scs_overlays_trampoline_lowered:
0x8: {  	[smem:$0x3FA6] =	sst s0  }
0x9: {  	[smem:$0x3FA7] =	sst s1  }
0xa: {  	[smem:$0x3FA8] =	sst s2  }
0xb: {  	[smem:$0x3FA9] =	sst s3  }
0xc: {  	[smem:$0x3FAA] =	sst s4  }
0xd: {  	[smem:$0x3FAB] =	sst s5  }
0xe: {  	[smem:$0x3FAC] =	sst s6  }
0xf: {  	[smem:$0x3FAD] =	sst s7  }
0x10: {  	[smem:$0x3FAE] =	sst s8  }
0x11: {  	[smem:$0x3FAF] =	sst s9;
	s0 =	simm.s32 @!p0 $0x0  }
0x12: {  	s1 =	sld [smem:$0x3F95];
	s0 =	simm.s32 @p0 $0x1  }
0x13: {  	[smem:$0x3FB0] =	sst s0;
	s0 =	simm.s32 @!p1 $0x0  }
0x14: {  	s2 =	sld [smem:$0x3F94];
	s0 =	simm.s32 @p1 $0x1  }
0x15: {  	[smem:$0x3FB1] =	sst s0;
	s0 =	simm.s32 @!p2 $0x0  }
0x16: {  	s3 =	sld [smem:$0x3FDB];
	s0 =	simm.s32 @p2 $0x1  }
0x17: {  	s4 =	simm.s32 $0x1BF5;
	[smem:$0x3FB3] =	sst s0  }
0x18: {  	s0 =	sld [smem:$0x3F96];
	_ =	swait.ge [sflag:s4], $0x0  }
0x19: {  	s7 =	sld [smem:$0x3F97]  }
0x1a: {  	s8 =	sadd.s32 $0xFFFFE003, lr  }
0x1b: {  	s9 =	sadd.s32 $0xFFFFFEF7, lr;
	s5 =	simm.s32 $0xFFFFFFFF;
	p2 =	slt.u32 s8, $0xFFFFF086  }
0x1c: {  	p1 =	slt.u32 s9, $0xF7A;
	s5 =	simm.s32 @!p2 $0x0  }
0x1d: {  	s5 =	simm.s32 @p1 $0x1;
	p0 =	seq.s32 s7, s2  }
0x1e: {  	s7 =	smul.u32 @!p0 $0xF7A, s2;
	p2 =	seq.s32 @!p0 s5, $0x0  }
0x1f: {  	s9 =	smul.u32 $0xF7A, s1;
	s8 =	simm.s32 @!p0 $0x1BF5;
	p2 =	por !p2, p0  }
0x20: {  	[sflag:s8] =	ssyncset.s32 @!p0 $0xFFFFF086;
	s6 =	sadd.s32 @!p0 s3, s7;
	s7 =	simm.s32 @!p0 $0x108  }
0x21: {  	s3 =	sadd.s32 s3, s9;
	s6 =	sadd.s32 @!p0 $0x88, s6;
	s7 =	simm.s32 @p2 $0x1082  }
0x22: {  	[simem:s7], [sflag:s8] =	dma.local @!p0 [hbm:s6], $0xF7A  }
0x23: {  	s9 =	sor.u32 $0xD0000000, s2;
	s6 =	simm.s32 $0x108;
	_ =	swait.ge @!p0 [sflag:s8], $0x0  }
0x24: {  	s3 =	sadd.s32 $0x88, s3;
	s6 =	simm.s32 @!p1 $0x1082;
	[sflag:s4] =	ssyncset.s32 $0xFFFFF086  }
0x25: {  	[simem:s6], [sflag:s4] =	dma.local [hbm:s3], $0xF7A  }
0x26: {  	[smem:$0x3F97] =	sst s1;
	(tag) =	ssettag s2;
	_ =	strace s9  }
0x27: {  	s1 =	sld [smem:$0x3FA7]  }
0x28: {  	s2 =	sld [smem:$0x3FA8]  }
0x29: {  	s4 =	sld [smem:$0x3FAA]  }
0x2a: {  	p0 =	seq.s32 s5, $0x0;
	s5 =	sld [smem:$0x3FAB]  }
0x2b: {  	s6 =	sld [smem:$0x3FAC]  }
0x2c: {  	s7 =	sld [smem:$0x3FAD]  }
0x2d: {  	s3 =	simm.s32 $0x108;
	s8 =	sld [smem:$0x3FAE]  }
0x2e: {  	s3 =	simm.s32 @!p0 $0x1082;
	s9 =	sld [smem:$0x3FAF]  }
0x2f: {  	lr =	sadd.s32 s0, s3;
	s0 =	sld [smem:$0x3FA6]  }
0x30: {  	s3 =	sld [smem:$0x3FA9]  }
0x31: {  	[smem:$0x3FB2] =	sst s10  }
0x32: {  	s10 =	sld [smem:$0x3FB0];
	_ =	sdelay $0x3  }
0x33: {  	p0 =	seq.s32 s10, $0x1;
	s10 =	sld [smem:$0x3FB2];
	_ =	sdelay $0x3  }
0x34: {  	[smem:$0x3FB2] =	sst s10  }
0x35: {  	s10 =	sld [smem:$0x3FB1];
	_ =	sdelay $0x3  }
0x36: {  	p1 =	seq.s32 s10, $0x1;
	s10 =	sld [smem:$0x3FB2];
	_ =	sdelay $0x3  }
0x37: {  	[smem:$0x3FB2] =	sst s10  }
0x38: {  	s10 =	sld [smem:$0x3FB3]  }
0x39: {  	_ = 	snop;
	(pc) =	sbr.ind lr, $3  }
0x3a: {  	_ = 	snop  }
0x3b: {  	_ = 	snop  }
0x3c: {  	p2 =	seq.s32 s10, $0x1;
	s10 =	sld [smem:$0x3FB2]  }
0x3d: {  	_ =	shalt  }
0x3e: {  	_ =	shalt  }
0x3f: {  	_ =	shalt  }
0x40: {  	_ =	shalt  }
0x41: {  	_ =	shalt  }
0x42: {  	_ =	shalt  }
0x43: {  	_ =	shalt  }
0x44: {  	_ =	shalt  }
0x45: {  	_ =	shalt  }
0x46: {  	_ =	shalt  }
0x47: {  	_ =	shalt  }
0x48: {  	_ =	shalt  }
0x49: {  	_ =	shalt  }
0x4a: {  	_ =	shalt  }
0x4b: {  	_ =	shalt  }
0x4c: {  	_ =	shalt  }
0x4d: {  	_ =	shalt  }
0x4e: {  	_ =	shalt  }
0x4f: {  	_ =	shalt  }
0x50: {  	_ =	shalt  }
0x51: {  	_ =	shalt  }
0x52: {  	_ =	shalt  }
0x53: {  	_ =	shalt  }
0x54: {  	_ =	shalt  }
0x55: {  	_ =	shalt  }
0x56: {  	_ =	shalt  }
0x57: {  	_ =	shalt  }
0x58: {  	_ =	shalt  }
0x59: {  	_ =	shalt  }
0x5a: {  	_ =	shalt  }
0x5b: {  	_ =	shalt  }
0x5c: {  	_ =	shalt  }
0x5d: {  	_ =	shalt  }
0x5e: {  	_ =	shalt  }
0x5f: {  	_ =	shalt  }
0x60: {  	_ =	shalt  }
0x61: {  	_ =	shalt  }
0x62: {  	_ =	shalt  }
0x63: {  	_ =	shalt  }
0x64: {  	_ =	shalt  }
0x65: {  	_ =	shalt  }
0x66: {  	_ =	shalt  }
0x67: {  	_ =	shalt  }
0x68: {  	_ =	shalt  }
0x69: {  	_ =	shalt  }
0x6a: {  	_ =	shalt  }
0x6b: {  	_ =	shalt  }
0x6c: {  	_ =	shalt  }
0x6d: {  	_ =	shalt  }
0x6e: {  	_ =	shalt  }
0x6f: {  	_ =	shalt  }
0x70: {  	_ =	shalt  }
0x71: {  	_ =	shalt  }
0x72: {  	_ =	shalt  }
0x73: {  	_ =	shalt  }
0x74: {  	_ =	shalt  }
0x75: {  	_ =	shalt  }
0x76: {  	_ =	shalt  }
0x77: {  	_ =	shalt  }
0x78: {  	_ =	shalt  }
0x79: {  	_ =	shalt  }
0x7a: {  	_ =	shalt  }
0x7b: {  	_ =	shalt  }
0x7c: {  	_ =	shalt  }
0x7d: {  	_ =	shalt  }
0x7e: {  	_ =	shalt  }
0x7f: {  	_ =	shalt  }
0x80: {  	_ =	shalt  }
0x81: {  	_ =	shalt  }
0x82: {  	_ =	shalt  }
0x83: {  	_ =	shalt  }
0x84: {  	_ =	shalt  }
0x85: {  	_ =	shalt  }
0x86: {  	_ =	shalt  }
0x87: {  	_ =	shalt  }
.Lfunc_end0:
.L_simem_size_0:
called_computation.2_lowered:
.L_overlay_start_0:
0x88: {  	s2 =	sld [smem:$0x3FD9]  }
0x89: {  	s3 =	sld [smem:$0x3FFE];
	_ =	sdelay $0x1  }
0x8a: {  	s1 =	srdreg.scid  }
0x8b: {  	s0 =	sand.u32 $0x1, s1  }
0x8c: {  	s14 =	sshll.u32 s0, $0xA;
	s2 =	sadd.s32 s3, s2  }
0x8d: {  	s2 =	sadd.s32 s2, s14  }
0x8e: {  	[smem:$0x3FBE] =	sst s2  }
0x8f: {  	_ = 	snop  }
0x90: {  	s2 =	sld [smem:$0x3FD0];
	_ =	sdelay $0x2  }
0x91: {  	s15 =	simm.s32 $0xA;
	s4 =	simm.s32 $0x10  }
0x92: {  	[smem:s4], [sflag:s15] =	dma.local [hbm:s2], $0x1  }
0x93: {  	_ =	swait.eq [sflag:s15], $0x1  }
0x94: {  	[sflag:s15] =	ssyncset.done $0x0  }
0x95: {  	[sflag:s15] =	ssyncadd.s32 $0xFFFFFFFF  }
0x96: {  	s16 =	sld [smem:$0x11];
	(tm) =	ssettm $0x1  }
0x97: {  	s17 =	sld [smem:$0x3FFB];
	_ =	sdelay $0x3  }
0x98: {  	_ =	strace s17  }
0x99: {  	s3 =	sld [smem:$0x3FFC];
	_ =	sdelay $0x3  }
0x9a: {  	_ =	strace s3  }
0x9b: {  	s3 =	sld [smem:$0x3FFD];
	_ =	sdelay $0x3  }
0x9c: {  	_ =	strace s3  }
0x9d: {  	_ =	strace $0x8FFFFFFF  }
0x9e: {  	s18 =	sld [smem:$0x3FDB];
	_ =	sdelay $0x1  }
0x9f: {  	s19 =	simm.s32 $_scs_section_size  }
0xa0: {  	s5 =	simm.s32 $_size__tile_overlayer_lowered;
	s6 =	simm.s32 $_tile_overlayer_lowered  }
0xa1: {  	s22 =	simm.s32 $0x1BFF;
	s21 =	sshll.u32 s6, $0x1;
	s3 =	sadd.s32 s19, s18  }
0xa2: {  	s7 =	simm.s32 $0x0;
	s20 =	sshll.u32 s5, $0x1;
	s5 =	sadd.s32 s21, s3  }
0xa3: {  	[timem:s7], [sflag:s22] =	dma.local [hbm:s5], s20  }
0xa4: {  	_ =	swait.ge [sflag:s22], s20  }
0xa5: {  	s4 =	ssub.s32 $0x0, s20;
	[sflag:s22] =	ssyncset.done $0x0  }
0xa6: {  	[sflag:s22] =	ssyncadd.s32 s4;
	_ =	sdelay $0x1  }
0xa7: {  	s23 =	simm.s32 $0x1B8B  }
0xa8: {  	_ =	swait.ge [sflag:s23], $0x1  }
0xa9: {  	[sflag:s23] =	ssyncset.done $0x0  }
0xaa: {  	s25 =	simm.s32 $0x1B8E;
	s24 =	sld [smem:$0x3FFE];
	[sflag:s23] =	ssyncadd.s32 $0xFFFFFFFF  }
0xab: {  	s26 =	simm.s32 $execute0_lowered;
	[smem:$0x3FD2] =	sst s25  }
0xac: {  	s5 =	sshll.u32 s26, $0x1;
	_ =	strace $0x8000004C;
	[dreg:$0x1] =	wrdreg $0xFFFFFFFF  }
0xad: {  	s28 =	simm.s32 $_size_execute0_lowered;
	s3 =	sadd.s32 s3, s5;
	[dreg:$0x0] =	wrdreg $0x0  }
0xae: {  	s5 =	sshll.u32 s28, $0x1;
	[dreg:$0x2] =	wrdreg s3  }
0xaf: {  	[dreg:$0x3] =	wrdreg s5  }
0xb0: {  	[dreg:$0x4] =	wrdreg $0xC0  }
0xb1: {  	_ =	task [dreg:s7], $0x5FFFF  }
0xb2: {  	[dreg:$0x1] =	wrdreg $0xFFFFFFFF  }
0xb3: {  	[dreg:$0x0] =	wrdreg $0x60  }
0xb4: {  	[dreg:$0x2] =	wrdreg s24  }
0xb5: {  	[dreg:$0x3] =	wrdreg s16  }
0xb6: {  	[dreg:$0x4] =	wrdreg $0x8C000  }
0xb7: {  	[dreg:$0x5] =	wrdreg $0x9  }
0xb8: {  	_ =	task.clear_ibuf [dreg:s7], $0x6FFFF;
	_ =	strace $0x9000004C  }
0xb9: {  	s29 =	simm.s32 $0x9;
	_ =	strace $0x8000004E  }
0xba: {  	_ =	swait.ge [sflag:s29], $0x1  }
0xbb: {  	[sflag:s29] =	ssyncadd.s32 $0xFFFFFFFF  }
0xbc: {  	_ =	strace $0x9000004E  }
0xbd: {  	_ =	sfence  }
0xbe: {  	s30 =	sld [smem:$0x0];
	_ =	sdelay $0x2  }
0xbf: {  	s31 =	sshll.u32 s1, $0xD;
	s1 =	sshrl.u32 s1, $0x2  }
0xc0: {  	s3 =	sand.u32 $0x4000, s31;
	s1 =	sadd.s32 s1, s30  }
0xc1: {  	s0 =	sor.u32 s3, s0;
	s1 =	sshll.u32 s1, $0x11  }
0xc2: {  	s0 =	sor.u32 s1, s0  }
0xc3: {  	s0 =	sadd.s32 $0x8F2B, s0  }
0xc4: {  	[sflag:s0] =	ssyncadd.remote.s32 $0x1  }
0xc5: {  	_ =	sfence.sel $0xFFFF  }
0xc6: {  	[dreg:$0x0] =	wrdreg $0xFFFFFFFF;
	(pc) =	sbr.abs _section_cstart, $3  }
0xc7: {  	[dreg:$0x1] =	wrdreg $0xFFFFFFFF  }
0xc8: {  	_ =	task.clear_ibuf [dreg:s7], $0x2FFFF;
	_ =	strace $0x9FFFFFFF  }
0xc9: {  	(tm) =	ssettm $0x7FFFFFFF  }
tec
execute0_lowered:
.L_overlay_start_1:
0x0: {  	(tag) =	ssettag $0x1  }
0x1: {  	s0 =	rddreg [dreg:$0x0]  }
0x2: {  	s1 =	rddreg [dreg:$0x1]  }
0x3: {  	s2 =	rddreg [dreg:$0x2];
	s9 =	stileid.u32  }
0x4: {  	s3 =	simm.s32 $0x0;
	s5 =	srdreg.scid;
	s4 =	smul.u32 $0xC000, s9  }
0x5: {  	s19 =	simm.s32 $0x8000;
	s20 =	simm.s32 $0x4000;
	s6 =	smul.u32 $0x2800, s9  }
0x6: {  	s21 =	simm.s32 $0x1;
	s22 =	simm.s32 $0x80;
	s7 =	smul.u32 $0x50000, s9  }
0x7: {  	[smem:$0x7FF] =	sst s3;
	s16 =	sand.u32 $0x1, s5;
	s25 =	smul.u32 $0x180, s9  }
0x8: {  	s31 =	sshll.u32 s9, $0x6;
	p1 =	seq.s32 s9, $0xF;
	_ =	strace $0x8000004D  }
0x9: {  	s5 =	ssub.s32 $0x2, s16;
	p0 =	seq.s32 s16, $0x0;
	s14 =	sor.u32 $0x1C03, s31  }
0xa: {  	s17 =	sadd.s32 s4, s0;
	s0 =	sadd.s32 s6, s0;
	s23 =	sshrl.u32 s5, $0x1  }
0xb: {  	s24 =	sshrl.u32 s7, $0x2;
	s4 =	smul.u32 $0x18, s9;
	s12 =	ssub.s32 s5, s23  }
0xc: {  	s18 =	sadd.s32 s24, s2;
	s26 =	sadd.s32 $0x2EE400, s17;
	s28 =	sadd.s32 $0x2EEC00, s17  }
0xd: {  	s5 =	sadd.s32 s1, s25;
	s8 =	sadd.s32 $0x138C00, s0;
	s29 =	sadd.s32 $0x55400, s17  }
0xe: {  	s1 =	simm.s32 $0x5400;
	s30 =	sadd.s32 $0x55C00, s17;
	[dreg:$0x4] =	wrdreg s26  }
.Ltmp0:
0xf: {  	s11 =	sadd.s32 $0x110C00, s0;
	[dreg:$0x5] =	wrdreg s28;
	(pc) =	sbr.rel .LBB2_1-.Ltmp0, $4  }
0x10: {  	s15 =	sadd.s32 $0x2EFC00, s17;
	s24 =	simm.s32 $0x2;
	[dreg:$0x6] =	wrdreg s29  }
0x11: {  	[dreg:$0x7] =	wrdreg s30;
	s1 =	simm.s32 @!p0 $0x2D400;
	s12 =	smax.u32 s12, $0x1  }
0x12: {  	p0 =	sne.s32 s16, $0x0;
	s26 =	simm.s32 $0x0;
	s13 =	sadd.s32 s1, s0  }
0x13: {  	s0 =	sadd.s32 $0x56C00, s17;
	s17 =	sshrl.u32 s18, $0x3;
	s18 =	simm.s32 $0x3  }
.LBB2_8:
0x14: {  	_ =	swait.ge [sflag:s21], $0x4000  }
0x15: {  	[sflag:s21] =	ssyncset.done $0x0  }
0x16: {  	s6 =	simm.s32 $0x8B00;
	[sflag:s21] =	ssyncadd.s32 $0xFFFFC000  }
0x17: {  	[spmem:s2] =	stream.indirect.scatter.add.f32 [tilespmem:s3], [sflag:$0x3], $0x80, s6, s22, $0xb8;
	[tilespmem:$0x1CC00] =	vst v63  }
0x18: {  	_ =	swait.ge [sflag:s18], $0x4000  }
0x19: {  	[sflag:s18] =	ssyncset.done $0x0  }
0x1a: {  	[sflag:s18] =	ssyncadd.s32 $0xFFFFC000  }
0x1b: {  	_ =	swait.ge [sflag:s24], $0x4000  }
0x1c: {  	[sflag:s24] =	ssyncset.done $0x0  }
0x1d: {  	s31 =	simm.s32 $0x8B80;
	[sflag:s24] =	ssyncadd.s32 $0xFFFFC000  }
0x1e: {  	[spmem:s2] =	stream.indirect.scatter.add.f32 [tilespmem:s20], [sflag:$0x3], $0x80, s31, s22, $0xb8;
	[tilespmem:$0x1CC00] =	vst v63  }
0x1f: {  	_ =	swait.ge [sflag:s18], $0x4000  }
0x20: {  	[sflag:s18] =	ssyncset.done $0x0  }
0x21: {  	[sflag:s18] =	ssyncadd.s32 $0xFFFFC000  }
.LBB2_9:
0x22: {  	s26 =	sadd.s32 $0x1, s26  }
0x23: {  	p2 =	sne.s32 s26, s12  }
.Ltmp1:
0x24: {  	[bflag:$0x0] =	sbarrier.arrive $0xFFFF;
	(pc) =	sbr.rel @!p2 .LBB2_10-.Ltmp1, $4  }
0x25: {  	[hbm:s1], [sflag:s14] =	dma.local [spmem:s17], $0x2800  }
0x26: {  	_ =	swait.ge [sflag:s18], $0x2800  }
0x27: {  	[sflag:s18] =	ssyncset.done $0x0  }
0x28: {  	[sflag:s18] =	ssyncadd.s32 $0xFFFFD800  }
.LBB2_1:
0x29: {  	[spmem:s17], [sflag:s14] =	dma.local [hbm:s13], $0x2800  }
0x2a: {  	_ =	swait.ge [sflag:s18], $0x2800  }
0x2b: {  	[sflag:s18] =	ssyncset.done $0x0  }
0x2c: {  	[sflag:s18] =	ssyncadd.s32 $0xFFFFD800  }
0x2d: {  	[tilespmem:s19], [sflag:$0x3] =	stream.linear.gather [hbm4b:s5+s3], $0xC00, $0x38;
	[tilespmem:$0x1CC00] =	vst v63  }
.Ltmp2:
0x2e: {  	_ =	swait.ge [sflag:s18], $0xC00;
	(pc) =	sbr.rel @p0 .LBB2_5-.Ltmp2, $4  }
0x2f: {  	[sflag:s18] =	ssyncset.done $0x0  }
0x30: {  	[sflag:s18] =	ssyncadd.s32 $0xFFFFF400  }
0x31: {  	[bflag:$0x0] =	sbarrier.arrive $0xFFFF  }
0x32: {  	s1 =	simm.s32 $0x0  }
0x33: {  	s6 =	rddreg [dreg:$0x6];
	s7 =	sadd.s32 $0x0, s4  }
0x34: {  	[tilespmem:s1], [sflag:$0x1] =	stream.linear.gather [hbm4b:s6+s1], $0x4000, $0x38;
	[tilespmem:$0x1CC00] =	vst v63  }
0x35: {  	s25 =	rddreg [dreg:$0x7];
	s23 =	simm.s32 $0x8000;
	p2 =	sgt.u32 s7, $0x176  }
0x36: {  	s30 =	simm.s32 $0x4;
	s31 =	sadd.s32 $0x2, s4;
	s16 =	simm.s32 @!p2 $0x1  }
0x37: {  	[tilespmem:s20], [sflag:$0x2] =	stream.linear.gather [hbm4b:s25+s1], $0x4000, $0x38;
	[tilespmem:$0x1CC00] =	vst v63  }
0x38: {  	s9 =	sadd.s32 $0x2, s7;
	s10 =	sadd.s32 $0x1, s7;
	_ =	swait.ge @!p2 [sflag:s16], $0x4000  }
0x39: {  	s28 =	simm.s32 @!p2 $0x80;
	s29 =	simm.s32 @!p2 $0x0;
	[sflag:s16] =	ssyncset.done @!p2 $0x0  }
0x3a: {  	p4 =	sgt.u32 s9, $0x176;
	s25 =	simm.s32 @!p2 $0x3;
	[sflag:s16] =	ssyncadd.s32 @!p2 $0xFFFFC000  }
0x3b: {  	[spmem:s2] =	stream.indirect.scatter.add.f32 @!p2 [tilespmem:s29], [sflag:$0x3], $0x80, s23, s28, $0xb8;
	[tilespmem:$0x1CC00] =	vst v63  }
0x3c: {  	p3 =	sgt.u32 s10, $0x176;
	s1 =	sadd.s32 $0x3, s7;
	_ =	swait.ge @!p2 [sflag:s25], $0x4000  }
0x3d: {  	s16 =	simm.s32 @!p3 $0x2;
	s23 =	sadd.s32 @!p4 $0xFFFFF800, s0;
	[sflag:s25] =	ssyncset.done @!p2 $0x0  }
0x3e: {  	s28 =	simm.s32 @!p4 $0x0;
	s29 =	simm.s32 $0x8100;
	[sflag:s25] =	ssyncadd.s32 @!p2 $0xFFFFC000  }
0x3f: {  	[tilespmem:s28], [sflag:$0x1] =	stream.linear.gather @!p4 [hbm4b:s23+s28], $0x4000, $0x38;
	[tilespmem:$0x1CC00] =	vst v63  }
0x40: {  	p2 =	sgt.u32 s1, $0x176;
	s1 =	simm.s32 @!p3 $0x4000;
	_ =	swait.ge @!p3 [sflag:s16], $0x4000  }
0x41: {  	s25 =	simm.s32 @!p3 $0x3;
	s23 =	simm.s32 @!p3 $0x80;
	[sflag:s16] =	ssyncset.done @!p3 $0x0  }
0x42: {  	s28 =	sadd.s32 $0x1000, s0;
	[sflag:s16] =	ssyncadd.s32 @!p3 $0xFFFFC000;
	s16 =	simm.s32 @!p3 $0x8080  }
0x43: {  	[spmem:s2] =	stream.indirect.scatter.add.f32 @!p3 [tilespmem:s1], [sflag:$0x3], $0x80, s16, s23, $0xb8;
	[tilespmem:$0x1CC00] =	vst v63  }
0x44: {  	s1 =	simm.s32 @!p2 $0x4000;
	s23 =	simm.s32 @!p2 $0x0;
	s16 =	smov.u32 s0  }
.LBB2_3:
0x45: {  	p5 =	sgt.u32 s31, $0x176;
	s6 =	sadd.s32 $0x3, s31;
	_ =	swait.ge @!p3 [sflag:s25], $0x4000  }
0x46: {  	s7 =	smov.u32 s30;
	s9 =	smov.u32 s29;
	p6 =	por p2, p2  }
0x47: {  	s30 =	sadd.s32 $0x2, s30;
	s10 =	simm.s32 @!p5 $0x1;
	[sflag:s25] =	ssyncset.done @!p3 $0x0  }
0x48: {  	p4 =	sne.s32 s30, $0x16;
	p2 =	sgt.u32 s6, $0x176;
	[sflag:s25] =	ssyncadd.s32 @!p3 $0xFFFFC000  }
0x49: {  	[tilespmem:s1], [sflag:$0x2] =	stream.linear.gather @!p6 [hbm4b:s16+s23], $0x4000, $0x38;
	[tilespmem:$0x1CC00] =	vst v63  }
0x4a: {  	s1 =	simm.s32 @!p5 $0x3;
	s16 =	smov.u32 s28;
	_ =	swait.ge @!p5 [sflag:s10], $0x4000  }
0x4b: {  	s6 =	simm.s32 @!p5 $0x80;
	s23 =	simm.s32 @!p5 $0x0;
	[sflag:s10] =	ssyncset.done @!p5 $0x0  }
0x4c: {  	s28 =	sadd.s32 $0x1000, s28;
	[sflag:s10] =	ssyncadd.s32 @!p5 $0xFFFFC000;
	s10 =	sadd.s32 $0x2, s31  }
0x4d: {  	[spmem:s2] =	stream.indirect.scatter.add.f32 @!p5 [tilespmem:s23], [sflag:$0x3], $0x80, s29, s6, $0xb8;
	[tilespmem:$0x1CC00] =	vst v63  }
0x4e: {  	p6 =	sgt.u32 s10, $0x176;
	s6 =	sadd.s32 $0x1, s31;
	_ =	swait.ge @!p5 [sflag:s1], $0x4000  }
0x4f: {  	s10 =	sadd.s32 @!p6 $0xFFFFF800, s16;
	s23 =	simm.s32 @!p6 $0x0;
	[sflag:s1] =	ssyncset.done @!p5 $0x0  }
0x50: {  	s29 =	sadd.s32 $0x100, s29;
	p3 =	sgt.u32 s6, $0x176;
	[sflag:s1] =	ssyncadd.s32 @!p5 $0xFFFFC000  }
0x51: {  	[tilespmem:s23], [sflag:$0x1] =	stream.linear.gather @!p6 [hbm4b:s10+s23], $0x4000, $0x38;
	[tilespmem:$0x1CC00] =	vst v63  }
.Ltmp3:
0x52: {  	s6 =	simm.s32 @!p3 $0x2;
	s1 =	simm.s32 @!p2 $0x4000;
	(pc) =	sbr.rel @p4 .LBB2_3-.Ltmp3, $4  }
0x53: {  	s31 =	sadd.s32 s7, s4;
	s23 =	simm.s32 @!p2 $0x0;
	_ =	swait.ge @!p3 [sflag:s6], $0x4000  }
0x54: {  	s7 =	simm.s32 @!p3 $0x4000;
	s25 =	simm.s32 @!p3 $0x3;
	[sflag:s6] =	ssyncset.done @!p3 $0x0  }
0x55: {  	[sflag:s6] =	ssyncadd.s32 @!p3 $0xFFFFC000;
	s6 =	sadd.s32 @!p3 $0x80, s9;
	s9 =	simm.s32 @!p3 $0x80  }
0x56: {  	[spmem:s2] =	stream.indirect.scatter.add.f32 @!p3 [tilespmem:s7], [sflag:$0x3], $0x80, s6, s9, $0xb8;
	[tilespmem:$0x1CC00] =	vst v63  }
0x57: {  	_ =	swait.ge @!p3 [sflag:s25], $0x4000  }
0x58: {  	p4 =	sgt.u32 s31, $0x176;
	[sflag:s25] =	ssyncset.done @!p3 $0x0  }
0x59: {  	p2 =	por p2, p2;
	s6 =	simm.s32 @!p4 $0x1;
	[sflag:s25] =	ssyncadd.s32 @!p3 $0xFFFFC000  }
0x5a: {  	[tilespmem:s1], [sflag:$0x2] =	stream.linear.gather @!p2 [hbm4b:s16+s23], $0x4000, $0x38;
	[tilespmem:$0x1CC00] =	vst v63  }
0x5b: {  	_ =	swait.ge @!p4 [sflag:s6], $0x4000  }
0x5c: {  	s7 =	simm.s32 @!p4 $0x80;
	s9 =	simm.s32 @!p4 $0x0;
	[sflag:s6] =	ssyncset.done @!p4 $0x0  }
0x5d: {  	s25 =	sadd.s32 $0x2, s31;
	s1 =	simm.s32 @!p4 $0x3;
	[sflag:s6] =	ssyncadd.s32 @!p4 $0xFFFFC000  }
0x5e: {  	[spmem:s2] =	stream.indirect.scatter.add.f32 @!p4 [tilespmem:s9], [sflag:$0x3], $0x80, s29, s7, $0xb8;
	[tilespmem:$0x1CC00] =	vst v63  }
0x5f: {  	s30 =	sadd.s32 $0x1, s31;
	p3 =	sgt.u32 s25, $0x176;
	_ =	swait.ge @!p4 [sflag:s1], $0x4000  }
0x60: {  	p2 =	sgt.u32 s30, $0x176;
	s7 =	sadd.s32 @!p3 $0xFFFFF800, s28;
	[sflag:s1] =	ssyncset.done @!p4 $0x0  }
0x61: {  	s9 =	simm.s32 @!p3 $0x0;
	[sflag:s1] =	ssyncadd.s32 @!p4 $0xFFFFC000;
	s1 =	simm.s32 @!p2 $0x2  }
0x62: {  	[tilespmem:s9], [sflag:$0x1] =	stream.linear.gather @!p3 [hbm4b:s7+s9], $0x4000, $0x38;
	[tilespmem:$0x1CC00] =	vst v63  }
0x63: {  	s31 =	sadd.s32 $0x3, s31;
	_ =	swait.ge @!p2 [sflag:s1], $0x4000  }
0x64: {  	s10 =	simm.s32 @!p2 $0x80;
	s7 =	simm.s32 @!p2 $0x4000;
	[sflag:s1] =	ssyncset.done @!p2 $0x0  }
0x65: {  	s9 =	simm.s32 @!p2 $0x3;
	[sflag:s1] =	ssyncadd.s32 @!p2 $0xFFFFC000;
	s1 =	sadd.s32 @!p2 $0x80, s29  }
0x66: {  	[spmem:s2] =	stream.indirect.scatter.add.f32 @!p2 [tilespmem:s7], [sflag:$0x3], $0x80, s1, s10, $0xb8;
	[tilespmem:$0x1CC00] =	vst v63  }
.Ltmp4:
0x67: {  	p3 =	sgt.u32 s31, $0x176;
	_ =	swait.ge @!p2 [sflag:s9], $0x4000;
	(pc) =	sbr.rel @p1 .LBB2_9-.Ltmp4, $4  }
.Ltmp5:
0x68: {  	s6 =	simm.s32 @!p3 $0x0;
	[sflag:s9] =	ssyncset.done @!p2 $0x0;
	(pc) =	sbr.rel @!p1 .LBB2_8-.Ltmp5, $4  }
0x69: {  	s1 =	simm.s32 @!p3 $0x4000;
	p3 =	por p3, p3;
	[sflag:s9] =	ssyncadd.s32 @!p2 $0xFFFFC000  }
0x6a: {  	[tilespmem:s1], [sflag:$0x2] =	stream.linear.gather @!p3 [hbm4b:s28+s6], $0x4000, $0x38;
	[tilespmem:$0x1CC00] =	vst v63  }
0x6b: {  	s1 =	smov.u32 s11  }
0x6c: {  	_ = 	snop  }
.LBB2_5:
0x6d: {  	s6 =	rddreg [dreg:$0x4]  }
0x6e: {  	[tilespmem:s1], [sflag:$0x1] =	stream.linear.gather [hbm4b:s6+s1], $0x4000, $0x38;
	[tilespmem:$0x1CC00] =	vst v63  }
0x6f: {  	s16 =	rddreg [dreg:$0x5]  }
0x70: {  	[tilespmem:s20], [sflag:$0x2] =	stream.linear.gather [hbm4b:s16+s1], $0x4000, $0x38;
	[tilespmem:$0x1CC00] =	vst v63  }
0x71: {  	s1 =	sadd.s32 $0x0, s4  }
0x72: {  	s7 =	simm.s32 $0x8000;
	p2 =	sgt.u32 s1, $0x176  }
0x73: {  	s30 =	simm.s32 $0x4;
	s28 =	sadd.s32 $0x1000, s15;
	s6 =	simm.s32 @!p2 $0x1  }
0x74: {  	s29 =	simm.s32 $0x8100;
	s31 =	sadd.s32 $0x2, s4;
	_ =	swait.ge @!p2 [sflag:s6], $0x4000  }
0x75: {  	s25 =	sadd.s32 $0x1, s1;
	s9 =	simm.s32 @!p2 $0x3;
	[sflag:s6] =	ssyncset.done @!p2 $0x0  }
0x76: {  	s10 =	simm.s32 @!p2 $0x80;
	s16 =	simm.s32 @!p2 $0x0;
	[sflag:s6] =	ssyncadd.s32 @!p2 $0xFFFFC000  }
0x77: {  	[spmem:s2] =	stream.indirect.scatter.add.f32 @!p2 [tilespmem:s16], [sflag:$0x3], $0x80, s7, s10, $0xb8;
	[tilespmem:$0x1CC00] =	vst v63  }
0x78: {  	s23 =	sadd.s32 $0x2, s1;
	p3 =	sgt.u32 s25, $0x176;
	_ =	swait.ge @!p2 [sflag:s9], $0x4000  }
0x79: {  	p4 =	sgt.u32 s23, $0x176;
	s6 =	simm.s32 @!p3 $0x2;
	[sflag:s9] =	ssyncset.done @!p2 $0x0  }
0x7a: {  	s7 =	sadd.s32 @!p4 $0xFFFFF800, s15;
	s10 =	simm.s32 @!p4 $0x0;
	[sflag:s9] =	ssyncadd.s32 @!p2 $0xFFFFC000  }
0x7b: {  	[tilespmem:s10], [sflag:$0x1] =	stream.linear.gather @!p4 [hbm4b:s7+s10], $0x4000, $0x38;
	[tilespmem:$0x1CC00] =	vst v63  }
0x7c: {  	s1 =	sadd.s32 $0x3, s1;
	s25 =	simm.s32 @!p3 $0x3;
	_ =	swait.ge @!p3 [sflag:s6], $0x4000  }
0x7d: {  	p2 =	sgt.u32 s1, $0x176;
	s1 =	simm.s32 @!p3 $0x4000;
	[sflag:s6] =	ssyncset.done @!p3 $0x0  }
0x7e: {  	s7 =	simm.s32 @!p3 $0x80;
	[sflag:s6] =	ssyncadd.s32 @!p3 $0xFFFFC000;
	s6 =	simm.s32 @!p3 $0x8080  }
0x7f: {  	[spmem:s2] =	stream.indirect.scatter.add.f32 @!p3 [tilespmem:s1], [sflag:$0x3], $0x80, s6, s7, $0xb8;
	[tilespmem:$0x1CC00] =	vst v63  }
0x80: {  	s16 =	smov.u32 s15;
	s23 =	simm.s32 @!p2 $0x0;
	s1 =	simm.s32 @!p2 $0x4000  }
.LBB2_6:
0x81: {  	p5 =	sgt.u32 s31, $0x176;
	s6 =	sadd.s32 $0x3, s31;
	_ =	swait.ge @!p3 [sflag:s25], $0x4000  }
0x82: {  	s7 =	smov.u32 s30;
	s9 =	smov.u32 s29;
	p6 =	por p2, p2  }
0x83: {  	s30 =	sadd.s32 $0x2, s30;
	s10 =	simm.s32 @!p5 $0x1;
	[sflag:s25] =	ssyncset.done @!p3 $0x0  }
0x84: {  	p4 =	sne.s32 s30, $0x16;
	p2 =	sgt.u32 s6, $0x176;
	[sflag:s25] =	ssyncadd.s32 @!p3 $0xFFFFC000  }
0x85: {  	[tilespmem:s1], [sflag:$0x2] =	stream.linear.gather @!p6 [hbm4b:s16+s23], $0x4000, $0x38;
	[tilespmem:$0x1CC00] =	vst v63  }
0x86: {  	s1 =	simm.s32 @!p5 $0x3;
	s16 =	smov.u32 s28;
	_ =	swait.ge @!p5 [sflag:s10], $0x4000  }
0x87: {  	s6 =	simm.s32 @!p5 $0x80;
	s23 =	simm.s32 @!p5 $0x0;
	[sflag:s10] =	ssyncset.done @!p5 $0x0  }
0x88: {  	s28 =	sadd.s32 $0x1000, s28;
	[sflag:s10] =	ssyncadd.s32 @!p5 $0xFFFFC000;
	s10 =	sadd.s32 $0x2, s31  }
0x89: {  	[spmem:s2] =	stream.indirect.scatter.add.f32 @!p5 [tilespmem:s23], [sflag:$0x3], $0x80, s29, s6, $0xb8;
	[tilespmem:$0x1CC00] =	vst v63  }
0x8a: {  	p6 =	sgt.u32 s10, $0x176;
	s6 =	sadd.s32 $0x1, s31;
	_ =	swait.ge @!p5 [sflag:s1], $0x4000  }
0x8b: {  	s10 =	sadd.s32 @!p6 $0xFFFFF800, s16;
	s23 =	simm.s32 @!p6 $0x0;
	[sflag:s1] =	ssyncset.done @!p5 $0x0  }
0x8c: {  	s29 =	sadd.s32 $0x100, s29;
	p3 =	sgt.u32 s6, $0x176;
	[sflag:s1] =	ssyncadd.s32 @!p5 $0xFFFFC000  }
0x8d: {  	[tilespmem:s23], [sflag:$0x1] =	stream.linear.gather @!p6 [hbm4b:s10+s23], $0x4000, $0x38;
	[tilespmem:$0x1CC00] =	vst v63  }
.Ltmp6:
0x8e: {  	s6 =	simm.s32 @!p3 $0x2;
	s1 =	simm.s32 @!p2 $0x4000;
	(pc) =	sbr.rel @p4 .LBB2_6-.Ltmp6, $4  }
0x8f: {  	s31 =	sadd.s32 s7, s4;
	s23 =	simm.s32 @!p2 $0x0;
	_ =	swait.ge @!p3 [sflag:s6], $0x4000  }
0x90: {  	s7 =	simm.s32 @!p3 $0x4000;
	s25 =	simm.s32 @!p3 $0x3;
	[sflag:s6] =	ssyncset.done @!p3 $0x0  }
0x91: {  	[sflag:s6] =	ssyncadd.s32 @!p3 $0xFFFFC000;
	s6 =	sadd.s32 @!p3 $0x80, s9;
	s9 =	simm.s32 @!p3 $0x80  }
0x92: {  	[spmem:s2] =	stream.indirect.scatter.add.f32 @!p3 [tilespmem:s7], [sflag:$0x3], $0x80, s6, s9, $0xb8;
	[tilespmem:$0x1CC00] =	vst v63  }
0x93: {  	_ =	swait.ge @!p3 [sflag:s25], $0x4000  }
0x94: {  	p4 =	sgt.u32 s31, $0x176;
	[sflag:s25] =	ssyncset.done @!p3 $0x0  }
0x95: {  	p2 =	por p2, p2;
	s6 =	simm.s32 @!p4 $0x1;
	[sflag:s25] =	ssyncadd.s32 @!p3 $0xFFFFC000  }
0x96: {  	[tilespmem:s1], [sflag:$0x2] =	stream.linear.gather @!p2 [hbm4b:s16+s23], $0x4000, $0x38;
	[tilespmem:$0x1CC00] =	vst v63  }
0x97: {  	_ =	swait.ge @!p4 [sflag:s6], $0x4000  }
0x98: {  	s7 =	simm.s32 @!p4 $0x80;
	s9 =	simm.s32 @!p4 $0x0;
	[sflag:s6] =	ssyncset.done @!p4 $0x0  }
0x99: {  	s25 =	sadd.s32 $0x2, s31;
	s1 =	simm.s32 @!p4 $0x3;
	[sflag:s6] =	ssyncadd.s32 @!p4 $0xFFFFC000  }
0x9a: {  	[spmem:s2] =	stream.indirect.scatter.add.f32 @!p4 [tilespmem:s9], [sflag:$0x3], $0x80, s29, s7, $0xb8;
	[tilespmem:$0x1CC00] =	vst v63  }
0x9b: {  	s30 =	sadd.s32 $0x1, s31;
	p3 =	sgt.u32 s25, $0x176;
	_ =	swait.ge @!p4 [sflag:s1], $0x4000  }
0x9c: {  	p2 =	sgt.u32 s30, $0x176;
	s7 =	sadd.s32 @!p3 $0xFFFFF800, s28;
	[sflag:s1] =	ssyncset.done @!p4 $0x0  }
0x9d: {  	s9 =	simm.s32 @!p3 $0x0;
	[sflag:s1] =	ssyncadd.s32 @!p4 $0xFFFFC000;
	s1 =	simm.s32 @!p2 $0x2  }
0x9e: {  	[tilespmem:s9], [sflag:$0x1] =	stream.linear.gather @!p3 [hbm4b:s7+s9], $0x4000, $0x38;
	[tilespmem:$0x1CC00] =	vst v63  }
0x9f: {  	s31 =	sadd.s32 $0x3, s31;
	_ =	swait.ge @!p2 [sflag:s1], $0x4000  }
0xa0: {  	s10 =	simm.s32 @!p2 $0x80;
	s7 =	simm.s32 @!p2 $0x4000;
	[sflag:s1] =	ssyncset.done @!p2 $0x0  }
0xa1: {  	s9 =	simm.s32 @!p2 $0x3;
	[sflag:s1] =	ssyncadd.s32 @!p2 $0xFFFFC000;
	s1 =	sadd.s32 @!p2 $0x80, s29  }
0xa2: {  	[spmem:s2] =	stream.indirect.scatter.add.f32 @!p2 [tilespmem:s7], [sflag:$0x3], $0x80, s1, s10, $0xb8;
	[tilespmem:$0x1CC00] =	vst v63  }
.Ltmp7:
0xa3: {  	p3 =	sgt.u32 s31, $0x176;
	_ =	swait.ge @!p2 [sflag:s9], $0x4000;
	(pc) =	sbr.rel @p1 .LBB2_9-.Ltmp7, $4  }
.Ltmp8:
0xa4: {  	s6 =	simm.s32 @!p3 $0x0;
	[sflag:s9] =	ssyncset.done @!p2 $0x0;
	(pc) =	sbr.rel @!p1 .LBB2_8-.Ltmp8, $4  }
0xa5: {  	s1 =	simm.s32 @!p3 $0x4000;
	p3 =	por p3, p3;
	[sflag:s9] =	ssyncadd.s32 @!p2 $0xFFFFC000  }
0xa6: {  	[tilespmem:s1], [sflag:$0x2] =	stream.linear.gather @!p3 [hbm4b:s28+s6], $0x4000, $0x38;
	[tilespmem:$0x1CC00] =	vst v63  }
0xa7: {  	s1 =	smov.u32 s8  }
0xa8: {  	_ = 	snop  }
.LBB2_10:
0xa9: {  	_ =	sfence.sel $0x180000  }
0xaa: {  	[bflag:$0x0] =	sbarrier.arrive $0xFFFF  }
0xab: {  	_ =	strace $0x9000004D  }
0xac: {  	s0 =	stileid.u32;
	[bflag:$0x2] =	sbarrier.arrive $0xFFFF  }
0xad: {  	p0 =	sne.s32 s0, $0x0;
	s0 =	rddreg [dreg:$0x3]  }
0xae: {  	s0 =	sadd.s32 @!p0 $0x100000, s0  }
0xaf: {  	[sflag:s0] =	ssyncadd.tile.s32 @!p0 $0x1;
	_ =	shalt  }
.Lfunc_end2:
_tile_overlayer_lowered:
.L_overlay_start_2:
0xb0: {  	(tag) =	ssettag $0x2  }
0xb1: {  	s0 =	rddreg [dreg:$0x0];
	s2 =	stileid.u32  }
0xb2: {  	s1 =	rddreg [dreg:$0x1];
	p0 =	sne.s32 s2, $0x0  }
0xb3: {  	s3 =	rddreg [dreg:$0x2];
	[bflag:$0x3] =	sbarrier.arrive $0xFFFF;
	s2 =	simm.s32 @!p0 $0x1C03  }
0xb4: {  	[timem:s3], [sflag:s2] =	dma.local @!p0 [hbm:s0], s1  }
0xb5: {  	s0 =	simm.s32 @!p0 $0x3  }
0xb6: {  	_ =	swait.ge @!p0 [sflag:s0], s1  }
0xb7: {  	s1 =	ssub.s32 @!p0 $0x0, s1;
	[sflag:s0] =	ssyncset.done @!p0 $0x0  }
0xb8: {  	[sflag:s0] =	ssyncadd.s32 @!p0 s1  }
0xb9: {  	[bflag:$0x3] =	sbarrier.arrive $0xFFFF  }
0xba: {  	_ =	shalt  }

// kernel: kernel.20.cloned.1.call-start
scs
__scs_entry_jumppad:
0x0: {  	(pc) =	sbr.rel $0x88, $3  }
0x1: {  	(tag) =	ssettag $0x0;
	lr =	simm.s32 $0x1  }
0x2: {  	[smem:$0x3F97] =	sst lr;
	_ =	strace $0xD0000000  }
0x3: {  	_ = 	snop  }
0x4: {  	_ = 	snop  }
0x5: {  	_ = 	snop  }
0x6: {  	_ = 	snop  }
0x7: {  	_ = 	snop  }
__scs_overlays_trampoline_lowered:
0x8: {  	[smem:$0x3FA6] =	sst s0  }
0x9: {  	[smem:$0x3FA7] =	sst s1  }
0xa: {  	[smem:$0x3FA8] =	sst s2  }
0xb: {  	[smem:$0x3FA9] =	sst s3  }
0xc: {  	[smem:$0x3FAA] =	sst s4  }
0xd: {  	[smem:$0x3FAB] =	sst s5  }
0xe: {  	[smem:$0x3FAC] =	sst s6  }
0xf: {  	[smem:$0x3FAD] =	sst s7  }
0x10: {  	[smem:$0x3FAE] =	sst s8  }
0x11: {  	[smem:$0x3FAF] =	sst s9;
	s0 =	simm.s32 @!p0 $0x0  }
0x12: {  	s1 =	sld [smem:$0x3F95];
	s0 =	simm.s32 @p0 $0x1  }
0x13: {  	[smem:$0x3FB0] =	sst s0;
	s0 =	simm.s32 @!p1 $0x0  }
0x14: {  	s2 =	sld [smem:$0x3F94];
	s0 =	simm.s32 @p1 $0x1  }
0x15: {  	[smem:$0x3FB1] =	sst s0;
	s0 =	simm.s32 @!p2 $0x0  }
0x16: {  	s3 =	sld [smem:$0x3FDB];
	s0 =	simm.s32 @p2 $0x1  }
0x17: {  	s4 =	simm.s32 $0x1BF5;
	[smem:$0x3FB3] =	sst s0  }
0x18: {  	s0 =	sld [smem:$0x3F96];
	_ =	swait.ge [sflag:s4], $0x0  }
0x19: {  	s7 =	sld [smem:$0x3F97]  }
0x1a: {  	s8 =	sadd.s32 $0xFFFFE003, lr  }
0x1b: {  	s9 =	sadd.s32 $0xFFFFFEF7, lr;
	s5 =	simm.s32 $0xFFFFFFFF;
	p2 =	slt.u32 s8, $0xFFFFF086  }
0x1c: {  	p1 =	slt.u32 s9, $0xF7A;
	s5 =	simm.s32 @!p2 $0x0  }
0x1d: {  	s5 =	simm.s32 @p1 $0x1;
	p0 =	seq.s32 s7, s2  }
0x1e: {  	s7 =	smul.u32 @!p0 $0xF7A, s2;
	p2 =	seq.s32 @!p0 s5, $0x0  }
0x1f: {  	s9 =	smul.u32 $0xF7A, s1;
	s8 =	simm.s32 @!p0 $0x1BF5;
	p2 =	por !p2, p0  }
0x20: {  	[sflag:s8] =	ssyncset.s32 @!p0 $0xFFFFF086;
	s6 =	sadd.s32 @!p0 s3, s7;
	s7 =	simm.s32 @!p0 $0x108  }
0x21: {  	s3 =	sadd.s32 s3, s9;
	s6 =	sadd.s32 @!p0 $0x88, s6;
	s7 =	simm.s32 @p2 $0x1082  }
0x22: {  	[simem:s7], [sflag:s8] =	dma.local @!p0 [hbm:s6], $0xF7A  }
0x23: {  	s9 =	sor.u32 $0xD0000000, s2;
	s6 =	simm.s32 $0x108;
	_ =	swait.ge @!p0 [sflag:s8], $0x0  }
0x24: {  	s3 =	sadd.s32 $0x88, s3;
	s6 =	simm.s32 @!p1 $0x1082;
	[sflag:s4] =	ssyncset.s32 $0xFFFFF086  }
0x25: {  	[simem:s6], [sflag:s4] =	dma.local [hbm:s3], $0xF7A  }
0x26: {  	[smem:$0x3F97] =	sst s1;
	(tag) =	ssettag s2;
	_ =	strace s9  }
0x27: {  	s1 =	sld [smem:$0x3FA7]  }
0x28: {  	s2 =	sld [smem:$0x3FA8]  }
0x29: {  	s4 =	sld [smem:$0x3FAA]  }
0x2a: {  	p0 =	seq.s32 s5, $0x0;
	s5 =	sld [smem:$0x3FAB]  }
0x2b: {  	s6 =	sld [smem:$0x3FAC]  }
0x2c: {  	s7 =	sld [smem:$0x3FAD]  }
0x2d: {  	s3 =	simm.s32 $0x108;
	s8 =	sld [smem:$0x3FAE]  }
0x2e: {  	s3 =	simm.s32 @!p0 $0x1082;
	s9 =	sld [smem:$0x3FAF]  }
0x2f: {  	lr =	sadd.s32 s0, s3;
	s0 =	sld [smem:$0x3FA6]  }
0x30: {  	s3 =	sld [smem:$0x3FA9]  }
0x31: {  	[smem:$0x3FB2] =	sst s10  }
0x32: {  	s10 =	sld [smem:$0x3FB0];
	_ =	sdelay $0x3  }
0x33: {  	p0 =	seq.s32 s10, $0x1;
	s10 =	sld [smem:$0x3FB2];
	_ =	sdelay $0x3  }
0x34: {  	[smem:$0x3FB2] =	sst s10  }
0x35: {  	s10 =	sld [smem:$0x3FB1];
	_ =	sdelay $0x3  }
0x36: {  	p1 =	seq.s32 s10, $0x1;
	s10 =	sld [smem:$0x3FB2];
	_ =	sdelay $0x3  }
0x37: {  	[smem:$0x3FB2] =	sst s10  }
0x38: {  	s10 =	sld [smem:$0x3FB3]  }
0x39: {  	_ = 	snop;
	(pc) =	sbr.ind lr, $3  }
0x3a: {  	_ = 	snop  }
0x3b: {  	_ = 	snop  }
0x3c: {  	p2 =	seq.s32 s10, $0x1;
	s10 =	sld [smem:$0x3FB2]  }
0x3d: {  	_ =	shalt  }
0x3e: {  	_ =	shalt  }
0x3f: {  	_ =	shalt  }
0x40: {  	_ =	shalt  }
0x41: {  	_ =	shalt  }
0x42: {  	_ =	shalt  }
0x43: {  	_ =	shalt  }
0x44: {  	_ =	shalt  }
0x45: {  	_ =	shalt  }
0x46: {  	_ =	shalt  }
0x47: {  	_ =	shalt  }
0x48: {  	_ =	shalt  }
0x49: {  	_ =	shalt  }
0x4a: {  	_ =	shalt  }
0x4b: {  	_ =	shalt  }
0x4c: {  	_ =	shalt  }
0x4d: {  	_ =	shalt  }
0x4e: {  	_ =	shalt  }
0x4f: {  	_ =	shalt  }
0x50: {  	_ =	shalt  }
0x51: {  	_ =	shalt  }
0x52: {  	_ =	shalt  }
0x53: {  	_ =	shalt  }
0x54: {  	_ =	shalt  }
0x55: {  	_ =	shalt  }
0x56: {  	_ =	shalt  }
0x57: {  	_ =	shalt  }
0x58: {  	_ =	shalt  }
0x59: {  	_ =	shalt  }
0x5a: {  	_ =	shalt  }
0x5b: {  	_ =	shalt  }
0x5c: {  	_ =	shalt  }
0x5d: {  	_ =	shalt  }
0x5e: {  	_ =	shalt  }
0x5f: {  	_ =	shalt  }
0x60: {  	_ =	shalt  }
0x61: {  	_ =	shalt  }
0x62: {  	_ =	shalt  }
0x63: {  	_ =	shalt  }
0x64: {  	_ =	shalt  }
0x65: {  	_ =	shalt  }
0x66: {  	_ =	shalt  }
0x67: {  	_ =	shalt  }
0x68: {  	_ =	shalt  }
0x69: {  	_ =	shalt  }
0x6a: {  	_ =	shalt  }
0x6b: {  	_ =	shalt  }
0x6c: {  	_ =	shalt  }
0x6d: {  	_ =	shalt  }
0x6e: {  	_ =	shalt  }
0x6f: {  	_ =	shalt  }
0x70: {  	_ =	shalt  }
0x71: {  	_ =	shalt  }
0x72: {  	_ =	shalt  }
0x73: {  	_ =	shalt  }
0x74: {  	_ =	shalt  }
0x75: {  	_ =	shalt  }
0x76: {  	_ =	shalt  }
0x77: {  	_ =	shalt  }
0x78: {  	_ =	shalt  }
0x79: {  	_ =	shalt  }
0x7a: {  	_ =	shalt  }
0x7b: {  	_ =	shalt  }
0x7c: {  	_ =	shalt  }
0x7d: {  	_ =	shalt  }
0x7e: {  	_ =	shalt  }
0x7f: {  	_ =	shalt  }
0x80: {  	_ =	shalt  }
0x81: {  	_ =	shalt  }
0x82: {  	_ =	shalt  }
0x83: {  	_ =	shalt  }
0x84: {  	_ =	shalt  }
0x85: {  	_ =	shalt  }
0x86: {  	_ =	shalt  }
0x87: {  	_ =	shalt  }
.Lfunc_end0:
.L_simem_size_0:
called_computation.3_lowered:
.L_overlay_start_0:
0x88: {  	s2 =	sld [smem:$0x3FD9]  }
0x89: {  	s3 =	sld [smem:$0x3FFE];
	_ =	sdelay $0x1  }
0x8a: {  	s1 =	srdreg.scid  }
0x8b: {  	s0 =	sand.u32 $0x1, s1  }
0x8c: {  	s14 =	sshll.u32 s0, $0xA;
	s2 =	sadd.s32 s3, s2  }
0x8d: {  	s2 =	sadd.s32 s2, s14  }
0x8e: {  	[smem:$0x3FBE] =	sst s2  }
0x8f: {  	_ = 	snop  }
0x90: {  	s2 =	sld [smem:$0x3FD0];
	_ =	sdelay $0x2  }
0x91: {  	s15 =	simm.s32 $0xA;
	s4 =	simm.s32 $0x10  }
0x92: {  	[smem:s4], [sflag:s15] =	dma.local [hbm:s2], $0x1  }
0x93: {  	_ =	swait.eq [sflag:s15], $0x1  }
0x94: {  	[sflag:s15] =	ssyncset.done $0x0  }
0x95: {  	[sflag:s15] =	ssyncadd.s32 $0xFFFFFFFF  }
0x96: {  	s16 =	sld [smem:$0x10];
	(tm) =	ssettm $0x1  }
0x97: {  	s17 =	sld [smem:$0x3FFB];
	_ =	sdelay $0x3  }
0x98: {  	_ =	strace s17  }
0x99: {  	s3 =	sld [smem:$0x3FFC];
	_ =	sdelay $0x3  }
0x9a: {  	_ =	strace s3  }
0x9b: {  	s3 =	sld [smem:$0x3FFD];
	_ =	sdelay $0x3  }
0x9c: {  	_ =	strace s3  }
0x9d: {  	_ =	strace $0x8FFFFFFF  }
0x9e: {  	s18 =	sld [smem:$0x3FDB];
	_ =	sdelay $0x1  }
0x9f: {  	s19 =	simm.s32 $_scs_section_size  }
0xa0: {  	s5 =	simm.s32 $_size__tile_overlayer_lowered;
	s6 =	simm.s32 $_tile_overlayer_lowered  }
0xa1: {  	s22 =	simm.s32 $0x1BFF;
	s21 =	sshll.u32 s6, $0x1;
	s3 =	sadd.s32 s19, s18  }
0xa2: {  	s7 =	simm.s32 $0x0;
	s20 =	sshll.u32 s5, $0x1;
	s5 =	sadd.s32 s21, s3  }
0xa3: {  	[timem:s7], [sflag:s22] =	dma.local [hbm:s5], s20  }
0xa4: {  	_ =	swait.ge [sflag:s22], s20  }
0xa5: {  	s4 =	ssub.s32 $0x0, s20;
	[sflag:s22] =	ssyncset.done $0x0  }
0xa6: {  	[sflag:s22] =	ssyncadd.s32 s4;
	_ =	sdelay $0x1  }
0xa7: {  	s23 =	simm.s32 $0x1B8B  }
0xa8: {  	_ =	swait.ge [sflag:s23], $0x1  }
0xa9: {  	[sflag:s23] =	ssyncset.done $0x0  }
0xaa: {  	s25 =	simm.s32 $0x1B8E;
	s24 =	sld [smem:$0x3FFE];
	[sflag:s23] =	ssyncadd.s32 $0xFFFFFFFF  }
0xab: {  	s26 =	simm.s32 $execute0_lowered;
	[smem:$0x3FD2] =	sst s25  }
0xac: {  	s5 =	sshll.u32 s26, $0x1;
	_ =	strace $0x8000004F;
	[dreg:$0x1] =	wrdreg $0xFFFFFFFF  }
0xad: {  	s28 =	simm.s32 $_size_execute0_lowered;
	s3 =	sadd.s32 s3, s5;
	[dreg:$0x0] =	wrdreg $0x0  }
0xae: {  	s5 =	sshll.u32 s28, $0x1;
	[dreg:$0x2] =	wrdreg s3  }
0xaf: {  	[dreg:$0x3] =	wrdreg s5  }
0xb0: {  	[dreg:$0x4] =	wrdreg $0xC0  }
0xb1: {  	_ =	task [dreg:s7], $0x5FFFF  }
0xb2: {  	[dreg:$0x1] =	wrdreg $0xFFFFFFFF  }
0xb3: {  	[dreg:$0x0] =	wrdreg $0x60  }
0xb4: {  	[dreg:$0x2] =	wrdreg s24  }
0xb5: {  	[dreg:$0x3] =	wrdreg s16  }
0xb6: {  	[dreg:$0x4] =	wrdreg $0x88000  }
0xb7: {  	[dreg:$0x5] =	wrdreg $0x9  }
0xb8: {  	_ =	task.clear_ibuf [dreg:s7], $0x6FFFF;
	_ =	strace $0x9000004F  }
0xb9: {  	s29 =	simm.s32 $0x9;
	_ =	strace $0x80000051  }
0xba: {  	_ =	swait.ge [sflag:s29], $0x1  }
0xbb: {  	[sflag:s29] =	ssyncadd.s32 $0xFFFFFFFF  }
0xbc: {  	_ =	strace $0x90000051  }
0xbd: {  	_ =	sfence  }
0xbe: {  	s30 =	sld [smem:$0x0];
	_ =	sdelay $0x2  }
0xbf: {  	s31 =	sshll.u32 s1, $0xD;
	s1 =	sshrl.u32 s1, $0x2  }
0xc0: {  	s3 =	sand.u32 $0x4000, s31;
	s1 =	sadd.s32 s1, s30  }
0xc1: {  	s0 =	sor.u32 s3, s0;
	s1 =	sshll.u32 s1, $0x11  }
0xc2: {  	s0 =	sor.u32 s1, s0  }
0xc3: {  	s0 =	sadd.s32 $0x8F2B, s0  }
0xc4: {  	[sflag:s0] =	ssyncadd.remote.s32 $0x1  }
0xc5: {  	_ =	sfence.sel $0xFFFF  }
0xc6: {  	[dreg:$0x0] =	wrdreg $0xFFFFFFFF;
	(pc) =	sbr.abs _section_cstart, $3  }
0xc7: {  	[dreg:$0x1] =	wrdreg $0xFFFFFFFF  }
0xc8: {  	_ =	task.clear_ibuf [dreg:s7], $0x2FFFF;
	_ =	strace $0x9FFFFFFF  }
0xc9: {  	(tm) =	ssettm $0x7FFFFFFF  }
tec
execute0_lowered:
.L_overlay_start_1:
0x0: {  	(tag) =	ssettag $0x1  }
0x1: {  	s0 =	rddreg [dreg:$0x0]  }
0x2: {  	s1 =	rddreg [dreg:$0x1]  }
0x3: {  	s2 =	rddreg [dreg:$0x2];
	s3 =	simm.s32 $0x0;
	s10 =	stileid.u32  }
0x4: {  	s5 =	srdreg.scid;
	s20 =	simm.s32 $0x8000;
	s21 =	simm.s32 $0x4000  }
0x5: {  	s22 =	simm.s32 $0x1;
	s28 =	simm.s32 $0x0;
	[smem:$0x7FF] =	sst s3  }
0x6: {  	s4 =	smul.u32 $0x2800, s10;
	s6 =	sshll.u32 s10, $0xF;
	s17 =	sand.u32 $0x1, s5  }
0x7: {  	s23 =	smul.u32 $0x50000, s10;
	s9 =	sshll.u32 s10, $0x8;
	s14 =	sshll.u32 s10, $0x6  }
0x8: {  	p1 =	seq.s32 s10, $0xF;
	_ =	strace $0x80000050;
	s18 =	sadd.s32 s6, s0  }
0x9: {  	s24 =	ssub.s32 $0x2, s17;
	p0 =	seq.s32 s17, $0x0;
	s9 =	sadd.s32 s1, s9  }
0xa: {  	s1 =	simm.s32 $0x110C00;
	s14 =	sor.u32 $0x1C03, s14;
	s0 =	sadd.s32 s4, s0  }
0xb: {  	s25 =	sshrl.u32 s24, $0x1;
	s26 =	sadd.s32 $0x160C00, s18;
	s29 =	sadd.s32 $0x161400, s18  }
0xc: {  	s5 =	sshrl.u32 s23, $0x2;
	s30 =	sadd.s32 $0x1DDC00, s18;
	s31 =	sadd.s32 $0x1DE400, s18  }
0xd: {  	s4 =	sshll.u32 s10, $0x4;
	s1 =	simm.s32 @!p0 $0x138C00;
	s16 =	sadd.s32 $0x162400, s18  }
0xe: {  	p0 =	sne.s32 s17, $0x0;
	s23 =	simm.s32 $0x80;
	[dreg:$0x4] =	wrdreg s26  }
.Ltmp0:
0xf: {  	s13 =	ssub.s32 s24, s25;
	[dreg:$0x5] =	wrdreg s29;
	(pc) =	sbr.rel .LBB2_1-.Ltmp0, $4  }
0x10: {  	s19 =	sadd.s32 s5, s2;
	s7 =	sxor.u32 $0xFA, s4;
	[dreg:$0x6] =	wrdreg s30  }
0x11: {  	s8 =	sadd.s32 $0x2D400, s0;
	[dreg:$0x7] =	wrdreg s31;
	s12 =	sadd.s32 $0x5400, s0  }
0x12: {  	s15 =	sadd.s32 s1, s0;
	s24 =	sadd.s32 $0x1DF400, s18;
	s25 =	simm.s32 $0x2  }
0x13: {  	s13 =	smax.u32 s13, $0x1;
	s18 =	sshrl.u32 s19, $0x3;
	s19 =	simm.s32 $0x3  }
.LBB2_8:
0x14: {  	_ =	swait.ge [sflag:s22], $0x4000  }
0x15: {  	[sflag:s22] =	ssyncset.done $0x0  }
0x16: {  	s1 =	simm.s32 $0x8700;
	[sflag:s22] =	ssyncadd.s32 $0xFFFFC000  }
0x17: {  	[spmem:s2] =	stream.indirect.scatter.add.f32 [tilespmem:s3], [sflag:$0x3], $0x80, s1, s23, $0xb8;
	[tilespmem:$0x1C800] =	vst v63  }
0x18: {  	_ =	swait.ge [sflag:s19], $0x4000  }
0x19: {  	[sflag:s19] =	ssyncset.done $0x0  }
0x1a: {  	[sflag:s19] =	ssyncadd.s32 $0xFFFFC000  }
0x1b: {  	_ =	swait.ge [sflag:s25], $0x4000  }
0x1c: {  	[sflag:s25] =	ssyncset.done $0x0  }
0x1d: {  	s31 =	simm.s32 $0x8780;
	[sflag:s25] =	ssyncadd.s32 $0xFFFFC000  }
0x1e: {  	[spmem:s2] =	stream.indirect.scatter.add.f32 [tilespmem:s21], [sflag:$0x3], $0x80, s31, s23, $0xb8;
	[tilespmem:$0x1C800] =	vst v63  }
0x1f: {  	_ =	swait.ge [sflag:s19], $0x4000  }
0x20: {  	[sflag:s19] =	ssyncset.done $0x0  }
0x21: {  	[sflag:s19] =	ssyncadd.s32 $0xFFFFC000  }
.LBB2_9:
0x22: {  	s28 =	sadd.s32 $0x1, s28  }
0x23: {  	p2 =	sne.s32 s28, s13  }
.Ltmp1:
0x24: {  	[bflag:$0x0] =	sbarrier.arrive $0xFFFF;
	(pc) =	sbr.rel @!p2 .LBB2_10-.Ltmp1, $4  }
0x25: {  	[hbm:s0], [sflag:s14] =	dma.local [spmem:s18], $0x2800  }
0x26: {  	_ =	swait.ge [sflag:s19], $0x2800  }
0x27: {  	[sflag:s19] =	ssyncset.done $0x0  }
0x28: {  	[sflag:s19] =	ssyncadd.s32 $0xFFFFD800  }
.LBB2_1:
0x29: {  	[spmem:s18], [sflag:s14] =	dma.local [hbm:s15], $0x2800  }
0x2a: {  	_ =	swait.ge [sflag:s19], $0x2800  }
0x2b: {  	[sflag:s19] =	ssyncset.done $0x0  }
0x2c: {  	[sflag:s19] =	ssyncadd.s32 $0xFFFFD800  }
0x2d: {  	[tilespmem:s20], [sflag:$0x3] =	stream.linear.gather [hbm4b:s9+s3], $0x800, $0x38;
	[tilespmem:$0x1C800] =	vst v63  }
.Ltmp2:
0x2e: {  	_ =	swait.ge [sflag:s19], $0x800;
	(pc) =	sbr.rel @p0 .LBB2_5-.Ltmp2, $4  }
0x2f: {  	[sflag:s19] =	ssyncset.done $0x0  }
0x30: {  	[sflag:s19] =	ssyncadd.s32 $0xFFFFF800  }
0x31: {  	[bflag:$0x0] =	sbarrier.arrive $0xFFFF  }
0x32: {  	s0 =	simm.s32 $0x0  }
0x33: {  	s1 =	rddreg [dreg:$0x6]  }
0x34: {  	[tilespmem:s0], [sflag:$0x1] =	stream.linear.gather [hbm4b:s1+s0], $0x4000, $0x38;
	[tilespmem:$0x1C800] =	vst v63  }
0x35: {  	s10 =	rddreg [dreg:$0x7];
	p2 =	sle.u32 s7, $0x0  }
0x36: {  	[tilespmem:s21], [sflag:$0x2] =	stream.linear.gather [hbm4b:s10+s0], $0x4000, $0x38;
	[tilespmem:$0x1C800] =	vst v63  }
0x37: {  	s0 =	simm.s32 @!p2 $0x1;
	p2 =	por p2, p2  }
0x38: {  	s17 =	sadd.s32 $0x0, s4;
	s1 =	simm.s32 $0x8000;
	_ =	swait.ge @!p2 [sflag:s0], $0x4000  }
0x39: {  	s11 =	sadd.s32 $0x2, s17;
	s31 =	simm.s32 @!p2 $0x3;
	[sflag:s0] =	ssyncset.done @!p2 $0x0  }
0x3a: {  	s29 =	simm.s32 @!p2 $0x80;
	s30 =	simm.s32 @!p2 $0x0;
	[sflag:s0] =	ssyncadd.s32 @!p2 $0xFFFFC000  }
0x3b: {  	[spmem:s2] =	stream.indirect.scatter.add.f32 @!p2 [tilespmem:s30], [sflag:$0x3], $0x80, s1, s29, $0xb8;
	[tilespmem:$0x1C800] =	vst v63  }
0x3c: {  	p3 =	sgt.u32 s11, $0xF9;
	_ =	swait.ge @!p2 [sflag:s31], $0x4000  }
0x3d: {  	s0 =	sadd.s32 @!p3 $0xFFFFF800, s24;
	[sflag:s31] =	ssyncset.done @!p2 $0x0  }
0x3e: {  	s30 =	simm.s32 @!p2 $0x2;
	s1 =	simm.s32 @!p3 $0x0;
	[sflag:s31] =	ssyncadd.s32 @!p2 $0xFFFFC000  }
0x3f: {  	[tilespmem:s1], [sflag:$0x1] =	stream.linear.gather @!p3 [hbm4b:s0+s1], $0x4000, $0x38;
	[tilespmem:$0x1C800] =	vst v63  }
0x40: {  	p5 =	sle.u32 s7, $0x2;
	_ =	swait.ge @!p2 [sflag:s30], $0x4000  }
0x41: {  	s26 =	simm.s32 @!p2 $0x8080;
	s5 =	simm.s32 @!p2 $0x4000;
	[sflag:s30] =	ssyncset.done @!p2 $0x0  }
0x42: {  	s1 =	simm.s32 $0x2;
	s0 =	simm.s32 $0x4;
	[sflag:s30] =	ssyncadd.s32 @!p2 $0xFFFFC000  }
0x43: {  	[spmem:s2] =	stream.indirect.scatter.add.f32 @!p2 [tilespmem:s5], [sflag:$0x3], $0x80, s26, s29, $0xb8;
	[tilespmem:$0x1C800] =	vst v63  }
0x44: {  	s30 =	simm.s32 $0x8100;
	s26 =	sadd.s32 $0x3, s17;
	s29 =	sadd.s32 $0x1000, s24  }
0x45: {  	s17 =	smov.u32 s24;
	_ =	swait.ge @!p2 [sflag:s31], $0x4000;
	p4 =	sgt.u32 s26, $0xF9  }
.LBB2_3:
0x46: {  	s5 =	simm.s32 @!p5 $0x1;
	[sflag:s31] =	ssyncset.done @!p2 $0x0;
	s26 =	simm.s32 @!p4 $0x4000  }
0x47: {  	s6 =	smov.u32 s0;
	p3 =	por p2, p2;
	p2 =	por p5, p5  }
0x48: {  	s0 =	sadd.s32 $0x2, s0;
	[sflag:s31] =	ssyncadd.s32 @!p3 $0xFFFFC000;
	s31 =	simm.s32 @!p4 $0x0  }
0x49: {  	[tilespmem:s26], [sflag:$0x2] =	stream.linear.gather @!p4 [hbm4b:s17+s31], $0x4000, $0x38;
	[tilespmem:$0x1C800] =	vst v63  }
0x4a: {  	s1 =	sadd.s32 s1, s4;
	s31 =	simm.s32 @!p2 $0x3;
	_ =	swait.ge @!p2 [sflag:s5], $0x4000  }
0x4b: {  	s26 =	simm.s32 @!p2 $0x80;
	s17 =	simm.s32 @!p2 $0x0;
	[sflag:s5] =	ssyncset.done @!p2 $0x0  }
0x4c: {  	s10 =	sadd.s32 $0x3, s1;
	[sflag:s5] =	ssyncadd.s32 @!p2 $0xFFFFC000;
	s5 =	sadd.s32 $0x2, s1  }
0x4d: {  	[spmem:s2] =	stream.indirect.scatter.add.f32 @!p2 [tilespmem:s17], [sflag:$0x3], $0x80, s30, s26, $0xb8;
	[tilespmem:$0x1C800] =	vst v63  }
0x4e: {  	p3 =	sne.s32 s0, $0xE;
	p4 =	sgt.u32 s5, $0xF9;
	_ =	swait.ge @!p2 [sflag:s31], $0x4000  }
0x4f: {  	s11 =	simm.s32 @!p2 $0x2;
	s5 =	sadd.s32 @!p4 $0xFFFFF800, s29;
	[sflag:s31] =	ssyncset.done @!p2 $0x0  }
0x50: {  	s1 =	smov.u32 s6;
	s17 =	simm.s32 @!p4 $0x0;
	[sflag:s31] =	ssyncadd.s32 @!p2 $0xFFFFC000  }
0x51: {  	[tilespmem:s17], [sflag:$0x1] =	stream.linear.gather @!p4 [hbm4b:s5+s17], $0x4000, $0x38;
	[tilespmem:$0x1C800] =	vst v63  }
.Ltmp3:
0x52: {  	s17 =	smov.u32 s29;
	_ =	swait.ge @!p2 [sflag:s11], $0x4000;
	(pc) =	sbr.rel @p3 .LBB2_3-.Ltmp3, $4  }
0x53: {  	s6 =	simm.s32 @!p2 $0x4000;
	s5 =	sadd.s32 @!p2 $0x80, s30;
	[sflag:s11] =	ssyncset.done @!p2 $0x0  }
0x54: {  	s30 =	sadd.s32 $0x100, s30;
	s29 =	sadd.s32 $0x1000, s29;
	[sflag:s11] =	ssyncadd.s32 @!p2 $0xFFFFC000  }
0x55: {  	[spmem:s2] =	stream.indirect.scatter.add.f32 @!p2 [tilespmem:s6], [sflag:$0x3], $0x80, s5, s26, $0xb8;
	[tilespmem:$0x1C800] =	vst v63  }
0x56: {  	p5 =	sge.u32 s1, s7;
	p4 =	sgt.u32 s10, $0xF9;
	_ =	swait.ge @!p2 [sflag:s31], $0x4000  }
0x57: {  	s0 =	simm.s32 @!p5 $0x1  }
0x58: {  	[sflag:s31] =	ssyncset.done @!p2 $0x0;
	s5 =	simm.s32 @!p4 $0x4000;
	p3 =	por p2, p2  }
0x59: {  	p2 =	por p5, p5;
	s6 =	simm.s32 @!p4 $0x0;
	[sflag:s31] =	ssyncadd.s32 @!p3 $0xFFFFC000  }
0x5a: {  	[tilespmem:s5], [sflag:$0x2] =	stream.linear.gather @!p4 [hbm4b:s17+s6], $0x4000, $0x38;
	[tilespmem:$0x1C800] =	vst v63  }
0x5b: {  	s1 =	sadd.s32 s1, s4;
	_ =	swait.ge @!p2 [sflag:s0], $0x4000  }
0x5c: {  	s10 =	simm.s32 @!p2 $0x0;
	s26 =	sadd.s32 $0x2, s1;
	[sflag:s0] =	ssyncset.done @!p2 $0x0  }
0x5d: {  	s5 =	simm.s32 @!p2 $0x3;
	s6 =	simm.s32 @!p2 $0x80;
	[sflag:s0] =	ssyncadd.s32 @!p2 $0xFFFFC000  }
0x5e: {  	[spmem:s2] =	stream.indirect.scatter.add.f32 @!p2 [tilespmem:s10], [sflag:$0x3], $0x80, s30, s6, $0xb8;
	[tilespmem:$0x1C800] =	vst v63  }
0x5f: {  	p3 =	sgt.u32 s26, $0xF9;
	_ =	swait.ge @!p2 [sflag:s5], $0x4000  }
0x60: {  	s11 =	simm.s32 @!p3 $0x0;
	[sflag:s5] =	ssyncset.done @!p2 $0x0  }
0x61: {  	s0 =	sadd.s32 @!p3 $0xFFFFF800, s29;
	s10 =	simm.s32 @!p2 $0x2;
	[sflag:s5] =	ssyncadd.s32 @!p2 $0xFFFFC000  }
0x62: {  	[tilespmem:s11], [sflag:$0x1] =	stream.linear.gather @!p3 [hbm4b:s0+s11], $0x4000, $0x38;
	[tilespmem:$0x1C800] =	vst v63  }
0x63: {  	_ =	swait.ge @!p2 [sflag:s10], $0x4000  }
0x64: {  	s31 =	sadd.s32 $0x3, s1;
	[sflag:s10] =	ssyncset.done @!p2 $0x0  }
0x65: {  	s0 =	sadd.s32 @!p2 $0x80, s30;
	s11 =	simm.s32 @!p2 $0x4000;
	[sflag:s10] =	ssyncadd.s32 @!p2 $0xFFFFC000  }
0x66: {  	[spmem:s2] =	stream.indirect.scatter.add.f32 @!p2 [tilespmem:s11], [sflag:$0x3], $0x80, s0, s6, $0xb8;
	[tilespmem:$0x1C800] =	vst v63  }
.Ltmp4:
0x67: {  	p3 =	sgt.u32 s31, $0xF9;
	_ =	swait.ge @!p2 [sflag:s5], $0x4000;
	(pc) =	sbr.rel @p1 .LBB2_9-.Ltmp4, $4  }
.Ltmp5:
0x68: {  	[sflag:s5] =	ssyncset.done @!p2 $0x0;
	p2 =	por p2, p2;
	(pc) =	sbr.rel @!p1 .LBB2_8-.Ltmp5, $4  }
0x69: {  	s1 =	simm.s32 @!p3 $0x0;
	s0 =	simm.s32 @!p3 $0x4000;
	[sflag:s5] =	ssyncadd.s32 @!p2 $0xFFFFC000  }
0x6a: {  	[tilespmem:s0], [sflag:$0x2] =	stream.linear.gather @!p3 [hbm4b:s29+s1], $0x4000, $0x38;
	[tilespmem:$0x1C800] =	vst v63  }
0x6b: {  	s0 =	smov.u32 s12  }
0x6c: {  	_ = 	snop  }
.LBB2_5:
0x6d: {  	s1 =	rddreg [dreg:$0x4]  }
0x6e: {  	[tilespmem:s0], [sflag:$0x1] =	stream.linear.gather [hbm4b:s1+s0], $0x4000, $0x38;
	[tilespmem:$0x1C800] =	vst v63  }
0x6f: {  	s17 =	rddreg [dreg:$0x5];
	p2 =	sle.u32 s7, $0x0  }
0x70: {  	[tilespmem:s21], [sflag:$0x2] =	stream.linear.gather [hbm4b:s17+s0], $0x4000, $0x38;
	[tilespmem:$0x1C800] =	vst v63  }
0x71: {  	s0 =	simm.s32 @!p2 $0x1;
	p2 =	por p2, p2  }
0x72: {  	s5 =	sadd.s32 $0x0, s4;
	s1 =	simm.s32 $0x8000;
	_ =	swait.ge @!p2 [sflag:s0], $0x4000  }
0x73: {  	s26 =	sadd.s32 $0x2, s5;
	s31 =	simm.s32 @!p2 $0x3;
	[sflag:s0] =	ssyncset.done @!p2 $0x0  }
0x74: {  	s6 =	simm.s32 @!p2 $0x80;
	s10 =	simm.s32 @!p2 $0x0;
	[sflag:s0] =	ssyncadd.s32 @!p2 $0xFFFFC000  }
0x75: {  	[spmem:s2] =	stream.indirect.scatter.add.f32 @!p2 [tilespmem:s10], [sflag:$0x3], $0x80, s1, s6, $0xb8;
	[tilespmem:$0x1C800] =	vst v63  }
0x76: {  	s30 =	simm.s32 $0x8100;
	p3 =	sgt.u32 s26, $0xF9;
	_ =	swait.ge @!p2 [sflag:s31], $0x4000  }
0x77: {  	s29 =	sadd.s32 $0x1000, s16;
	s0 =	sadd.s32 @!p3 $0xFFFFF800, s16;
	[sflag:s31] =	ssyncset.done @!p2 $0x0  }
0x78: {  	s10 =	simm.s32 @!p2 $0x2;
	s1 =	simm.s32 @!p3 $0x0;
	[sflag:s31] =	ssyncadd.s32 @!p2 $0xFFFFC000  }
0x79: {  	[tilespmem:s1], [sflag:$0x1] =	stream.linear.gather @!p3 [hbm4b:s0+s1], $0x4000, $0x38;
	[tilespmem:$0x1C800] =	vst v63  }
0x7a: {  	p5 =	sle.u32 s7, $0x2;
	s5 =	sadd.s32 $0x3, s5;
	_ =	swait.ge @!p2 [sflag:s10], $0x4000  }
0x7b: {  	p4 =	sgt.u32 s5, $0xF9;
	s11 =	simm.s32 @!p2 $0x8080;
	[sflag:s10] =	ssyncset.done @!p2 $0x0  }
0x7c: {  	s17 =	simm.s32 @!p2 $0x4000;
	s1 =	simm.s32 $0x2;
	[sflag:s10] =	ssyncadd.s32 @!p2 $0xFFFFC000  }
0x7d: {  	[spmem:s2] =	stream.indirect.scatter.add.f32 @!p2 [tilespmem:s17], [sflag:$0x3], $0x80, s11, s6, $0xb8;
	[tilespmem:$0x1C800] =	vst v63  }
0x7e: {  	s0 =	simm.s32 $0x4;
	s17 =	smov.u32 s16;
	_ =	swait.ge @!p2 [sflag:s31], $0x4000  }
.LBB2_6:
0x7f: {  	s5 =	simm.s32 @!p5 $0x1;
	[sflag:s31] =	ssyncset.done @!p2 $0x0;
	s6 =	simm.s32 @!p4 $0x4000  }
0x80: {  	s10 =	smov.u32 s0;
	p3 =	por p2, p2;
	p2 =	por p5, p5  }
0x81: {  	s0 =	sadd.s32 $0x2, s0;
	s11 =	simm.s32 @!p4 $0x0;
	[sflag:s31] =	ssyncadd.s32 @!p3 $0xFFFFC000  }
0x82: {  	[tilespmem:s6], [sflag:$0x2] =	stream.linear.gather @!p4 [hbm4b:s17+s11], $0x4000, $0x38;
	[tilespmem:$0x1C800] =	vst v63  }
0x83: {  	s1 =	sadd.s32 s1, s4;
	s31 =	simm.s32 @!p2 $0x3;
	_ =	swait.ge @!p2 [sflag:s5], $0x4000  }
0x84: {  	s6 =	simm.s32 @!p2 $0x80;
	s11 =	simm.s32 @!p2 $0x0;
	[sflag:s5] =	ssyncset.done @!p2 $0x0  }
0x85: {  	s26 =	sadd.s32 $0x3, s1;
	[sflag:s5] =	ssyncadd.s32 @!p2 $0xFFFFC000;
	s5 =	sadd.s32 $0x2, s1  }
0x86: {  	[spmem:s2] =	stream.indirect.scatter.add.f32 @!p2 [tilespmem:s11], [sflag:$0x3], $0x80, s30, s6, $0xb8;
	[tilespmem:$0x1C800] =	vst v63  }
0x87: {  	p3 =	sne.s32 s0, $0xE;
	p4 =	sgt.u32 s5, $0xF9;
	_ =	swait.ge @!p2 [sflag:s31], $0x4000  }
0x88: {  	s11 =	simm.s32 @!p2 $0x2;
	s5 =	sadd.s32 @!p4 $0xFFFFF800, s29;
	[sflag:s31] =	ssyncset.done @!p2 $0x0  }
0x89: {  	s1 =	smov.u32 s10;
	s17 =	simm.s32 @!p4 $0x0;
	[sflag:s31] =	ssyncadd.s32 @!p2 $0xFFFFC000  }
0x8a: {  	[tilespmem:s17], [sflag:$0x1] =	stream.linear.gather @!p4 [hbm4b:s5+s17], $0x4000, $0x38;
	[tilespmem:$0x1C800] =	vst v63  }
.Ltmp6:
0x8b: {  	s17 =	smov.u32 s29;
	_ =	swait.ge @!p2 [sflag:s11], $0x4000;
	(pc) =	sbr.rel @p3 .LBB2_6-.Ltmp6, $4  }
0x8c: {  	s10 =	simm.s32 @!p2 $0x4000;
	s5 =	sadd.s32 @!p2 $0x80, s30;
	[sflag:s11] =	ssyncset.done @!p2 $0x0  }
0x8d: {  	s30 =	sadd.s32 $0x100, s30;
	s29 =	sadd.s32 $0x1000, s29;
	[sflag:s11] =	ssyncadd.s32 @!p2 $0xFFFFC000  }
0x8e: {  	[spmem:s2] =	stream.indirect.scatter.add.f32 @!p2 [tilespmem:s10], [sflag:$0x3], $0x80, s5, s6, $0xb8;
	[tilespmem:$0x1C800] =	vst v63  }
0x8f: {  	p5 =	sge.u32 s1, s7;
	p4 =	sgt.u32 s26, $0xF9;
	_ =	swait.ge @!p2 [sflag:s31], $0x4000  }
0x90: {  	s0 =	simm.s32 @!p5 $0x1  }
0x91: {  	[sflag:s31] =	ssyncset.done @!p2 $0x0;
	s5 =	simm.s32 @!p4 $0x4000;
	p3 =	por p2, p2  }
0x92: {  	p2 =	por p5, p5;
	s6 =	simm.s32 @!p4 $0x0;
	[sflag:s31] =	ssyncadd.s32 @!p3 $0xFFFFC000  }
0x93: {  	[tilespmem:s5], [sflag:$0x2] =	stream.linear.gather @!p4 [hbm4b:s17+s6], $0x4000, $0x38;
	[tilespmem:$0x1C800] =	vst v63  }
0x94: {  	s1 =	sadd.s32 s1, s4;
	_ =	swait.ge @!p2 [sflag:s0], $0x4000  }
0x95: {  	s10 =	simm.s32 @!p2 $0x0;
	s26 =	sadd.s32 $0x2, s1;
	[sflag:s0] =	ssyncset.done @!p2 $0x0  }
0x96: {  	s5 =	simm.s32 @!p2 $0x3;
	s6 =	simm.s32 @!p2 $0x80;
	[sflag:s0] =	ssyncadd.s32 @!p2 $0xFFFFC000  }
0x97: {  	[spmem:s2] =	stream.indirect.scatter.add.f32 @!p2 [tilespmem:s10], [sflag:$0x3], $0x80, s30, s6, $0xb8;
	[tilespmem:$0x1C800] =	vst v63  }
0x98: {  	p3 =	sgt.u32 s26, $0xF9;
	_ =	swait.ge @!p2 [sflag:s5], $0x4000  }
0x99: {  	s11 =	simm.s32 @!p3 $0x0;
	[sflag:s5] =	ssyncset.done @!p2 $0x0  }
0x9a: {  	s0 =	sadd.s32 @!p3 $0xFFFFF800, s29;
	s10 =	simm.s32 @!p2 $0x2;
	[sflag:s5] =	ssyncadd.s32 @!p2 $0xFFFFC000  }
0x9b: {  	[tilespmem:s11], [sflag:$0x1] =	stream.linear.gather @!p3 [hbm4b:s0+s11], $0x4000, $0x38;
	[tilespmem:$0x1C800] =	vst v63  }
0x9c: {  	_ =	swait.ge @!p2 [sflag:s10], $0x4000  }
0x9d: {  	s31 =	sadd.s32 $0x3, s1;
	[sflag:s10] =	ssyncset.done @!p2 $0x0  }
0x9e: {  	s0 =	sadd.s32 @!p2 $0x80, s30;
	s11 =	simm.s32 @!p2 $0x4000;
	[sflag:s10] =	ssyncadd.s32 @!p2 $0xFFFFC000  }
0x9f: {  	[spmem:s2] =	stream.indirect.scatter.add.f32 @!p2 [tilespmem:s11], [sflag:$0x3], $0x80, s0, s6, $0xb8;
	[tilespmem:$0x1C800] =	vst v63  }
.Ltmp7:
0xa0: {  	p3 =	sgt.u32 s31, $0xF9;
	_ =	swait.ge @!p2 [sflag:s5], $0x4000;
	(pc) =	sbr.rel @p1 .LBB2_9-.Ltmp7, $4  }
.Ltmp8:
0xa1: {  	[sflag:s5] =	ssyncset.done @!p2 $0x0;
	p2 =	por p2, p2;
	(pc) =	sbr.rel @!p1 .LBB2_8-.Ltmp8, $4  }
0xa2: {  	s1 =	simm.s32 @!p3 $0x0;
	s0 =	simm.s32 @!p3 $0x4000;
	[sflag:s5] =	ssyncadd.s32 @!p2 $0xFFFFC000  }
0xa3: {  	[tilespmem:s0], [sflag:$0x2] =	stream.linear.gather @!p3 [hbm4b:s29+s1], $0x4000, $0x38;
	[tilespmem:$0x1C800] =	vst v63  }
0xa4: {  	s0 =	smov.u32 s8  }
0xa5: {  	_ = 	snop  }
.LBB2_10:
0xa6: {  	_ =	sfence.sel $0x180000  }
0xa7: {  	[bflag:$0x0] =	sbarrier.arrive $0xFFFF  }
0xa8: {  	_ =	strace $0x90000050  }
0xa9: {  	s0 =	stileid.u32;
	[bflag:$0x2] =	sbarrier.arrive $0xFFFF  }
0xaa: {  	p0 =	sne.s32 s0, $0x0;
	s0 =	rddreg [dreg:$0x3]  }
0xab: {  	s0 =	sadd.s32 @!p0 $0x100000, s0  }
0xac: {  	[sflag:s0] =	ssyncadd.tile.s32 @!p0 $0x1;
	_ =	shalt  }
.Lfunc_end2:
_tile_overlayer_lowered:
.L_overlay_start_2:
0xad: {  	(tag) =	ssettag $0x2  }
0xae: {  	s0 =	rddreg [dreg:$0x0];
	s2 =	stileid.u32  }
0xaf: {  	s1 =	rddreg [dreg:$0x1];
	p0 =	sne.s32 s2, $0x0  }
0xb0: {  	s3 =	rddreg [dreg:$0x2];
	[bflag:$0x3] =	sbarrier.arrive $0xFFFF;
	s2 =	simm.s32 @!p0 $0x1C03  }
0xb1: {  	[timem:s3], [sflag:s2] =	dma.local @!p0 [hbm:s0], s1  }
0xb2: {  	s0 =	simm.s32 @!p0 $0x3  }
0xb3: {  	_ =	swait.ge @!p0 [sflag:s0], s1  }
0xb4: {  	s1 =	ssub.s32 @!p0 $0x0, s1;
	[sflag:s0] =	ssyncset.done @!p0 $0x0  }
0xb5: {  	[sflag:s0] =	ssyncadd.s32 @!p0 s1  }
0xb6: {  	[bflag:$0x3] =	sbarrier.arrive $0xFFFF  }
0xb7: {  	_ =	shalt  }

</sc_bundles>
